<compile_context>
chip_gen: v7x
topology: tpu7x:2x2x1
jax: 0.10.2.dev20260603
libtpu: 0.0.44.dev20260713+nightly
codegen_flags: <defaults>
</compile_context>

<pallas_src>
import functools

import jax
import jax.numpy as jnp
from jax import lax
from jax.experimental import pallas as pl
from jax.experimental.pallas import tpu as pltpu
from jax.experimental.pallas import tpu_sc as plsc

N_ANCHORS = 2048
D_IN = 3
D_OUT = 256
HID = 1024
NQ = 32768
BQ = 1024
NBLK = NQ // BQ
KG = 4

_SC_NC = 2
_SC_NS = 16
_NW = _SC_NC * _SC_NS
_B_PER_W = NQ // _NW
_CH = 128
_NCHUNK = _B_PER_W // _CH


def _tc1_body(x_ref, keyt_ref, im_ref, val_ref, idx_ref, v_ref):
    kt = keyt_ref[...]
    sqk = jnp.sum(kt * kt, axis=0, keepdims=True)
    xb = x_ref[...]
    x0, x1, x2 = xb[:, 0:1], xb[:, 1:2], xb[:, 2:3]
    sqx = (x0 * x0 + x2 * x2) + x1 * x1
    prod = jnp.dot(xb, kt, preferred_element_type=jnp.float32)
    sc = (sqx - 2.0 * prod) + sqk
    m = jnp.min(sc, axis=1, keepdims=True)
    io = lax.broadcasted_iota(jnp.int32, sc.shape, 1)
    cand = jnp.where(sc == m, io, N_ANCHORS)
    idx_ref[...] = jnp.min(cand, axis=1).astype(jnp.int32)

    @pl.when(pl.program_id(0) == 0)
    def _():
        v_ref[...] = im_ref[...] + val_ref[...]


def _tc1_stage(xf, keyt, init_mat, value):
    whole = lambda shape: pl.BlockSpec(shape, lambda i: (0,) * len(shape))
    return pl.pallas_call(
        _tc1_body,
        grid=(NBLK,),
        in_specs=[
            pl.BlockSpec((BQ, D_IN), lambda i: (i, 0)),
            whole((D_IN, N_ANCHORS)),
            whole((N_ANCHORS, D_OUT)),
            whole((N_ANCHORS, D_OUT)),
        ],
        out_specs=[
            pl.BlockSpec((BQ,), lambda i: (i,)),
            pl.BlockSpec((N_ANCHORS, D_OUT), lambda i: (0, 0)),
        ],
        out_shape=[
            jax.ShapeDtypeStruct((NQ,), jnp.int32),
            jax.ShapeDtypeStruct((N_ANCHORS, D_OUT), jnp.float32),
        ],
    )(xf, keyt, init_mat, value)


@functools.cache
def _sc_stage():
    @functools.partial(
        pl.kernel,
        mesh=plsc.VectorSubcoreMesh(core_axis_name="c", subcore_axis_name="s"),
        compiler_params=pltpu.CompilerParams(needs_layout_passes=False),
        out_type=[
            jax.ShapeDtypeStruct((NQ, D_OUT), jnp.float32),
            jax.ShapeDtypeStruct((NQ, KG), jnp.float32),
        ],
        scratch_types=[
            pltpu.VMEM((_CH,), jnp.int32),
            pltpu.VMEM((_CH,), jnp.int32),
            pltpu.VMEM((_CH, D_OUT), jnp.float32),
            pltpu.VMEM((_CH, D_OUT), jnp.float32),
            pltpu.VMEM((N_ANCHORS * KG,), jnp.float32),
            pltpu.VMEM((_CH, KG), jnp.float32),
            pltpu.VMEM((_CH, KG), jnp.float32),
            pltpu.SemaphoreType.DMA,
            pltpu.SemaphoreType.DMA,
            pltpu.SemaphoreType.DMA,
            pltpu.SemaphoreType.DMA,
        ],
    )
    def _sc_gather(v_hbm, key_hbm, idx_hbm, vg_hbm, kg_hbm,
                   idx0, idx1, rows0, rows1, key_v, kg0, kg1,
                   sg0, sg1, sw0, sw1):
        idx_v = [idx0, idx1]
        rows_v = [rows0, rows1]
        kg_v = [kg0, kg1]
        sg = [sg0, sg1]
        sw = [sw0, sw1]
        wid = lax.axis_index("s") * _SC_NC + lax.axis_index("c")
        base = wid * _B_PER_W
        pltpu.sync_copy(key_hbm, key_v)
        lq = lax.iota(jnp.int32, 16)

        gth = [None, None]
        wbk = [[], []]

        def start(i):
            b = i % 2
            off = base + i * _CH
            pltpu.sync_copy(idx_hbm.at[pl.ds(off, _CH)], idx_v[b])
            gth[b] = pltpu.async_copy(v_hbm.at[idx_v[b]], rows_v[b], sg[b])

        start(0)
        for i in range(_NCHUNK):
            b = i % 2
            nb = (i + 1) % 2
            if i + 1 < _NCHUNK:
                for h in wbk[nb]:
                    h.wait()
                wbk[nb] = []
                start(i + 1)
            for g in range(_CH // 16):
                qv = idx_v[b][pl.ds(g * 16, 16)] * KG
                rows = lq + g * 16
                for c in range(D_IN):
                    vals = plsc.load_gather(key_v, [qv + c])
                    plsc.store_scatter(kg_v[b], [rows, lq * 0 + c], vals)
            gth[b].wait()
            off = base + i * _CH
            wbk[b] = [
                pltpu.async_copy(rows_v[b], vg_hbm.at[pl.ds(off, _CH)], sw[b]),
                pltpu.async_copy(kg_v[b], kg_hbm.at[pl.ds(off, _CH)], sw[b]),
            ]
        for lst in wbk:
            for h in lst:
                h.wait()

    return _sc_gather


def _tc2_body(x_ref, kg_ref, vg_ref, w1t_ref, b1_ref, w2t_ref, b2_ref, out_ref):
    xb = x_ref[...]
    rl = xb - kg_ref[:, :D_IN]
    h1 = jnp.dot(rl, w1t_ref[...], preferred_element_type=jnp.float32) + b1_ref[...]
    hg = 0.5 * h1 * (1.0 + lax.erf(h1 * (2.0 ** -0.5)))
    out_ref[0, :, :] = (jnp.dot(hg, w2t_ref[...], preferred_element_type=jnp.float32)
                        + b2_ref[...] + vg_ref[...])


_TPB = 8192 // BQ


def _tc2_stage(xf, kg, vg, w1t, b1r, w2t, b2r):
    whole = lambda shape: pl.BlockSpec(shape, lambda i: (0,) * len(shape))
    return pl.pallas_call(
        _tc2_body,
        grid=(NBLK,),
        in_specs=[
            pl.BlockSpec((BQ, D_IN), lambda i: (i, 0)),
            pl.BlockSpec((BQ, KG), lambda i: (i, 0)),
            pl.BlockSpec((BQ, D_OUT), lambda i: (i, 0)),
            whole((D_IN, HID)),
            whole((1, HID)),
            whole((HID, D_OUT)),
            whole((1, D_OUT)),
        ],
        out_specs=pl.BlockSpec((1, BQ, D_OUT), lambda i: (i // _TPB, i % _TPB, 0)),
        out_shape=jax.ShapeDtypeStruct((4, 8192, D_OUT), jnp.float32),
    )(xf, kg, vg, w1t, b1r, w2t, b2r)


def kernel(x, Key, init_mat, Value, W1, b1, W2, b2):
    bsz, tok, _ = x.shape
    xf = x.reshape(NQ, D_IN)
    key4 = jnp.pad(Key, ((0, 0), (0, KG - D_IN))).reshape(N_ANCHORS * KG)
    idx, v = _tc1_stage(xf, Key.T, init_mat, Value)
    vg, kg = _sc_stage()(v, key4, idx)
    return _tc2_stage(xf, kg, vg, W1.T, b1.reshape(1, HID), W2.T,
                      b2.reshape(1, D_OUT))

# --- scband reference (transcript-rebuilt; emitter-appended) ---
"""Pipeline reference for scband-faissanchor-kernel-layer-53171695125253 (READ-ONLY COPY).

The authoritative reference and input builder live on the scoring server;
editing this copy changes nothing except your own understanding.
"""

import jax, jax.numpy as jnp
import numpy as np

N_ANCHORS, D_IN, D_OUT = 2048, 3, 256
B, T = 4, 8192


def setup_inputs(seed: int = 0) -> dict:
    key = jax.random.key(seed)
    ks = jax.random.split(key, 8)
    x = jax.random.normal(ks[0], (B, T, D_IN), dtype=jnp.float32)
    # key_initialization (non-trainable Key parameter)
    Key = jax.random.normal(ks[1], (N_ANCHORS, D_IN), dtype=jnp.float32)
    # __init__-time construction of init_mat (faithful to torch code)
    sq = jnp.sum(Key ** 2, axis=-1)
    d2 = sq[:, None] - 2.0 * (Key @ Key.T) + sq[None, :]
    D = jnp.sqrt(jnp.maximum(d2, 0.0))
    order = jnp.argsort(D, axis=1)            # att_m.argsort(dim=2) on [1,N,N]
    att = jnp.power(2.0, -order.astype(jnp.float32))  # att_m*-1 ; 2**att_m
    att = att / jnp.sum(att, axis=1, keepdims=True)
    signs = jnp.sign(jax.random.normal(ks[2], (N_ANCHORS, D_OUT), dtype=jnp.float32))
    init_mat = att @ signs
    Value = jax.random.normal(ks[3], (N_ANCHORS, D_OUT), dtype=jnp.float32) * 0.01
    # feature_trans: Linear(3, 4*D_OUT) -> GELU -> Linear(4*D_OUT, D_OUT)
    h = 4 * D_OUT
    lim1 = 1.0 / np.sqrt(D_IN)
    W1 = jax.random.uniform(ks[4], (h, D_IN), minval=-lim1, maxval=lim1, dtype=jnp.float32)
    b1 = jax.random.uniform(ks[5], (h,), minval=-lim1, maxval=lim1, dtype=jnp.float32)
    lim2 = 1.0 / np.sqrt(h)
    W2 = jax.random.uniform(ks[6], (D_OUT, h), minval=-lim2, maxval=lim2, dtype=jnp.float32)
    b2 = jax.random.uniform(ks[7], (D_OUT,), minval=-lim2, maxval=lim2, dtype=jnp.float32)
    return {"x": x, "Key": Key, "init_mat": init_mat, "Value": Value,
            "W1": W1, "b1": b1, "W2": W2, "b2": b2}


def reference(x, Key, init_mat, Value, W1, b1, W2, b2):
    Bsz, Tok, d_in = x.shape
    xf = x.reshape(-1, d_in)
    # exact L2 nearest-anchor search (reference math for the FAISS IVF approx search)
    d2 = (jnp.sum(xf ** 2, axis=-1, keepdims=True)
          - 2.0 * (xf @ Key.T)
          + jnp.sum(Key ** 2, axis=-1)[None, :])
    idx = jnp.argmin(d2, axis=1)
    ret_local = (xf - jnp.take(Key, idx, axis=0)).reshape(Bsz, Tok, d_in)
    V = init_mat + Value
    ret_global = jnp.take(V, idx, axis=0).reshape(Bsz, Tok, -1)
    hmid = jax.nn.gelu(ret_local @ W1.T + b1, approximate=False)
    ret = hmid @ W2.T + b2 + ret_global
    return ret

if __name__ == "__main__":
    import jax
    _d = setup_inputs()
    print(jax.jit(kernel)(*tuple(_d.values())))

</pallas_src>

<mosaic_0001>
#map = affine_map<(d0, d1) -> (0, 0)>
#map1 = affine_map<(d0, d1) -> (0)>
module attributes {stable_mosaic.version = 14 : i64} {
  func.func @_sc_gather(%arg0: i32, %arg1: i32, %arg2: memref<2048x256xf32, #tpu.memory_space<hbm>>, %arg3: memref<8192xf32, #tpu.memory_space<hbm>>, %arg4: memref<32768xi32, #tpu.memory_space<hbm>>, %arg5: memref<32768x256xf32, #tpu.memory_space<hbm>>, %arg6: memref<32768x4xf32, #tpu.memory_space<hbm>>, %arg7: memref<128xi32, #tpu.memory_space<vmem>>, %arg8: memref<128xi32, #tpu.memory_space<vmem>>, %arg9: memref<128x256xf32, #tpu.memory_space<vmem>>, %arg10: memref<128x256xf32, #tpu.memory_space<vmem>>, %arg11: memref<8192xf32, #tpu.memory_space<vmem>>, %arg12: memref<128x4xf32, #tpu.memory_space<vmem>>, %arg13: memref<128x4xf32, #tpu.memory_space<vmem>>, %arg14: memref<!tpu.dma_semaphore, #tpu.memory_space<semaphore_mem>>, %arg15: memref<!tpu.dma_semaphore, #tpu.memory_space<semaphore_mem>>, %arg16: memref<!tpu.dma_semaphore, #tpu.memory_space<semaphore_mem>>, %arg17: memref<!tpu.dma_semaphore, #tpu.memory_space<semaphore_mem>>) attributes {dimension_semantics = [#tpu.dimension_semantics<core_parallel>, #tpu.dimension_semantics<subcore_parallel>], iteration_bounds = array<i64: 2, 16>, scalar_prefetch = 0 : i64, scratch_operands = 11 : i64, tpu.core_type = #tpu.core_type<sc_vector_subcore>, window_params = [{transform_indices = #map}, {transform_indices = #map1}, {transform_indices = #map1}, {transform_indices = #map}, {transform_indices = #map}]} {
    %mul3A = arith.constant 2 : i32
    %mul3A_0 = arith.muli %arg1, %mul3A : i32
    %add3A = arith.addi %mul3A_0, %arg0 : i32
    %mul3A_1 = arith.constant 1024 : i32
    %mul3A_2 = arith.muli %add3A, %mul3A_1 : i32
    "tpu.region"() ({
      %run_scoped3A = tpu.sem_alloc : memref<!tpu.dma_semaphore, #tpu.memory_space<semaphore_mem>>
      tpu.enqueue_dma source(%arg3 : memref<8192xf32, #tpu.memory_space<hbm>>) target(%arg11 : memref<8192xf32, #tpu.memory_space<vmem>>) target_semaphore(%run_scoped3A : memref<!tpu.dma_semaphore, #tpu.memory_space<semaphore_mem>>)
      tpu.wait_dma2 semaphore(%run_scoped3A : memref<!tpu.dma_semaphore, #tpu.memory_space<semaphore_mem>>) src(%arg3 : memref<8192xf32, #tpu.memory_space<hbm>>) dst(%arg11 : memref<8192xf32, #tpu.memory_space<vmem>>)
      tpu.yield
    }) : () -> ()
    %iota3A = tpu.iota {dimensions = array<i32: 0>} : vector<16xi32>
    %add3A_3 = arith.constant 0 : i32
    %add3A_4 = arith.addi %mul3A_2, %add3A_3 : i32
    "tpu.region"() ({
      %run_scoped3A = tpu.sem_alloc : memref<!tpu.dma_semaphore, #tpu.memory_space<semaphore_mem>>
      %dma_start3A_2639 = tpu.memref_slice %arg4[%add3A_4] : memref<32768xi32, #tpu.memory_space<hbm>> -> memref<128xi32, #tpu.memory_space<hbm>>
      %dma_start3A_2640 = tpu.memref_slice %arg4[%add3A_4] : memref<32768xi32, #tpu.memory_space<hbm>> -> memref<128xi32, #tpu.memory_space<hbm>>
      tpu.enqueue_dma source(%dma_start3A_2640 : memref<128xi32, #tpu.memory_space<hbm>>) target(%arg7 : memref<128xi32, #tpu.memory_space<vmem>>) target_semaphore(%run_scoped3A : memref<!tpu.dma_semaphore, #tpu.memory_space<semaphore_mem>>)
      %dma_wait3A_2641 = tpu.memref_slice %arg4[%add3A_4] : memref<32768xi32, #tpu.memory_space<hbm>> -> memref<128xi32, #tpu.memory_space<hbm>>
      %dma_wait3A_2642 = tpu.memref_slice %arg4[%add3A_4] : memref<32768xi32, #tpu.memory_space<hbm>> -> memref<128xi32, #tpu.memory_space<hbm>>
      tpu.wait_dma2 semaphore(%run_scoped3A : memref<!tpu.dma_semaphore, #tpu.memory_space<semaphore_mem>>) src(%dma_wait3A_2642 : memref<128xi32, #tpu.memory_space<hbm>>) dst(%arg7 : memref<128xi32, #tpu.memory_space<vmem>>)
      tpu.yield
    }) : () -> ()
    %dma_start3A = arith.constant 0 : i32
    %dma_start3A_5 = arith.constant 0 : i32
    %dma_start3A_6 = tpu.memref_slice %arg2[%dma_start3A, %dma_start3A_5] : memref<2048x256xf32, #tpu.memory_space<hbm>> -> memref<2048x256xf32, #tpu.memory_space<hbm>>
    tpu.enqueue_indirect_dma source(%dma_start3A_6 : memref<2048x256xf32, #tpu.memory_space<hbm>>) target(%arg9 : memref<128x256xf32, #tpu.memory_space<vmem>>) offsets(%arg7 : memref<128xi32, #tpu.memory_space<vmem>>) semaphore(%arg14 : memref<!tpu.dma_semaphore, #tpu.memory_space<semaphore_mem>>)
    %add3A_7 = arith.constant 128 : i32
    %add3A_8 = arith.addi %mul3A_2, %add3A_7 : i32
    "tpu.region"() ({
      %run_scoped3A = tpu.sem_alloc : memref<!tpu.dma_semaphore, #tpu.memory_space<semaphore_mem>>
      %dma_start3A_2639 = tpu.memref_slice %arg4[%add3A_8] : memref<32768xi32, #tpu.memory_space<hbm>> -> memref<128xi32, #tpu.memory_space<hbm>>
      %dma_start3A_2640 = tpu.memref_slice %arg4[%add3A_8] : memref<32768xi32, #tpu.memory_space<hbm>> -> memref<128xi32, #tpu.memory_space<hbm>>
      tpu.enqueue_dma source(%dma_start3A_2640 : memref<128xi32, #tpu.memory_space<hbm>>) target(%arg8 : memref<128xi32, #tpu.memory_space<vmem>>) target_semaphore(%run_scoped3A : memref<!tpu.dma_semaphore, #tpu.memory_space<semaphore_mem>>)
      %dma_wait3A_2641 = tpu.memref_slice %arg4[%add3A_8] : memref<32768xi32, #tpu.memory_space<hbm>> -> memref<128xi32, #tpu.memory_space<hbm>>
      %dma_wait3A_2642 = tpu.memref_slice %arg4[%add3A_8] : memref<32768xi32, #tpu.memory_space<hbm>> -> memref<128xi32, #tpu.memory_space<hbm>>
      tpu.wait_dma2 semaphore(%run_scoped3A : memref<!tpu.dma_semaphore, #tpu.memory_space<semaphore_mem>>) src(%dma_wait3A_2642 : memref<128xi32, #tpu.memory_space<hbm>>) dst(%arg8 : memref<128xi32, #tpu.memory_space<vmem>>)
      tpu.yield
    }) : () -> ()
    %dma_start3A_9 = arith.constant 0 : i32
    %dma_start3A_10 = arith.constant 0 : i32
    %dma_start3A_11 = tpu.memref_slice %arg2[%dma_start3A_9, %dma_start3A_10] : memref<2048x256xf32, #tpu.memory_space<hbm>> -> memref<2048x256xf32, #tpu.memory_space<hbm>>
    tpu.enqueue_indirect_dma source(%dma_start3A_11 : memref<2048x256xf32, #tpu.memory_space<hbm>>) target(%arg10 : memref<128x256xf32, #tpu.memory_space<vmem>>) offsets(%arg8 : memref<128xi32, #tpu.memory_space<vmem>>) semaphore(%arg15 : memref<!tpu.dma_semaphore, #tpu.memory_space<semaphore_mem>>)
    %get3A = arith.constant 0 : index
    %get3A_12 = tpu.vector_load %arg7[%get3A] {strides = array<i32>} : memref<128xi32, #tpu.memory_space<vmem>>, vector<16xi32>,
    %mul3A_13 = arith.constant 4 : i32
    %mul3A_14 = vector.broadcast %mul3A_13 : i32 to vector<16xi32>
    %mul3A_15 = arith.muli %get3A_12, %mul3A_14 : vector<16xi32>
    %add3A_16 = arith.constant 0 : i32
    %add3A_17 = vector.broadcast %add3A_16 : i32 to vector<16xi32>
    %add3A_18 = arith.addi %iota3A, %add3A_17 : vector<16xi32>
    %add3A_19 = arith.constant 0 : i32
    %add3A_20 = vector.broadcast %add3A_19 : i32 to vector<16xi32>
    %add3A_21 = arith.addi %mul3A_15, %add3A_20 : vector<16xi32>
    %gather3A = tpu.vector_load_idx %arg11[%add3A_21] : memref<8192xf32, #tpu.memory_space<vmem>>[vector<16xi32>], vector<16xf32>,
    %mul3A_22 = arith.constant 0 : i32
    %mul3A_23 = vector.broadcast %mul3A_22 : i32 to vector<16xi32>
    %mul3A_24 = arith.muli %iota3A, %mul3A_23 : vector<16xi32>
    %add3A_25 = arith.constant 0 : i32
    %add3A_26 = vector.broadcast %add3A_25 : i32 to vector<16xi32>
    %add3A_27 = arith.addi %mul3A_24, %add3A_26 : vector<16xi32>
    tpu.vector_store_idx %arg12[%add3A_18, %add3A_27], %gather3A : memref<128x4xf32, #tpu.memory_space<vmem>>[vector<16xi32>, vector<16xi32>], vector<16xf32>,
    %add3A_28 = arith.constant 1 : i32
    %add3A_29 = vector.broadcast %add3A_28 : i32 to vector<16xi32>
    %add3A_30 = arith.addi %mul3A_15, %add3A_29 : vector<16xi32>
    %gather3A_31 = tpu.vector_load_idx %arg11[%add3A_30] : memref<8192xf32, #tpu.memory_space<vmem>>[vector<16xi32>], vector<16xf32>,
    %mul3A_32 = arith.constant 0 : i32
    %mul3A_33 = vector.broadcast %mul3A_32 : i32 to vector<16xi32>
    %mul3A_34 = arith.muli %iota3A, %mul3A_33 : vector<16xi32>
    %add3A_35 = arith.constant 1 : i32
    %add3A_36 = vector.broadcast %add3A_35 : i32 to vector<16xi32>
    %add3A_37 = arith.addi %mul3A_34, %add3A_36 : vector<16xi32>
    tpu.vector_store_idx %arg12[%add3A_18, %add3A_37], %gather3A_31 : memref<128x4xf32, #tpu.memory_space<vmem>>[vector<16xi32>, vector<16xi32>], vector<16xf32>,
    %add3A_38 = arith.constant 2 : i32
    %add3A_39 = vector.broadcast %add3A_38 : i32 to vector<16xi32>
    %add3A_40 = arith.addi %mul3A_15, %add3A_39 : vector<16xi32>
    %gather3A_41 = tpu.vector_load_idx %arg11[%add3A_40] : memref<8192xf32, #tpu.memory_space<vmem>>[vector<16xi32>], vector<16xf32>,
    %mul3A_42 = arith.constant 0 : i32
    %mul3A_43 = vector.broadcast %mul3A_42 : i32 to vector<16xi32>
    %mul3A_44 = arith.muli %iota3A, %mul3A_43 : vector<16xi32>
    %add3A_45 = arith.constant 2 : i32
    %add3A_46 = vector.broadcast %add3A_45 : i32 to vector<16xi32>
    %add3A_47 = arith.addi %mul3A_44, %add3A_46 : vector<16xi32>
    tpu.vector_store_idx %arg12[%add3A_18, %add3A_47], %gather3A_41 : memref<128x4xf32, #tpu.memory_space<vmem>>[vector<16xi32>, vector<16xi32>], vector<16xf32>,
    %get3A_48 = arith.constant 16 : index
    %get3A_49 = tpu.vector_load %arg7[%get3A_48] {strides = array<i32>} : memref<128xi32, #tpu.memory_space<vmem>>, vector<16xi32>,
    %mul3A_50 = arith.constant 4 : i32
    %mul3A_51 = vector.broadcast %mul3A_50 : i32 to vector<16xi32>
    %mul3A_52 = arith.muli %get3A_49, %mul3A_51 : vector<16xi32>
    %add3A_53 = arith.constant 16 : i32
    %add3A_54 = vector.broadcast %add3A_53 : i32 to vector<16xi32>
    %add3A_55 = arith.addi %iota3A, %add3A_54 : vector<16xi32>
    %add3A_56 = arith.constant 0 : i32
    %add3A_57 = vector.broadcast %add3A_56 : i32 to vector<16xi32>
    %add3A_58 = arith.addi %mul3A_52, %add3A_57 : vector<16xi32>
    %gather3A_59 = tpu.vector_load_idx %arg11[%add3A_58] : memref<8192xf32, #tpu.memory_space<vmem>>[vector<16xi32>], vector<16xf32>,
    %mul3A_60 = arith.constant 0 : i32
    %mul3A_61 = vector.broadcast %mul3A_60 : i32 to vector<16xi32>
    %mul3A_62 = arith.muli %iota3A, %mul3A_61 : vector<16xi32>
    %add3A_63 = arith.constant 0 : i32
    %add3A_64 = vector.broadcast %add3A_63 : i32 to vector<16xi32>
    %add3A_65 = arith.addi %mul3A_62, %add3A_64 : vector<16xi32>
    tpu.vector_store_idx %arg12[%add3A_55, %add3A_65], %gather3A_59 : memref<128x4xf32, #tpu.memory_space<vmem>>[vector<16xi32>, vector<16xi32>], vector<16xf32>,
    %add3A_66 = arith.constant 1 : i32
    %add3A_67 = vector.broadcast %add3A_66 : i32 to vector<16xi32>
    %add3A_68 = arith.addi %mul3A_52, %add3A_67 : vector<16xi32>
    %gather3A_69 = tpu.vector_load_idx %arg11[%add3A_68] : memref<8192xf32, #tpu.memory_space<vmem>>[vector<16xi32>], vector<16xf32>,
    %mul3A_70 = arith.constant 0 : i32
    %mul3A_71 = vector.broadcast %mul3A_70 : i32 to vector<16xi32>
    %mul3A_72 = arith.muli %iota3A, %mul3A_71 : vector<16xi32>
    %add3A_73 = arith.constant 1 : i32
    %add3A_74 = vector.broadcast %add3A_73 : i32 to vector<16xi32>
    %add3A_75 = arith.addi %mul3A_72, %add3A_74 : vector<16xi32>
    tpu.vector_store_idx %arg12[%add3A_55, %add3A_75], %gather3A_69 : memref<128x4xf32, #tpu.memory_space<vmem>>[vector<16xi32>, vector<16xi32>], vector<16xf32>,
    %add3A_76 = arith.constant 2 : i32
    %add3A_77 = vector.broadcast %add3A_76 : i32 to vector<16xi32>
    %add3A_78 = arith.addi %mul3A_52, %add3A_77 : vector<16xi32>
    %gather3A_79 = tpu.vector_load_idx %arg11[%add3A_78] : memref<8192xf32, #tpu.memory_space<vmem>>[vector<16xi32>], vector<16xf32>,
    %mul3A_80 = arith.constant 0 : i32
    %mul3A_81 = vector.broadcast %mul3A_80 : i32 to vector<16xi32>
    %mul3A_82 = arith.muli %iota3A, %mul3A_81 : vector<16xi32>
    %add3A_83 = arith.constant 2 : i32
    %add3A_84 = vector.broadcast %add3A_83 : i32 to vector<16xi32>
    %add3A_85 = arith.addi %mul3A_82, %add3A_84 : vector<16xi32>
    tpu.vector_store_idx %arg12[%add3A_55, %add3A_85], %gather3A_79 : memref<128x4xf32, #tpu.memory_space<vmem>>[vector<16xi32>, vector<16xi32>], vector<16xf32>,
    %get3A_86 = arith.constant 32 : index
    %get3A_87 = tpu.vector_load %arg7[%get3A_86] {strides = array<i32>} : memref<128xi32, #tpu.memory_space<vmem>>, vector<16xi32>,
    %mul3A_88 = arith.constant 4 : i32
    %mul3A_89 = vector.broadcast %mul3A_88 : i32 to vector<16xi32>
    %mul3A_90 = arith.muli %get3A_87, %mul3A_89 : vector<16xi32>
    %add3A_91 = arith.constant 32 : i32
    %add3A_92 = vector.broadcast %add3A_91 : i32 to vector<16xi32>
    %add3A_93 = arith.addi %iota3A, %add3A_92 : vector<16xi32>
    %add3A_94 = arith.constant 0 : i32
    %add3A_95 = vector.broadcast %add3A_94 : i32 to vector<16xi32>
    %add3A_96 = arith.addi %mul3A_90, %add3A_95 : vector<16xi32>
    %gather3A_97 = tpu.vector_load_idx %arg11[%add3A_96] : memref<8192xf32, #tpu.memory_space<vmem>>[vector<16xi32>], vector<16xf32>,
    %mul3A_98 = arith.constant 0 : i32
    %mul3A_99 = vector.broadcast %mul3A_98 : i32 to vector<16xi32>
    %mul3A_100 = arith.muli %iota3A, %mul3A_99 : vector<16xi32>
    %add3A_101 = arith.constant 0 : i32
    %add3A_102 = vector.broadcast %add3A_101 : i32 to vector<16xi32>
    %add3A_103 = arith.addi %mul3A_100, %add3A_102 : vector<16xi32>
    tpu.vector_store_idx %arg12[%add3A_93, %add3A_103], %gather3A_97 : memref<128x4xf32, #tpu.memory_space<vmem>>[vector<16xi32>, vector<16xi32>], vector<16xf32>,
    %add3A_104 = arith.constant 1 : i32
    %add3A_105 = vector.broadcast %add3A_104 : i32 to vector<16xi32>
    %add3A_106 = arith.addi %mul3A_90, %add3A_105 : vector<16xi32>
    %gather3A_107 = tpu.vector_load_idx %arg11[%add3A_106] : memref<8192xf32, #tpu.memory_space<vmem>>[vector<16xi32>], vector<16xf32>,
    %mul3A_108 = arith.constant 0 : i32
    %mul3A_109 = vector.broadcast %mul3A_108 : i32 to vector<16xi32>
    %mul3A_110 = arith.muli %iota3A, %mul3A_109 : vector<16xi32>
    %add3A_111 = arith.constant 1 : i32
    %add3A_112 = vector.broadcast %add3A_111 : i32 to vector<16xi32>
    %add3A_113 = arith.addi %mul3A_110, %add3A_112 : vector<16xi32>
    tpu.vector_store_idx %arg12[%add3A_93, %add3A_113], %gather3A_107 : memref<128x4xf32, #tpu.memory_space<vmem>>[vector<16xi32>, vector<16xi32>], vector<16xf32>,
    %add3A_114 = arith.constant 2 : i32
    %add3A_115 = vector.broadcast %add3A_114 : i32 to vector<16xi32>
    %add3A_116 = arith.addi %mul3A_90, %add3A_115 : vector<16xi32>
    %gather3A_117 = tpu.vector_load_idx %arg11[%add3A_116] : memref<8192xf32, #tpu.memory_space<vmem>>[vector<16xi32>], vector<16xf32>,
    %mul3A_118 = arith.constant 0 : i32
    %mul3A_119 = vector.broadcast %mul3A_118 : i32 to vector<16xi32>
    %mul3A_120 = arith.muli %iota3A, %mul3A_119 : vector<16xi32>
    %add3A_121 = arith.constant 2 : i32
    %add3A_122 = vector.broadcast %add3A_121 : i32 to vector<16xi32>
    %add3A_123 = arith.addi %mul3A_120, %add3A_122 : vector<16xi32>
    tpu.vector_store_idx %arg12[%add3A_93, %add3A_123], %gather3A_117 : memref<128x4xf32, #tpu.memory_space<vmem>>[vector<16xi32>, vector<16xi32>], vector<16xf32>,
    %get3A_124 = arith.constant 48 : index
    %get3A_125 = tpu.vector_load %arg7[%get3A_124] {strides = array<i32>} : memref<128xi32, #tpu.memory_space<vmem>>, vector<16xi32>,
    %mul3A_126 = arith.constant 4 : i32
    %mul3A_127 = vector.broadcast %mul3A_126 : i32 to vector<16xi32>
    %mul3A_128 = arith.muli %get3A_125, %mul3A_127 : vector<16xi32>
    %add3A_129 = arith.constant 48 : i32
    %add3A_130 = vector.broadcast %add3A_129 : i32 to vector<16xi32>
    %add3A_131 = arith.addi %iota3A, %add3A_130 : vector<16xi32>
    %add3A_132 = arith.constant 0 : i32
    %add3A_133 = vector.broadcast %add3A_132 : i32 to vector<16xi32>
    %add3A_134 = arith.addi %mul3A_128, %add3A_133 : vector<16xi32>
    %gather3A_135 = tpu.vector_load_idx %arg11[%add3A_134] : memref<8192xf32, #tpu.memory_space<vmem>>[vector<16xi32>], vector<16xf32>,
    %mul3A_136 = arith.constant 0 : i32
    %mul3A_137 = vector.broadcast %mul3A_136 : i32 to vector<16xi32>
    %mul3A_138 = arith.muli %iota3A, %mul3A_137 : vector<16xi32>
    %add3A_139 = arith.constant 0 : i32
    %add3A_140 = vector.broadcast %add3A_139 : i32 to vector<16xi32>
    %add3A_141 = arith.addi %mul3A_138, %add3A_140 : vector<16xi32>
    tpu.vector_store_idx %arg12[%add3A_131, %add3A_141], %gather3A_135 : memref<128x4xf32, #tpu.memory_space<vmem>>[vector<16xi32>, vector<16xi32>], vector<16xf32>,
    %add3A_142 = arith.constant 1 : i32
    %add3A_143 = vector.broadcast %add3A_142 : i32 to vector<16xi32>
    %add3A_144 = arith.addi %mul3A_128, %add3A_143 : vector<16xi32>
    %gather3A_145 = tpu.vector_load_idx %arg11[%add3A_144] : memref<8192xf32, #tpu.memory_space<vmem>>[vector<16xi32>], vector<16xf32>,
    %mul3A_146 = arith.constant 0 : i32
    %mul3A_147 = vector.broadcast %mul3A_146 : i32 to vector<16xi32>
    %mul3A_148 = arith.muli %iota3A, %mul3A_147 : vector<16xi32>
    %add3A_149 = arith.constant 1 : i32
    %add3A_150 = vector.broadcast %add3A_149 : i32 to vector<16xi32>
    %add3A_151 = arith.addi %mul3A_148, %add3A_150 : vector<16xi32>
    tpu.vector_store_idx %arg12[%add3A_131, %add3A_151], %gather3A_145 : memref<128x4xf32, #tpu.memory_space<vmem>>[vector<16xi32>, vector<16xi32>], vector<16xf32>,
    %add3A_152 = arith.constant 2 : i32
    %add3A_153 = vector.broadcast %add3A_152 : i32 to vector<16xi32>
    %add3A_154 = arith.addi %mul3A_128, %add3A_153 : vector<16xi32>
    %gather3A_155 = tpu.vector_load_idx %arg11[%add3A_154] : memref<8192xf32, #tpu.memory_space<vmem>>[vector<16xi32>], vector<16xf32>,
    %mul3A_156 = arith.constant 0 : i32
    %mul3A_157 = vector.broadcast %mul3A_156 : i32 to vector<16xi32>
    %mul3A_158 = arith.muli %iota3A, %mul3A_157 : vector<16xi32>
    %add3A_159 = arith.constant 2 : i32
    %add3A_160 = vector.broadcast %add3A_159 : i32 to vector<16xi32>
    %add3A_161 = arith.addi %mul3A_158, %add3A_160 : vector<16xi32>
    tpu.vector_store_idx %arg12[%add3A_131, %add3A_161], %gather3A_155 : memref<128x4xf32, #tpu.memory_space<vmem>>[vector<16xi32>, vector<16xi32>], vector<16xf32>,
    %get3A_162 = arith.constant 64 : index
    %get3A_163 = tpu.vector_load %arg7[%get3A_162] {strides = array<i32>} : memref<128xi32, #tpu.memory_space<vmem>>, vector<16xi32>,
    %mul3A_164 = arith.constant 4 : i32
    %mul3A_165 = vector.broadcast %mul3A_164 : i32 to vector<16xi32>
    %mul3A_166 = arith.muli %get3A_163, %mul3A_165 : vector<16xi32>
    %add3A_167 = arith.constant 64 : i32
    %add3A_168 = vector.broadcast %add3A_167 : i32 to vector<16xi32>
    %add3A_169 = arith.addi %iota3A, %add3A_168 : vector<16xi32>
    %add3A_170 = arith.constant 0 : i32
    %add3A_171 = vector.broadcast %add3A_170 : i32 to vector<16xi32>
    %add3A_172 = arith.addi %mul3A_166, %add3A_171 : vector<16xi32>
    %gather3A_173 = tpu.vector_load_idx %arg11[%add3A_172] : memref<8192xf32, #tpu.memory_space<vmem>>[vector<16xi32>], vector<16xf32>,
    %mul3A_174 = arith.constant 0 : i32
    %mul3A_175 = vector.broadcast %mul3A_174 : i32 to vector<16xi32>
    %mul3A_176 = arith.muli %iota3A, %mul3A_175 : vector<16xi32>
    %add3A_177 = arith.constant 0 : i32
    %add3A_178 = vector.broadcast %add3A_177 : i32 to vector<16xi32>
    %add3A_179 = arith.addi %mul3A_176, %add3A_178 : vector<16xi32>
    tpu.vector_store_idx %arg12[%add3A_169, %add3A_179], %gather3A_173 : memref<128x4xf32, #tpu.memory_space<vmem>>[vector<16xi32>, vector<16xi32>], vector<16xf32>,
    %add3A_180 = arith.constant 1 : i32
    %add3A_181 = vector.broadcast %add3A_180 : i32 to vector<16xi32>
    %add3A_182 = arith.addi %mul3A_166, %add3A_181 : vector<16xi32>
    %gather3A_183 = tpu.vector_load_idx %arg11[%add3A_182] : memref<8192xf32, #tpu.memory_space<vmem>>[vector<16xi32>], vector<16xf32>,
    %mul3A_184 = arith.constant 0 : i32
    %mul3A_185 = vector.broadcast %mul3A_184 : i32 to vector<16xi32>
    %mul3A_186 = arith.muli %iota3A, %mul3A_185 : vector<16xi32>
    %add3A_187 = arith.constant 1 : i32
    %add3A_188 = vector.broadcast %add3A_187 : i32 to vector<16xi32>
    %add3A_189 = arith.addi %mul3A_186, %add3A_188 : vector<16xi32>
    tpu.vector_store_idx %arg12[%add3A_169, %add3A_189], %gather3A_183 : memref<128x4xf32, #tpu.memory_space<vmem>>[vector<16xi32>, vector<16xi32>], vector<16xf32>,
    %add3A_190 = arith.constant 2 : i32
    %add3A_191 = vector.broadcast %add3A_190 : i32 to vector<16xi32>
    %add3A_192 = arith.addi %mul3A_166, %add3A_191 : vector<16xi32>
    %gather3A_193 = tpu.vector_load_idx %arg11[%add3A_192] : memref<8192xf32, #tpu.memory_space<vmem>>[vector<16xi32>], vector<16xf32>,
    %mul3A_194 = arith.constant 0 : i32
    %mul3A_195 = vector.broadcast %mul3A_194 : i32 to vector<16xi32>
    %mul3A_196 = arith.muli %iota3A, %mul3A_195 : vector<16xi32>
    %add3A_197 = arith.constant 2 : i32
    %add3A_198 = vector.broadcast %add3A_197 : i32 to vector<16xi32>
    %add3A_199 = arith.addi %mul3A_196, %add3A_198 : vector<16xi32>
    tpu.vector_store_idx %arg12[%add3A_169, %add3A_199], %gather3A_193 : memref<128x4xf32, #tpu.memory_space<vmem>>[vector<16xi32>, vector<16xi32>], vector<16xf32>,
    %get3A_200 = arith.constant 80 : index
    %get3A_201 = tpu.vector_load %arg7[%get3A_200] {strides = array<i32>} : memref<128xi32, #tpu.memory_space<vmem>>, vector<16xi32>,
    %mul3A_202 = arith.constant 4 : i32
    %mul3A_203 = vector.broadcast %mul3A_202 : i32 to vector<16xi32>
    %mul3A_204 = arith.muli %get3A_201, %mul3A_203 : vector<16xi32>
    %add3A_205 = arith.constant 80 : i32
    %add3A_206 = vector.broadcast %add3A_205 : i32 to vector<16xi32>
    %add3A_207 = arith.addi %iota3A, %add3A_206 : vector<16xi32>
    %add3A_208 = arith.constant 0 : i32
    %add3A_209 = vector.broadcast %add3A_208 : i32 to vector<16xi32>
    %add3A_210 = arith.addi %mul3A_204, %add3A_209 : vector<16xi32>
    %gather3A_211 = tpu.vector_load_idx %arg11[%add3A_210] : memref<8192xf32, #tpu.memory_space<vmem>>[vector<16xi32>], vector<16xf32>,
    %mul3A_212 = arith.constant 0 : i32
    %mul3A_213 = vector.broadcast %mul3A_212 : i32 to vector<16xi32>
    %mul3A_214 = arith.muli %iota3A, %mul3A_213 : vector<16xi32>
    %add3A_215 = arith.constant 0 : i32
    %add3A_216 = vector.broadcast %add3A_215 : i32 to vector<16xi32>
    %add3A_217 = arith.addi %mul3A_214, %add3A_216 : vector<16xi32>
    tpu.vector_store_idx %arg12[%add3A_207, %add3A_217], %gather3A_211 : memref<128x4xf32, #tpu.memory_space<vmem>>[vector<16xi32>, vector<16xi32>], vector<16xf32>,
    %add3A_218 = arith.constant 1 : i32
    %add3A_219 = vector.broadcast %add3A_218 : i32 to vector<16xi32>
    %add3A_220 = arith.addi %mul3A_204, %add3A_219 : vector<16xi32>
    %gather3A_221 = tpu.vector_load_idx %arg11[%add3A_220] : memref<8192xf32, #tpu.memory_space<vmem>>[vector<16xi32>], vector<16xf32>,
    %mul3A_222 = arith.constant 0 : i32
    %mul3A_223 = vector.broadcast %mul3A_222 : i32 to vector<16xi32>
    %mul3A_224 = arith.muli %iota3A, %mul3A_223 : vector<16xi32>
    %add3A_225 = arith.constant 1 : i32
    %add3A_226 = vector.broadcast %add3A_225 : i32 to vector<16xi32>
    %add3A_227 = arith.addi %mul3A_224, %add3A_226 : vector<16xi32>
    tpu.vector_store_idx %arg12[%add3A_207, %add3A_227], %gather3A_221 : memref<128x4xf32, #tpu.memory_space<vmem>>[vector<16xi32>, vector<16xi32>], vector<16xf32>,
    %add3A_228 = arith.constant 2 : i32
    %add3A_229 = vector.broadcast %add3A_228 : i32 to vector<16xi32>
    %add3A_230 = arith.addi %mul3A_204, %add3A_229 : vector<16xi32>
    %gather3A_231 = tpu.vector_load_idx %arg11[%add3A_230] : memref<8192xf32, #tpu.memory_space<vmem>>[vector<16xi32>], vector<16xf32>,
    %mul3A_232 = arith.constant 0 : i32
    %mul3A_233 = vector.broadcast %mul3A_232 : i32 to vector<16xi32>
    %mul3A_234 = arith.muli %iota3A, %mul3A_233 : vector<16xi32>
    %add3A_235 = arith.constant 2 : i32
    %add3A_236 = vector.broadcast %add3A_235 : i32 to vector<16xi32>
    %add3A_237 = arith.addi %mul3A_234, %add3A_236 : vector<16xi32>
    tpu.vector_store_idx %arg12[%add3A_207, %add3A_237], %gather3A_231 : memref<128x4xf32, #tpu.memory_space<vmem>>[vector<16xi32>, vector<16xi32>], vector<16xf32>,
    %get3A_238 = arith.constant 96 : index
    %get3A_239 = tpu.vector_load %arg7[%get3A_238] {strides = array<i32>} : memref<128xi32, #tpu.memory_space<vmem>>, vector<16xi32>,
    %mul3A_240 = arith.constant 4 : i32
    %mul3A_241 = vector.broadcast %mul3A_240 : i32 to vector<16xi32>
    %mul3A_242 = arith.muli %get3A_239, %mul3A_241 : vector<16xi32>
    %add3A_243 = arith.constant 96 : i32
    %add3A_244 = vector.broadcast %add3A_243 : i32 to vector<16xi32>
    %add3A_245 = arith.addi %iota3A, %add3A_244 : vector<16xi32>
    %add3A_246 = arith.constant 0 : i32
    %add3A_247 = vector.broadcast %add3A_246 : i32 to vector<16xi32>
    %add3A_248 = arith.addi %mul3A_242, %add3A_247 : vector<16xi32>
    %gather3A_249 = tpu.vector_load_idx %arg11[%add3A_248] : memref<8192xf32, #tpu.memory_space<vmem>>[vector<16xi32>], vector<16xf32>,
    %mul3A_250 = arith.constant 0 : i32
    %mul3A_251 = vector.broadcast %mul3A_250 : i32 to vector<16xi32>
    %mul3A_252 = arith.muli %iota3A, %mul3A_251 : vector<16xi32>
    %add3A_253 = arith.constant 0 : i32
    %add3A_254 = vector.broadcast %add3A_253 : i32 to vector<16xi32>
    %add3A_255 = arith.addi %mul3A_252, %add3A_254 : vector<16xi32>
    tpu.vector_store_idx %arg12[%add3A_245, %add3A_255], %gather3A_249 : memref<128x4xf32, #tpu.memory_space<vmem>>[vector<16xi32>, vector<16xi32>], vector<16xf32>,
    %add3A_256 = arith.constant 1 : i32
    %add3A_257 = vector.broadcast %add3A_256 : i32 to vector<16xi32>
    %add3A_258 = arith.addi %mul3A_242, %add3A_257 : vector<16xi32>
    %gather3A_259 = tpu.vector_load_idx %arg11[%add3A_258] : memref<8192xf32, #tpu.memory_space<vmem>>[vector<16xi32>], vector<16xf32>,
    %mul3A_260 = arith.constant 0 : i32
    %mul3A_261 = vector.broadcast %mul3A_260 : i32 to vector<16xi32>
    %mul3A_262 = arith.muli %iota3A, %mul3A_261 : vector<16xi32>
    %add3A_263 = arith.constant 1 : i32
    %add3A_264 = vector.broadcast %add3A_263 : i32 to vector<16xi32>
    %add3A_265 = arith.addi %mul3A_262, %add3A_264 : vector<16xi32>
    tpu.vector_store_idx %arg12[%add3A_245, %add3A_265], %gather3A_259 : memref<128x4xf32, #tpu.memory_space<vmem>>[vector<16xi32>, vector<16xi32>], vector<16xf32>,
    %add3A_266 = arith.constant 2 : i32
    %add3A_267 = vector.broadcast %add3A_266 : i32 to vector<16xi32>
    %add3A_268 = arith.addi %mul3A_242, %add3A_267 : vector<16xi32>
    %gather3A_269 = tpu.vector_load_idx %arg11[%add3A_268] : memref<8192xf32, #tpu.memory_space<vmem>>[vector<16xi32>], vector<16xf32>,
    %mul3A_270 = arith.constant 0 : i32
    %mul3A_271 = vector.broadcast %mul3A_270 : i32 to vector<16xi32>
    %mul3A_272 = arith.muli %iota3A, %mul3A_271 : vector<16xi32>
    %add3A_273 = arith.constant 2 : i32
    %add3A_274 = vector.broadcast %add3A_273 : i32 to vector<16xi32>
    %add3A_275 = arith.addi %mul3A_272, %add3A_274 : vector<16xi32>
    tpu.vector_store_idx %arg12[%add3A_245, %add3A_275], %gather3A_269 : memref<128x4xf32, #tpu.memory_space<vmem>>[vector<16xi32>, vector<16xi32>], vector<16xf32>,
    %get3A_276 = arith.constant 112 : index
    %get3A_277 = tpu.vector_load %arg7[%get3A_276] {strides = array<i32>} : memref<128xi32, #tpu.memory_space<vmem>>, vector<16xi32>,
    %mul3A_278 = arith.constant 4 : i32
    %mul3A_279 = vector.broadcast %mul3A_278 : i32 to vector<16xi32>
    %mul3A_280 = arith.muli %get3A_277, %mul3A_279 : vector<16xi32>
    %add3A_281 = arith.constant 112 : i32
    %add3A_282 = vector.broadcast %add3A_281 : i32 to vector<16xi32>
    %add3A_283 = arith.addi %iota3A, %add3A_282 : vector<16xi32>
    %add3A_284 = arith.constant 0 : i32
    %add3A_285 = vector.broadcast %add3A_284 : i32 to vector<16xi32>
    %add3A_286 = arith.addi %mul3A_280, %add3A_285 : vector<16xi32>
    %gather3A_287 = tpu.vector_load_idx %arg11[%add3A_286] : memref<8192xf32, #tpu.memory_space<vmem>>[vector<16xi32>], vector<16xf32>,
    %mul3A_288 = arith.constant 0 : i32
    %mul3A_289 = vector.broadcast %mul3A_288 : i32 to vector<16xi32>
    %mul3A_290 = arith.muli %iota3A, %mul3A_289 : vector<16xi32>
    %add3A_291 = arith.constant 0 : i32
    %add3A_292 = vector.broadcast %add3A_291 : i32 to vector<16xi32>
    %add3A_293 = arith.addi %mul3A_290, %add3A_292 : vector<16xi32>
    tpu.vector_store_idx %arg12[%add3A_283, %add3A_293], %gather3A_287 : memref<128x4xf32, #tpu.memory_space<vmem>>[vector<16xi32>, vector<16xi32>], vector<16xf32>,
    %add3A_294 = arith.constant 1 : i32
    %add3A_295 = vector.broadcast %add3A_294 : i32 to vector<16xi32>
    %add3A_296 = arith.addi %mul3A_280, %add3A_295 : vector<16xi32>
    %gather3A_297 = tpu.vector_load_idx %arg11[%add3A_296] : memref<8192xf32, #tpu.memory_space<vmem>>[vector<16xi32>], vector<16xf32>,
    %mul3A_298 = arith.constant 0 : i32
    %mul3A_299 = vector.broadcast %mul3A_298 : i32 to vector<16xi32>
    %mul3A_300 = arith.muli %iota3A, %mul3A_299 : vector<16xi32>
    %add3A_301 = arith.constant 1 : i32
    %add3A_302 = vector.broadcast %add3A_301 : i32 to vector<16xi32>
    %add3A_303 = arith.addi %mul3A_300, %add3A_302 : vector<16xi32>
    tpu.vector_store_idx %arg12[%add3A_283, %add3A_303], %gather3A_297 : memref<128x4xf32, #tpu.memory_space<vmem>>[vector<16xi32>, vector<16xi32>], vector<16xf32>,
    %add3A_304 = arith.constant 2 : i32
    %add3A_305 = vector.broadcast %add3A_304 : i32 to vector<16xi32>
    %add3A_306 = arith.addi %mul3A_280, %add3A_305 : vector<16xi32>
    %gather3A_307 = tpu.vector_load_idx %arg11[%add3A_306] : memref<8192xf32, #tpu.memory_space<vmem>>[vector<16xi32>], vector<16xf32>,
    %mul3A_308 = arith.constant 0 : i32
    %mul3A_309 = vector.broadcast %mul3A_308 : i32 to vector<16xi32>
    %mul3A_310 = arith.muli %iota3A, %mul3A_309 : vector<16xi32>
    %add3A_311 = arith.constant 2 : i32
    %add3A_312 = vector.broadcast %add3A_311 : i32 to vector<16xi32>
    %add3A_313 = arith.addi %mul3A_310, %add3A_312 : vector<16xi32>
    tpu.vector_store_idx %arg12[%add3A_283, %add3A_313], %gather3A_307 : memref<128x4xf32, #tpu.memory_space<vmem>>[vector<16xi32>, vector<16xi32>], vector<16xf32>,
    %dma_wait3A = arith.constant 0 : i32
    %dma_wait3A_314 = arith.constant 0 : i32
    %dma_wait3A_315 = tpu.memref_slice %arg2[%dma_wait3A, %dma_wait3A_314] : memref<2048x256xf32, #tpu.memory_space<hbm>> -> memref<2048x256xf32, #tpu.memory_space<hbm>>
    tpu.wait_indirect_dma semaphore(%arg14 : memref<!tpu.dma_semaphore, #tpu.memory_space<semaphore_mem>>) src(%dma_wait3A_315 : memref<2048x256xf32, #tpu.memory_space<hbm>>) dst(%arg9 : memref<128x256xf32, #tpu.memory_space<vmem>>)
    %add3A_316 = arith.constant 0 : i32
    %add3A_317 = arith.addi %mul3A_2, %add3A_316 : i32
    %dma_start3A_318 = arith.constant 0 : i32
    %dma_start3A_319 = tpu.memref_slice %arg5[%add3A_317, %dma_start3A_318] : memref<32768x256xf32, #tpu.memory_space<hbm>> -> memref<128x256xf32, #tpu.memory_space<hbm>>
    %dma_start3A_320 = arith.constant 0 : i32
    %dma_start3A_321 = tpu.memref_slice %arg5[%add3A_317, %dma_start3A_320] : memref<32768x256xf32, #tpu.memory_space<hbm>> -> memref<128x256xf32, #tpu.memory_space<hbm>>
    tpu.enqueue_dma source(%arg9 : memref<128x256xf32, #tpu.memory_space<vmem>>) target(%dma_start3A_321 : memref<128x256xf32, #tpu.memory_space<hbm>>) target_semaphore(%arg16 : memref<!tpu.dma_semaphore, #tpu.memory_space<semaphore_mem>>)
    %dma_start3A_322 = arith.constant 0 : i32
    %dma_start3A_323 = tpu.memref_slice %arg6[%add3A_317, %dma_start3A_322] : memref<32768x4xf32, #tpu.memory_space<hbm>> -> memref<128x4xf32, #tpu.memory_space<hbm>>
    %dma_start3A_324 = arith.constant 0 : i32
    %dma_start3A_325 = tpu.memref_slice %arg6[%add3A_317, %dma_start3A_324] : memref<32768x4xf32, #tpu.memory_space<hbm>> -> memref<128x4xf32, #tpu.memory_space<hbm>>
    tpu.enqueue_dma source(%arg12 : memref<128x4xf32, #tpu.memory_space<vmem>>) target(%dma_start3A_325 : memref<128x4xf32, #tpu.memory_space<hbm>>) target_semaphore(%arg16 : memref<!tpu.dma_semaphore, #tpu.memory_space<semaphore_mem>>)
    %dma_wait3A_326 = arith.constant 0 : i32
    %dma_wait3A_327 = tpu.memref_slice %arg5[%add3A_317, %dma_wait3A_326] : memref<32768x256xf32, #tpu.memory_space<hbm>> -> memref<128x256xf32, #tpu.memory_space<hbm>>
    %dma_wait3A_328 = arith.constant 0 : i32
    %dma_wait3A_329 = tpu.memref_slice %arg5[%add3A_317, %dma_wait3A_328] : memref<32768x256xf32, #tpu.memory_space<hbm>> -> memref<128x256xf32, #tpu.memory_space<hbm>>
    tpu.wait_dma2 semaphore(%arg16 : memref<!tpu.dma_semaphore, #tpu.memory_space<semaphore_mem>>) src(%arg9 : memref<128x256xf32, #tpu.memory_space<vmem>>) dst(%dma_wait3A_329 : memref<128x256xf32, #tpu.memory_space<hbm>>)
    %dma_wait3A_330 = arith.constant 0 : i32
    %dma_wait3A_331 = tpu.memref_slice %arg6[%add3A_317, %dma_wait3A_330] : memref<32768x4xf32, #tpu.memory_space<hbm>> -> memref<128x4xf32, #tpu.memory_space<hbm>>
    %dma_wait3A_332 = arith.constant 0 : i32
    %dma_wait3A_333 = tpu.memref_slice %arg6[%add3A_317, %dma_wait3A_332] : memref<32768x4xf32, #tpu.memory_space<hbm>> -> memref<128x4xf32, #tpu.memory_space<hbm>>
    tpu.wait_dma2 semaphore(%arg16 : memref<!tpu.dma_semaphore, #tpu.memory_space<semaphore_mem>>) src(%arg12 : memref<128x4xf32, #tpu.memory_space<vmem>>) dst(%dma_wait3A_333 : memref<128x4xf32, #tpu.memory_space<hbm>>)
    %add3A_334 = arith.constant 256 : i32
    %add3A_335 = arith.addi %mul3A_2, %add3A_334 : i32
    "tpu.region"() ({
      %run_scoped3A = tpu.sem_alloc : memref<!tpu.dma_semaphore, #tpu.memory_space<semaphore_mem>>
      %dma_start3A_2639 = tpu.memref_slice %arg4[%add3A_335] : memref<32768xi32, #tpu.memory_space<hbm>> -> memref<128xi32, #tpu.memory_space<hbm>>
      %dma_start3A_2640 = tpu.memref_slice %arg4[%add3A_335] : memref<32768xi32, #tpu.memory_space<hbm>> -> memref<128xi32, #tpu.memory_space<hbm>>
      tpu.enqueue_dma source(%dma_start3A_2640 : memref<128xi32, #tpu.memory_space<hbm>>) target(%arg7 : memref<128xi32, #tpu.memory_space<vmem>>) target_semaphore(%run_scoped3A : memref<!tpu.dma_semaphore, #tpu.memory_space<semaphore_mem>>)
      %dma_wait3A_2641 = tpu.memref_slice %arg4[%add3A_335] : memref<32768xi32, #tpu.memory_space<hbm>> -> memref<128xi32, #tpu.memory_space<hbm>>
      %dma_wait3A_2642 = tpu.memref_slice %arg4[%add3A_335] : memref<32768xi32, #tpu.memory_space<hbm>> -> memref<128xi32, #tpu.memory_space<hbm>>
      tpu.wait_dma2 semaphore(%run_scoped3A : memref<!tpu.dma_semaphore, #tpu.memory_space<semaphore_mem>>) src(%dma_wait3A_2642 : memref<128xi32, #tpu.memory_space<hbm>>) dst(%arg7 : memref<128xi32, #tpu.memory_space<vmem>>)
      tpu.yield
    }) : () -> ()
    %dma_start3A_336 = arith.constant 0 : i32
    %dma_start3A_337 = arith.constant 0 : i32
    %dma_start3A_338 = tpu.memref_slice %arg2[%dma_start3A_336, %dma_start3A_337] : memref<2048x256xf32, #tpu.memory_space<hbm>> -> memref<2048x256xf32, #tpu.memory_space<hbm>>
    tpu.enqueue_indirect_dma source(%dma_start3A_338 : memref<2048x256xf32, #tpu.memory_space<hbm>>) target(%arg9 : memref<128x256xf32, #tpu.memory_space<vmem>>) offsets(%arg7 : memref<128xi32, #tpu.memory_space<vmem>>) semaphore(%arg14 : memref<!tpu.dma_semaphore, #tpu.memory_space<semaphore_mem>>)
    %get3A_339 = arith.constant 0 : index
    %get3A_340 = tpu.vector_load %arg8[%get3A_339] {strides = array<i32>} : memref<128xi32, #tpu.memory_space<vmem>>, vector<16xi32>,
    %mul3A_341 = arith.constant 4 : i32
    %mul3A_342 = vector.broadcast %mul3A_341 : i32 to vector<16xi32>
    %mul3A_343 = arith.muli %get3A_340, %mul3A_342 : vector<16xi32>
    %add3A_344 = arith.constant 0 : i32
    %add3A_345 = vector.broadcast %add3A_344 : i32 to vector<16xi32>
    %add3A_346 = arith.addi %iota3A, %add3A_345 : vector<16xi32>
    %add3A_347 = arith.constant 0 : i32
    %add3A_348 = vector.broadcast %add3A_347 : i32 to vector<16xi32>
    %add3A_349 = arith.addi %mul3A_343, %add3A_348 : vector<16xi32>
    %gather3A_350 = tpu.vector_load_idx %arg11[%add3A_349] : memref<8192xf32, #tpu.memory_space<vmem>>[vector<16xi32>], vector<16xf32>,
    %mul3A_351 = arith.constant 0 : i32
    %mul3A_352 = vector.broadcast %mul3A_351 : i32 to vector<16xi32>
    %mul3A_353 = arith.muli %iota3A, %mul3A_352 : vector<16xi32>
    %add3A_354 = arith.constant 0 : i32
    %add3A_355 = vector.broadcast %add3A_354 : i32 to vector<16xi32>
    %add3A_356 = arith.addi %mul3A_353, %add3A_355 : vector<16xi32>
    tpu.vector_store_idx %arg13[%add3A_346, %add3A_356], %gather3A_350 : memref<128x4xf32, #tpu.memory_space<vmem>>[vector<16xi32>, vector<16xi32>], vector<16xf32>,
    %add3A_357 = arith.constant 1 : i32
    %add3A_358 = vector.broadcast %add3A_357 : i32 to vector<16xi32>
    %add3A_359 = arith.addi %mul3A_343, %add3A_358 : vector<16xi32>
    %gather3A_360 = tpu.vector_load_idx %arg11[%add3A_359] : memref<8192xf32, #tpu.memory_space<vmem>>[vector<16xi32>], vector<16xf32>,
    %mul3A_361 = arith.constant 0 : i32
    %mul3A_362 = vector.broadcast %mul3A_361 : i32 to vector<16xi32>
    %mul3A_363 = arith.muli %iota3A, %mul3A_362 : vector<16xi32>
    %add3A_364 = arith.constant 1 : i32
    %add3A_365 = vector.broadcast %add3A_364 : i32 to vector<16xi32>
    %add3A_366 = arith.addi %mul3A_363, %add3A_365 : vector<16xi32>
    tpu.vector_store_idx %arg13[%add3A_346, %add3A_366], %gather3A_360 : memref<128x4xf32, #tpu.memory_space<vmem>>[vector<16xi32>, vector<16xi32>], vector<16xf32>,
    %add3A_367 = arith.constant 2 : i32
    %add3A_368 = vector.broadcast %add3A_367 : i32 to vector<16xi32>
    %add3A_369 = arith.addi %mul3A_343, %add3A_368 : vector<16xi32>
    %gather3A_370 = tpu.vector_load_idx %arg11[%add3A_369] : memref<8192xf32, #tpu.memory_space<vmem>>[vector<16xi32>], vector<16xf32>,
    %mul3A_371 = arith.constant 0 : i32
    %mul3A_372 = vector.broadcast %mul3A_371 : i32 to vector<16xi32>
    %mul3A_373 = arith.muli %iota3A, %mul3A_372 : vector<16xi32>
    %add3A_374 = arith.constant 2 : i32
    %add3A_375 = vector.broadcast %add3A_374 : i32 to vector<16xi32>
    %add3A_376 = arith.addi %mul3A_373, %add3A_375 : vector<16xi32>
    tpu.vector_store_idx %arg13[%add3A_346, %add3A_376], %gather3A_370 : memref<128x4xf32, #tpu.memory_space<vmem>>[vector<16xi32>, vector<16xi32>], vector<16xf32>,
    %get3A_377 = arith.constant 16 : index
    %get3A_378 = tpu.vector_load %arg8[%get3A_377] {strides = array<i32>} : memref<128xi32, #tpu.memory_space<vmem>>, vector<16xi32>,
    %mul3A_379 = arith.constant 4 : i32
    %mul3A_380 = vector.broadcast %mul3A_379 : i32 to vector<16xi32>
    %mul3A_381 = arith.muli %get3A_378, %mul3A_380 : vector<16xi32>
    %add3A_382 = arith.constant 16 : i32
    %add3A_383 = vector.broadcast %add3A_382 : i32 to vector<16xi32>
    %add3A_384 = arith.addi %iota3A, %add3A_383 : vector<16xi32>
    %add3A_385 = arith.constant 0 : i32
    %add3A_386 = vector.broadcast %add3A_385 : i32 to vector<16xi32>
    %add3A_387 = arith.addi %mul3A_381, %add3A_386 : vector<16xi32>
    %gather3A_388 = tpu.vector_load_idx %arg11[%add3A_387] : memref<8192xf32, #tpu.memory_space<vmem>>[vector<16xi32>], vector<16xf32>,
    %mul3A_389 = arith.constant 0 : i32
    %mul3A_390 = vector.broadcast %mul3A_389 : i32 to vector<16xi32>
    %mul3A_391 = arith.muli %iota3A, %mul3A_390 : vector<16xi32>
    %add3A_392 = arith.constant 0 : i32
    %add3A_393 = vector.broadcast %add3A_392 : i32 to vector<16xi32>
    %add3A_394 = arith.addi %mul3A_391, %add3A_393 : vector<16xi32>
    tpu.vector_store_idx %arg13[%add3A_384, %add3A_394], %gather3A_388 : memref<128x4xf32, #tpu.memory_space<vmem>>[vector<16xi32>, vector<16xi32>], vector<16xf32>,
    %add3A_395 = arith.constant 1 : i32
    %add3A_396 = vector.broadcast %add3A_395 : i32 to vector<16xi32>
    %add3A_397 = arith.addi %mul3A_381, %add3A_396 : vector<16xi32>
    %gather3A_398 = tpu.vector_load_idx %arg11[%add3A_397] : memref<8192xf32, #tpu.memory_space<vmem>>[vector<16xi32>], vector<16xf32>,
    %mul3A_399 = arith.constant 0 : i32
    %mul3A_400 = vector.broadcast %mul3A_399 : i32 to vector<16xi32>
    %mul3A_401 = arith.muli %iota3A, %mul3A_400 : vector<16xi32>
    %add3A_402 = arith.constant 1 : i32
    %add3A_403 = vector.broadcast %add3A_402 : i32 to vector<16xi32>
    %add3A_404 = arith.addi %mul3A_401, %add3A_403 : vector<16xi32>
    tpu.vector_store_idx %arg13[%add3A_384, %add3A_404], %gather3A_398 : memref<128x4xf32, #tpu.memory_space<vmem>>[vector<16xi32>, vector<16xi32>], vector<16xf32>,
    %add3A_405 = arith.constant 2 : i32
    %add3A_406 = vector.broadcast %add3A_405 : i32 to vector<16xi32>
    %add3A_407 = arith.addi %mul3A_381, %add3A_406 : vector<16xi32>
    %gather3A_408 = tpu.vector_load_idx %arg11[%add3A_407] : memref<8192xf32, #tpu.memory_space<vmem>>[vector<16xi32>], vector<16xf32>,
    %mul3A_409 = arith.constant 0 : i32
    %mul3A_410 = vector.broadcast %mul3A_409 : i32 to vector<16xi32>
    %mul3A_411 = arith.muli %iota3A, %mul3A_410 : vector<16xi32>
    %add3A_412 = arith.constant 2 : i32
    %add3A_413 = vector.broadcast %add3A_412 : i32 to vector<16xi32>
    %add3A_414 = arith.addi %mul3A_411, %add3A_413 : vector<16xi32>
    tpu.vector_store_idx %arg13[%add3A_384, %add3A_414], %gather3A_408 : memref<128x4xf32, #tpu.memory_space<vmem>>[vector<16xi32>, vector<16xi32>], vector<16xf32>,
    %get3A_415 = arith.constant 32 : index
    %get3A_416 = tpu.vector_load %arg8[%get3A_415] {strides = array<i32>} : memref<128xi32, #tpu.memory_space<vmem>>, vector<16xi32>,
    %mul3A_417 = arith.constant 4 : i32
    %mul3A_418 = vector.broadcast %mul3A_417 : i32 to vector<16xi32>
    %mul3A_419 = arith.muli %get3A_416, %mul3A_418 : vector<16xi32>
    %add3A_420 = arith.constant 32 : i32
    %add3A_421 = vector.broadcast %add3A_420 : i32 to vector<16xi32>
    %add3A_422 = arith.addi %iota3A, %add3A_421 : vector<16xi32>
    %add3A_423 = arith.constant 0 : i32
    %add3A_424 = vector.broadcast %add3A_423 : i32 to vector<16xi32>
    %add3A_425 = arith.addi %mul3A_419, %add3A_424 : vector<16xi32>
    %gather3A_426 = tpu.vector_load_idx %arg11[%add3A_425] : memref<8192xf32, #tpu.memory_space<vmem>>[vector<16xi32>], vector<16xf32>,
    %mul3A_427 = arith.constant 0 : i32
    %mul3A_428 = vector.broadcast %mul3A_427 : i32 to vector<16xi32>
    %mul3A_429 = arith.muli %iota3A, %mul3A_428 : vector<16xi32>
    %add3A_430 = arith.constant 0 : i32
    %add3A_431 = vector.broadcast %add3A_430 : i32 to vector<16xi32>
    %add3A_432 = arith.addi %mul3A_429, %add3A_431 : vector<16xi32>
    tpu.vector_store_idx %arg13[%add3A_422, %add3A_432], %gather3A_426 : memref<128x4xf32, #tpu.memory_space<vmem>>[vector<16xi32>, vector<16xi32>], vector<16xf32>,
    %add3A_433 = arith.constant 1 : i32
    %add3A_434 = vector.broadcast %add3A_433 : i32 to vector<16xi32>
    %add3A_435 = arith.addi %mul3A_419, %add3A_434 : vector<16xi32>
    %gather3A_436 = tpu.vector_load_idx %arg11[%add3A_435] : memref<8192xf32, #tpu.memory_space<vmem>>[vector<16xi32>], vector<16xf32>,
    %mul3A_437 = arith.constant 0 : i32
    %mul3A_438 = vector.broadcast %mul3A_437 : i32 to vector<16xi32>
    %mul3A_439 = arith.muli %iota3A, %mul3A_438 : vector<16xi32>
    %add3A_440 = arith.constant 1 : i32
    %add3A_441 = vector.broadcast %add3A_440 : i32 to vector<16xi32>
    %add3A_442 = arith.addi %mul3A_439, %add3A_441 : vector<16xi32>
    tpu.vector_store_idx %arg13[%add3A_422, %add3A_442], %gather3A_436 : memref<128x4xf32, #tpu.memory_space<vmem>>[vector<16xi32>, vector<16xi32>], vector<16xf32>,
    %add3A_443 = arith.constant 2 : i32
    %add3A_444 = vector.broadcast %add3A_443 : i32 to vector<16xi32>
    %add3A_445 = arith.addi %mul3A_419, %add3A_444 : vector<16xi32>
    %gather3A_446 = tpu.vector_load_idx %arg11[%add3A_445] : memref<8192xf32, #tpu.memory_space<vmem>>[vector<16xi32>], vector<16xf32>,
    %mul3A_447 = arith.constant 0 : i32
    %mul3A_448 = vector.broadcast %mul3A_447 : i32 to vector<16xi32>
    %mul3A_449 = arith.muli %iota3A, %mul3A_448 : vector<16xi32>
    %add3A_450 = arith.constant 2 : i32
    %add3A_451 = vector.broadcast %add3A_450 : i32 to vector<16xi32>
    %add3A_452 = arith.addi %mul3A_449, %add3A_451 : vector<16xi32>
    tpu.vector_store_idx %arg13[%add3A_422, %add3A_452], %gather3A_446 : memref<128x4xf32, #tpu.memory_space<vmem>>[vector<16xi32>, vector<16xi32>], vector<16xf32>,
    %get3A_453 = arith.constant 48 : index
    %get3A_454 = tpu.vector_load %arg8[%get3A_453] {strides = array<i32>} : memref<128xi32, #tpu.memory_space<vmem>>, vector<16xi32>,
    %mul3A_455 = arith.constant 4 : i32
    %mul3A_456 = vector.broadcast %mul3A_455 : i32 to vector<16xi32>
    %mul3A_457 = arith.muli %get3A_454, %mul3A_456 : vector<16xi32>
    %add3A_458 = arith.constant 48 : i32
    %add3A_459 = vector.broadcast %add3A_458 : i32 to vector<16xi32>
    %add3A_460 = arith.addi %iota3A, %add3A_459 : vector<16xi32>
    %add3A_461 = arith.constant 0 : i32
    %add3A_462 = vector.broadcast %add3A_461 : i32 to vector<16xi32>
    %add3A_463 = arith.addi %mul3A_457, %add3A_462 : vector<16xi32>
    %gather3A_464 = tpu.vector_load_idx %arg11[%add3A_463] : memref<8192xf32, #tpu.memory_space<vmem>>[vector<16xi32>], vector<16xf32>,
    %mul3A_465 = arith.constant 0 : i32
    %mul3A_466 = vector.broadcast %mul3A_465 : i32 to vector<16xi32>
    %mul3A_467 = arith.muli %iota3A, %mul3A_466 : vector<16xi32>
    %add3A_468 = arith.constant 0 : i32
    %add3A_469 = vector.broadcast %add3A_468 : i32 to vector<16xi32>
    %add3A_470 = arith.addi %mul3A_467, %add3A_469 : vector<16xi32>
    tpu.vector_store_idx %arg13[%add3A_460, %add3A_470], %gather3A_464 : memref<128x4xf32, #tpu.memory_space<vmem>>[vector<16xi32>, vector<16xi32>], vector<16xf32>,
    %add3A_471 = arith.constant 1 : i32
    %add3A_472 = vector.broadcast %add3A_471 : i32 to vector<16xi32>
    %add3A_473 = arith.addi %mul3A_457, %add3A_472 : vector<16xi32>
    %gather3A_474 = tpu.vector_load_idx %arg11[%add3A_473] : memref<8192xf32, #tpu.memory_space<vmem>>[vector<16xi32>], vector<16xf32>,
    %mul3A_475 = arith.constant 0 : i32
    %mul3A_476 = vector.broadcast %mul3A_475 : i32 to vector<16xi32>
    %mul3A_477 = arith.muli %iota3A, %mul3A_476 : vector<16xi32>
    %add3A_478 = arith.constant 1 : i32
    %add3A_479 = vector.broadcast %add3A_478 : i32 to vector<16xi32>
    %add3A_480 = arith.addi %mul3A_477, %add3A_479 : vector<16xi32>
    tpu.vector_store_idx %arg13[%add3A_460, %add3A_480], %gather3A_474 : memref<128x4xf32, #tpu.memory_space<vmem>>[vector<16xi32>, vector<16xi32>], vector<16xf32>,
    %add3A_481 = arith.constant 2 : i32
    %add3A_482 = vector.broadcast %add3A_481 : i32 to vector<16xi32>
    %add3A_483 = arith.addi %mul3A_457, %add3A_482 : vector<16xi32>
    %gather3A_484 = tpu.vector_load_idx %arg11[%add3A_483] : memref<8192xf32, #tpu.memory_space<vmem>>[vector<16xi32>], vector<16xf32>,
    %mul3A_485 = arith.constant 0 : i32
    %mul3A_486 = vector.broadcast %mul3A_485 : i32 to vector<16xi32>
    %mul3A_487 = arith.muli %iota3A, %mul3A_486 : vector<16xi32>
    %add3A_488 = arith.constant 2 : i32
    %add3A_489 = vector.broadcast %add3A_488 : i32 to vector<16xi32>
    %add3A_490 = arith.addi %mul3A_487, %add3A_489 : vector<16xi32>
    tpu.vector_store_idx %arg13[%add3A_460, %add3A_490], %gather3A_484 : memref<128x4xf32, #tpu.memory_space<vmem>>[vector<16xi32>, vector<16xi32>], vector<16xf32>,
    %get3A_491 = arith.constant 64 : index
    %get3A_492 = tpu.vector_load %arg8[%get3A_491] {strides = array<i32>} : memref<128xi32, #tpu.memory_space<vmem>>, vector<16xi32>,
    %mul3A_493 = arith.constant 4 : i32
    %mul3A_494 = vector.broadcast %mul3A_493 : i32 to vector<16xi32>
    %mul3A_495 = arith.muli %get3A_492, %mul3A_494 : vector<16xi32>
    %add3A_496 = arith.constant 64 : i32
    %add3A_497 = vector.broadcast %add3A_496 : i32 to vector<16xi32>
    %add3A_498 = arith.addi %iota3A, %add3A_497 : vector<16xi32>
    %add3A_499 = arith.constant 0 : i32
    %add3A_500 = vector.broadcast %add3A_499 : i32 to vector<16xi32>
    %add3A_501 = arith.addi %mul3A_495, %add3A_500 : vector<16xi32>
    %gather3A_502 = tpu.vector_load_idx %arg11[%add3A_501] : memref<8192xf32, #tpu.memory_space<vmem>>[vector<16xi32>], vector<16xf32>,
    %mul3A_503 = arith.constant 0 : i32
    %mul3A_504 = vector.broadcast %mul3A_503 : i32 to vector<16xi32>
    %mul3A_505 = arith.muli %iota3A, %mul3A_504 : vector<16xi32>
    %add3A_506 = arith.constant 0 : i32
    %add3A_507 = vector.broadcast %add3A_506 : i32 to vector<16xi32>
    %add3A_508 = arith.addi %mul3A_505, %add3A_507 : vector<16xi32>
    tpu.vector_store_idx %arg13[%add3A_498, %add3A_508], %gather3A_502 : memref<128x4xf32, #tpu.memory_space<vmem>>[vector<16xi32>, vector<16xi32>], vector<16xf32>,
    %add3A_509 = arith.constant 1 : i32
    %add3A_510 = vector.broadcast %add3A_509 : i32 to vector<16xi32>
    %add3A_511 = arith.addi %mul3A_495, %add3A_510 : vector<16xi32>
    %gather3A_512 = tpu.vector_load_idx %arg11[%add3A_511] : memref<8192xf32, #tpu.memory_space<vmem>>[vector<16xi32>], vector<16xf32>,
    %mul3A_513 = arith.constant 0 : i32
    %mul3A_514 = vector.broadcast %mul3A_513 : i32 to vector<16xi32>
    %mul3A_515 = arith.muli %iota3A, %mul3A_514 : vector<16xi32>
    %add3A_516 = arith.constant 1 : i32
    %add3A_517 = vector.broadcast %add3A_516 : i32 to vector<16xi32>
    %add3A_518 = arith.addi %mul3A_515, %add3A_517 : vector<16xi32>
    tpu.vector_store_idx %arg13[%add3A_498, %add3A_518], %gather3A_512 : memref<128x4xf32, #tpu.memory_space<vmem>>[vector<16xi32>, vector<16xi32>], vector<16xf32>,
    %add3A_519 = arith.constant 2 : i32
    %add3A_520 = vector.broadcast %add3A_519 : i32 to vector<16xi32>
    %add3A_521 = arith.addi %mul3A_495, %add3A_520 : vector<16xi32>
    %gather3A_522 = tpu.vector_load_idx %arg11[%add3A_521] : memref<8192xf32, #tpu.memory_space<vmem>>[vector<16xi32>], vector<16xf32>,
    %mul3A_523 = arith.constant 0 : i32
    %mul3A_524 = vector.broadcast %mul3A_523 : i32 to vector<16xi32>
    %mul3A_525 = arith.muli %iota3A, %mul3A_524 : vector<16xi32>
    %add3A_526 = arith.constant 2 : i32
    %add3A_527 = vector.broadcast %add3A_526 : i32 to vector<16xi32>
    %add3A_528 = arith.addi %mul3A_525, %add3A_527 : vector<16xi32>
    tpu.vector_store_idx %arg13[%add3A_498, %add3A_528], %gather3A_522 : memref<128x4xf32, #tpu.memory_space<vmem>>[vector<16xi32>, vector<16xi32>], vector<16xf32>,
    %get3A_529 = arith.constant 80 : index
    %get3A_530 = tpu.vector_load %arg8[%get3A_529] {strides = array<i32>} : memref<128xi32, #tpu.memory_space<vmem>>, vector<16xi32>,
    %mul3A_531 = arith.constant 4 : i32
    %mul3A_532 = vector.broadcast %mul3A_531 : i32 to vector<16xi32>
    %mul3A_533 = arith.muli %get3A_530, %mul3A_532 : vector<16xi32>
    %add3A_534 = arith.constant 80 : i32
    %add3A_535 = vector.broadcast %add3A_534 : i32 to vector<16xi32>
    %add3A_536 = arith.addi %iota3A, %add3A_535 : vector<16xi32>
    %add3A_537 = arith.constant 0 : i32
    %add3A_538 = vector.broadcast %add3A_537 : i32 to vector<16xi32>
    %add3A_539 = arith.addi %mul3A_533, %add3A_538 : vector<16xi32>
    %gather3A_540 = tpu.vector_load_idx %arg11[%add3A_539] : memref<8192xf32, #tpu.memory_space<vmem>>[vector<16xi32>], vector<16xf32>,
    %mul3A_541 = arith.constant 0 : i32
    %mul3A_542 = vector.broadcast %mul3A_541 : i32 to vector<16xi32>
    %mul3A_543 = arith.muli %iota3A, %mul3A_542 : vector<16xi32>
    %add3A_544 = arith.constant 0 : i32
    %add3A_545 = vector.broadcast %add3A_544 : i32 to vector<16xi32>
    %add3A_546 = arith.addi %mul3A_543, %add3A_545 : vector<16xi32>
    tpu.vector_store_idx %arg13[%add3A_536, %add3A_546], %gather3A_540 : memref<128x4xf32, #tpu.memory_space<vmem>>[vector<16xi32>, vector<16xi32>], vector<16xf32>,
    %add3A_547 = arith.constant 1 : i32
    %add3A_548 = vector.broadcast %add3A_547 : i32 to vector<16xi32>
    %add3A_549 = arith.addi %mul3A_533, %add3A_548 : vector<16xi32>
    %gather3A_550 = tpu.vector_load_idx %arg11[%add3A_549] : memref<8192xf32, #tpu.memory_space<vmem>>[vector<16xi32>], vector<16xf32>,
    %mul3A_551 = arith.constant 0 : i32
    %mul3A_552 = vector.broadcast %mul3A_551 : i32 to vector<16xi32>
    %mul3A_553 = arith.muli %iota3A, %mul3A_552 : vector<16xi32>
    %add3A_554 = arith.constant 1 : i32
    %add3A_555 = vector.broadcast %add3A_554 : i32 to vector<16xi32>
    %add3A_556 = arith.addi %mul3A_553, %add3A_555 : vector<16xi32>
    tpu.vector_store_idx %arg13[%add3A_536, %add3A_556], %gather3A_550 : memref<128x4xf32, #tpu.memory_space<vmem>>[vector<16xi32>, vector<16xi32>], vector<16xf32>,
    %add3A_557 = arith.constant 2 : i32
    %add3A_558 = vector.broadcast %add3A_557 : i32 to vector<16xi32>
    %add3A_559 = arith.addi %mul3A_533, %add3A_558 : vector<16xi32>
    %gather3A_560 = tpu.vector_load_idx %arg11[%add3A_559] : memref<8192xf32, #tpu.memory_space<vmem>>[vector<16xi32>], vector<16xf32>,
    %mul3A_561 = arith.constant 0 : i32
    %mul3A_562 = vector.broadcast %mul3A_561 : i32 to vector<16xi32>
    %mul3A_563 = arith.muli %iota3A, %mul3A_562 : vector<16xi32>
    %add3A_564 = arith.constant 2 : i32
    %add3A_565 = vector.broadcast %add3A_564 : i32 to vector<16xi32>
    %add3A_566 = arith.addi %mul3A_563, %add3A_565 : vector<16xi32>
    tpu.vector_store_idx %arg13[%add3A_536, %add3A_566], %gather3A_560 : memref<128x4xf32, #tpu.memory_space<vmem>>[vector<16xi32>, vector<16xi32>], vector<16xf32>,
    %get3A_567 = arith.constant 96 : index
    %get3A_568 = tpu.vector_load %arg8[%get3A_567] {strides = array<i32>} : memref<128xi32, #tpu.memory_space<vmem>>, vector<16xi32>,
    %mul3A_569 = arith.constant 4 : i32
    %mul3A_570 = vector.broadcast %mul3A_569 : i32 to vector<16xi32>
    %mul3A_571 = arith.muli %get3A_568, %mul3A_570 : vector<16xi32>
    %add3A_572 = arith.constant 96 : i32
    %add3A_573 = vector.broadcast %add3A_572 : i32 to vector<16xi32>
    %add3A_574 = arith.addi %iota3A, %add3A_573 : vector<16xi32>
    %add3A_575 = arith.constant 0 : i32
    %add3A_576 = vector.broadcast %add3A_575 : i32 to vector<16xi32>
    %add3A_577 = arith.addi %mul3A_571, %add3A_576 : vector<16xi32>
    %gather3A_578 = tpu.vector_load_idx %arg11[%add3A_577] : memref<8192xf32, #tpu.memory_space<vmem>>[vector<16xi32>], vector<16xf32>,
    %mul3A_579 = arith.constant 0 : i32
    %mul3A_580 = vector.broadcast %mul3A_579 : i32 to vector<16xi32>
    %mul3A_581 = arith.muli %iota3A, %mul3A_580 : vector<16xi32>
    %add3A_582 = arith.constant 0 : i32
    %add3A_583 = vector.broadcast %add3A_582 : i32 to vector<16xi32>
    %add3A_584 = arith.addi %mul3A_581, %add3A_583 : vector<16xi32>
    tpu.vector_store_idx %arg13[%add3A_574, %add3A_584], %gather3A_578 : memref<128x4xf32, #tpu.memory_space<vmem>>[vector<16xi32>, vector<16xi32>], vector<16xf32>,
    %add3A_585 = arith.constant 1 : i32
    %add3A_586 = vector.broadcast %add3A_585 : i32 to vector<16xi32>
    %add3A_587 = arith.addi %mul3A_571, %add3A_586 : vector<16xi32>
    %gather3A_588 = tpu.vector_load_idx %arg11[%add3A_587] : memref<8192xf32, #tpu.memory_space<vmem>>[vector<16xi32>], vector<16xf32>,
    %mul3A_589 = arith.constant 0 : i32
    %mul3A_590 = vector.broadcast %mul3A_589 : i32 to vector<16xi32>
    %mul3A_591 = arith.muli %iota3A, %mul3A_590 : vector<16xi32>
    %add3A_592 = arith.constant 1 : i32
    %add3A_593 = vector.broadcast %add3A_592 : i32 to vector<16xi32>
    %add3A_594 = arith.addi %mul3A_591, %add3A_593 : vector<16xi32>
    tpu.vector_store_idx %arg13[%add3A_574, %add3A_594], %gather3A_588 : memref<128x4xf32, #tpu.memory_space<vmem>>[vector<16xi32>, vector<16xi32>], vector<16xf32>,
    %add3A_595 = arith.constant 2 : i32
    %add3A_596 = vector.broadcast %add3A_595 : i32 to vector<16xi32>
    %add3A_597 = arith.addi %mul3A_571, %add3A_596 : vector<16xi32>
    %gather3A_598 = tpu.vector_load_idx %arg11[%add3A_597] : memref<8192xf32, #tpu.memory_space<vmem>>[vector<16xi32>], vector<16xf32>,
    %mul3A_599 = arith.constant 0 : i32
    %mul3A_600 = vector.broadcast %mul3A_599 : i32 to vector<16xi32>
    %mul3A_601 = arith.muli %iota3A, %mul3A_600 : vector<16xi32>
    %add3A_602 = arith.constant 2 : i32
    %add3A_603 = vector.broadcast %add3A_602 : i32 to vector<16xi32>
    %add3A_604 = arith.addi %mul3A_601, %add3A_603 : vector<16xi32>
    tpu.vector_store_idx %arg13[%add3A_574, %add3A_604], %gather3A_598 : memref<128x4xf32, #tpu.memory_space<vmem>>[vector<16xi32>, vector<16xi32>], vector<16xf32>,
    %get3A_605 = arith.constant 112 : index
    %get3A_606 = tpu.vector_load %arg8[%get3A_605] {strides = array<i32>} : memref<128xi32, #tpu.memory_space<vmem>>, vector<16xi32>,
    %mul3A_607 = arith.constant 4 : i32
    %mul3A_608 = vector.broadcast %mul3A_607 : i32 to vector<16xi32>
    %mul3A_609 = arith.muli %get3A_606, %mul3A_608 : vector<16xi32>
    %add3A_610 = arith.constant 112 : i32
    %add3A_611 = vector.broadcast %add3A_610 : i32 to vector<16xi32>
    %add3A_612 = arith.addi %iota3A, %add3A_611 : vector<16xi32>
    %add3A_613 = arith.constant 0 : i32
    %add3A_614 = vector.broadcast %add3A_613 : i32 to vector<16xi32>
    %add3A_615 = arith.addi %mul3A_609, %add3A_614 : vector<16xi32>
    %gather3A_616 = tpu.vector_load_idx %arg11[%add3A_615] : memref<8192xf32, #tpu.memory_space<vmem>>[vector<16xi32>], vector<16xf32>,
    %mul3A_617 = arith.constant 0 : i32
    %mul3A_618 = vector.broadcast %mul3A_617 : i32 to vector<16xi32>
    %mul3A_619 = arith.muli %iota3A, %mul3A_618 : vector<16xi32>
    %add3A_620 = arith.constant 0 : i32
    %add3A_621 = vector.broadcast %add3A_620 : i32 to vector<16xi32>
    %add3A_622 = arith.addi %mul3A_619, %add3A_621 : vector<16xi32>
    tpu.vector_store_idx %arg13[%add3A_612, %add3A_622], %gather3A_616 : memref<128x4xf32, #tpu.memory_space<vmem>>[vector<16xi32>, vector<16xi32>], vector<16xf32>,
    %add3A_623 = arith.constant 1 : i32
    %add3A_624 = vector.broadcast %add3A_623 : i32 to vector<16xi32>
    %add3A_625 = arith.addi %mul3A_609, %add3A_624 : vector<16xi32>
    %gather3A_626 = tpu.vector_load_idx %arg11[%add3A_625] : memref<8192xf32, #tpu.memory_space<vmem>>[vector<16xi32>], vector<16xf32>,
    %mul3A_627 = arith.constant 0 : i32
    %mul3A_628 = vector.broadcast %mul3A_627 : i32 to vector<16xi32>
    %mul3A_629 = arith.muli %iota3A, %mul3A_628 : vector<16xi32>
    %add3A_630 = arith.constant 1 : i32
    %add3A_631 = vector.broadcast %add3A_630 : i32 to vector<16xi32>
    %add3A_632 = arith.addi %mul3A_629, %add3A_631 : vector<16xi32>
    tpu.vector_store_idx %arg13[%add3A_612, %add3A_632], %gather3A_626 : memref<128x4xf32, #tpu.memory_space<vmem>>[vector<16xi32>, vector<16xi32>], vector<16xf32>,
    %add3A_633 = arith.constant 2 : i32
    %add3A_634 = vector.broadcast %add3A_633 : i32 to vector<16xi32>
    %add3A_635 = arith.addi %mul3A_609, %add3A_634 : vector<16xi32>
    %gather3A_636 = tpu.vector_load_idx %arg11[%add3A_635] : memref<8192xf32, #tpu.memory_space<vmem>>[vector<16xi32>], vector<16xf32>,
    %mul3A_637 = arith.constant 0 : i32
    %mul3A_638 = vector.broadcast %mul3A_637 : i32 to vector<16xi32>
    %mul3A_639 = arith.muli %iota3A, %mul3A_638 : vector<16xi32>
    %add3A_640 = arith.constant 2 : i32
    %add3A_641 = vector.broadcast %add3A_640 : i32 to vector<16xi32>
    %add3A_642 = arith.addi %mul3A_639, %add3A_641 : vector<16xi32>
    tpu.vector_store_idx %arg13[%add3A_612, %add3A_642], %gather3A_636 : memref<128x4xf32, #tpu.memory_space<vmem>>[vector<16xi32>, vector<16xi32>], vector<16xf32>,
    %dma_wait3A_643 = arith.constant 0 : i32
    %dma_wait3A_644 = arith.constant 0 : i32
    %dma_wait3A_645 = tpu.memref_slice %arg2[%dma_wait3A_643, %dma_wait3A_644] : memref<2048x256xf32, #tpu.memory_space<hbm>> -> memref<2048x256xf32, #tpu.memory_space<hbm>>
    tpu.wait_indirect_dma semaphore(%arg15 : memref<!tpu.dma_semaphore, #tpu.memory_space<semaphore_mem>>) src(%dma_wait3A_645 : memref<2048x256xf32, #tpu.memory_space<hbm>>) dst(%arg10 : memref<128x256xf32, #tpu.memory_space<vmem>>)
    %add3A_646 = arith.constant 128 : i32
    %add3A_647 = arith.addi %mul3A_2, %add3A_646 : i32
    %dma_start3A_648 = arith.constant 0 : i32
    %dma_start3A_649 = tpu.memref_slice %arg5[%add3A_647, %dma_start3A_648] : memref<32768x256xf32, #tpu.memory_space<hbm>> -> memref<128x256xf32, #tpu.memory_space<hbm>>
    %dma_start3A_650 = arith.constant 0 : i32
    %dma_start3A_651 = tpu.memref_slice %arg5[%add3A_647, %dma_start3A_650] : memref<32768x256xf32, #tpu.memory_space<hbm>> -> memref<128x256xf32, #tpu.memory_space<hbm>>
    tpu.enqueue_dma source(%arg10 : memref<128x256xf32, #tpu.memory_space<vmem>>) target(%dma_start3A_651 : memref<128x256xf32, #tpu.memory_space<hbm>>) target_semaphore(%arg17 : memref<!tpu.dma_semaphore, #tpu.memory_space<semaphore_mem>>)
    %dma_start3A_652 = arith.constant 0 : i32
    %dma_start3A_653 = tpu.memref_slice %arg6[%add3A_647, %dma_start3A_652] : memref<32768x4xf32, #tpu.memory_space<hbm>> -> memref<128x4xf32, #tpu.memory_space<hbm>>
    %dma_start3A_654 = arith.constant 0 : i32
    %dma_start3A_655 = tpu.memref_slice %arg6[%add3A_647, %dma_start3A_654] : memref<32768x4xf32, #tpu.memory_space<hbm>> -> memref<128x4xf32, #tpu.memory_space<hbm>>
    tpu.enqueue_dma source(%arg13 : memref<128x4xf32, #tpu.memory_space<vmem>>) target(%dma_start3A_655 : memref<128x4xf32, #tpu.memory_space<hbm>>) target_semaphore(%arg17 : memref<!tpu.dma_semaphore, #tpu.memory_space<semaphore_mem>>)
    %dma_wait3A_656 = arith.constant 0 : i32
    %dma_wait3A_657 = tpu.memref_slice %arg5[%add3A_647, %dma_wait3A_656] : memref<32768x256xf32, #tpu.memory_space<hbm>> -> memref<128x256xf32, #tpu.memory_space<hbm>>
    %dma_wait3A_658 = arith.constant 0 : i32
    %dma_wait3A_659 = tpu.memref_slice %arg5[%add3A_647, %dma_wait3A_658] : memref<32768x256xf32, #tpu.memory_space<hbm>> -> memref<128x256xf32, #tpu.memory_space<hbm>>
    tpu.wait_dma2 semaphore(%arg17 : memref<!tpu.dma_semaphore, #tpu.memory_space<semaphore_mem>>) src(%arg10 : memref<128x256xf32, #tpu.memory_space<vmem>>) dst(%dma_wait3A_659 : memref<128x256xf32, #tpu.memory_space<hbm>>)
    %dma_wait3A_660 = arith.constant 0 : i32
    %dma_wait3A_661 = tpu.memref_slice %arg6[%add3A_647, %dma_wait3A_660] : memref<32768x4xf32, #tpu.memory_space<hbm>> -> memref<128x4xf32, #tpu.memory_space<hbm>>
    %dma_wait3A_662 = arith.constant 0 : i32
    %dma_wait3A_663 = tpu.memref_slice %arg6[%add3A_647, %dma_wait3A_662] : memref<32768x4xf32, #tpu.memory_space<hbm>> -> memref<128x4xf32, #tpu.memory_space<hbm>>
    tpu.wait_dma2 semaphore(%arg17 : memref<!tpu.dma_semaphore, #tpu.memory_space<semaphore_mem>>) src(%arg13 : memref<128x4xf32, #tpu.memory_space<vmem>>) dst(%dma_wait3A_663 : memref<128x4xf32, #tpu.memory_space<hbm>>)
    %add3A_664 = arith.constant 384 : i32
    %add3A_665 = arith.addi %mul3A_2, %add3A_664 : i32
    "tpu.region"() ({
      %run_scoped3A = tpu.sem_alloc : memref<!tpu.dma_semaphore, #tpu.memory_space<semaphore_mem>>
      %dma_start3A_2639 = tpu.memref_slice %arg4[%add3A_665] : memref<32768xi32, #tpu.memory_space<hbm>> -> memref<128xi32, #tpu.memory_space<hbm>>
      %dma_start3A_2640 = tpu.memref_slice %arg4[%add3A_665] : memref<32768xi32, #tpu.memory_space<hbm>> -> memref<128xi32, #tpu.memory_space<hbm>>
      tpu.enqueue_dma source(%dma_start3A_2640 : memref<128xi32, #tpu.memory_space<hbm>>) target(%arg8 : memref<128xi32, #tpu.memory_space<vmem>>) target_semaphore(%run_scoped3A : memref<!tpu.dma_semaphore, #tpu.memory_space<semaphore_mem>>)
      %dma_wait3A_2641 = tpu.memref_slice %arg4[%add3A_665] : memref<32768xi32, #tpu.memory_space<hbm>> -> memref<128xi32, #tpu.memory_space<hbm>>
      %dma_wait3A_2642 = tpu.memref_slice %arg4[%add3A_665] : memref<32768xi32, #tpu.memory_space<hbm>> -> memref<128xi32, #tpu.memory_space<hbm>>
      tpu.wait_dma2 semaphore(%run_scoped3A : memref<!tpu.dma_semaphore, #tpu.memory_space<semaphore_mem>>) src(%dma_wait3A_2642 : memref<128xi32, #tpu.memory_space<hbm>>) dst(%arg8 : memref<128xi32, #tpu.memory_space<vmem>>)
      tpu.yield
    }) : () -> ()
    %dma_start3A_666 = arith.constant 0 : i32
    %dma_start3A_667 = arith.constant 0 : i32
    %dma_start3A_668 = tpu.memref_slice %arg2[%dma_start3A_666, %dma_start3A_667] : memref<2048x256xf32, #tpu.memory_space<hbm>> -> memref<2048x256xf32, #tpu.memory_space<hbm>>
    tpu.enqueue_indirect_dma source(%dma_start3A_668 : memref<2048x256xf32, #tpu.memory_space<hbm>>) target(%arg10 : memref<128x256xf32, #tpu.memory_space<vmem>>) offsets(%arg8 : memref<128xi32, #tpu.memory_space<vmem>>) semaphore(%arg15 : memref<!tpu.dma_semaphore, #tpu.memory_space<semaphore_mem>>)
    %get3A_669 = arith.constant 0 : index
    %get3A_670 = tpu.vector_load %arg7[%get3A_669] {strides = array<i32>} : memref<128xi32, #tpu.memory_space<vmem>>, vector<16xi32>,
    %mul3A_671 = arith.constant 4 : i32
    %mul3A_672 = vector.broadcast %mul3A_671 : i32 to vector<16xi32>
    %mul3A_673 = arith.muli %get3A_670, %mul3A_672 : vector<16xi32>
    %add3A_674 = arith.constant 0 : i32
    %add3A_675 = vector.broadcast %add3A_674 : i32 to vector<16xi32>
    %add3A_676 = arith.addi %iota3A, %add3A_675 : vector<16xi32>
    %add3A_677 = arith.constant 0 : i32
    %add3A_678 = vector.broadcast %add3A_677 : i32 to vector<16xi32>
    %add3A_679 = arith.addi %mul3A_673, %add3A_678 : vector<16xi32>
    %gather3A_680 = tpu.vector_load_idx %arg11[%add3A_679] : memref<8192xf32, #tpu.memory_space<vmem>>[vector<16xi32>], vector<16xf32>,
    %mul3A_681 = arith.constant 0 : i32
    %mul3A_682 = vector.broadcast %mul3A_681 : i32 to vector<16xi32>
    %mul3A_683 = arith.muli %iota3A, %mul3A_682 : vector<16xi32>
    %add3A_684 = arith.constant 0 : i32
    %add3A_685 = vector.broadcast %add3A_684 : i32 to vector<16xi32>
    %add3A_686 = arith.addi %mul3A_683, %add3A_685 : vector<16xi32>
    tpu.vector_store_idx %arg12[%add3A_676, %add3A_686], %gather3A_680 : memref<128x4xf32, #tpu.memory_space<vmem>>[vector<16xi32>, vector<16xi32>], vector<16xf32>,
    %add3A_687 = arith.constant 1 : i32
    %add3A_688 = vector.broadcast %add3A_687 : i32 to vector<16xi32>
    %add3A_689 = arith.addi %mul3A_673, %add3A_688 : vector<16xi32>
    %gather3A_690 = tpu.vector_load_idx %arg11[%add3A_689] : memref<8192xf32, #tpu.memory_space<vmem>>[vector<16xi32>], vector<16xf32>,
    %mul3A_691 = arith.constant 0 : i32
    %mul3A_692 = vector.broadcast %mul3A_691 : i32 to vector<16xi32>
    %mul3A_693 = arith.muli %iota3A, %mul3A_692 : vector<16xi32>
    %add3A_694 = arith.constant 1 : i32
    %add3A_695 = vector.broadcast %add3A_694 : i32 to vector<16xi32>
    %add3A_696 = arith.addi %mul3A_693, %add3A_695 : vector<16xi32>
    tpu.vector_store_idx %arg12[%add3A_676, %add3A_696], %gather3A_690 : memref<128x4xf32, #tpu.memory_space<vmem>>[vector<16xi32>, vector<16xi32>], vector<16xf32>,
    %add3A_697 = arith.constant 2 : i32
    %add3A_698 = vector.broadcast %add3A_697 : i32 to vector<16xi32>
    %add3A_699 = arith.addi %mul3A_673, %add3A_698 : vector<16xi32>
    %gather3A_700 = tpu.vector_load_idx %arg11[%add3A_699] : memref<8192xf32, #tpu.memory_space<vmem>>[vector<16xi32>], vector<16xf32>,
    %mul3A_701 = arith.constant 0 : i32
    %mul3A_702 = vector.broadcast %mul3A_701 : i32 to vector<16xi32>
    %mul3A_703 = arith.muli %iota3A, %mul3A_702 : vector<16xi32>
    %add3A_704 = arith.constant 2 : i32
    %add3A_705 = vector.broadcast %add3A_704 : i32 to vector<16xi32>
    %add3A_706 = arith.addi %mul3A_703, %add3A_705 : vector<16xi32>
    tpu.vector_store_idx %arg12[%add3A_676, %add3A_706], %gather3A_700 : memref<128x4xf32, #tpu.memory_space<vmem>>[vector<16xi32>, vector<16xi32>], vector<16xf32>,
    %get3A_707 = arith.constant 16 : index
    %get3A_708 = tpu.vector_load %arg7[%get3A_707] {strides = array<i32>} : memref<128xi32, #tpu.memory_space<vmem>>, vector<16xi32>,
    %mul3A_709 = arith.constant 4 : i32
    %mul3A_710 = vector.broadcast %mul3A_709 : i32 to vector<16xi32>
    %mul3A_711 = arith.muli %get3A_708, %mul3A_710 : vector<16xi32>
    %add3A_712 = arith.constant 16 : i32
    %add3A_713 = vector.broadcast %add3A_712 : i32 to vector<16xi32>
    %add3A_714 = arith.addi %iota3A, %add3A_713 : vector<16xi32>
    %add3A_715 = arith.constant 0 : i32
    %add3A_716 = vector.broadcast %add3A_715 : i32 to vector<16xi32>
    %add3A_717 = arith.addi %mul3A_711, %add3A_716 : vector<16xi32>
    %gather3A_718 = tpu.vector_load_idx %arg11[%add3A_717] : memref<8192xf32, #tpu.memory_space<vmem>>[vector<16xi32>], vector<16xf32>,
    %mul3A_719 = arith.constant 0 : i32
    %mul3A_720 = vector.broadcast %mul3A_719 : i32 to vector<16xi32>
    %mul3A_721 = arith.muli %iota3A, %mul3A_720 : vector<16xi32>
    %add3A_722 = arith.constant 0 : i32
    %add3A_723 = vector.broadcast %add3A_722 : i32 to vector<16xi32>
    %add3A_724 = arith.addi %mul3A_721, %add3A_723 : vector<16xi32>
    tpu.vector_store_idx %arg12[%add3A_714, %add3A_724], %gather3A_718 : memref<128x4xf32, #tpu.memory_space<vmem>>[vector<16xi32>, vector<16xi32>], vector<16xf32>,
    %add3A_725 = arith.constant 1 : i32
    %add3A_726 = vector.broadcast %add3A_725 : i32 to vector<16xi32>
    %add3A_727 = arith.addi %mul3A_711, %add3A_726 : vector<16xi32>
    %gather3A_728 = tpu.vector_load_idx %arg11[%add3A_727] : memref<8192xf32, #tpu.memory_space<vmem>>[vector<16xi32>], vector<16xf32>,
    %mul3A_729 = arith.constant 0 : i32
    %mul3A_730 = vector.broadcast %mul3A_729 : i32 to vector<16xi32>
    %mul3A_731 = arith.muli %iota3A, %mul3A_730 : vector<16xi32>
    %add3A_732 = arith.constant 1 : i32
    %add3A_733 = vector.broadcast %add3A_732 : i32 to vector<16xi32>
    %add3A_734 = arith.addi %mul3A_731, %add3A_733 : vector<16xi32>
    tpu.vector_store_idx %arg12[%add3A_714, %add3A_734], %gather3A_728 : memref<128x4xf32, #tpu.memory_space<vmem>>[vector<16xi32>, vector<16xi32>], vector<16xf32>,
    %add3A_735 = arith.constant 2 : i32
    %add3A_736 = vector.broadcast %add3A_735 : i32 to vector<16xi32>
    %add3A_737 = arith.addi %mul3A_711, %add3A_736 : vector<16xi32>
    %gather3A_738 = tpu.vector_load_idx %arg11[%add3A_737] : memref<8192xf32, #tpu.memory_space<vmem>>[vector<16xi32>], vector<16xf32>,
    %mul3A_739 = arith.constant 0 : i32
    %mul3A_740 = vector.broadcast %mul3A_739 : i32 to vector<16xi32>
    %mul3A_741 = arith.muli %iota3A, %mul3A_740 : vector<16xi32>
    %add3A_742 = arith.constant 2 : i32
    %add3A_743 = vector.broadcast %add3A_742 : i32 to vector<16xi32>
    %add3A_744 = arith.addi %mul3A_741, %add3A_743 : vector<16xi32>
    tpu.vector_store_idx %arg12[%add3A_714, %add3A_744], %gather3A_738 : memref<128x4xf32, #tpu.memory_space<vmem>>[vector<16xi32>, vector<16xi32>], vector<16xf32>,
    %get3A_745 = arith.constant 32 : index
    %get3A_746 = tpu.vector_load %arg7[%get3A_745] {strides = array<i32>} : memref<128xi32, #tpu.memory_space<vmem>>, vector<16xi32>,
    %mul3A_747 = arith.constant 4 : i32
    %mul3A_748 = vector.broadcast %mul3A_747 : i32 to vector<16xi32>
    %mul3A_749 = arith.muli %get3A_746, %mul3A_748 : vector<16xi32>
    %add3A_750 = arith.constant 32 : i32
    %add3A_751 = vector.broadcast %add3A_750 : i32 to vector<16xi32>
    %add3A_752 = arith.addi %iota3A, %add3A_751 : vector<16xi32>
    %add3A_753 = arith.constant 0 : i32
    %add3A_754 = vector.broadcast %add3A_753 : i32 to vector<16xi32>
    %add3A_755 = arith.addi %mul3A_749, %add3A_754 : vector<16xi32>
    %gather3A_756 = tpu.vector_load_idx %arg11[%add3A_755] : memref<8192xf32, #tpu.memory_space<vmem>>[vector<16xi32>], vector<16xf32>,
    %mul3A_757 = arith.constant 0 : i32
    %mul3A_758 = vector.broadcast %mul3A_757 : i32 to vector<16xi32>
    %mul3A_759 = arith.muli %iota3A, %mul3A_758 : vector<16xi32>
    %add3A_760 = arith.constant 0 : i32
    %add3A_761 = vector.broadcast %add3A_760 : i32 to vector<16xi32>
    %add3A_762 = arith.addi %mul3A_759, %add3A_761 : vector<16xi32>
    tpu.vector_store_idx %arg12[%add3A_752, %add3A_762], %gather3A_756 : memref<128x4xf32, #tpu.memory_space<vmem>>[vector<16xi32>, vector<16xi32>], vector<16xf32>,
    %add3A_763 = arith.constant 1 : i32
    %add3A_764 = vector.broadcast %add3A_763 : i32 to vector<16xi32>
    %add3A_765 = arith.addi %mul3A_749, %add3A_764 : vector<16xi32>
    %gather3A_766 = tpu.vector_load_idx %arg11[%add3A_765] : memref<8192xf32, #tpu.memory_space<vmem>>[vector<16xi32>], vector<16xf32>,
    %mul3A_767 = arith.constant 0 : i32
    %mul3A_768 = vector.broadcast %mul3A_767 : i32 to vector<16xi32>
    %mul3A_769 = arith.muli %iota3A, %mul3A_768 : vector<16xi32>
    %add3A_770 = arith.constant 1 : i32
    %add3A_771 = vector.broadcast %add3A_770 : i32 to vector<16xi32>
    %add3A_772 = arith.addi %mul3A_769, %add3A_771 : vector<16xi32>
    tpu.vector_store_idx %arg12[%add3A_752, %add3A_772], %gather3A_766 : memref<128x4xf32, #tpu.memory_space<vmem>>[vector<16xi32>, vector<16xi32>], vector<16xf32>,
    %add3A_773 = arith.constant 2 : i32
    %add3A_774 = vector.broadcast %add3A_773 : i32 to vector<16xi32>
    %add3A_775 = arith.addi %mul3A_749, %add3A_774 : vector<16xi32>
    %gather3A_776 = tpu.vector_load_idx %arg11[%add3A_775] : memref<8192xf32, #tpu.memory_space<vmem>>[vector<16xi32>], vector<16xf32>,
    %mul3A_777 = arith.constant 0 : i32
    %mul3A_778 = vector.broadcast %mul3A_777 : i32 to vector<16xi32>
    %mul3A_779 = arith.muli %iota3A, %mul3A_778 : vector<16xi32>
    %add3A_780 = arith.constant 2 : i32
    %add3A_781 = vector.broadcast %add3A_780 : i32 to vector<16xi32>
    %add3A_782 = arith.addi %mul3A_779, %add3A_781 : vector<16xi32>
    tpu.vector_store_idx %arg12[%add3A_752, %add3A_782], %gather3A_776 : memref<128x4xf32, #tpu.memory_space<vmem>>[vector<16xi32>, vector<16xi32>], vector<16xf32>,
    %get3A_783 = arith.constant 48 : index
    %get3A_784 = tpu.vector_load %arg7[%get3A_783] {strides = array<i32>} : memref<128xi32, #tpu.memory_space<vmem>>, vector<16xi32>,
    %mul3A_785 = arith.constant 4 : i32
    %mul3A_786 = vector.broadcast %mul3A_785 : i32 to vector<16xi32>
    %mul3A_787 = arith.muli %get3A_784, %mul3A_786 : vector<16xi32>
    %add3A_788 = arith.constant 48 : i32
    %add3A_789 = vector.broadcast %add3A_788 : i32 to vector<16xi32>
    %add3A_790 = arith.addi %iota3A, %add3A_789 : vector<16xi32>
    %add3A_791 = arith.constant 0 : i32
    %add3A_792 = vector.broadcast %add3A_791 : i32 to vector<16xi32>
    %add3A_793 = arith.addi %mul3A_787, %add3A_792 : vector<16xi32>
    %gather3A_794 = tpu.vector_load_idx %arg11[%add3A_793] : memref<8192xf32, #tpu.memory_space<vmem>>[vector<16xi32>], vector<16xf32>,
    %mul3A_795 = arith.constant 0 : i32
    %mul3A_796 = vector.broadcast %mul3A_795 : i32 to vector<16xi32>
    %mul3A_797 = arith.muli %iota3A, %mul3A_796 : vector<16xi32>
    %add3A_798 = arith.constant 0 : i32
    %add3A_799 = vector.broadcast %add3A_798 : i32 to vector<16xi32>
    %add3A_800 = arith.addi %mul3A_797, %add3A_799 : vector<16xi32>
    tpu.vector_store_idx %arg12[%add3A_790, %add3A_800], %gather3A_794 : memref<128x4xf32, #tpu.memory_space<vmem>>[vector<16xi32>, vector<16xi32>], vector<16xf32>,
    %add3A_801 = arith.constant 1 : i32
    %add3A_802 = vector.broadcast %add3A_801 : i32 to vector<16xi32>
    %add3A_803 = arith.addi %mul3A_787, %add3A_802 : vector<16xi32>
    %gather3A_804 = tpu.vector_load_idx %arg11[%add3A_803] : memref<8192xf32, #tpu.memory_space<vmem>>[vector<16xi32>], vector<16xf32>,
    %mul3A_805 = arith.constant 0 : i32
    %mul3A_806 = vector.broadcast %mul3A_805 : i32 to vector<16xi32>
    %mul3A_807 = arith.muli %iota3A, %mul3A_806 : vector<16xi32>
    %add3A_808 = arith.constant 1 : i32
    %add3A_809 = vector.broadcast %add3A_808 : i32 to vector<16xi32>
    %add3A_810 = arith.addi %mul3A_807, %add3A_809 : vector<16xi32>
    tpu.vector_store_idx %arg12[%add3A_790, %add3A_810], %gather3A_804 : memref<128x4xf32, #tpu.memory_space<vmem>>[vector<16xi32>, vector<16xi32>], vector<16xf32>,
    %add3A_811 = arith.constant 2 : i32
    %add3A_812 = vector.broadcast %add3A_811 : i32 to vector<16xi32>
    %add3A_813 = arith.addi %mul3A_787, %add3A_812 : vector<16xi32>
    %gather3A_814 = tpu.vector_load_idx %arg11[%add3A_813] : memref<8192xf32, #tpu.memory_space<vmem>>[vector<16xi32>], vector<16xf32>,
    %mul3A_815 = arith.constant 0 : i32
    %mul3A_816 = vector.broadcast %mul3A_815 : i32 to vector<16xi32>
    %mul3A_817 = arith.muli %iota3A, %mul3A_816 : vector<16xi32>
    %add3A_818 = arith.constant 2 : i32
    %add3A_819 = vector.broadcast %add3A_818 : i32 to vector<16xi32>
    %add3A_820 = arith.addi %mul3A_817, %add3A_819 : vector<16xi32>
    tpu.vector_store_idx %arg12[%add3A_790, %add3A_820], %gather3A_814 : memref<128x4xf32, #tpu.memory_space<vmem>>[vector<16xi32>, vector<16xi32>], vector<16xf32>,
    %get3A_821 = arith.constant 64 : index
    %get3A_822 = tpu.vector_load %arg7[%get3A_821] {strides = array<i32>} : memref<128xi32, #tpu.memory_space<vmem>>, vector<16xi32>,
    %mul3A_823 = arith.constant 4 : i32
    %mul3A_824 = vector.broadcast %mul3A_823 : i32 to vector<16xi32>
    %mul3A_825 = arith.muli %get3A_822, %mul3A_824 : vector<16xi32>
    %add3A_826 = arith.constant 64 : i32
    %add3A_827 = vector.broadcast %add3A_826 : i32 to vector<16xi32>
    %add3A_828 = arith.addi %iota3A, %add3A_827 : vector<16xi32>
    %add3A_829 = arith.constant 0 : i32
    %add3A_830 = vector.broadcast %add3A_829 : i32 to vector<16xi32>
    %add3A_831 = arith.addi %mul3A_825, %add3A_830 : vector<16xi32>
    %gather3A_832 = tpu.vector_load_idx %arg11[%add3A_831] : memref<8192xf32, #tpu.memory_space<vmem>>[vector<16xi32>], vector<16xf32>,
    %mul3A_833 = arith.constant 0 : i32
    %mul3A_834 = vector.broadcast %mul3A_833 : i32 to vector<16xi32>
    %mul3A_835 = arith.muli %iota3A, %mul3A_834 : vector<16xi32>
    %add3A_836 = arith.constant 0 : i32
    %add3A_837 = vector.broadcast %add3A_836 : i32 to vector<16xi32>
    %add3A_838 = arith.addi %mul3A_835, %add3A_837 : vector<16xi32>
    tpu.vector_store_idx %arg12[%add3A_828, %add3A_838], %gather3A_832 : memref<128x4xf32, #tpu.memory_space<vmem>>[vector<16xi32>, vector<16xi32>], vector<16xf32>,
    %add3A_839 = arith.constant 1 : i32
    %add3A_840 = vector.broadcast %add3A_839 : i32 to vector<16xi32>
    %add3A_841 = arith.addi %mul3A_825, %add3A_840 : vector<16xi32>
    %gather3A_842 = tpu.vector_load_idx %arg11[%add3A_841] : memref<8192xf32, #tpu.memory_space<vmem>>[vector<16xi32>], vector<16xf32>,
    %mul3A_843 = arith.constant 0 : i32
    %mul3A_844 = vector.broadcast %mul3A_843 : i32 to vector<16xi32>
    %mul3A_845 = arith.muli %iota3A, %mul3A_844 : vector<16xi32>
    %add3A_846 = arith.constant 1 : i32
    %add3A_847 = vector.broadcast %add3A_846 : i32 to vector<16xi32>
    %add3A_848 = arith.addi %mul3A_845, %add3A_847 : vector<16xi32>
    tpu.vector_store_idx %arg12[%add3A_828, %add3A_848], %gather3A_842 : memref<128x4xf32, #tpu.memory_space<vmem>>[vector<16xi32>, vector<16xi32>], vector<16xf32>,
    %add3A_849 = arith.constant 2 : i32
    %add3A_850 = vector.broadcast %add3A_849 : i32 to vector<16xi32>
    %add3A_851 = arith.addi %mul3A_825, %add3A_850 : vector<16xi32>
    %gather3A_852 = tpu.vector_load_idx %arg11[%add3A_851] : memref<8192xf32, #tpu.memory_space<vmem>>[vector<16xi32>], vector<16xf32>,
    %mul3A_853 = arith.constant 0 : i32
    %mul3A_854 = vector.broadcast %mul3A_853 : i32 to vector<16xi32>
    %mul3A_855 = arith.muli %iota3A, %mul3A_854 : vector<16xi32>
    %add3A_856 = arith.constant 2 : i32
    %add3A_857 = vector.broadcast %add3A_856 : i32 to vector<16xi32>
    %add3A_858 = arith.addi %mul3A_855, %add3A_857 : vector<16xi32>
    tpu.vector_store_idx %arg12[%add3A_828, %add3A_858], %gather3A_852 : memref<128x4xf32, #tpu.memory_space<vmem>>[vector<16xi32>, vector<16xi32>], vector<16xf32>,
    %get3A_859 = arith.constant 80 : index
    %get3A_860 = tpu.vector_load %arg7[%get3A_859] {strides = array<i32>} : memref<128xi32, #tpu.memory_space<vmem>>, vector<16xi32>,
    %mul3A_861 = arith.constant 4 : i32
    %mul3A_862 = vector.broadcast %mul3A_861 : i32 to vector<16xi32>
    %mul3A_863 = arith.muli %get3A_860, %mul3A_862 : vector<16xi32>
    %add3A_864 = arith.constant 80 : i32
    %add3A_865 = vector.broadcast %add3A_864 : i32 to vector<16xi32>
    %add3A_866 = arith.addi %iota3A, %add3A_865 : vector<16xi32>
    %add3A_867 = arith.constant 0 : i32
    %add3A_868 = vector.broadcast %add3A_867 : i32 to vector<16xi32>
    %add3A_869 = arith.addi %mul3A_863, %add3A_868 : vector<16xi32>
    %gather3A_870 = tpu.vector_load_idx %arg11[%add3A_869] : memref<8192xf32, #tpu.memory_space<vmem>>[vector<16xi32>], vector<16xf32>,
    %mul3A_871 = arith.constant 0 : i32
    %mul3A_872 = vector.broadcast %mul3A_871 : i32 to vector<16xi32>
    %mul3A_873 = arith.muli %iota3A, %mul3A_872 : vector<16xi32>
    %add3A_874 = arith.constant 0 : i32
    %add3A_875 = vector.broadcast %add3A_874 : i32 to vector<16xi32>
    %add3A_876 = arith.addi %mul3A_873, %add3A_875 : vector<16xi32>
    tpu.vector_store_idx %arg12[%add3A_866, %add3A_876], %gather3A_870 : memref<128x4xf32, #tpu.memory_space<vmem>>[vector<16xi32>, vector<16xi32>], vector<16xf32>,
    %add3A_877 = arith.constant 1 : i32
    %add3A_878 = vector.broadcast %add3A_877 : i32 to vector<16xi32>
    %add3A_879 = arith.addi %mul3A_863, %add3A_878 : vector<16xi32>
    %gather3A_880 = tpu.vector_load_idx %arg11[%add3A_879] : memref<8192xf32, #tpu.memory_space<vmem>>[vector<16xi32>], vector<16xf32>,
    %mul3A_881 = arith.constant 0 : i32
    %mul3A_882 = vector.broadcast %mul3A_881 : i32 to vector<16xi32>
    %mul3A_883 = arith.muli %iota3A, %mul3A_882 : vector<16xi32>
    %add3A_884 = arith.constant 1 : i32
    %add3A_885 = vector.broadcast %add3A_884 : i32 to vector<16xi32>
    %add3A_886 = arith.addi %mul3A_883, %add3A_885 : vector<16xi32>
    tpu.vector_store_idx %arg12[%add3A_866, %add3A_886], %gather3A_880 : memref<128x4xf32, #tpu.memory_space<vmem>>[vector<16xi32>, vector<16xi32>], vector<16xf32>,
    %add3A_887 = arith.constant 2 : i32
    %add3A_888 = vector.broadcast %add3A_887 : i32 to vector<16xi32>
    %add3A_889 = arith.addi %mul3A_863, %add3A_888 : vector<16xi32>
    %gather3A_890 = tpu.vector_load_idx %arg11[%add3A_889] : memref<8192xf32, #tpu.memory_space<vmem>>[vector<16xi32>], vector<16xf32>,
    %mul3A_891 = arith.constant 0 : i32
    %mul3A_892 = vector.broadcast %mul3A_891 : i32 to vector<16xi32>
    %mul3A_893 = arith.muli %iota3A, %mul3A_892 : vector<16xi32>
    %add3A_894 = arith.constant 2 : i32
    %add3A_895 = vector.broadcast %add3A_894 : i32 to vector<16xi32>
    %add3A_896 = arith.addi %mul3A_893, %add3A_895 : vector<16xi32>
    tpu.vector_store_idx %arg12[%add3A_866, %add3A_896], %gather3A_890 : memref<128x4xf32, #tpu.memory_space<vmem>>[vector<16xi32>, vector<16xi32>], vector<16xf32>,
    %get3A_897 = arith.constant 96 : index
    %get3A_898 = tpu.vector_load %arg7[%get3A_897] {strides = array<i32>} : memref<128xi32, #tpu.memory_space<vmem>>, vector<16xi32>,
    %mul3A_899 = arith.constant 4 : i32
    %mul3A_900 = vector.broadcast %mul3A_899 : i32 to vector<16xi32>
    %mul3A_901 = arith.muli %get3A_898, %mul3A_900 : vector<16xi32>
    %add3A_902 = arith.constant 96 : i32
    %add3A_903 = vector.broadcast %add3A_902 : i32 to vector<16xi32>
    %add3A_904 = arith.addi %iota3A, %add3A_903 : vector<16xi32>
    %add3A_905 = arith.constant 0 : i32
    %add3A_906 = vector.broadcast %add3A_905 : i32 to vector<16xi32>
    %add3A_907 = arith.addi %mul3A_901, %add3A_906 : vector<16xi32>
    %gather3A_908 = tpu.vector_load_idx %arg11[%add3A_907] : memref<8192xf32, #tpu.memory_space<vmem>>[vector<16xi32>], vector<16xf32>,
    %mul3A_909 = arith.constant 0 : i32
    %mul3A_910 = vector.broadcast %mul3A_909 : i32 to vector<16xi32>
    %mul3A_911 = arith.muli %iota3A, %mul3A_910 : vector<16xi32>
    %add3A_912 = arith.constant 0 : i32
    %add3A_913 = vector.broadcast %add3A_912 : i32 to vector<16xi32>
    %add3A_914 = arith.addi %mul3A_911, %add3A_913 : vector<16xi32>
    tpu.vector_store_idx %arg12[%add3A_904, %add3A_914], %gather3A_908 : memref<128x4xf32, #tpu.memory_space<vmem>>[vector<16xi32>, vector<16xi32>], vector<16xf32>,
    %add3A_915 = arith.constant 1 : i32
    %add3A_916 = vector.broadcast %add3A_915 : i32 to vector<16xi32>
    %add3A_917 = arith.addi %mul3A_901, %add3A_916 : vector<16xi32>
    %gather3A_918 = tpu.vector_load_idx %arg11[%add3A_917] : memref<8192xf32, #tpu.memory_space<vmem>>[vector<16xi32>], vector<16xf32>,
    %mul3A_919 = arith.constant 0 : i32
    %mul3A_920 = vector.broadcast %mul3A_919 : i32 to vector<16xi32>
    %mul3A_921 = arith.muli %iota3A, %mul3A_920 : vector<16xi32>
    %add3A_922 = arith.constant 1 : i32
    %add3A_923 = vector.broadcast %add3A_922 : i32 to vector<16xi32>
    %add3A_924 = arith.addi %mul3A_921, %add3A_923 : vector<16xi32>
    tpu.vector_store_idx %arg12[%add3A_904, %add3A_924], %gather3A_918 : memref<128x4xf32, #tpu.memory_space<vmem>>[vector<16xi32>, vector<16xi32>], vector<16xf32>,
    %add3A_925 = arith.constant 2 : i32
    %add3A_926 = vector.broadcast %add3A_925 : i32 to vector<16xi32>
    %add3A_927 = arith.addi %mul3A_901, %add3A_926 : vector<16xi32>
    %gather3A_928 = tpu.vector_load_idx %arg11[%add3A_927] : memref<8192xf32, #tpu.memory_space<vmem>>[vector<16xi32>], vector<16xf32>,
    %mul3A_929 = arith.constant 0 : i32
    %mul3A_930 = vector.broadcast %mul3A_929 : i32 to vector<16xi32>
    %mul3A_931 = arith.muli %iota3A, %mul3A_930 : vector<16xi32>
    %add3A_932 = arith.constant 2 : i32
    %add3A_933 = vector.broadcast %add3A_932 : i32 to vector<16xi32>
    %add3A_934 = arith.addi %mul3A_931, %add3A_933 : vector<16xi32>
    tpu.vector_store_idx %arg12[%add3A_904, %add3A_934], %gather3A_928 : memref<128x4xf32, #tpu.memory_space<vmem>>[vector<16xi32>, vector<16xi32>], vector<16xf32>,
    %get3A_935 = arith.constant 112 : index
    %get3A_936 = tpu.vector_load %arg7[%get3A_935] {strides = array<i32>} : memref<128xi32, #tpu.memory_space<vmem>>, vector<16xi32>,
    %mul3A_937 = arith.constant 4 : i32
    %mul3A_938 = vector.broadcast %mul3A_937 : i32 to vector<16xi32>
    %mul3A_939 = arith.muli %get3A_936, %mul3A_938 : vector<16xi32>
    %add3A_940 = arith.constant 112 : i32
    %add3A_941 = vector.broadcast %add3A_940 : i32 to vector<16xi32>
    %add3A_942 = arith.addi %iota3A, %add3A_941 : vector<16xi32>
    %add3A_943 = arith.constant 0 : i32
    %add3A_944 = vector.broadcast %add3A_943 : i32 to vector<16xi32>
    %add3A_945 = arith.addi %mul3A_939, %add3A_944 : vector<16xi32>
    %gather3A_946 = tpu.vector_load_idx %arg11[%add3A_945] : memref<8192xf32, #tpu.memory_space<vmem>>[vector<16xi32>], vector<16xf32>,
    %mul3A_947 = arith.constant 0 : i32
    %mul3A_948 = vector.broadcast %mul3A_947 : i32 to vector<16xi32>
    %mul3A_949 = arith.muli %iota3A, %mul3A_948 : vector<16xi32>
    %add3A_950 = arith.constant 0 : i32
    %add3A_951 = vector.broadcast %add3A_950 : i32 to vector<16xi32>
    %add3A_952 = arith.addi %mul3A_949, %add3A_951 : vector<16xi32>
    tpu.vector_store_idx %arg12[%add3A_942, %add3A_952], %gather3A_946 : memref<128x4xf32, #tpu.memory_space<vmem>>[vector<16xi32>, vector<16xi32>], vector<16xf32>,
    %add3A_953 = arith.constant 1 : i32
    %add3A_954 = vector.broadcast %add3A_953 : i32 to vector<16xi32>
    %add3A_955 = arith.addi %mul3A_939, %add3A_954 : vector<16xi32>
    %gather3A_956 = tpu.vector_load_idx %arg11[%add3A_955] : memref<8192xf32, #tpu.memory_space<vmem>>[vector<16xi32>], vector<16xf32>,
    %mul3A_957 = arith.constant 0 : i32
    %mul3A_958 = vector.broadcast %mul3A_957 : i32 to vector<16xi32>
    %mul3A_959 = arith.muli %iota3A, %mul3A_958 : vector<16xi32>
    %add3A_960 = arith.constant 1 : i32
    %add3A_961 = vector.broadcast %add3A_960 : i32 to vector<16xi32>
    %add3A_962 = arith.addi %mul3A_959, %add3A_961 : vector<16xi32>
    tpu.vector_store_idx %arg12[%add3A_942, %add3A_962], %gather3A_956 : memref<128x4xf32, #tpu.memory_space<vmem>>[vector<16xi32>, vector<16xi32>], vector<16xf32>,
    %add3A_963 = arith.constant 2 : i32
    %add3A_964 = vector.broadcast %add3A_963 : i32 to vector<16xi32>
    %add3A_965 = arith.addi %mul3A_939, %add3A_964 : vector<16xi32>
    %gather3A_966 = tpu.vector_load_idx %arg11[%add3A_965] : memref<8192xf32, #tpu.memory_space<vmem>>[vector<16xi32>], vector<16xf32>,
    %mul3A_967 = arith.constant 0 : i32
    %mul3A_968 = vector.broadcast %mul3A_967 : i32 to vector<16xi32>
    %mul3A_969 = arith.muli %iota3A, %mul3A_968 : vector<16xi32>
    %add3A_970 = arith.constant 2 : i32
    %add3A_971 = vector.broadcast %add3A_970 : i32 to vector<16xi32>
    %add3A_972 = arith.addi %mul3A_969, %add3A_971 : vector<16xi32>
    tpu.vector_store_idx %arg12[%add3A_942, %add3A_972], %gather3A_966 : memref<128x4xf32, #tpu.memory_space<vmem>>[vector<16xi32>, vector<16xi32>], vector<16xf32>,
    %dma_wait3A_973 = arith.constant 0 : i32
    %dma_wait3A_974 = arith.constant 0 : i32
    %dma_wait3A_975 = tpu.memref_slice %arg2[%dma_wait3A_973, %dma_wait3A_974] : memref<2048x256xf32, #tpu.memory_space<hbm>> -> memref<2048x256xf32, #tpu.memory_space<hbm>>
    tpu.wait_indirect_dma semaphore(%arg14 : memref<!tpu.dma_semaphore, #tpu.memory_space<semaphore_mem>>) src(%dma_wait3A_975 : memref<2048x256xf32, #tpu.memory_space<hbm>>) dst(%arg9 : memref<128x256xf32, #tpu.memory_space<vmem>>)
    %add3A_976 = arith.constant 256 : i32
    %add3A_977 = arith.addi %mul3A_2, %add3A_976 : i32
    %dma_start3A_978 = arith.constant 0 : i32
    %dma_start3A_979 = tpu.memref_slice %arg5[%add3A_977, %dma_start3A_978] : memref<32768x256xf32, #tpu.memory_space<hbm>> -> memref<128x256xf32, #tpu.memory_space<hbm>>
    %dma_start3A_980 = arith.constant 0 : i32
    %dma_start3A_981 = tpu.memref_slice %arg5[%add3A_977, %dma_start3A_980] : memref<32768x256xf32, #tpu.memory_space<hbm>> -> memref<128x256xf32, #tpu.memory_space<hbm>>
    tpu.enqueue_dma source(%arg9 : memref<128x256xf32, #tpu.memory_space<vmem>>) target(%dma_start3A_981 : memref<128x256xf32, #tpu.memory_space<hbm>>) target_semaphore(%arg16 : memref<!tpu.dma_semaphore, #tpu.memory_space<semaphore_mem>>)
    %dma_start3A_982 = arith.constant 0 : i32
    %dma_start3A_983 = tpu.memref_slice %arg6[%add3A_977, %dma_start3A_982] : memref<32768x4xf32, #tpu.memory_space<hbm>> -> memref<128x4xf32, #tpu.memory_space<hbm>>
    %dma_start3A_984 = arith.constant 0 : i32
    %dma_start3A_985 = tpu.memref_slice %arg6[%add3A_977, %dma_start3A_984] : memref<32768x4xf32, #tpu.memory_space<hbm>> -> memref<128x4xf32, #tpu.memory_space<hbm>>
    tpu.enqueue_dma source(%arg12 : memref<128x4xf32, #tpu.memory_space<vmem>>) target(%dma_start3A_985 : memref<128x4xf32, #tpu.memory_space<hbm>>) target_semaphore(%arg16 : memref<!tpu.dma_semaphore, #tpu.memory_space<semaphore_mem>>)
    %dma_wait3A_986 = arith.constant 0 : i32
    %dma_wait3A_987 = tpu.memref_slice %arg5[%add3A_977, %dma_wait3A_986] : memref<32768x256xf32, #tpu.memory_space<hbm>> -> memref<128x256xf32, #tpu.memory_space<hbm>>
    %dma_wait3A_988 = arith.constant 0 : i32
    %dma_wait3A_989 = tpu.memref_slice %arg5[%add3A_977, %dma_wait3A_988] : memref<32768x256xf32, #tpu.memory_space<hbm>> -> memref<128x256xf32, #tpu.memory_space<hbm>>
    tpu.wait_dma2 semaphore(%arg16 : memref<!tpu.dma_semaphore, #tpu.memory_space<semaphore_mem>>) src(%arg9 : memref<128x256xf32, #tpu.memory_space<vmem>>) dst(%dma_wait3A_989 : memref<128x256xf32, #tpu.memory_space<hbm>>)
    %dma_wait3A_990 = arith.constant 0 : i32
    %dma_wait3A_991 = tpu.memref_slice %arg6[%add3A_977, %dma_wait3A_990] : memref<32768x4xf32, #tpu.memory_space<hbm>> -> memref<128x4xf32, #tpu.memory_space<hbm>>
    %dma_wait3A_992 = arith.constant 0 : i32
    %dma_wait3A_993 = tpu.memref_slice %arg6[%add3A_977, %dma_wait3A_992] : memref<32768x4xf32, #tpu.memory_space<hbm>> -> memref<128x4xf32, #tpu.memory_space<hbm>>
    tpu.wait_dma2 semaphore(%arg16 : memref<!tpu.dma_semaphore, #tpu.memory_space<semaphore_mem>>) src(%arg12 : memref<128x4xf32, #tpu.memory_space<vmem>>) dst(%dma_wait3A_993 : memref<128x4xf32, #tpu.memory_space<hbm>>)
    %add3A_994 = arith.constant 512 : i32
    %add3A_995 = arith.addi %mul3A_2, %add3A_994 : i32
    "tpu.region"() ({
      %run_scoped3A = tpu.sem_alloc : memref<!tpu.dma_semaphore, #tpu.memory_space<semaphore_mem>>
      %dma_start3A_2639 = tpu.memref_slice %arg4[%add3A_995] : memref<32768xi32, #tpu.memory_space<hbm>> -> memref<128xi32, #tpu.memory_space<hbm>>
      %dma_start3A_2640 = tpu.memref_slice %arg4[%add3A_995] : memref<32768xi32, #tpu.memory_space<hbm>> -> memref<128xi32, #tpu.memory_space<hbm>>
      tpu.enqueue_dma source(%dma_start3A_2640 : memref<128xi32, #tpu.memory_space<hbm>>) target(%arg7 : memref<128xi32, #tpu.memory_space<vmem>>) target_semaphore(%run_scoped3A : memref<!tpu.dma_semaphore, #tpu.memory_space<semaphore_mem>>)
      %dma_wait3A_2641 = tpu.memref_slice %arg4[%add3A_995] : memref<32768xi32, #tpu.memory_space<hbm>> -> memref<128xi32, #tpu.memory_space<hbm>>
      %dma_wait3A_2642 = tpu.memref_slice %arg4[%add3A_995] : memref<32768xi32, #tpu.memory_space<hbm>> -> memref<128xi32, #tpu.memory_space<hbm>>
      tpu.wait_dma2 semaphore(%run_scoped3A : memref<!tpu.dma_semaphore, #tpu.memory_space<semaphore_mem>>) src(%dma_wait3A_2642 : memref<128xi32, #tpu.memory_space<hbm>>) dst(%arg7 : memref<128xi32, #tpu.memory_space<vmem>>)
      tpu.yield
    }) : () -> ()
    %dma_start3A_996 = arith.constant 0 : i32
    %dma_start3A_997 = arith.constant 0 : i32
    %dma_start3A_998 = tpu.memref_slice %arg2[%dma_start3A_996, %dma_start3A_997] : memref<2048x256xf32, #tpu.memory_space<hbm>> -> memref<2048x256xf32, #tpu.memory_space<hbm>>
    tpu.enqueue_indirect_dma source(%dma_start3A_998 : memref<2048x256xf32, #tpu.memory_space<hbm>>) target(%arg9 : memref<128x256xf32, #tpu.memory_space<vmem>>) offsets(%arg7 : memref<128xi32, #tpu.memory_space<vmem>>) semaphore(%arg14 : memref<!tpu.dma_semaphore, #tpu.memory_space<semaphore_mem>>)
    %get3A_999 = arith.constant 0 : index
    %get3A_1000 = tpu.vector_load %arg8[%get3A_999] {strides = array<i32>} : memref<128xi32, #tpu.memory_space<vmem>>, vector<16xi32>,
    %mul3A_1001 = arith.constant 4 : i32
    %mul3A_1002 = vector.broadcast %mul3A_1001 : i32 to vector<16xi32>
    %mul3A_1003 = arith.muli %get3A_1000, %mul3A_1002 : vector<16xi32>
    %add3A_1004 = arith.constant 0 : i32
    %add3A_1005 = vector.broadcast %add3A_1004 : i32 to vector<16xi32>
    %add3A_1006 = arith.addi %iota3A, %add3A_1005 : vector<16xi32>
    %add3A_1007 = arith.constant 0 : i32
    %add3A_1008 = vector.broadcast %add3A_1007 : i32 to vector<16xi32>
    %add3A_1009 = arith.addi %mul3A_1003, %add3A_1008 : vector<16xi32>
    %gather3A_1010 = tpu.vector_load_idx %arg11[%add3A_1009] : memref<8192xf32, #tpu.memory_space<vmem>>[vector<16xi32>], vector<16xf32>,
    %mul3A_1011 = arith.constant 0 : i32
    %mul3A_1012 = vector.broadcast %mul3A_1011 : i32 to vector<16xi32>
    %mul3A_1013 = arith.muli %iota3A, %mul3A_1012 : vector<16xi32>
    %add3A_1014 = arith.constant 0 : i32
    %add3A_1015 = vector.broadcast %add3A_1014 : i32 to vector<16xi32>
    %add3A_1016 = arith.addi %mul3A_1013, %add3A_1015 : vector<16xi32>
    tpu.vector_store_idx %arg13[%add3A_1006, %add3A_1016], %gather3A_1010 : memref<128x4xf32, #tpu.memory_space<vmem>>[vector<16xi32>, vector<16xi32>], vector<16xf32>,
    %add3A_1017 = arith.constant 1 : i32
    %add3A_1018 = vector.broadcast %add3A_1017 : i32 to vector<16xi32>
    %add3A_1019 = arith.addi %mul3A_1003, %add3A_1018 : vector<16xi32>
    %gather3A_1020 = tpu.vector_load_idx %arg11[%add3A_1019] : memref<8192xf32, #tpu.memory_space<vmem>>[vector<16xi32>], vector<16xf32>,
    %mul3A_1021 = arith.constant 0 : i32
    %mul3A_1022 = vector.broadcast %mul3A_1021 : i32 to vector<16xi32>
    %mul3A_1023 = arith.muli %iota3A, %mul3A_1022 : vector<16xi32>
    %add3A_1024 = arith.constant 1 : i32
    %add3A_1025 = vector.broadcast %add3A_1024 : i32 to vector<16xi32>
    %add3A_1026 = arith.addi %mul3A_1023, %add3A_1025 : vector<16xi32>
    tpu.vector_store_idx %arg13[%add3A_1006, %add3A_1026], %gather3A_1020 : memref<128x4xf32, #tpu.memory_space<vmem>>[vector<16xi32>, vector<16xi32>], vector<16xf32>,
    %add3A_1027 = arith.constant 2 : i32
    %add3A_1028 = vector.broadcast %add3A_1027 : i32 to vector<16xi32>
    %add3A_1029 = arith.addi %mul3A_1003, %add3A_1028 : vector<16xi32>
    %gather3A_1030 = tpu.vector_load_idx %arg11[%add3A_1029] : memref<8192xf32, #tpu.memory_space<vmem>>[vector<16xi32>], vector<16xf32>,
    %mul3A_1031 = arith.constant 0 : i32
    %mul3A_1032 = vector.broadcast %mul3A_1031 : i32 to vector<16xi32>
    %mul3A_1033 = arith.muli %iota3A, %mul3A_1032 : vector<16xi32>
    %add3A_1034 = arith.constant 2 : i32
    %add3A_1035 = vector.broadcast %add3A_1034 : i32 to vector<16xi32>
    %add3A_1036 = arith.addi %mul3A_1033, %add3A_1035 : vector<16xi32>
    tpu.vector_store_idx %arg13[%add3A_1006, %add3A_1036], %gather3A_1030 : memref<128x4xf32, #tpu.memory_space<vmem>>[vector<16xi32>, vector<16xi32>], vector<16xf32>,
    %get3A_1037 = arith.constant 16 : index
    %get3A_1038 = tpu.vector_load %arg8[%get3A_1037] {strides = array<i32>} : memref<128xi32, #tpu.memory_space<vmem>>, vector<16xi32>,
    %mul3A_1039 = arith.constant 4 : i32
    %mul3A_1040 = vector.broadcast %mul3A_1039 : i32 to vector<16xi32>
    %mul3A_1041 = arith.muli %get3A_1038, %mul3A_1040 : vector<16xi32>
    %add3A_1042 = arith.constant 16 : i32
    %add3A_1043 = vector.broadcast %add3A_1042 : i32 to vector<16xi32>
    %add3A_1044 = arith.addi %iota3A, %add3A_1043 : vector<16xi32>
    %add3A_1045 = arith.constant 0 : i32
    %add3A_1046 = vector.broadcast %add3A_1045 : i32 to vector<16xi32>
    %add3A_1047 = arith.addi %mul3A_1041, %add3A_1046 : vector<16xi32>
    %gather3A_1048 = tpu.vector_load_idx %arg11[%add3A_1047] : memref<8192xf32, #tpu.memory_space<vmem>>[vector<16xi32>], vector<16xf32>,
    %mul3A_1049 = arith.constant 0 : i32
    %mul3A_1050 = vector.broadcast %mul3A_1049 : i32 to vector<16xi32>
    %mul3A_1051 = arith.muli %iota3A, %mul3A_1050 : vector<16xi32>
    %add3A_1052 = arith.constant 0 : i32
    %add3A_1053 = vector.broadcast %add3A_1052 : i32 to vector<16xi32>
    %add3A_1054 = arith.addi %mul3A_1051, %add3A_1053 : vector<16xi32>
    tpu.vector_store_idx %arg13[%add3A_1044, %add3A_1054], %gather3A_1048 : memref<128x4xf32, #tpu.memory_space<vmem>>[vector<16xi32>, vector<16xi32>], vector<16xf32>,
    %add3A_1055 = arith.constant 1 : i32
    %add3A_1056 = vector.broadcast %add3A_1055 : i32 to vector<16xi32>
    %add3A_1057 = arith.addi %mul3A_1041, %add3A_1056 : vector<16xi32>
    %gather3A_1058 = tpu.vector_load_idx %arg11[%add3A_1057] : memref<8192xf32, #tpu.memory_space<vmem>>[vector<16xi32>], vector<16xf32>,
    %mul3A_1059 = arith.constant 0 : i32
    %mul3A_1060 = vector.broadcast %mul3A_1059 : i32 to vector<16xi32>
    %mul3A_1061 = arith.muli %iota3A, %mul3A_1060 : vector<16xi32>
    %add3A_1062 = arith.constant 1 : i32
    %add3A_1063 = vector.broadcast %add3A_1062 : i32 to vector<16xi32>
    %add3A_1064 = arith.addi %mul3A_1061, %add3A_1063 : vector<16xi32>
    tpu.vector_store_idx %arg13[%add3A_1044, %add3A_1064], %gather3A_1058 : memref<128x4xf32, #tpu.memory_space<vmem>>[vector<16xi32>, vector<16xi32>], vector<16xf32>,
    %add3A_1065 = arith.constant 2 : i32
    %add3A_1066 = vector.broadcast %add3A_1065 : i32 to vector<16xi32>
    %add3A_1067 = arith.addi %mul3A_1041, %add3A_1066 : vector<16xi32>
    %gather3A_1068 = tpu.vector_load_idx %arg11[%add3A_1067] : memref<8192xf32, #tpu.memory_space<vmem>>[vector<16xi32>], vector<16xf32>,
    %mul3A_1069 = arith.constant 0 : i32
    %mul3A_1070 = vector.broadcast %mul3A_1069 : i32 to vector<16xi32>
    %mul3A_1071 = arith.muli %iota3A, %mul3A_1070 : vector<16xi32>
    %add3A_1072 = arith.constant 2 : i32
    %add3A_1073 = vector.broadcast %add3A_1072 : i32 to vector<16xi32>
    %add3A_1074 = arith.addi %mul3A_1071, %add3A_1073 : vector<16xi32>
    tpu.vector_store_idx %arg13[%add3A_1044, %add3A_1074], %gather3A_1068 : memref<128x4xf32, #tpu.memory_space<vmem>>[vector<16xi32>, vector<16xi32>], vector<16xf32>,
    %get3A_1075 = arith.constant 32 : index
    %get3A_1076 = tpu.vector_load %arg8[%get3A_1075] {strides = array<i32>} : memref<128xi32, #tpu.memory_space<vmem>>, vector<16xi32>,
    %mul3A_1077 = arith.constant 4 : i32
    %mul3A_1078 = vector.broadcast %mul3A_1077 : i32 to vector<16xi32>
    %mul3A_1079 = arith.muli %get3A_1076, %mul3A_1078 : vector<16xi32>
    %add3A_1080 = arith.constant 32 : i32
    %add3A_1081 = vector.broadcast %add3A_1080 : i32 to vector<16xi32>
    %add3A_1082 = arith.addi %iota3A, %add3A_1081 : vector<16xi32>
    %add3A_1083 = arith.constant 0 : i32
    %add3A_1084 = vector.broadcast %add3A_1083 : i32 to vector<16xi32>
    %add3A_1085 = arith.addi %mul3A_1079, %add3A_1084 : vector<16xi32>
    %gather3A_1086 = tpu.vector_load_idx %arg11[%add3A_1085] : memref<8192xf32, #tpu.memory_space<vmem>>[vector<16xi32>], vector<16xf32>,
    %mul3A_1087 = arith.constant 0 : i32
    %mul3A_1088 = vector.broadcast %mul3A_1087 : i32 to vector<16xi32>
    %mul3A_1089 = arith.muli %iota3A, %mul3A_1088 : vector<16xi32>
    %add3A_1090 = arith.constant 0 : i32
    %add3A_1091 = vector.broadcast %add3A_1090 : i32 to vector<16xi32>
    %add3A_1092 = arith.addi %mul3A_1089, %add3A_1091 : vector<16xi32>
    tpu.vector_store_idx %arg13[%add3A_1082, %add3A_1092], %gather3A_1086 : memref<128x4xf32, #tpu.memory_space<vmem>>[vector<16xi32>, vector<16xi32>], vector<16xf32>,
    %add3A_1093 = arith.constant 1 : i32
    %add3A_1094 = vector.broadcast %add3A_1093 : i32 to vector<16xi32>
    %add3A_1095 = arith.addi %mul3A_1079, %add3A_1094 : vector<16xi32>
    %gather3A_1096 = tpu.vector_load_idx %arg11[%add3A_1095] : memref<8192xf32, #tpu.memory_space<vmem>>[vector<16xi32>], vector<16xf32>,
    %mul3A_1097 = arith.constant 0 : i32
    %mul3A_1098 = vector.broadcast %mul3A_1097 : i32 to vector<16xi32>
    %mul3A_1099 = arith.muli %iota3A, %mul3A_1098 : vector<16xi32>
    %add3A_1100 = arith.constant 1 : i32
    %add3A_1101 = vector.broadcast %add3A_1100 : i32 to vector<16xi32>
    %add3A_1102 = arith.addi %mul3A_1099, %add3A_1101 : vector<16xi32>
    tpu.vector_store_idx %arg13[%add3A_1082, %add3A_1102], %gather3A_1096 : memref<128x4xf32, #tpu.memory_space<vmem>>[vector<16xi32>, vector<16xi32>], vector<16xf32>,
    %add3A_1103 = arith.constant 2 : i32
    %add3A_1104 = vector.broadcast %add3A_1103 : i32 to vector<16xi32>
    %add3A_1105 = arith.addi %mul3A_1079, %add3A_1104 : vector<16xi32>
    %gather3A_1106 = tpu.vector_load_idx %arg11[%add3A_1105] : memref<8192xf32, #tpu.memory_space<vmem>>[vector<16xi32>], vector<16xf32>,
    %mul3A_1107 = arith.constant 0 : i32
    %mul3A_1108 = vector.broadcast %mul3A_1107 : i32 to vector<16xi32>
    %mul3A_1109 = arith.muli %iota3A, %mul3A_1108 : vector<16xi32>
    %add3A_1110 = arith.constant 2 : i32
    %add3A_1111 = vector.broadcast %add3A_1110 : i32 to vector<16xi32>
    %add3A_1112 = arith.addi %mul3A_1109, %add3A_1111 : vector<16xi32>
    tpu.vector_store_idx %arg13[%add3A_1082, %add3A_1112], %gather3A_1106 : memref<128x4xf32, #tpu.memory_space<vmem>>[vector<16xi32>, vector<16xi32>], vector<16xf32>,
    %get3A_1113 = arith.constant 48 : index
    %get3A_1114 = tpu.vector_load %arg8[%get3A_1113] {strides = array<i32>} : memref<128xi32, #tpu.memory_space<vmem>>, vector<16xi32>,
    %mul3A_1115 = arith.constant 4 : i32
    %mul3A_1116 = vector.broadcast %mul3A_1115 : i32 to vector<16xi32>
    %mul3A_1117 = arith.muli %get3A_1114, %mul3A_1116 : vector<16xi32>
    %add3A_1118 = arith.constant 48 : i32
    %add3A_1119 = vector.broadcast %add3A_1118 : i32 to vector<16xi32>
    %add3A_1120 = arith.addi %iota3A, %add3A_1119 : vector<16xi32>
    %add3A_1121 = arith.constant 0 : i32
    %add3A_1122 = vector.broadcast %add3A_1121 : i32 to vector<16xi32>
    %add3A_1123 = arith.addi %mul3A_1117, %add3A_1122 : vector<16xi32>
    %gather3A_1124 = tpu.vector_load_idx %arg11[%add3A_1123] : memref<8192xf32, #tpu.memory_space<vmem>>[vector<16xi32>], vector<16xf32>,
    %mul3A_1125 = arith.constant 0 : i32
    %mul3A_1126 = vector.broadcast %mul3A_1125 : i32 to vector<16xi32>
    %mul3A_1127 = arith.muli %iota3A, %mul3A_1126 : vector<16xi32>
    %add3A_1128 = arith.constant 0 : i32
    %add3A_1129 = vector.broadcast %add3A_1128 : i32 to vector<16xi32>
    %add3A_1130 = arith.addi %mul3A_1127, %add3A_1129 : vector<16xi32>
    tpu.vector_store_idx %arg13[%add3A_1120, %add3A_1130], %gather3A_1124 : memref<128x4xf32, #tpu.memory_space<vmem>>[vector<16xi32>, vector<16xi32>], vector<16xf32>,
    %add3A_1131 = arith.constant 1 : i32
    %add3A_1132 = vector.broadcast %add3A_1131 : i32 to vector<16xi32>
    %add3A_1133 = arith.addi %mul3A_1117, %add3A_1132 : vector<16xi32>
    %gather3A_1134 = tpu.vector_load_idx %arg11[%add3A_1133] : memref<8192xf32, #tpu.memory_space<vmem>>[vector<16xi32>], vector<16xf32>,
    %mul3A_1135 = arith.constant 0 : i32
    %mul3A_1136 = vector.broadcast %mul3A_1135 : i32 to vector<16xi32>
    %mul3A_1137 = arith.muli %iota3A, %mul3A_1136 : vector<16xi32>
    %add3A_1138 = arith.constant 1 : i32
    %add3A_1139 = vector.broadcast %add3A_1138 : i32 to vector<16xi32>
    %add3A_1140 = arith.addi %mul3A_1137, %add3A_1139 : vector<16xi32>
    tpu.vector_store_idx %arg13[%add3A_1120, %add3A_1140], %gather3A_1134 : memref<128x4xf32, #tpu.memory_space<vmem>>[vector<16xi32>, vector<16xi32>], vector<16xf32>,
    %add3A_1141 = arith.constant 2 : i32
    %add3A_1142 = vector.broadcast %add3A_1141 : i32 to vector<16xi32>
    %add3A_1143 = arith.addi %mul3A_1117, %add3A_1142 : vector<16xi32>
    %gather3A_1144 = tpu.vector_load_idx %arg11[%add3A_1143] : memref<8192xf32, #tpu.memory_space<vmem>>[vector<16xi32>], vector<16xf32>,
    %mul3A_1145 = arith.constant 0 : i32
    %mul3A_1146 = vector.broadcast %mul3A_1145 : i32 to vector<16xi32>
    %mul3A_1147 = arith.muli %iota3A, %mul3A_1146 : vector<16xi32>
    %add3A_1148 = arith.constant 2 : i32
    %add3A_1149 = vector.broadcast %add3A_1148 : i32 to vector<16xi32>
    %add3A_1150 = arith.addi %mul3A_1147, %add3A_1149 : vector<16xi32>
    tpu.vector_store_idx %arg13[%add3A_1120, %add3A_1150], %gather3A_1144 : memref<128x4xf32, #tpu.memory_space<vmem>>[vector<16xi32>, vector<16xi32>], vector<16xf32>,
    %get3A_1151 = arith.constant 64 : index
    %get3A_1152 = tpu.vector_load %arg8[%get3A_1151] {strides = array<i32>} : memref<128xi32, #tpu.memory_space<vmem>>, vector<16xi32>,
    %mul3A_1153 = arith.constant 4 : i32
    %mul3A_1154 = vector.broadcast %mul3A_1153 : i32 to vector<16xi32>
    %mul3A_1155 = arith.muli %get3A_1152, %mul3A_1154 : vector<16xi32>
    %add3A_1156 = arith.constant 64 : i32
    %add3A_1157 = vector.broadcast %add3A_1156 : i32 to vector<16xi32>
    %add3A_1158 = arith.addi %iota3A, %add3A_1157 : vector<16xi32>
    %add3A_1159 = arith.constant 0 : i32
    %add3A_1160 = vector.broadcast %add3A_1159 : i32 to vector<16xi32>
    %add3A_1161 = arith.addi %mul3A_1155, %add3A_1160 : vector<16xi32>
    %gather3A_1162 = tpu.vector_load_idx %arg11[%add3A_1161] : memref<8192xf32, #tpu.memory_space<vmem>>[vector<16xi32>], vector<16xf32>,
    %mul3A_1163 = arith.constant 0 : i32
    %mul3A_1164 = vector.broadcast %mul3A_1163 : i32 to vector<16xi32>
    %mul3A_1165 = arith.muli %iota3A, %mul3A_1164 : vector<16xi32>
    %add3A_1166 = arith.constant 0 : i32
    %add3A_1167 = vector.broadcast %add3A_1166 : i32 to vector<16xi32>
    %add3A_1168 = arith.addi %mul3A_1165, %add3A_1167 : vector<16xi32>
    tpu.vector_store_idx %arg13[%add3A_1158, %add3A_1168], %gather3A_1162 : memref<128x4xf32, #tpu.memory_space<vmem>>[vector<16xi32>, vector<16xi32>], vector<16xf32>,
    %add3A_1169 = arith.constant 1 : i32
    %add3A_1170 = vector.broadcast %add3A_1169 : i32 to vector<16xi32>
    %add3A_1171 = arith.addi %mul3A_1155, %add3A_1170 : vector<16xi32>
    %gather3A_1172 = tpu.vector_load_idx %arg11[%add3A_1171] : memref<8192xf32, #tpu.memory_space<vmem>>[vector<16xi32>], vector<16xf32>,
    %mul3A_1173 = arith.constant 0 : i32
    %mul3A_1174 = vector.broadcast %mul3A_1173 : i32 to vector<16xi32>
    %mul3A_1175 = arith.muli %iota3A, %mul3A_1174 : vector<16xi32>
    %add3A_1176 = arith.constant 1 : i32
    %add3A_1177 = vector.broadcast %add3A_1176 : i32 to vector<16xi32>
    %add3A_1178 = arith.addi %mul3A_1175, %add3A_1177 : vector<16xi32>
    tpu.vector_store_idx %arg13[%add3A_1158, %add3A_1178], %gather3A_1172 : memref<128x4xf32, #tpu.memory_space<vmem>>[vector<16xi32>, vector<16xi32>], vector<16xf32>,
    %add3A_1179 = arith.constant 2 : i32
    %add3A_1180 = vector.broadcast %add3A_1179 : i32 to vector<16xi32>
    %add3A_1181 = arith.addi %mul3A_1155, %add3A_1180 : vector<16xi32>
    %gather3A_1182 = tpu.vector_load_idx %arg11[%add3A_1181] : memref<8192xf32, #tpu.memory_space<vmem>>[vector<16xi32>], vector<16xf32>,
    %mul3A_1183 = arith.constant 0 : i32
    %mul3A_1184 = vector.broadcast %mul3A_1183 : i32 to vector<16xi32>
    %mul3A_1185 = arith.muli %iota3A, %mul3A_1184 : vector<16xi32>
    %add3A_1186 = arith.constant 2 : i32
    %add3A_1187 = vector.broadcast %add3A_1186 : i32 to vector<16xi32>
    %add3A_1188 = arith.addi %mul3A_1185, %add3A_1187 : vector<16xi32>
    tpu.vector_store_idx %arg13[%add3A_1158, %add3A_1188], %gather3A_1182 : memref<128x4xf32, #tpu.memory_space<vmem>>[vector<16xi32>, vector<16xi32>], vector<16xf32>,
    %get3A_1189 = arith.constant 80 : index
    %get3A_1190 = tpu.vector_load %arg8[%get3A_1189] {strides = array<i32>} : memref<128xi32, #tpu.memory_space<vmem>>, vector<16xi32>,
    %mul3A_1191 = arith.constant 4 : i32
    %mul3A_1192 = vector.broadcast %mul3A_1191 : i32 to vector<16xi32>
    %mul3A_1193 = arith.muli %get3A_1190, %mul3A_1192 : vector<16xi32>
    %add3A_1194 = arith.constant 80 : i32
    %add3A_1195 = vector.broadcast %add3A_1194 : i32 to vector<16xi32>
    %add3A_1196 = arith.addi %iota3A, %add3A_1195 : vector<16xi32>
    %add3A_1197 = arith.constant 0 : i32
    %add3A_1198 = vector.broadcast %add3A_1197 : i32 to vector<16xi32>
    %add3A_1199 = arith.addi %mul3A_1193, %add3A_1198 : vector<16xi32>
    %gather3A_1200 = tpu.vector_load_idx %arg11[%add3A_1199] : memref<8192xf32, #tpu.memory_space<vmem>>[vector<16xi32>], vector<16xf32>,
    %mul3A_1201 = arith.constant 0 : i32
    %mul3A_1202 = vector.broadcast %mul3A_1201 : i32 to vector<16xi32>
    %mul3A_1203 = arith.muli %iota3A, %mul3A_1202 : vector<16xi32>
    %add3A_1204 = arith.constant 0 : i32
    %add3A_1205 = vector.broadcast %add3A_1204 : i32 to vector<16xi32>
    %add3A_1206 = arith.addi %mul3A_1203, %add3A_1205 : vector<16xi32>
    tpu.vector_store_idx %arg13[%add3A_1196, %add3A_1206], %gather3A_1200 : memref<128x4xf32, #tpu.memory_space<vmem>>[vector<16xi32>, vector<16xi32>], vector<16xf32>,
    %add3A_1207 = arith.constant 1 : i32
    %add3A_1208 = vector.broadcast %add3A_1207 : i32 to vector<16xi32>
    %add3A_1209 = arith.addi %mul3A_1193, %add3A_1208 : vector<16xi32>
    %gather3A_1210 = tpu.vector_load_idx %arg11[%add3A_1209] : memref<8192xf32, #tpu.memory_space<vmem>>[vector<16xi32>], vector<16xf32>,
    %mul3A_1211 = arith.constant 0 : i32
    %mul3A_1212 = vector.broadcast %mul3A_1211 : i32 to vector<16xi32>
    %mul3A_1213 = arith.muli %iota3A, %mul3A_1212 : vector<16xi32>
    %add3A_1214 = arith.constant 1 : i32
    %add3A_1215 = vector.broadcast %add3A_1214 : i32 to vector<16xi32>
    %add3A_1216 = arith.addi %mul3A_1213, %add3A_1215 : vector<16xi32>
    tpu.vector_store_idx %arg13[%add3A_1196, %add3A_1216], %gather3A_1210 : memref<128x4xf32, #tpu.memory_space<vmem>>[vector<16xi32>, vector<16xi32>], vector<16xf32>,
    %add3A_1217 = arith.constant 2 : i32
    %add3A_1218 = vector.broadcast %add3A_1217 : i32 to vector<16xi32>
    %add3A_1219 = arith.addi %mul3A_1193, %add3A_1218 : vector<16xi32>
    %gather3A_1220 = tpu.vector_load_idx %arg11[%add3A_1219] : memref<8192xf32, #tpu.memory_space<vmem>>[vector<16xi32>], vector<16xf32>,
    %mul3A_1221 = arith.constant 0 : i32
    %mul3A_1222 = vector.broadcast %mul3A_1221 : i32 to vector<16xi32>
    %mul3A_1223 = arith.muli %iota3A, %mul3A_1222 : vector<16xi32>
    %add3A_1224 = arith.constant 2 : i32
    %add3A_1225 = vector.broadcast %add3A_1224 : i32 to vector<16xi32>
    %add3A_1226 = arith.addi %mul3A_1223, %add3A_1225 : vector<16xi32>
    tpu.vector_store_idx %arg13[%add3A_1196, %add3A_1226], %gather3A_1220 : memref<128x4xf32, #tpu.memory_space<vmem>>[vector<16xi32>, vector<16xi32>], vector<16xf32>,
    %get3A_1227 = arith.constant 96 : index
    %get3A_1228 = tpu.vector_load %arg8[%get3A_1227] {strides = array<i32>} : memref<128xi32, #tpu.memory_space<vmem>>, vector<16xi32>,
    %mul3A_1229 = arith.constant 4 : i32
    %mul3A_1230 = vector.broadcast %mul3A_1229 : i32 to vector<16xi32>
    %mul3A_1231 = arith.muli %get3A_1228, %mul3A_1230 : vector<16xi32>
    %add3A_1232 = arith.constant 96 : i32
    %add3A_1233 = vector.broadcast %add3A_1232 : i32 to vector<16xi32>
    %add3A_1234 = arith.addi %iota3A, %add3A_1233 : vector<16xi32>
    %add3A_1235 = arith.constant 0 : i32
    %add3A_1236 = vector.broadcast %add3A_1235 : i32 to vector<16xi32>
    %add3A_1237 = arith.addi %mul3A_1231, %add3A_1236 : vector<16xi32>
    %gather3A_1238 = tpu.vector_load_idx %arg11[%add3A_1237] : memref<8192xf32, #tpu.memory_space<vmem>>[vector<16xi32>], vector<16xf32>,
    %mul3A_1239 = arith.constant 0 : i32
    %mul3A_1240 = vector.broadcast %mul3A_1239 : i32 to vector<16xi32>
    %mul3A_1241 = arith.muli %iota3A, %mul3A_1240 : vector<16xi32>
    %add3A_1242 = arith.constant 0 : i32
    %add3A_1243 = vector.broadcast %add3A_1242 : i32 to vector<16xi32>
    %add3A_1244 = arith.addi %mul3A_1241, %add3A_1243 : vector<16xi32>
    tpu.vector_store_idx %arg13[%add3A_1234, %add3A_1244], %gather3A_1238 : memref<128x4xf32, #tpu.memory_space<vmem>>[vector<16xi32>, vector<16xi32>], vector<16xf32>,
    %add3A_1245 = arith.constant 1 : i32
    %add3A_1246 = vector.broadcast %add3A_1245 : i32 to vector<16xi32>
    %add3A_1247 = arith.addi %mul3A_1231, %add3A_1246 : vector<16xi32>
    %gather3A_1248 = tpu.vector_load_idx %arg11[%add3A_1247] : memref<8192xf32, #tpu.memory_space<vmem>>[vector<16xi32>], vector<16xf32>,
    %mul3A_1249 = arith.constant 0 : i32
    %mul3A_1250 = vector.broadcast %mul3A_1249 : i32 to vector<16xi32>
    %mul3A_1251 = arith.muli %iota3A, %mul3A_1250 : vector<16xi32>
    %add3A_1252 = arith.constant 1 : i32
    %add3A_1253 = vector.broadcast %add3A_1252 : i32 to vector<16xi32>
    %add3A_1254 = arith.addi %mul3A_1251, %add3A_1253 : vector<16xi32>
    tpu.vector_store_idx %arg13[%add3A_1234, %add3A_1254], %gather3A_1248 : memref<128x4xf32, #tpu.memory_space<vmem>>[vector<16xi32>, vector<16xi32>], vector<16xf32>,
    %add3A_1255 = arith.constant 2 : i32
    %add3A_1256 = vector.broadcast %add3A_1255 : i32 to vector<16xi32>
    %add3A_1257 = arith.addi %mul3A_1231, %add3A_1256 : vector<16xi32>
    %gather3A_1258 = tpu.vector_load_idx %arg11[%add3A_1257] : memref<8192xf32, #tpu.memory_space<vmem>>[vector<16xi32>], vector<16xf32>,
    %mul3A_1259 = arith.constant 0 : i32
    %mul3A_1260 = vector.broadcast %mul3A_1259 : i32 to vector<16xi32>
    %mul3A_1261 = arith.muli %iota3A, %mul3A_1260 : vector<16xi32>
    %add3A_1262 = arith.constant 2 : i32
    %add3A_1263 = vector.broadcast %add3A_1262 : i32 to vector<16xi32>
    %add3A_1264 = arith.addi %mul3A_1261, %add3A_1263 : vector<16xi32>
    tpu.vector_store_idx %arg13[%add3A_1234, %add3A_1264], %gather3A_1258 : memref<128x4xf32, #tpu.memory_space<vmem>>[vector<16xi32>, vector<16xi32>], vector<16xf32>,
    %get3A_1265 = arith.constant 112 : index
    %get3A_1266 = tpu.vector_load %arg8[%get3A_1265] {strides = array<i32>} : memref<128xi32, #tpu.memory_space<vmem>>, vector<16xi32>,
    %mul3A_1267 = arith.constant 4 : i32
    %mul3A_1268 = vector.broadcast %mul3A_1267 : i32 to vector<16xi32>
    %mul3A_1269 = arith.muli %get3A_1266, %mul3A_1268 : vector<16xi32>
    %add3A_1270 = arith.constant 112 : i32
    %add3A_1271 = vector.broadcast %add3A_1270 : i32 to vector<16xi32>
    %add3A_1272 = arith.addi %iota3A, %add3A_1271 : vector<16xi32>
    %add3A_1273 = arith.constant 0 : i32
    %add3A_1274 = vector.broadcast %add3A_1273 : i32 to vector<16xi32>
    %add3A_1275 = arith.addi %mul3A_1269, %add3A_1274 : vector<16xi32>
    %gather3A_1276 = tpu.vector_load_idx %arg11[%add3A_1275] : memref<8192xf32, #tpu.memory_space<vmem>>[vector<16xi32>], vector<16xf32>,
    %mul3A_1277 = arith.constant 0 : i32
    %mul3A_1278 = vector.broadcast %mul3A_1277 : i32 to vector<16xi32>
    %mul3A_1279 = arith.muli %iota3A, %mul3A_1278 : vector<16xi32>
    %add3A_1280 = arith.constant 0 : i32
    %add3A_1281 = vector.broadcast %add3A_1280 : i32 to vector<16xi32>
    %add3A_1282 = arith.addi %mul3A_1279, %add3A_1281 : vector<16xi32>
    tpu.vector_store_idx %arg13[%add3A_1272, %add3A_1282], %gather3A_1276 : memref<128x4xf32, #tpu.memory_space<vmem>>[vector<16xi32>, vector<16xi32>], vector<16xf32>,
    %add3A_1283 = arith.constant 1 : i32
    %add3A_1284 = vector.broadcast %add3A_1283 : i32 to vector<16xi32>
    %add3A_1285 = arith.addi %mul3A_1269, %add3A_1284 : vector<16xi32>
    %gather3A_1286 = tpu.vector_load_idx %arg11[%add3A_1285] : memref<8192xf32, #tpu.memory_space<vmem>>[vector<16xi32>], vector<16xf32>,
    %mul3A_1287 = arith.constant 0 : i32
    %mul3A_1288 = vector.broadcast %mul3A_1287 : i32 to vector<16xi32>
    %mul3A_1289 = arith.muli %iota3A, %mul3A_1288 : vector<16xi32>
    %add3A_1290 = arith.constant 1 : i32
    %add3A_1291 = vector.broadcast %add3A_1290 : i32 to vector<16xi32>
    %add3A_1292 = arith.addi %mul3A_1289, %add3A_1291 : vector<16xi32>
    tpu.vector_store_idx %arg13[%add3A_1272, %add3A_1292], %gather3A_1286 : memref<128x4xf32, #tpu.memory_space<vmem>>[vector<16xi32>, vector<16xi32>], vector<16xf32>,
    %add3A_1293 = arith.constant 2 : i32
    %add3A_1294 = vector.broadcast %add3A_1293 : i32 to vector<16xi32>
    %add3A_1295 = arith.addi %mul3A_1269, %add3A_1294 : vector<16xi32>
    %gather3A_1296 = tpu.vector_load_idx %arg11[%add3A_1295] : memref<8192xf32, #tpu.memory_space<vmem>>[vector<16xi32>], vector<16xf32>,
    %mul3A_1297 = arith.constant 0 : i32
    %mul3A_1298 = vector.broadcast %mul3A_1297 : i32 to vector<16xi32>
    %mul3A_1299 = arith.muli %iota3A, %mul3A_1298 : vector<16xi32>
    %add3A_1300 = arith.constant 2 : i32
    %add3A_1301 = vector.broadcast %add3A_1300 : i32 to vector<16xi32>
    %add3A_1302 = arith.addi %mul3A_1299, %add3A_1301 : vector<16xi32>
    tpu.vector_store_idx %arg13[%add3A_1272, %add3A_1302], %gather3A_1296 : memref<128x4xf32, #tpu.memory_space<vmem>>[vector<16xi32>, vector<16xi32>], vector<16xf32>,
    %dma_wait3A_1303 = arith.constant 0 : i32
    %dma_wait3A_1304 = arith.constant 0 : i32
    %dma_wait3A_1305 = tpu.memref_slice %arg2[%dma_wait3A_1303, %dma_wait3A_1304] : memref<2048x256xf32, #tpu.memory_space<hbm>> -> memref<2048x256xf32, #tpu.memory_space<hbm>>
    tpu.wait_indirect_dma semaphore(%arg15 : memref<!tpu.dma_semaphore, #tpu.memory_space<semaphore_mem>>) src(%dma_wait3A_1305 : memref<2048x256xf32, #tpu.memory_space<hbm>>) dst(%arg10 : memref<128x256xf32, #tpu.memory_space<vmem>>)
    %add3A_1306 = arith.constant 384 : i32
    %add3A_1307 = arith.addi %mul3A_2, %add3A_1306 : i32
    %dma_start3A_1308 = arith.constant 0 : i32
    %dma_start3A_1309 = tpu.memref_slice %arg5[%add3A_1307, %dma_start3A_1308] : memref<32768x256xf32, #tpu.memory_space<hbm>> -> memref<128x256xf32, #tpu.memory_space<hbm>>
    %dma_start3A_1310 = arith.constant 0 : i32
    %dma_start3A_1311 = tpu.memref_slice %arg5[%add3A_1307, %dma_start3A_1310] : memref<32768x256xf32, #tpu.memory_space<hbm>> -> memref<128x256xf32, #tpu.memory_space<hbm>>
    tpu.enqueue_dma source(%arg10 : memref<128x256xf32, #tpu.memory_space<vmem>>) target(%dma_start3A_1311 : memref<128x256xf32, #tpu.memory_space<hbm>>) target_semaphore(%arg17 : memref<!tpu.dma_semaphore, #tpu.memory_space<semaphore_mem>>)
    %dma_start3A_1312 = arith.constant 0 : i32
    %dma_start3A_1313 = tpu.memref_slice %arg6[%add3A_1307, %dma_start3A_1312] : memref<32768x4xf32, #tpu.memory_space<hbm>> -> memref<128x4xf32, #tpu.memory_space<hbm>>
    %dma_start3A_1314 = arith.constant 0 : i32
    %dma_start3A_1315 = tpu.memref_slice %arg6[%add3A_1307, %dma_start3A_1314] : memref<32768x4xf32, #tpu.memory_space<hbm>> -> memref<128x4xf32, #tpu.memory_space<hbm>>
    tpu.enqueue_dma source(%arg13 : memref<128x4xf32, #tpu.memory_space<vmem>>) target(%dma_start3A_1315 : memref<128x4xf32, #tpu.memory_space<hbm>>) target_semaphore(%arg17 : memref<!tpu.dma_semaphore, #tpu.memory_space<semaphore_mem>>)
    %dma_wait3A_1316 = arith.constant 0 : i32
    %dma_wait3A_1317 = tpu.memref_slice %arg5[%add3A_1307, %dma_wait3A_1316] : memref<32768x256xf32, #tpu.memory_space<hbm>> -> memref<128x256xf32, #tpu.memory_space<hbm>>
    %dma_wait3A_1318 = arith.constant 0 : i32
    %dma_wait3A_1319 = tpu.memref_slice %arg5[%add3A_1307, %dma_wait3A_1318] : memref<32768x256xf32, #tpu.memory_space<hbm>> -> memref<128x256xf32, #tpu.memory_space<hbm>>
    tpu.wait_dma2 semaphore(%arg17 : memref<!tpu.dma_semaphore, #tpu.memory_space<semaphore_mem>>) src(%arg10 : memref<128x256xf32, #tpu.memory_space<vmem>>) dst(%dma_wait3A_1319 : memref<128x256xf32, #tpu.memory_space<hbm>>)
    %dma_wait3A_1320 = arith.constant 0 : i32
    %dma_wait3A_1321 = tpu.memref_slice %arg6[%add3A_1307, %dma_wait3A_1320] : memref<32768x4xf32, #tpu.memory_space<hbm>> -> memref<128x4xf32, #tpu.memory_space<hbm>>
    %dma_wait3A_1322 = arith.constant 0 : i32
    %dma_wait3A_1323 = tpu.memref_slice %arg6[%add3A_1307, %dma_wait3A_1322] : memref<32768x4xf32, #tpu.memory_space<hbm>> -> memref<128x4xf32, #tpu.memory_space<hbm>>
    tpu.wait_dma2 semaphore(%arg17 : memref<!tpu.dma_semaphore, #tpu.memory_space<semaphore_mem>>) src(%arg13 : memref<128x4xf32, #tpu.memory_space<vmem>>) dst(%dma_wait3A_1323 : memref<128x4xf32, #tpu.memory_space<hbm>>)
    %add3A_1324 = arith.constant 640 : i32
    %add3A_1325 = arith.addi %mul3A_2, %add3A_1324 : i32
    "tpu.region"() ({
      %run_scoped3A = tpu.sem_alloc : memref<!tpu.dma_semaphore, #tpu.memory_space<semaphore_mem>>
      %dma_start3A_2639 = tpu.memref_slice %arg4[%add3A_1325] : memref<32768xi32, #tpu.memory_space<hbm>> -> memref<128xi32, #tpu.memory_space<hbm>>
      %dma_start3A_2640 = tpu.memref_slice %arg4[%add3A_1325] : memref<32768xi32, #tpu.memory_space<hbm>> -> memref<128xi32, #tpu.memory_space<hbm>>
      tpu.enqueue_dma source(%dma_start3A_2640 : memref<128xi32, #tpu.memory_space<hbm>>) target(%arg8 : memref<128xi32, #tpu.memory_space<vmem>>) target_semaphore(%run_scoped3A : memref<!tpu.dma_semaphore, #tpu.memory_space<semaphore_mem>>)
      %dma_wait3A_2641 = tpu.memref_slice %arg4[%add3A_1325] : memref<32768xi32, #tpu.memory_space<hbm>> -> memref<128xi32, #tpu.memory_space<hbm>>
      %dma_wait3A_2642 = tpu.memref_slice %arg4[%add3A_1325] : memref<32768xi32, #tpu.memory_space<hbm>> -> memref<128xi32, #tpu.memory_space<hbm>>
      tpu.wait_dma2 semaphore(%run_scoped3A : memref<!tpu.dma_semaphore, #tpu.memory_space<semaphore_mem>>) src(%dma_wait3A_2642 : memref<128xi32, #tpu.memory_space<hbm>>) dst(%arg8 : memref<128xi32, #tpu.memory_space<vmem>>)
      tpu.yield
    }) : () -> ()
    %dma_start3A_1326 = arith.constant 0 : i32
    %dma_start3A_1327 = arith.constant 0 : i32
    %dma_start3A_1328 = tpu.memref_slice %arg2[%dma_start3A_1326, %dma_start3A_1327] : memref<2048x256xf32, #tpu.memory_space<hbm>> -> memref<2048x256xf32, #tpu.memory_space<hbm>>
    tpu.enqueue_indirect_dma source(%dma_start3A_1328 : memref<2048x256xf32, #tpu.memory_space<hbm>>) target(%arg10 : memref<128x256xf32, #tpu.memory_space<vmem>>) offsets(%arg8 : memref<128xi32, #tpu.memory_space<vmem>>) semaphore(%arg15 : memref<!tpu.dma_semaphore, #tpu.memory_space<semaphore_mem>>)
    %get3A_1329 = arith.constant 0 : index
    %get3A_1330 = tpu.vector_load %arg7[%get3A_1329] {strides = array<i32>} : memref<128xi32, #tpu.memory_space<vmem>>, vector<16xi32>,
    %mul3A_1331 = arith.constant 4 : i32
    %mul3A_1332 = vector.broadcast %mul3A_1331 : i32 to vector<16xi32>
    %mul3A_1333 = arith.muli %get3A_1330, %mul3A_1332 : vector<16xi32>
    %add3A_1334 = arith.constant 0 : i32
    %add3A_1335 = vector.broadcast %add3A_1334 : i32 to vector<16xi32>
    %add3A_1336 = arith.addi %iota3A, %add3A_1335 : vector<16xi32>
    %add3A_1337 = arith.constant 0 : i32
    %add3A_1338 = vector.broadcast %add3A_1337 : i32 to vector<16xi32>
    %add3A_1339 = arith.addi %mul3A_1333, %add3A_1338 : vector<16xi32>
    %gather3A_1340 = tpu.vector_load_idx %arg11[%add3A_1339] : memref<8192xf32, #tpu.memory_space<vmem>>[vector<16xi32>], vector<16xf32>,
    %mul3A_1341 = arith.constant 0 : i32
    %mul3A_1342 = vector.broadcast %mul3A_1341 : i32 to vector<16xi32>
    %mul3A_1343 = arith.muli %iota3A, %mul3A_1342 : vector<16xi32>
    %add3A_1344 = arith.constant 0 : i32
    %add3A_1345 = vector.broadcast %add3A_1344 : i32 to vector<16xi32>
    %add3A_1346 = arith.addi %mul3A_1343, %add3A_1345 : vector<16xi32>
    tpu.vector_store_idx %arg12[%add3A_1336, %add3A_1346], %gather3A_1340 : memref<128x4xf32, #tpu.memory_space<vmem>>[vector<16xi32>, vector<16xi32>], vector<16xf32>,
    %add3A_1347 = arith.constant 1 : i32
    %add3A_1348 = vector.broadcast %add3A_1347 : i32 to vector<16xi32>
    %add3A_1349 = arith.addi %mul3A_1333, %add3A_1348 : vector<16xi32>
    %gather3A_1350 = tpu.vector_load_idx %arg11[%add3A_1349] : memref<8192xf32, #tpu.memory_space<vmem>>[vector<16xi32>], vector<16xf32>,
    %mul3A_1351 = arith.constant 0 : i32
    %mul3A_1352 = vector.broadcast %mul3A_1351 : i32 to vector<16xi32>
    %mul3A_1353 = arith.muli %iota3A, %mul3A_1352 : vector<16xi32>
    %add3A_1354 = arith.constant 1 : i32
    %add3A_1355 = vector.broadcast %add3A_1354 : i32 to vector<16xi32>
    %add3A_1356 = arith.addi %mul3A_1353, %add3A_1355 : vector<16xi32>
    tpu.vector_store_idx %arg12[%add3A_1336, %add3A_1356], %gather3A_1350 : memref<128x4xf32, #tpu.memory_space<vmem>>[vector<16xi32>, vector<16xi32>], vector<16xf32>,
    %add3A_1357 = arith.constant 2 : i32
    %add3A_1358 = vector.broadcast %add3A_1357 : i32 to vector<16xi32>
    %add3A_1359 = arith.addi %mul3A_1333, %add3A_1358 : vector<16xi32>
    %gather3A_1360 = tpu.vector_load_idx %arg11[%add3A_1359] : memref<8192xf32, #tpu.memory_space<vmem>>[vector<16xi32>], vector<16xf32>,
    %mul3A_1361 = arith.constant 0 : i32
    %mul3A_1362 = vector.broadcast %mul3A_1361 : i32 to vector<16xi32>
    %mul3A_1363 = arith.muli %iota3A, %mul3A_1362 : vector<16xi32>
    %add3A_1364 = arith.constant 2 : i32
    %add3A_1365 = vector.broadcast %add3A_1364 : i32 to vector<16xi32>
    %add3A_1366 = arith.addi %mul3A_1363, %add3A_1365 : vector<16xi32>
    tpu.vector_store_idx %arg12[%add3A_1336, %add3A_1366], %gather3A_1360 : memref<128x4xf32, #tpu.memory_space<vmem>>[vector<16xi32>, vector<16xi32>], vector<16xf32>,
    %get3A_1367 = arith.constant 16 : index
    %get3A_1368 = tpu.vector_load %arg7[%get3A_1367] {strides = array<i32>} : memref<128xi32, #tpu.memory_space<vmem>>, vector<16xi32>,
    %mul3A_1369 = arith.constant 4 : i32
    %mul3A_1370 = vector.broadcast %mul3A_1369 : i32 to vector<16xi32>
    %mul3A_1371 = arith.muli %get3A_1368, %mul3A_1370 : vector<16xi32>
    %add3A_1372 = arith.constant 16 : i32
    %add3A_1373 = vector.broadcast %add3A_1372 : i32 to vector<16xi32>
    %add3A_1374 = arith.addi %iota3A, %add3A_1373 : vector<16xi32>
    %add3A_1375 = arith.constant 0 : i32
    %add3A_1376 = vector.broadcast %add3A_1375 : i32 to vector<16xi32>
    %add3A_1377 = arith.addi %mul3A_1371, %add3A_1376 : vector<16xi32>
    %gather3A_1378 = tpu.vector_load_idx %arg11[%add3A_1377] : memref<8192xf32, #tpu.memory_space<vmem>>[vector<16xi32>], vector<16xf32>,
    %mul3A_1379 = arith.constant 0 : i32
    %mul3A_1380 = vector.broadcast %mul3A_1379 : i32 to vector<16xi32>
    %mul3A_1381 = arith.muli %iota3A, %mul3A_1380 : vector<16xi32>
    %add3A_1382 = arith.constant 0 : i32
    %add3A_1383 = vector.broadcast %add3A_1382 : i32 to vector<16xi32>
    %add3A_1384 = arith.addi %mul3A_1381, %add3A_1383 : vector<16xi32>
    tpu.vector_store_idx %arg12[%add3A_1374, %add3A_1384], %gather3A_1378 : memref<128x4xf32, #tpu.memory_space<vmem>>[vector<16xi32>, vector<16xi32>], vector<16xf32>,
    %add3A_1385 = arith.constant 1 : i32
    %add3A_1386 = vector.broadcast %add3A_1385 : i32 to vector<16xi32>
    %add3A_1387 = arith.addi %mul3A_1371, %add3A_1386 : vector<16xi32>
    %gather3A_1388 = tpu.vector_load_idx %arg11[%add3A_1387] : memref<8192xf32, #tpu.memory_space<vmem>>[vector<16xi32>], vector<16xf32>,
    %mul3A_1389 = arith.constant 0 : i32
    %mul3A_1390 = vector.broadcast %mul3A_1389 : i32 to vector<16xi32>
    %mul3A_1391 = arith.muli %iota3A, %mul3A_1390 : vector<16xi32>
    %add3A_1392 = arith.constant 1 : i32
    %add3A_1393 = vector.broadcast %add3A_1392 : i32 to vector<16xi32>
    %add3A_1394 = arith.addi %mul3A_1391, %add3A_1393 : vector<16xi32>
    tpu.vector_store_idx %arg12[%add3A_1374, %add3A_1394], %gather3A_1388 : memref<128x4xf32, #tpu.memory_space<vmem>>[vector<16xi32>, vector<16xi32>], vector<16xf32>,
    %add3A_1395 = arith.constant 2 : i32
    %add3A_1396 = vector.broadcast %add3A_1395 : i32 to vector<16xi32>
    %add3A_1397 = arith.addi %mul3A_1371, %add3A_1396 : vector<16xi32>
    %gather3A_1398 = tpu.vector_load_idx %arg11[%add3A_1397] : memref<8192xf32, #tpu.memory_space<vmem>>[vector<16xi32>], vector<16xf32>,
    %mul3A_1399 = arith.constant 0 : i32
    %mul3A_1400 = vector.broadcast %mul3A_1399 : i32 to vector<16xi32>
    %mul3A_1401 = arith.muli %iota3A, %mul3A_1400 : vector<16xi32>
    %add3A_1402 = arith.constant 2 : i32
    %add3A_1403 = vector.broadcast %add3A_1402 : i32 to vector<16xi32>
    %add3A_1404 = arith.addi %mul3A_1401, %add3A_1403 : vector<16xi32>
    tpu.vector_store_idx %arg12[%add3A_1374, %add3A_1404], %gather3A_1398 : memref<128x4xf32, #tpu.memory_space<vmem>>[vector<16xi32>, vector<16xi32>], vector<16xf32>,
    %get3A_1405 = arith.constant 32 : index
    %get3A_1406 = tpu.vector_load %arg7[%get3A_1405] {strides = array<i32>} : memref<128xi32, #tpu.memory_space<vmem>>, vector<16xi32>,
    %mul3A_1407 = arith.constant 4 : i32
    %mul3A_1408 = vector.broadcast %mul3A_1407 : i32 to vector<16xi32>
    %mul3A_1409 = arith.muli %get3A_1406, %mul3A_1408 : vector<16xi32>
    %add3A_1410 = arith.constant 32 : i32
    %add3A_1411 = vector.broadcast %add3A_1410 : i32 to vector<16xi32>
    %add3A_1412 = arith.addi %iota3A, %add3A_1411 : vector<16xi32>
    %add3A_1413 = arith.constant 0 : i32
    %add3A_1414 = vector.broadcast %add3A_1413 : i32 to vector<16xi32>
    %add3A_1415 = arith.addi %mul3A_1409, %add3A_1414 : vector<16xi32>
    %gather3A_1416 = tpu.vector_load_idx %arg11[%add3A_1415] : memref<8192xf32, #tpu.memory_space<vmem>>[vector<16xi32>], vector<16xf32>,
    %mul3A_1417 = arith.constant 0 : i32
    %mul3A_1418 = vector.broadcast %mul3A_1417 : i32 to vector<16xi32>
    %mul3A_1419 = arith.muli %iota3A, %mul3A_1418 : vector<16xi32>
    %add3A_1420 = arith.constant 0 : i32
    %add3A_1421 = vector.broadcast %add3A_1420 : i32 to vector<16xi32>
    %add3A_1422 = arith.addi %mul3A_1419, %add3A_1421 : vector<16xi32>
    tpu.vector_store_idx %arg12[%add3A_1412, %add3A_1422], %gather3A_1416 : memref<128x4xf32, #tpu.memory_space<vmem>>[vector<16xi32>, vector<16xi32>], vector<16xf32>,
    %add3A_1423 = arith.constant 1 : i32
    %add3A_1424 = vector.broadcast %add3A_1423 : i32 to vector<16xi32>
    %add3A_1425 = arith.addi %mul3A_1409, %add3A_1424 : vector<16xi32>
    %gather3A_1426 = tpu.vector_load_idx %arg11[%add3A_1425] : memref<8192xf32, #tpu.memory_space<vmem>>[vector<16xi32>], vector<16xf32>,
    %mul3A_1427 = arith.constant 0 : i32
    %mul3A_1428 = vector.broadcast %mul3A_1427 : i32 to vector<16xi32>
    %mul3A_1429 = arith.muli %iota3A, %mul3A_1428 : vector<16xi32>
    %add3A_1430 = arith.constant 1 : i32
    %add3A_1431 = vector.broadcast %add3A_1430 : i32 to vector<16xi32>
    %add3A_1432 = arith.addi %mul3A_1429, %add3A_1431 : vector<16xi32>
    tpu.vector_store_idx %arg12[%add3A_1412, %add3A_1432], %gather3A_1426 : memref<128x4xf32, #tpu.memory_space<vmem>>[vector<16xi32>, vector<16xi32>], vector<16xf32>,
    %add3A_1433 = arith.constant 2 : i32
    %add3A_1434 = vector.broadcast %add3A_1433 : i32 to vector<16xi32>
    %add3A_1435 = arith.addi %mul3A_1409, %add3A_1434 : vector<16xi32>
    %gather3A_1436 = tpu.vector_load_idx %arg11[%add3A_1435] : memref<8192xf32, #tpu.memory_space<vmem>>[vector<16xi32>], vector<16xf32>,
    %mul3A_1437 = arith.constant 0 : i32
    %mul3A_1438 = vector.broadcast %mul3A_1437 : i32 to vector<16xi32>
    %mul3A_1439 = arith.muli %iota3A, %mul3A_1438 : vector<16xi32>
    %add3A_1440 = arith.constant 2 : i32
    %add3A_1441 = vector.broadcast %add3A_1440 : i32 to vector<16xi32>
    %add3A_1442 = arith.addi %mul3A_1439, %add3A_1441 : vector<16xi32>
    tpu.vector_store_idx %arg12[%add3A_1412, %add3A_1442], %gather3A_1436 : memref<128x4xf32, #tpu.memory_space<vmem>>[vector<16xi32>, vector<16xi32>], vector<16xf32>,
    %get3A_1443 = arith.constant 48 : index
    %get3A_1444 = tpu.vector_load %arg7[%get3A_1443] {strides = array<i32>} : memref<128xi32, #tpu.memory_space<vmem>>, vector<16xi32>,
    %mul3A_1445 = arith.constant 4 : i32
    %mul3A_1446 = vector.broadcast %mul3A_1445 : i32 to vector<16xi32>
    %mul3A_1447 = arith.muli %get3A_1444, %mul3A_1446 : vector<16xi32>
    %add3A_1448 = arith.constant 48 : i32
    %add3A_1449 = vector.broadcast %add3A_1448 : i32 to vector<16xi32>
    %add3A_1450 = arith.addi %iota3A, %add3A_1449 : vector<16xi32>
    %add3A_1451 = arith.constant 0 : i32
    %add3A_1452 = vector.broadcast %add3A_1451 : i32 to vector<16xi32>
    %add3A_1453 = arith.addi %mul3A_1447, %add3A_1452 : vector<16xi32>
    %gather3A_1454 = tpu.vector_load_idx %arg11[%add3A_1453] : memref<8192xf32, #tpu.memory_space<vmem>>[vector<16xi32>], vector<16xf32>,
    %mul3A_1455 = arith.constant 0 : i32
    %mul3A_1456 = vector.broadcast %mul3A_1455 : i32 to vector<16xi32>
    %mul3A_1457 = arith.muli %iota3A, %mul3A_1456 : vector<16xi32>
    %add3A_1458 = arith.constant 0 : i32
    %add3A_1459 = vector.broadcast %add3A_1458 : i32 to vector<16xi32>
    %add3A_1460 = arith.addi %mul3A_1457, %add3A_1459 : vector<16xi32>
    tpu.vector_store_idx %arg12[%add3A_1450, %add3A_1460], %gather3A_1454 : memref<128x4xf32, #tpu.memory_space<vmem>>[vector<16xi32>, vector<16xi32>], vector<16xf32>,
    %add3A_1461 = arith.constant 1 : i32
    %add3A_1462 = vector.broadcast %add3A_1461 : i32 to vector<16xi32>
    %add3A_1463 = arith.addi %mul3A_1447, %add3A_1462 : vector<16xi32>
    %gather3A_1464 = tpu.vector_load_idx %arg11[%add3A_1463] : memref<8192xf32, #tpu.memory_space<vmem>>[vector<16xi32>], vector<16xf32>,
    %mul3A_1465 = arith.constant 0 : i32
    %mul3A_1466 = vector.broadcast %mul3A_1465 : i32 to vector<16xi32>
    %mul3A_1467 = arith.muli %iota3A, %mul3A_1466 : vector<16xi32>
    %add3A_1468 = arith.constant 1 : i32
    %add3A_1469 = vector.broadcast %add3A_1468 : i32 to vector<16xi32>
    %add3A_1470 = arith.addi %mul3A_1467, %add3A_1469 : vector<16xi32>
    tpu.vector_store_idx %arg12[%add3A_1450, %add3A_1470], %gather3A_1464 : memref<128x4xf32, #tpu.memory_space<vmem>>[vector<16xi32>, vector<16xi32>], vector<16xf32>,
    %add3A_1471 = arith.constant 2 : i32
    %add3A_1472 = vector.broadcast %add3A_1471 : i32 to vector<16xi32>
    %add3A_1473 = arith.addi %mul3A_1447, %add3A_1472 : vector<16xi32>
    %gather3A_1474 = tpu.vector_load_idx %arg11[%add3A_1473] : memref<8192xf32, #tpu.memory_space<vmem>>[vector<16xi32>], vector<16xf32>,
    %mul3A_1475 = arith.constant 0 : i32
    %mul3A_1476 = vector.broadcast %mul3A_1475 : i32 to vector<16xi32>
    %mul3A_1477 = arith.muli %iota3A, %mul3A_1476 : vector<16xi32>
    %add3A_1478 = arith.constant 2 : i32
    %add3A_1479 = vector.broadcast %add3A_1478 : i32 to vector<16xi32>
    %add3A_1480 = arith.addi %mul3A_1477, %add3A_1479 : vector<16xi32>
    tpu.vector_store_idx %arg12[%add3A_1450, %add3A_1480], %gather3A_1474 : memref<128x4xf32, #tpu.memory_space<vmem>>[vector<16xi32>, vector<16xi32>], vector<16xf32>,
    %get3A_1481 = arith.constant 64 : index
    %get3A_1482 = tpu.vector_load %arg7[%get3A_1481] {strides = array<i32>} : memref<128xi32, #tpu.memory_space<vmem>>, vector<16xi32>,
    %mul3A_1483 = arith.constant 4 : i32
    %mul3A_1484 = vector.broadcast %mul3A_1483 : i32 to vector<16xi32>
    %mul3A_1485 = arith.muli %get3A_1482, %mul3A_1484 : vector<16xi32>
    %add3A_1486 = arith.constant 64 : i32
    %add3A_1487 = vector.broadcast %add3A_1486 : i32 to vector<16xi32>
    %add3A_1488 = arith.addi %iota3A, %add3A_1487 : vector<16xi32>
    %add3A_1489 = arith.constant 0 : i32
    %add3A_1490 = vector.broadcast %add3A_1489 : i32 to vector<16xi32>
    %add3A_1491 = arith.addi %mul3A_1485, %add3A_1490 : vector<16xi32>
    %gather3A_1492 = tpu.vector_load_idx %arg11[%add3A_1491] : memref<8192xf32, #tpu.memory_space<vmem>>[vector<16xi32>], vector<16xf32>,
    %mul3A_1493 = arith.constant 0 : i32
    %mul3A_1494 = vector.broadcast %mul3A_1493 : i32 to vector<16xi32>
    %mul3A_1495 = arith.muli %iota3A, %mul3A_1494 : vector<16xi32>
    %add3A_1496 = arith.constant 0 : i32
    %add3A_1497 = vector.broadcast %add3A_1496 : i32 to vector<16xi32>
    %add3A_1498 = arith.addi %mul3A_1495, %add3A_1497 : vector<16xi32>
    tpu.vector_store_idx %arg12[%add3A_1488, %add3A_1498], %gather3A_1492 : memref<128x4xf32, #tpu.memory_space<vmem>>[vector<16xi32>, vector<16xi32>], vector<16xf32>,
    %add3A_1499 = arith.constant 1 : i32
    %add3A_1500 = vector.broadcast %add3A_1499 : i32 to vector<16xi32>
    %add3A_1501 = arith.addi %mul3A_1485, %add3A_1500 : vector<16xi32>
    %gather3A_1502 = tpu.vector_load_idx %arg11[%add3A_1501] : memref<8192xf32, #tpu.memory_space<vmem>>[vector<16xi32>], vector<16xf32>,
    %mul3A_1503 = arith.constant 0 : i32
    %mul3A_1504 = vector.broadcast %mul3A_1503 : i32 to vector<16xi32>
    %mul3A_1505 = arith.muli %iota3A, %mul3A_1504 : vector<16xi32>
    %add3A_1506 = arith.constant 1 : i32
    %add3A_1507 = vector.broadcast %add3A_1506 : i32 to vector<16xi32>
    %add3A_1508 = arith.addi %mul3A_1505, %add3A_1507 : vector<16xi32>
    tpu.vector_store_idx %arg12[%add3A_1488, %add3A_1508], %gather3A_1502 : memref<128x4xf32, #tpu.memory_space<vmem>>[vector<16xi32>, vector<16xi32>], vector<16xf32>,
    %add3A_1509 = arith.constant 2 : i32
    %add3A_1510 = vector.broadcast %add3A_1509 : i32 to vector<16xi32>
    %add3A_1511 = arith.addi %mul3A_1485, %add3A_1510 : vector<16xi32>
    %gather3A_1512 = tpu.vector_load_idx %arg11[%add3A_1511] : memref<8192xf32, #tpu.memory_space<vmem>>[vector<16xi32>], vector<16xf32>,
    %mul3A_1513 = arith.constant 0 : i32
    %mul3A_1514 = vector.broadcast %mul3A_1513 : i32 to vector<16xi32>
    %mul3A_1515 = arith.muli %iota3A, %mul3A_1514 : vector<16xi32>
    %add3A_1516 = arith.constant 2 : i32
    %add3A_1517 = vector.broadcast %add3A_1516 : i32 to vector<16xi32>
    %add3A_1518 = arith.addi %mul3A_1515, %add3A_1517 : vector<16xi32>
    tpu.vector_store_idx %arg12[%add3A_1488, %add3A_1518], %gather3A_1512 : memref<128x4xf32, #tpu.memory_space<vmem>>[vector<16xi32>, vector<16xi32>], vector<16xf32>,
    %get3A_1519 = arith.constant 80 : index
    %get3A_1520 = tpu.vector_load %arg7[%get3A_1519] {strides = array<i32>} : memref<128xi32, #tpu.memory_space<vmem>>, vector<16xi32>,
    %mul3A_1521 = arith.constant 4 : i32
    %mul3A_1522 = vector.broadcast %mul3A_1521 : i32 to vector<16xi32>
    %mul3A_1523 = arith.muli %get3A_1520, %mul3A_1522 : vector<16xi32>
    %add3A_1524 = arith.constant 80 : i32
    %add3A_1525 = vector.broadcast %add3A_1524 : i32 to vector<16xi32>
    %add3A_1526 = arith.addi %iota3A, %add3A_1525 : vector<16xi32>
    %add3A_1527 = arith.constant 0 : i32
    %add3A_1528 = vector.broadcast %add3A_1527 : i32 to vector<16xi32>
    %add3A_1529 = arith.addi %mul3A_1523, %add3A_1528 : vector<16xi32>
    %gather3A_1530 = tpu.vector_load_idx %arg11[%add3A_1529] : memref<8192xf32, #tpu.memory_space<vmem>>[vector<16xi32>], vector<16xf32>,
    %mul3A_1531 = arith.constant 0 : i32
    %mul3A_1532 = vector.broadcast %mul3A_1531 : i32 to vector<16xi32>
    %mul3A_1533 = arith.muli %iota3A, %mul3A_1532 : vector<16xi32>
    %add3A_1534 = arith.constant 0 : i32
    %add3A_1535 = vector.broadcast %add3A_1534 : i32 to vector<16xi32>
    %add3A_1536 = arith.addi %mul3A_1533, %add3A_1535 : vector<16xi32>
    tpu.vector_store_idx %arg12[%add3A_1526, %add3A_1536], %gather3A_1530 : memref<128x4xf32, #tpu.memory_space<vmem>>[vector<16xi32>, vector<16xi32>], vector<16xf32>,
    %add3A_1537 = arith.constant 1 : i32
    %add3A_1538 = vector.broadcast %add3A_1537 : i32 to vector<16xi32>
    %add3A_1539 = arith.addi %mul3A_1523, %add3A_1538 : vector<16xi32>
    %gather3A_1540 = tpu.vector_load_idx %arg11[%add3A_1539] : memref<8192xf32, #tpu.memory_space<vmem>>[vector<16xi32>], vector<16xf32>,
    %mul3A_1541 = arith.constant 0 : i32
    %mul3A_1542 = vector.broadcast %mul3A_1541 : i32 to vector<16xi32>
    %mul3A_1543 = arith.muli %iota3A, %mul3A_1542 : vector<16xi32>
    %add3A_1544 = arith.constant 1 : i32
    %add3A_1545 = vector.broadcast %add3A_1544 : i32 to vector<16xi32>
    %add3A_1546 = arith.addi %mul3A_1543, %add3A_1545 : vector<16xi32>
    tpu.vector_store_idx %arg12[%add3A_1526, %add3A_1546], %gather3A_1540 : memref<128x4xf32, #tpu.memory_space<vmem>>[vector<16xi32>, vector<16xi32>], vector<16xf32>,
    %add3A_1547 = arith.constant 2 : i32
    %add3A_1548 = vector.broadcast %add3A_1547 : i32 to vector<16xi32>
    %add3A_1549 = arith.addi %mul3A_1523, %add3A_1548 : vector<16xi32>
    %gather3A_1550 = tpu.vector_load_idx %arg11[%add3A_1549] : memref<8192xf32, #tpu.memory_space<vmem>>[vector<16xi32>], vector<16xf32>,
    %mul3A_1551 = arith.constant 0 : i32
    %mul3A_1552 = vector.broadcast %mul3A_1551 : i32 to vector<16xi32>
    %mul3A_1553 = arith.muli %iota3A, %mul3A_1552 : vector<16xi32>
    %add3A_1554 = arith.constant 2 : i32
    %add3A_1555 = vector.broadcast %add3A_1554 : i32 to vector<16xi32>
    %add3A_1556 = arith.addi %mul3A_1553, %add3A_1555 : vector<16xi32>
    tpu.vector_store_idx %arg12[%add3A_1526, %add3A_1556], %gather3A_1550 : memref<128x4xf32, #tpu.memory_space<vmem>>[vector<16xi32>, vector<16xi32>], vector<16xf32>,
    %get3A_1557 = arith.constant 96 : index
    %get3A_1558 = tpu.vector_load %arg7[%get3A_1557] {strides = array<i32>} : memref<128xi32, #tpu.memory_space<vmem>>, vector<16xi32>,
    %mul3A_1559 = arith.constant 4 : i32
    %mul3A_1560 = vector.broadcast %mul3A_1559 : i32 to vector<16xi32>
    %mul3A_1561 = arith.muli %get3A_1558, %mul3A_1560 : vector<16xi32>
    %add3A_1562 = arith.constant 96 : i32
    %add3A_1563 = vector.broadcast %add3A_1562 : i32 to vector<16xi32>
    %add3A_1564 = arith.addi %iota3A, %add3A_1563 : vector<16xi32>
    %add3A_1565 = arith.constant 0 : i32
    %add3A_1566 = vector.broadcast %add3A_1565 : i32 to vector<16xi32>
    %add3A_1567 = arith.addi %mul3A_1561, %add3A_1566 : vector<16xi32>
    %gather3A_1568 = tpu.vector_load_idx %arg11[%add3A_1567] : memref<8192xf32, #tpu.memory_space<vmem>>[vector<16xi32>], vector<16xf32>,
    %mul3A_1569 = arith.constant 0 : i32
    %mul3A_1570 = vector.broadcast %mul3A_1569 : i32 to vector<16xi32>
    %mul3A_1571 = arith.muli %iota3A, %mul3A_1570 : vector<16xi32>
    %add3A_1572 = arith.constant 0 : i32
    %add3A_1573 = vector.broadcast %add3A_1572 : i32 to vector<16xi32>
    %add3A_1574 = arith.addi %mul3A_1571, %add3A_1573 : vector<16xi32>
    tpu.vector_store_idx %arg12[%add3A_1564, %add3A_1574], %gather3A_1568 : memref<128x4xf32, #tpu.memory_space<vmem>>[vector<16xi32>, vector<16xi32>], vector<16xf32>,
    %add3A_1575 = arith.constant 1 : i32
    %add3A_1576 = vector.broadcast %add3A_1575 : i32 to vector<16xi32>
    %add3A_1577 = arith.addi %mul3A_1561, %add3A_1576 : vector<16xi32>
    %gather3A_1578 = tpu.vector_load_idx %arg11[%add3A_1577] : memref<8192xf32, #tpu.memory_space<vmem>>[vector<16xi32>], vector<16xf32>,
    %mul3A_1579 = arith.constant 0 : i32
    %mul3A_1580 = vector.broadcast %mul3A_1579 : i32 to vector<16xi32>
    %mul3A_1581 = arith.muli %iota3A, %mul3A_1580 : vector<16xi32>
    %add3A_1582 = arith.constant 1 : i32
    %add3A_1583 = vector.broadcast %add3A_1582 : i32 to vector<16xi32>
    %add3A_1584 = arith.addi %mul3A_1581, %add3A_1583 : vector<16xi32>
    tpu.vector_store_idx %arg12[%add3A_1564, %add3A_1584], %gather3A_1578 : memref<128x4xf32, #tpu.memory_space<vmem>>[vector<16xi32>, vector<16xi32>], vector<16xf32>,
    %add3A_1585 = arith.constant 2 : i32
    %add3A_1586 = vector.broadcast %add3A_1585 : i32 to vector<16xi32>
    %add3A_1587 = arith.addi %mul3A_1561, %add3A_1586 : vector<16xi32>
    %gather3A_1588 = tpu.vector_load_idx %arg11[%add3A_1587] : memref<8192xf32, #tpu.memory_space<vmem>>[vector<16xi32>], vector<16xf32>,
    %mul3A_1589 = arith.constant 0 : i32
    %mul3A_1590 = vector.broadcast %mul3A_1589 : i32 to vector<16xi32>
    %mul3A_1591 = arith.muli %iota3A, %mul3A_1590 : vector<16xi32>
    %add3A_1592 = arith.constant 2 : i32
    %add3A_1593 = vector.broadcast %add3A_1592 : i32 to vector<16xi32>
    %add3A_1594 = arith.addi %mul3A_1591, %add3A_1593 : vector<16xi32>
    tpu.vector_store_idx %arg12[%add3A_1564, %add3A_1594], %gather3A_1588 : memref<128x4xf32, #tpu.memory_space<vmem>>[vector<16xi32>, vector<16xi32>], vector<16xf32>,
    %get3A_1595 = arith.constant 112 : index
    %get3A_1596 = tpu.vector_load %arg7[%get3A_1595] {strides = array<i32>} : memref<128xi32, #tpu.memory_space<vmem>>, vector<16xi32>,
    %mul3A_1597 = arith.constant 4 : i32
    %mul3A_1598 = vector.broadcast %mul3A_1597 : i32 to vector<16xi32>
    %mul3A_1599 = arith.muli %get3A_1596, %mul3A_1598 : vector<16xi32>
    %add3A_1600 = arith.constant 112 : i32
    %add3A_1601 = vector.broadcast %add3A_1600 : i32 to vector<16xi32>
    %add3A_1602 = arith.addi %iota3A, %add3A_1601 : vector<16xi32>
    %add3A_1603 = arith.constant 0 : i32
    %add3A_1604 = vector.broadcast %add3A_1603 : i32 to vector<16xi32>
    %add3A_1605 = arith.addi %mul3A_1599, %add3A_1604 : vector<16xi32>
    %gather3A_1606 = tpu.vector_load_idx %arg11[%add3A_1605] : memref<8192xf32, #tpu.memory_space<vmem>>[vector<16xi32>], vector<16xf32>,
    %mul3A_1607 = arith.constant 0 : i32
    %mul3A_1608 = vector.broadcast %mul3A_1607 : i32 to vector<16xi32>
    %mul3A_1609 = arith.muli %iota3A, %mul3A_1608 : vector<16xi32>
    %add3A_1610 = arith.constant 0 : i32
    %add3A_1611 = vector.broadcast %add3A_1610 : i32 to vector<16xi32>
    %add3A_1612 = arith.addi %mul3A_1609, %add3A_1611 : vector<16xi32>
    tpu.vector_store_idx %arg12[%add3A_1602, %add3A_1612], %gather3A_1606 : memref<128x4xf32, #tpu.memory_space<vmem>>[vector<16xi32>, vector<16xi32>], vector<16xf32>,
    %add3A_1613 = arith.constant 1 : i32
    %add3A_1614 = vector.broadcast %add3A_1613 : i32 to vector<16xi32>
    %add3A_1615 = arith.addi %mul3A_1599, %add3A_1614 : vector<16xi32>
    %gather3A_1616 = tpu.vector_load_idx %arg11[%add3A_1615] : memref<8192xf32, #tpu.memory_space<vmem>>[vector<16xi32>], vector<16xf32>,
    %mul3A_1617 = arith.constant 0 : i32
    %mul3A_1618 = vector.broadcast %mul3A_1617 : i32 to vector<16xi32>
    %mul3A_1619 = arith.muli %iota3A, %mul3A_1618 : vector<16xi32>
    %add3A_1620 = arith.constant 1 : i32
    %add3A_1621 = vector.broadcast %add3A_1620 : i32 to vector<16xi32>
    %add3A_1622 = arith.addi %mul3A_1619, %add3A_1621 : vector<16xi32>
    tpu.vector_store_idx %arg12[%add3A_1602, %add3A_1622], %gather3A_1616 : memref<128x4xf32, #tpu.memory_space<vmem>>[vector<16xi32>, vector<16xi32>], vector<16xf32>,
    %add3A_1623 = arith.constant 2 : i32
    %add3A_1624 = vector.broadcast %add3A_1623 : i32 to vector<16xi32>
    %add3A_1625 = arith.addi %mul3A_1599, %add3A_1624 : vector<16xi32>
    %gather3A_1626 = tpu.vector_load_idx %arg11[%add3A_1625] : memref<8192xf32, #tpu.memory_space<vmem>>[vector<16xi32>], vector<16xf32>,
    %mul3A_1627 = arith.constant 0 : i32
    %mul3A_1628 = vector.broadcast %mul3A_1627 : i32 to vector<16xi32>
    %mul3A_1629 = arith.muli %iota3A, %mul3A_1628 : vector<16xi32>
    %add3A_1630 = arith.constant 2 : i32
    %add3A_1631 = vector.broadcast %add3A_1630 : i32 to vector<16xi32>
    %add3A_1632 = arith.addi %mul3A_1629, %add3A_1631 : vector<16xi32>
    tpu.vector_store_idx %arg12[%add3A_1602, %add3A_1632], %gather3A_1626 : memref<128x4xf32, #tpu.memory_space<vmem>>[vector<16xi32>, vector<16xi32>], vector<16xf32>,
    %dma_wait3A_1633 = arith.constant 0 : i32
    %dma_wait3A_1634 = arith.constant 0 : i32
    %dma_wait3A_1635 = tpu.memref_slice %arg2[%dma_wait3A_1633, %dma_wait3A_1634] : memref<2048x256xf32, #tpu.memory_space<hbm>> -> memref<2048x256xf32, #tpu.memory_space<hbm>>
    tpu.wait_indirect_dma semaphore(%arg14 : memref<!tpu.dma_semaphore, #tpu.memory_space<semaphore_mem>>) src(%dma_wait3A_1635 : memref<2048x256xf32, #tpu.memory_space<hbm>>) dst(%arg9 : memref<128x256xf32, #tpu.memory_space<vmem>>)
    %add3A_1636 = arith.constant 512 : i32
    %add3A_1637 = arith.addi %mul3A_2, %add3A_1636 : i32
    %dma_start3A_1638 = arith.constant 0 : i32
    %dma_start3A_1639 = tpu.memref_slice %arg5[%add3A_1637, %dma_start3A_1638] : memref<32768x256xf32, #tpu.memory_space<hbm>> -> memref<128x256xf32, #tpu.memory_space<hbm>>
    %dma_start3A_1640 = arith.constant 0 : i32
    %dma_start3A_1641 = tpu.memref_slice %arg5[%add3A_1637, %dma_start3A_1640] : memref<32768x256xf32, #tpu.memory_space<hbm>> -> memref<128x256xf32, #tpu.memory_space<hbm>>
    tpu.enqueue_dma source(%arg9 : memref<128x256xf32, #tpu.memory_space<vmem>>) target(%dma_start3A_1641 : memref<128x256xf32, #tpu.memory_space<hbm>>) target_semaphore(%arg16 : memref<!tpu.dma_semaphore, #tpu.memory_space<semaphore_mem>>)
    %dma_start3A_1642 = arith.constant 0 : i32
    %dma_start3A_1643 = tpu.memref_slice %arg6[%add3A_1637, %dma_start3A_1642] : memref<32768x4xf32, #tpu.memory_space<hbm>> -> memref<128x4xf32, #tpu.memory_space<hbm>>
    %dma_start3A_1644 = arith.constant 0 : i32
    %dma_start3A_1645 = tpu.memref_slice %arg6[%add3A_1637, %dma_start3A_1644] : memref<32768x4xf32, #tpu.memory_space<hbm>> -> memref<128x4xf32, #tpu.memory_space<hbm>>
    tpu.enqueue_dma source(%arg12 : memref<128x4xf32, #tpu.memory_space<vmem>>) target(%dma_start3A_1645 : memref<128x4xf32, #tpu.memory_space<hbm>>) target_semaphore(%arg16 : memref<!tpu.dma_semaphore, #tpu.memory_space<semaphore_mem>>)
    %dma_wait3A_1646 = arith.constant 0 : i32
    %dma_wait3A_1647 = tpu.memref_slice %arg5[%add3A_1637, %dma_wait3A_1646] : memref<32768x256xf32, #tpu.memory_space<hbm>> -> memref<128x256xf32, #tpu.memory_space<hbm>>
    %dma_wait3A_1648 = arith.constant 0 : i32
    %dma_wait3A_1649 = tpu.memref_slice %arg5[%add3A_1637, %dma_wait3A_1648] : memref<32768x256xf32, #tpu.memory_space<hbm>> -> memref<128x256xf32, #tpu.memory_space<hbm>>
    tpu.wait_dma2 semaphore(%arg16 : memref<!tpu.dma_semaphore, #tpu.memory_space<semaphore_mem>>) src(%arg9 : memref<128x256xf32, #tpu.memory_space<vmem>>) dst(%dma_wait3A_1649 : memref<128x256xf32, #tpu.memory_space<hbm>>)
    %dma_wait3A_1650 = arith.constant 0 : i32
    %dma_wait3A_1651 = tpu.memref_slice %arg6[%add3A_1637, %dma_wait3A_1650] : memref<32768x4xf32, #tpu.memory_space<hbm>> -> memref<128x4xf32, #tpu.memory_space<hbm>>
    %dma_wait3A_1652 = arith.constant 0 : i32
    %dma_wait3A_1653 = tpu.memref_slice %arg6[%add3A_1637, %dma_wait3A_1652] : memref<32768x4xf32, #tpu.memory_space<hbm>> -> memref<128x4xf32, #tpu.memory_space<hbm>>
    tpu.wait_dma2 semaphore(%arg16 : memref<!tpu.dma_semaphore, #tpu.memory_space<semaphore_mem>>) src(%arg12 : memref<128x4xf32, #tpu.memory_space<vmem>>) dst(%dma_wait3A_1653 : memref<128x4xf32, #tpu.memory_space<hbm>>)
    %add3A_1654 = arith.constant 768 : i32
    %add3A_1655 = arith.addi %mul3A_2, %add3A_1654 : i32
    "tpu.region"() ({
      %run_scoped3A = tpu.sem_alloc : memref<!tpu.dma_semaphore, #tpu.memory_space<semaphore_mem>>
      %dma_start3A_2639 = tpu.memref_slice %arg4[%add3A_1655] : memref<32768xi32, #tpu.memory_space<hbm>> -> memref<128xi32, #tpu.memory_space<hbm>>
      %dma_start3A_2640 = tpu.memref_slice %arg4[%add3A_1655] : memref<32768xi32, #tpu.memory_space<hbm>> -> memref<128xi32, #tpu.memory_space<hbm>>
      tpu.enqueue_dma source(%dma_start3A_2640 : memref<128xi32, #tpu.memory_space<hbm>>) target(%arg7 : memref<128xi32, #tpu.memory_space<vmem>>) target_semaphore(%run_scoped3A : memref<!tpu.dma_semaphore, #tpu.memory_space<semaphore_mem>>)
      %dma_wait3A_2641 = tpu.memref_slice %arg4[%add3A_1655] : memref<32768xi32, #tpu.memory_space<hbm>> -> memref<128xi32, #tpu.memory_space<hbm>>
      %dma_wait3A_2642 = tpu.memref_slice %arg4[%add3A_1655] : memref<32768xi32, #tpu.memory_space<hbm>> -> memref<128xi32, #tpu.memory_space<hbm>>
      tpu.wait_dma2 semaphore(%run_scoped3A : memref<!tpu.dma_semaphore, #tpu.memory_space<semaphore_mem>>) src(%dma_wait3A_2642 : memref<128xi32, #tpu.memory_space<hbm>>) dst(%arg7 : memref<128xi32, #tpu.memory_space<vmem>>)
      tpu.yield
    }) : () -> ()
    %dma_start3A_1656 = arith.constant 0 : i32
    %dma_start3A_1657 = arith.constant 0 : i32
    %dma_start3A_1658 = tpu.memref_slice %arg2[%dma_start3A_1656, %dma_start3A_1657] : memref<2048x256xf32, #tpu.memory_space<hbm>> -> memref<2048x256xf32, #tpu.memory_space<hbm>>
    tpu.enqueue_indirect_dma source(%dma_start3A_1658 : memref<2048x256xf32, #tpu.memory_space<hbm>>) target(%arg9 : memref<128x256xf32, #tpu.memory_space<vmem>>) offsets(%arg7 : memref<128xi32, #tpu.memory_space<vmem>>) semaphore(%arg14 : memref<!tpu.dma_semaphore, #tpu.memory_space<semaphore_mem>>)
    %get3A_1659 = arith.constant 0 : index
    %get3A_1660 = tpu.vector_load %arg8[%get3A_1659] {strides = array<i32>} : memref<128xi32, #tpu.memory_space<vmem>>, vector<16xi32>,
    %mul3A_1661 = arith.constant 4 : i32
    %mul3A_1662 = vector.broadcast %mul3A_1661 : i32 to vector<16xi32>
    %mul3A_1663 = arith.muli %get3A_1660, %mul3A_1662 : vector<16xi32>
    %add3A_1664 = arith.constant 0 : i32
    %add3A_1665 = vector.broadcast %add3A_1664 : i32 to vector<16xi32>
    %add3A_1666 = arith.addi %iota3A, %add3A_1665 : vector<16xi32>
    %add3A_1667 = arith.constant 0 : i32
    %add3A_1668 = vector.broadcast %add3A_1667 : i32 to vector<16xi32>
    %add3A_1669 = arith.addi %mul3A_1663, %add3A_1668 : vector<16xi32>
    %gather3A_1670 = tpu.vector_load_idx %arg11[%add3A_1669] : memref<8192xf32, #tpu.memory_space<vmem>>[vector<16xi32>], vector<16xf32>,
    %mul3A_1671 = arith.constant 0 : i32
    %mul3A_1672 = vector.broadcast %mul3A_1671 : i32 to vector<16xi32>
    %mul3A_1673 = arith.muli %iota3A, %mul3A_1672 : vector<16xi32>
    %add3A_1674 = arith.constant 0 : i32
    %add3A_1675 = vector.broadcast %add3A_1674 : i32 to vector<16xi32>
    %add3A_1676 = arith.addi %mul3A_1673, %add3A_1675 : vector<16xi32>
    tpu.vector_store_idx %arg13[%add3A_1666, %add3A_1676], %gather3A_1670 : memref<128x4xf32, #tpu.memory_space<vmem>>[vector<16xi32>, vector<16xi32>], vector<16xf32>,
    %add3A_1677 = arith.constant 1 : i32
    %add3A_1678 = vector.broadcast %add3A_1677 : i32 to vector<16xi32>
    %add3A_1679 = arith.addi %mul3A_1663, %add3A_1678 : vector<16xi32>
    %gather3A_1680 = tpu.vector_load_idx %arg11[%add3A_1679] : memref<8192xf32, #tpu.memory_space<vmem>>[vector<16xi32>], vector<16xf32>,
    %mul3A_1681 = arith.constant 0 : i32
    %mul3A_1682 = vector.broadcast %mul3A_1681 : i32 to vector<16xi32>
    %mul3A_1683 = arith.muli %iota3A, %mul3A_1682 : vector<16xi32>
    %add3A_1684 = arith.constant 1 : i32
    %add3A_1685 = vector.broadcast %add3A_1684 : i32 to vector<16xi32>
    %add3A_1686 = arith.addi %mul3A_1683, %add3A_1685 : vector<16xi32>
    tpu.vector_store_idx %arg13[%add3A_1666, %add3A_1686], %gather3A_1680 : memref<128x4xf32, #tpu.memory_space<vmem>>[vector<16xi32>, vector<16xi32>], vector<16xf32>,
    %add3A_1687 = arith.constant 2 : i32
    %add3A_1688 = vector.broadcast %add3A_1687 : i32 to vector<16xi32>
    %add3A_1689 = arith.addi %mul3A_1663, %add3A_1688 : vector<16xi32>
    %gather3A_1690 = tpu.vector_load_idx %arg11[%add3A_1689] : memref<8192xf32, #tpu.memory_space<vmem>>[vector<16xi32>], vector<16xf32>,
    %mul3A_1691 = arith.constant 0 : i32
    %mul3A_1692 = vector.broadcast %mul3A_1691 : i32 to vector<16xi32>
    %mul3A_1693 = arith.muli %iota3A, %mul3A_1692 : vector<16xi32>
    %add3A_1694 = arith.constant 2 : i32
    %add3A_1695 = vector.broadcast %add3A_1694 : i32 to vector<16xi32>
    %add3A_1696 = arith.addi %mul3A_1693, %add3A_1695 : vector<16xi32>
    tpu.vector_store_idx %arg13[%add3A_1666, %add3A_1696], %gather3A_1690 : memref<128x4xf32, #tpu.memory_space<vmem>>[vector<16xi32>, vector<16xi32>], vector<16xf32>,
    %get3A_1697 = arith.constant 16 : index
    %get3A_1698 = tpu.vector_load %arg8[%get3A_1697] {strides = array<i32>} : memref<128xi32, #tpu.memory_space<vmem>>, vector<16xi32>,
    %mul3A_1699 = arith.constant 4 : i32
    %mul3A_1700 = vector.broadcast %mul3A_1699 : i32 to vector<16xi32>
    %mul3A_1701 = arith.muli %get3A_1698, %mul3A_1700 : vector<16xi32>
    %add3A_1702 = arith.constant 16 : i32
    %add3A_1703 = vector.broadcast %add3A_1702 : i32 to vector<16xi32>
    %add3A_1704 = arith.addi %iota3A, %add3A_1703 : vector<16xi32>
    %add3A_1705 = arith.constant 0 : i32
    %add3A_1706 = vector.broadcast %add3A_1705 : i32 to vector<16xi32>
    %add3A_1707 = arith.addi %mul3A_1701, %add3A_1706 : vector<16xi32>
    %gather3A_1708 = tpu.vector_load_idx %arg11[%add3A_1707] : memref<8192xf32, #tpu.memory_space<vmem>>[vector<16xi32>], vector<16xf32>,
    %mul3A_1709 = arith.constant 0 : i32
    %mul3A_1710 = vector.broadcast %mul3A_1709 : i32 to vector<16xi32>
    %mul3A_1711 = arith.muli %iota3A, %mul3A_1710 : vector<16xi32>
    %add3A_1712 = arith.constant 0 : i32
    %add3A_1713 = vector.broadcast %add3A_1712 : i32 to vector<16xi32>
    %add3A_1714 = arith.addi %mul3A_1711, %add3A_1713 : vector<16xi32>
    tpu.vector_store_idx %arg13[%add3A_1704, %add3A_1714], %gather3A_1708 : memref<128x4xf32, #tpu.memory_space<vmem>>[vector<16xi32>, vector<16xi32>], vector<16xf32>,
    %add3A_1715 = arith.constant 1 : i32
    %add3A_1716 = vector.broadcast %add3A_1715 : i32 to vector<16xi32>
    %add3A_1717 = arith.addi %mul3A_1701, %add3A_1716 : vector<16xi32>
    %gather3A_1718 = tpu.vector_load_idx %arg11[%add3A_1717] : memref<8192xf32, #tpu.memory_space<vmem>>[vector<16xi32>], vector<16xf32>,
    %mul3A_1719 = arith.constant 0 : i32
    %mul3A_1720 = vector.broadcast %mul3A_1719 : i32 to vector<16xi32>
    %mul3A_1721 = arith.muli %iota3A, %mul3A_1720 : vector<16xi32>
    %add3A_1722 = arith.constant 1 : i32
    %add3A_1723 = vector.broadcast %add3A_1722 : i32 to vector<16xi32>
    %add3A_1724 = arith.addi %mul3A_1721, %add3A_1723 : vector<16xi32>
    tpu.vector_store_idx %arg13[%add3A_1704, %add3A_1724], %gather3A_1718 : memref<128x4xf32, #tpu.memory_space<vmem>>[vector<16xi32>, vector<16xi32>], vector<16xf32>,
    %add3A_1725 = arith.constant 2 : i32
    %add3A_1726 = vector.broadcast %add3A_1725 : i32 to vector<16xi32>
    %add3A_1727 = arith.addi %mul3A_1701, %add3A_1726 : vector<16xi32>
    %gather3A_1728 = tpu.vector_load_idx %arg11[%add3A_1727] : memref<8192xf32, #tpu.memory_space<vmem>>[vector<16xi32>], vector<16xf32>,
    %mul3A_1729 = arith.constant 0 : i32
    %mul3A_1730 = vector.broadcast %mul3A_1729 : i32 to vector<16xi32>
    %mul3A_1731 = arith.muli %iota3A, %mul3A_1730 : vector<16xi32>
    %add3A_1732 = arith.constant 2 : i32
    %add3A_1733 = vector.broadcast %add3A_1732 : i32 to vector<16xi32>
    %add3A_1734 = arith.addi %mul3A_1731, %add3A_1733 : vector<16xi32>
    tpu.vector_store_idx %arg13[%add3A_1704, %add3A_1734], %gather3A_1728 : memref<128x4xf32, #tpu.memory_space<vmem>>[vector<16xi32>, vector<16xi32>], vector<16xf32>,
    %get3A_1735 = arith.constant 32 : index
    %get3A_1736 = tpu.vector_load %arg8[%get3A_1735] {strides = array<i32>} : memref<128xi32, #tpu.memory_space<vmem>>, vector<16xi32>,
    %mul3A_1737 = arith.constant 4 : i32
    %mul3A_1738 = vector.broadcast %mul3A_1737 : i32 to vector<16xi32>
    %mul3A_1739 = arith.muli %get3A_1736, %mul3A_1738 : vector<16xi32>
    %add3A_1740 = arith.constant 32 : i32
    %add3A_1741 = vector.broadcast %add3A_1740 : i32 to vector<16xi32>
    %add3A_1742 = arith.addi %iota3A, %add3A_1741 : vector<16xi32>
    %add3A_1743 = arith.constant 0 : i32
    %add3A_1744 = vector.broadcast %add3A_1743 : i32 to vector<16xi32>
    %add3A_1745 = arith.addi %mul3A_1739, %add3A_1744 : vector<16xi32>
    %gather3A_1746 = tpu.vector_load_idx %arg11[%add3A_1745] : memref<8192xf32, #tpu.memory_space<vmem>>[vector<16xi32>], vector<16xf32>,
    %mul3A_1747 = arith.constant 0 : i32
    %mul3A_1748 = vector.broadcast %mul3A_1747 : i32 to vector<16xi32>
    %mul3A_1749 = arith.muli %iota3A, %mul3A_1748 : vector<16xi32>
    %add3A_1750 = arith.constant 0 : i32
    %add3A_1751 = vector.broadcast %add3A_1750 : i32 to vector<16xi32>
    %add3A_1752 = arith.addi %mul3A_1749, %add3A_1751 : vector<16xi32>
    tpu.vector_store_idx %arg13[%add3A_1742, %add3A_1752], %gather3A_1746 : memref<128x4xf32, #tpu.memory_space<vmem>>[vector<16xi32>, vector<16xi32>], vector<16xf32>,
    %add3A_1753 = arith.constant 1 : i32
    %add3A_1754 = vector.broadcast %add3A_1753 : i32 to vector<16xi32>
    %add3A_1755 = arith.addi %mul3A_1739, %add3A_1754 : vector<16xi32>
    %gather3A_1756 = tpu.vector_load_idx %arg11[%add3A_1755] : memref<8192xf32, #tpu.memory_space<vmem>>[vector<16xi32>], vector<16xf32>,
    %mul3A_1757 = arith.constant 0 : i32
    %mul3A_1758 = vector.broadcast %mul3A_1757 : i32 to vector<16xi32>
    %mul3A_1759 = arith.muli %iota3A, %mul3A_1758 : vector<16xi32>
    %add3A_1760 = arith.constant 1 : i32
    %add3A_1761 = vector.broadcast %add3A_1760 : i32 to vector<16xi32>
    %add3A_1762 = arith.addi %mul3A_1759, %add3A_1761 : vector<16xi32>
    tpu.vector_store_idx %arg13[%add3A_1742, %add3A_1762], %gather3A_1756 : memref<128x4xf32, #tpu.memory_space<vmem>>[vector<16xi32>, vector<16xi32>], vector<16xf32>,
    %add3A_1763 = arith.constant 2 : i32
    %add3A_1764 = vector.broadcast %add3A_1763 : i32 to vector<16xi32>
    %add3A_1765 = arith.addi %mul3A_1739, %add3A_1764 : vector<16xi32>
    %gather3A_1766 = tpu.vector_load_idx %arg11[%add3A_1765] : memref<8192xf32, #tpu.memory_space<vmem>>[vector<16xi32>], vector<16xf32>,
    %mul3A_1767 = arith.constant 0 : i32
    %mul3A_1768 = vector.broadcast %mul3A_1767 : i32 to vector<16xi32>
    %mul3A_1769 = arith.muli %iota3A, %mul3A_1768 : vector<16xi32>
    %add3A_1770 = arith.constant 2 : i32
    %add3A_1771 = vector.broadcast %add3A_1770 : i32 to vector<16xi32>
    %add3A_1772 = arith.addi %mul3A_1769, %add3A_1771 : vector<16xi32>
    tpu.vector_store_idx %arg13[%add3A_1742, %add3A_1772], %gather3A_1766 : memref<128x4xf32, #tpu.memory_space<vmem>>[vector<16xi32>, vector<16xi32>], vector<16xf32>,
    %get3A_1773 = arith.constant 48 : index
    %get3A_1774 = tpu.vector_load %arg8[%get3A_1773] {strides = array<i32>} : memref<128xi32, #tpu.memory_space<vmem>>, vector<16xi32>,
    %mul3A_1775 = arith.constant 4 : i32
    %mul3A_1776 = vector.broadcast %mul3A_1775 : i32 to vector<16xi32>
    %mul3A_1777 = arith.muli %get3A_1774, %mul3A_1776 : vector<16xi32>
    %add3A_1778 = arith.constant 48 : i32
    %add3A_1779 = vector.broadcast %add3A_1778 : i32 to vector<16xi32>
    %add3A_1780 = arith.addi %iota3A, %add3A_1779 : vector<16xi32>
    %add3A_1781 = arith.constant 0 : i32
    %add3A_1782 = vector.broadcast %add3A_1781 : i32 to vector<16xi32>
    %add3A_1783 = arith.addi %mul3A_1777, %add3A_1782 : vector<16xi32>
    %gather3A_1784 = tpu.vector_load_idx %arg11[%add3A_1783] : memref<8192xf32, #tpu.memory_space<vmem>>[vector<16xi32>], vector<16xf32>,
    %mul3A_1785 = arith.constant 0 : i32
    %mul3A_1786 = vector.broadcast %mul3A_1785 : i32 to vector<16xi32>
    %mul3A_1787 = arith.muli %iota3A, %mul3A_1786 : vector<16xi32>
    %add3A_1788 = arith.constant 0 : i32
    %add3A_1789 = vector.broadcast %add3A_1788 : i32 to vector<16xi32>
    %add3A_1790 = arith.addi %mul3A_1787, %add3A_1789 : vector<16xi32>
    tpu.vector_store_idx %arg13[%add3A_1780, %add3A_1790], %gather3A_1784 : memref<128x4xf32, #tpu.memory_space<vmem>>[vector<16xi32>, vector<16xi32>], vector<16xf32>,
    %add3A_1791 = arith.constant 1 : i32
    %add3A_1792 = vector.broadcast %add3A_1791 : i32 to vector<16xi32>
    %add3A_1793 = arith.addi %mul3A_1777, %add3A_1792 : vector<16xi32>
    %gather3A_1794 = tpu.vector_load_idx %arg11[%add3A_1793] : memref<8192xf32, #tpu.memory_space<vmem>>[vector<16xi32>], vector<16xf32>,
    %mul3A_1795 = arith.constant 0 : i32
    %mul3A_1796 = vector.broadcast %mul3A_1795 : i32 to vector<16xi32>
    %mul3A_1797 = arith.muli %iota3A, %mul3A_1796 : vector<16xi32>
    %add3A_1798 = arith.constant 1 : i32
    %add3A_1799 = vector.broadcast %add3A_1798 : i32 to vector<16xi32>
    %add3A_1800 = arith.addi %mul3A_1797, %add3A_1799 : vector<16xi32>
    tpu.vector_store_idx %arg13[%add3A_1780, %add3A_1800], %gather3A_1794 : memref<128x4xf32, #tpu.memory_space<vmem>>[vector<16xi32>, vector<16xi32>], vector<16xf32>,
    %add3A_1801 = arith.constant 2 : i32
    %add3A_1802 = vector.broadcast %add3A_1801 : i32 to vector<16xi32>
    %add3A_1803 = arith.addi %mul3A_1777, %add3A_1802 : vector<16xi32>
    %gather3A_1804 = tpu.vector_load_idx %arg11[%add3A_1803] : memref<8192xf32, #tpu.memory_space<vmem>>[vector<16xi32>], vector<16xf32>,
    %mul3A_1805 = arith.constant 0 : i32
    %mul3A_1806 = vector.broadcast %mul3A_1805 : i32 to vector<16xi32>
    %mul3A_1807 = arith.muli %iota3A, %mul3A_1806 : vector<16xi32>
    %add3A_1808 = arith.constant 2 : i32
    %add3A_1809 = vector.broadcast %add3A_1808 : i32 to vector<16xi32>
    %add3A_1810 = arith.addi %mul3A_1807, %add3A_1809 : vector<16xi32>
    tpu.vector_store_idx %arg13[%add3A_1780, %add3A_1810], %gather3A_1804 : memref<128x4xf32, #tpu.memory_space<vmem>>[vector<16xi32>, vector<16xi32>], vector<16xf32>,
    %get3A_1811 = arith.constant 64 : index
    %get3A_1812 = tpu.vector_load %arg8[%get3A_1811] {strides = array<i32>} : memref<128xi32, #tpu.memory_space<vmem>>, vector<16xi32>,
    %mul3A_1813 = arith.constant 4 : i32
    %mul3A_1814 = vector.broadcast %mul3A_1813 : i32 to vector<16xi32>
    %mul3A_1815 = arith.muli %get3A_1812, %mul3A_1814 : vector<16xi32>
    %add3A_1816 = arith.constant 64 : i32
    %add3A_1817 = vector.broadcast %add3A_1816 : i32 to vector<16xi32>
    %add3A_1818 = arith.addi %iota3A, %add3A_1817 : vector<16xi32>
    %add3A_1819 = arith.constant 0 : i32
    %add3A_1820 = vector.broadcast %add3A_1819 : i32 to vector<16xi32>
    %add3A_1821 = arith.addi %mul3A_1815, %add3A_1820 : vector<16xi32>
    %gather3A_1822 = tpu.vector_load_idx %arg11[%add3A_1821] : memref<8192xf32, #tpu.memory_space<vmem>>[vector<16xi32>], vector<16xf32>,
    %mul3A_1823 = arith.constant 0 : i32
    %mul3A_1824 = vector.broadcast %mul3A_1823 : i32 to vector<16xi32>
    %mul3A_1825 = arith.muli %iota3A, %mul3A_1824 : vector<16xi32>
    %add3A_1826 = arith.constant 0 : i32
    %add3A_1827 = vector.broadcast %add3A_1826 : i32 to vector<16xi32>
    %add3A_1828 = arith.addi %mul3A_1825, %add3A_1827 : vector<16xi32>
    tpu.vector_store_idx %arg13[%add3A_1818, %add3A_1828], %gather3A_1822 : memref<128x4xf32, #tpu.memory_space<vmem>>[vector<16xi32>, vector<16xi32>], vector<16xf32>,
    %add3A_1829 = arith.constant 1 : i32
    %add3A_1830 = vector.broadcast %add3A_1829 : i32 to vector<16xi32>
    %add3A_1831 = arith.addi %mul3A_1815, %add3A_1830 : vector<16xi32>
    %gather3A_1832 = tpu.vector_load_idx %arg11[%add3A_1831] : memref<8192xf32, #tpu.memory_space<vmem>>[vector<16xi32>], vector<16xf32>,
    %mul3A_1833 = arith.constant 0 : i32
    %mul3A_1834 = vector.broadcast %mul3A_1833 : i32 to vector<16xi32>
    %mul3A_1835 = arith.muli %iota3A, %mul3A_1834 : vector<16xi32>
    %add3A_1836 = arith.constant 1 : i32
    %add3A_1837 = vector.broadcast %add3A_1836 : i32 to vector<16xi32>
    %add3A_1838 = arith.addi %mul3A_1835, %add3A_1837 : vector<16xi32>
    tpu.vector_store_idx %arg13[%add3A_1818, %add3A_1838], %gather3A_1832 : memref<128x4xf32, #tpu.memory_space<vmem>>[vector<16xi32>, vector<16xi32>], vector<16xf32>,
    %add3A_1839 = arith.constant 2 : i32
    %add3A_1840 = vector.broadcast %add3A_1839 : i32 to vector<16xi32>
    %add3A_1841 = arith.addi %mul3A_1815, %add3A_1840 : vector<16xi32>
    %gather3A_1842 = tpu.vector_load_idx %arg11[%add3A_1841] : memref<8192xf32, #tpu.memory_space<vmem>>[vector<16xi32>], vector<16xf32>,
    %mul3A_1843 = arith.constant 0 : i32
    %mul3A_1844 = vector.broadcast %mul3A_1843 : i32 to vector<16xi32>
    %mul3A_1845 = arith.muli %iota3A, %mul3A_1844 : vector<16xi32>
    %add3A_1846 = arith.constant 2 : i32
    %add3A_1847 = vector.broadcast %add3A_1846 : i32 to vector<16xi32>
    %add3A_1848 = arith.addi %mul3A_1845, %add3A_1847 : vector<16xi32>
    tpu.vector_store_idx %arg13[%add3A_1818, %add3A_1848], %gather3A_1842 : memref<128x4xf32, #tpu.memory_space<vmem>>[vector<16xi32>, vector<16xi32>], vector<16xf32>,
    %get3A_1849 = arith.constant 80 : index
    %get3A_1850 = tpu.vector_load %arg8[%get3A_1849] {strides = array<i32>} : memref<128xi32, #tpu.memory_space<vmem>>, vector<16xi32>,
    %mul3A_1851 = arith.constant 4 : i32
    %mul3A_1852 = vector.broadcast %mul3A_1851 : i32 to vector<16xi32>
    %mul3A_1853 = arith.muli %get3A_1850, %mul3A_1852 : vector<16xi32>
    %add3A_1854 = arith.constant 80 : i32
    %add3A_1855 = vector.broadcast %add3A_1854 : i32 to vector<16xi32>
    %add3A_1856 = arith.addi %iota3A, %add3A_1855 : vector<16xi32>
    %add3A_1857 = arith.constant 0 : i32
    %add3A_1858 = vector.broadcast %add3A_1857 : i32 to vector<16xi32>
    %add3A_1859 = arith.addi %mul3A_1853, %add3A_1858 : vector<16xi32>
    %gather3A_1860 = tpu.vector_load_idx %arg11[%add3A_1859] : memref<8192xf32, #tpu.memory_space<vmem>>[vector<16xi32>], vector<16xf32>,
    %mul3A_1861 = arith.constant 0 : i32
    %mul3A_1862 = vector.broadcast %mul3A_1861 : i32 to vector<16xi32>
    %mul3A_1863 = arith.muli %iota3A, %mul3A_1862 : vector<16xi32>
    %add3A_1864 = arith.constant 0 : i32
    %add3A_1865 = vector.broadcast %add3A_1864 : i32 to vector<16xi32>
    %add3A_1866 = arith.addi %mul3A_1863, %add3A_1865 : vector<16xi32>
    tpu.vector_store_idx %arg13[%add3A_1856, %add3A_1866], %gather3A_1860 : memref<128x4xf32, #tpu.memory_space<vmem>>[vector<16xi32>, vector<16xi32>], vector<16xf32>,
    %add3A_1867 = arith.constant 1 : i32
    %add3A_1868 = vector.broadcast %add3A_1867 : i32 to vector<16xi32>
    %add3A_1869 = arith.addi %mul3A_1853, %add3A_1868 : vector<16xi32>
    %gather3A_1870 = tpu.vector_load_idx %arg11[%add3A_1869] : memref<8192xf32, #tpu.memory_space<vmem>>[vector<16xi32>], vector<16xf32>,
    %mul3A_1871 = arith.constant 0 : i32
    %mul3A_1872 = vector.broadcast %mul3A_1871 : i32 to vector<16xi32>
    %mul3A_1873 = arith.muli %iota3A, %mul3A_1872 : vector<16xi32>
    %add3A_1874 = arith.constant 1 : i32
    %add3A_1875 = vector.broadcast %add3A_1874 : i32 to vector<16xi32>
    %add3A_1876 = arith.addi %mul3A_1873, %add3A_1875 : vector<16xi32>
    tpu.vector_store_idx %arg13[%add3A_1856, %add3A_1876], %gather3A_1870 : memref<128x4xf32, #tpu.memory_space<vmem>>[vector<16xi32>, vector<16xi32>], vector<16xf32>,
    %add3A_1877 = arith.constant 2 : i32
    %add3A_1878 = vector.broadcast %add3A_1877 : i32 to vector<16xi32>
    %add3A_1879 = arith.addi %mul3A_1853, %add3A_1878 : vector<16xi32>
    %gather3A_1880 = tpu.vector_load_idx %arg11[%add3A_1879] : memref<8192xf32, #tpu.memory_space<vmem>>[vector<16xi32>], vector<16xf32>,
    %mul3A_1881 = arith.constant 0 : i32
    %mul3A_1882 = vector.broadcast %mul3A_1881 : i32 to vector<16xi32>
    %mul3A_1883 = arith.muli %iota3A, %mul3A_1882 : vector<16xi32>
    %add3A_1884 = arith.constant 2 : i32
    %add3A_1885 = vector.broadcast %add3A_1884 : i32 to vector<16xi32>
    %add3A_1886 = arith.addi %mul3A_1883, %add3A_1885 : vector<16xi32>
    tpu.vector_store_idx %arg13[%add3A_1856, %add3A_1886], %gather3A_1880 : memref<128x4xf32, #tpu.memory_space<vmem>>[vector<16xi32>, vector<16xi32>], vector<16xf32>,
    %get3A_1887 = arith.constant 96 : index
    %get3A_1888 = tpu.vector_load %arg8[%get3A_1887] {strides = array<i32>} : memref<128xi32, #tpu.memory_space<vmem>>, vector<16xi32>,
    %mul3A_1889 = arith.constant 4 : i32
    %mul3A_1890 = vector.broadcast %mul3A_1889 : i32 to vector<16xi32>
    %mul3A_1891 = arith.muli %get3A_1888, %mul3A_1890 : vector<16xi32>
    %add3A_1892 = arith.constant 96 : i32
    %add3A_1893 = vector.broadcast %add3A_1892 : i32 to vector<16xi32>
    %add3A_1894 = arith.addi %iota3A, %add3A_1893 : vector<16xi32>
    %add3A_1895 = arith.constant 0 : i32
    %add3A_1896 = vector.broadcast %add3A_1895 : i32 to vector<16xi32>
    %add3A_1897 = arith.addi %mul3A_1891, %add3A_1896 : vector<16xi32>
    %gather3A_1898 = tpu.vector_load_idx %arg11[%add3A_1897] : memref<8192xf32, #tpu.memory_space<vmem>>[vector<16xi32>], vector<16xf32>,
    %mul3A_1899 = arith.constant 0 : i32
    %mul3A_1900 = vector.broadcast %mul3A_1899 : i32 to vector<16xi32>
    %mul3A_1901 = arith.muli %iota3A, %mul3A_1900 : vector<16xi32>
    %add3A_1902 = arith.constant 0 : i32
    %add3A_1903 = vector.broadcast %add3A_1902 : i32 to vector<16xi32>
    %add3A_1904 = arith.addi %mul3A_1901, %add3A_1903 : vector<16xi32>
    tpu.vector_store_idx %arg13[%add3A_1894, %add3A_1904], %gather3A_1898 : memref<128x4xf32, #tpu.memory_space<vmem>>[vector<16xi32>, vector<16xi32>], vector<16xf32>,
    %add3A_1905 = arith.constant 1 : i32
    %add3A_1906 = vector.broadcast %add3A_1905 : i32 to vector<16xi32>
    %add3A_1907 = arith.addi %mul3A_1891, %add3A_1906 : vector<16xi32>
    %gather3A_1908 = tpu.vector_load_idx %arg11[%add3A_1907] : memref<8192xf32, #tpu.memory_space<vmem>>[vector<16xi32>], vector<16xf32>,
    %mul3A_1909 = arith.constant 0 : i32
    %mul3A_1910 = vector.broadcast %mul3A_1909 : i32 to vector<16xi32>
    %mul3A_1911 = arith.muli %iota3A, %mul3A_1910 : vector<16xi32>
    %add3A_1912 = arith.constant 1 : i32
    %add3A_1913 = vector.broadcast %add3A_1912 : i32 to vector<16xi32>
    %add3A_1914 = arith.addi %mul3A_1911, %add3A_1913 : vector<16xi32>
    tpu.vector_store_idx %arg13[%add3A_1894, %add3A_1914], %gather3A_1908 : memref<128x4xf32, #tpu.memory_space<vmem>>[vector<16xi32>, vector<16xi32>], vector<16xf32>,
    %add3A_1915 = arith.constant 2 : i32
    %add3A_1916 = vector.broadcast %add3A_1915 : i32 to vector<16xi32>
    %add3A_1917 = arith.addi %mul3A_1891, %add3A_1916 : vector<16xi32>
    %gather3A_1918 = tpu.vector_load_idx %arg11[%add3A_1917] : memref<8192xf32, #tpu.memory_space<vmem>>[vector<16xi32>], vector<16xf32>,
    %mul3A_1919 = arith.constant 0 : i32
    %mul3A_1920 = vector.broadcast %mul3A_1919 : i32 to vector<16xi32>
    %mul3A_1921 = arith.muli %iota3A, %mul3A_1920 : vector<16xi32>
    %add3A_1922 = arith.constant 2 : i32
    %add3A_1923 = vector.broadcast %add3A_1922 : i32 to vector<16xi32>
    %add3A_1924 = arith.addi %mul3A_1921, %add3A_1923 : vector<16xi32>
    tpu.vector_store_idx %arg13[%add3A_1894, %add3A_1924], %gather3A_1918 : memref<128x4xf32, #tpu.memory_space<vmem>>[vector<16xi32>, vector<16xi32>], vector<16xf32>,
    %get3A_1925 = arith.constant 112 : index
    %get3A_1926 = tpu.vector_load %arg8[%get3A_1925] {strides = array<i32>} : memref<128xi32, #tpu.memory_space<vmem>>, vector<16xi32>,
    %mul3A_1927 = arith.constant 4 : i32
    %mul3A_1928 = vector.broadcast %mul3A_1927 : i32 to vector<16xi32>
    %mul3A_1929 = arith.muli %get3A_1926, %mul3A_1928 : vector<16xi32>
    %add3A_1930 = arith.constant 112 : i32
    %add3A_1931 = vector.broadcast %add3A_1930 : i32 to vector<16xi32>
    %add3A_1932 = arith.addi %iota3A, %add3A_1931 : vector<16xi32>
    %add3A_1933 = arith.constant 0 : i32
    %add3A_1934 = vector.broadcast %add3A_1933 : i32 to vector<16xi32>
    %add3A_1935 = arith.addi %mul3A_1929, %add3A_1934 : vector<16xi32>
    %gather3A_1936 = tpu.vector_load_idx %arg11[%add3A_1935] : memref<8192xf32, #tpu.memory_space<vmem>>[vector<16xi32>], vector<16xf32>,
    %mul3A_1937 = arith.constant 0 : i32
    %mul3A_1938 = vector.broadcast %mul3A_1937 : i32 to vector<16xi32>
    %mul3A_1939 = arith.muli %iota3A, %mul3A_1938 : vector<16xi32>
    %add3A_1940 = arith.constant 0 : i32
    %add3A_1941 = vector.broadcast %add3A_1940 : i32 to vector<16xi32>
    %add3A_1942 = arith.addi %mul3A_1939, %add3A_1941 : vector<16xi32>
    tpu.vector_store_idx %arg13[%add3A_1932, %add3A_1942], %gather3A_1936 : memref<128x4xf32, #tpu.memory_space<vmem>>[vector<16xi32>, vector<16xi32>], vector<16xf32>,
    %add3A_1943 = arith.constant 1 : i32
    %add3A_1944 = vector.broadcast %add3A_1943 : i32 to vector<16xi32>
    %add3A_1945 = arith.addi %mul3A_1929, %add3A_1944 : vector<16xi32>
    %gather3A_1946 = tpu.vector_load_idx %arg11[%add3A_1945] : memref<8192xf32, #tpu.memory_space<vmem>>[vector<16xi32>], vector<16xf32>,
    %mul3A_1947 = arith.constant 0 : i32
    %mul3A_1948 = vector.broadcast %mul3A_1947 : i32 to vector<16xi32>
    %mul3A_1949 = arith.muli %iota3A, %mul3A_1948 : vector<16xi32>
    %add3A_1950 = arith.constant 1 : i32
    %add3A_1951 = vector.broadcast %add3A_1950 : i32 to vector<16xi32>
    %add3A_1952 = arith.addi %mul3A_1949, %add3A_1951 : vector<16xi32>
    tpu.vector_store_idx %arg13[%add3A_1932, %add3A_1952], %gather3A_1946 : memref<128x4xf32, #tpu.memory_space<vmem>>[vector<16xi32>, vector<16xi32>], vector<16xf32>,
    %add3A_1953 = arith.constant 2 : i32
    %add3A_1954 = vector.broadcast %add3A_1953 : i32 to vector<16xi32>
    %add3A_1955 = arith.addi %mul3A_1929, %add3A_1954 : vector<16xi32>
    %gather3A_1956 = tpu.vector_load_idx %arg11[%add3A_1955] : memref<8192xf32, #tpu.memory_space<vmem>>[vector<16xi32>], vector<16xf32>,
    %mul3A_1957 = arith.constant 0 : i32
    %mul3A_1958 = vector.broadcast %mul3A_1957 : i32 to vector<16xi32>
    %mul3A_1959 = arith.muli %iota3A, %mul3A_1958 : vector<16xi32>
    %add3A_1960 = arith.constant 2 : i32
    %add3A_1961 = vector.broadcast %add3A_1960 : i32 to vector<16xi32>
    %add3A_1962 = arith.addi %mul3A_1959, %add3A_1961 : vector<16xi32>
    tpu.vector_store_idx %arg13[%add3A_1932, %add3A_1962], %gather3A_1956 : memref<128x4xf32, #tpu.memory_space<vmem>>[vector<16xi32>, vector<16xi32>], vector<16xf32>,
    %dma_wait3A_1963 = arith.constant 0 : i32
    %dma_wait3A_1964 = arith.constant 0 : i32
    %dma_wait3A_1965 = tpu.memref_slice %arg2[%dma_wait3A_1963, %dma_wait3A_1964] : memref<2048x256xf32, #tpu.memory_space<hbm>> -> memref<2048x256xf32, #tpu.memory_space<hbm>>
    tpu.wait_indirect_dma semaphore(%arg15 : memref<!tpu.dma_semaphore, #tpu.memory_space<semaphore_mem>>) src(%dma_wait3A_1965 : memref<2048x256xf32, #tpu.memory_space<hbm>>) dst(%arg10 : memref<128x256xf32, #tpu.memory_space<vmem>>)
    %add3A_1966 = arith.constant 640 : i32
    %add3A_1967 = arith.addi %mul3A_2, %add3A_1966 : i32
    %dma_start3A_1968 = arith.constant 0 : i32
    %dma_start3A_1969 = tpu.memref_slice %arg5[%add3A_1967, %dma_start3A_1968] : memref<32768x256xf32, #tpu.memory_space<hbm>> -> memref<128x256xf32, #tpu.memory_space<hbm>>
    %dma_start3A_1970 = arith.constant 0 : i32
    %dma_start3A_1971 = tpu.memref_slice %arg5[%add3A_1967, %dma_start3A_1970] : memref<32768x256xf32, #tpu.memory_space<hbm>> -> memref<128x256xf32, #tpu.memory_space<hbm>>
    tpu.enqueue_dma source(%arg10 : memref<128x256xf32, #tpu.memory_space<vmem>>) target(%dma_start3A_1971 : memref<128x256xf32, #tpu.memory_space<hbm>>) target_semaphore(%arg17 : memref<!tpu.dma_semaphore, #tpu.memory_space<semaphore_mem>>)
    %dma_start3A_1972 = arith.constant 0 : i32
    %dma_start3A_1973 = tpu.memref_slice %arg6[%add3A_1967, %dma_start3A_1972] : memref<32768x4xf32, #tpu.memory_space<hbm>> -> memref<128x4xf32, #tpu.memory_space<hbm>>
    %dma_start3A_1974 = arith.constant 0 : i32
    %dma_start3A_1975 = tpu.memref_slice %arg6[%add3A_1967, %dma_start3A_1974] : memref<32768x4xf32, #tpu.memory_space<hbm>> -> memref<128x4xf32, #tpu.memory_space<hbm>>
    tpu.enqueue_dma source(%arg13 : memref<128x4xf32, #tpu.memory_space<vmem>>) target(%dma_start3A_1975 : memref<128x4xf32, #tpu.memory_space<hbm>>) target_semaphore(%arg17 : memref<!tpu.dma_semaphore, #tpu.memory_space<semaphore_mem>>)
    %dma_wait3A_1976 = arith.constant 0 : i32
    %dma_wait3A_1977 = tpu.memref_slice %arg5[%add3A_1967, %dma_wait3A_1976] : memref<32768x256xf32, #tpu.memory_space<hbm>> -> memref<128x256xf32, #tpu.memory_space<hbm>>
    %dma_wait3A_1978 = arith.constant 0 : i32
    %dma_wait3A_1979 = tpu.memref_slice %arg5[%add3A_1967, %dma_wait3A_1978] : memref<32768x256xf32, #tpu.memory_space<hbm>> -> memref<128x256xf32, #tpu.memory_space<hbm>>
    tpu.wait_dma2 semaphore(%arg17 : memref<!tpu.dma_semaphore, #tpu.memory_space<semaphore_mem>>) src(%arg10 : memref<128x256xf32, #tpu.memory_space<vmem>>) dst(%dma_wait3A_1979 : memref<128x256xf32, #tpu.memory_space<hbm>>)
    %dma_wait3A_1980 = arith.constant 0 : i32
    %dma_wait3A_1981 = tpu.memref_slice %arg6[%add3A_1967, %dma_wait3A_1980] : memref<32768x4xf32, #tpu.memory_space<hbm>> -> memref<128x4xf32, #tpu.memory_space<hbm>>
    %dma_wait3A_1982 = arith.constant 0 : i32
    %dma_wait3A_1983 = tpu.memref_slice %arg6[%add3A_1967, %dma_wait3A_1982] : memref<32768x4xf32, #tpu.memory_space<hbm>> -> memref<128x4xf32, #tpu.memory_space<hbm>>
    tpu.wait_dma2 semaphore(%arg17 : memref<!tpu.dma_semaphore, #tpu.memory_space<semaphore_mem>>) src(%arg13 : memref<128x4xf32, #tpu.memory_space<vmem>>) dst(%dma_wait3A_1983 : memref<128x4xf32, #tpu.memory_space<hbm>>)
    %add3A_1984 = arith.constant 896 : i32
    %add3A_1985 = arith.addi %mul3A_2, %add3A_1984 : i32
    "tpu.region"() ({
      %run_scoped3A = tpu.sem_alloc : memref<!tpu.dma_semaphore, #tpu.memory_space<semaphore_mem>>
      %dma_start3A_2639 = tpu.memref_slice %arg4[%add3A_1985] : memref<32768xi32, #tpu.memory_space<hbm>> -> memref<128xi32, #tpu.memory_space<hbm>>
      %dma_start3A_2640 = tpu.memref_slice %arg4[%add3A_1985] : memref<32768xi32, #tpu.memory_space<hbm>> -> memref<128xi32, #tpu.memory_space<hbm>>
      tpu.enqueue_dma source(%dma_start3A_2640 : memref<128xi32, #tpu.memory_space<hbm>>) target(%arg8 : memref<128xi32, #tpu.memory_space<vmem>>) target_semaphore(%run_scoped3A : memref<!tpu.dma_semaphore, #tpu.memory_space<semaphore_mem>>)
      %dma_wait3A_2641 = tpu.memref_slice %arg4[%add3A_1985] : memref<32768xi32, #tpu.memory_space<hbm>> -> memref<128xi32, #tpu.memory_space<hbm>>
      %dma_wait3A_2642 = tpu.memref_slice %arg4[%add3A_1985] : memref<32768xi32, #tpu.memory_space<hbm>> -> memref<128xi32, #tpu.memory_space<hbm>>
      tpu.wait_dma2 semaphore(%run_scoped3A : memref<!tpu.dma_semaphore, #tpu.memory_space<semaphore_mem>>) src(%dma_wait3A_2642 : memref<128xi32, #tpu.memory_space<hbm>>) dst(%arg8 : memref<128xi32, #tpu.memory_space<vmem>>)
      tpu.yield
    }) : () -> ()
    %dma_start3A_1986 = arith.constant 0 : i32
    %dma_start3A_1987 = arith.constant 0 : i32
    %dma_start3A_1988 = tpu.memref_slice %arg2[%dma_start3A_1986, %dma_start3A_1987] : memref<2048x256xf32, #tpu.memory_space<hbm>> -> memref<2048x256xf32, #tpu.memory_space<hbm>>
    tpu.enqueue_indirect_dma source(%dma_start3A_1988 : memref<2048x256xf32, #tpu.memory_space<hbm>>) target(%arg10 : memref<128x256xf32, #tpu.memory_space<vmem>>) offsets(%arg8 : memref<128xi32, #tpu.memory_space<vmem>>) semaphore(%arg15 : memref<!tpu.dma_semaphore, #tpu.memory_space<semaphore_mem>>)
    %get3A_1989 = arith.constant 0 : index
    %get3A_1990 = tpu.vector_load %arg7[%get3A_1989] {strides = array<i32>} : memref<128xi32, #tpu.memory_space<vmem>>, vector<16xi32>,
    %mul3A_1991 = arith.constant 4 : i32
    %mul3A_1992 = vector.broadcast %mul3A_1991 : i32 to vector<16xi32>
    %mul3A_1993 = arith.muli %get3A_1990, %mul3A_1992 : vector<16xi32>
    %add3A_1994 = arith.constant 0 : i32
    %add3A_1995 = vector.broadcast %add3A_1994 : i32 to vector<16xi32>
    %add3A_1996 = arith.addi %iota3A, %add3A_1995 : vector<16xi32>
    %add3A_1997 = arith.constant 0 : i32
    %add3A_1998 = vector.broadcast %add3A_1997 : i32 to vector<16xi32>
    %add3A_1999 = arith.addi %mul3A_1993, %add3A_1998 : vector<16xi32>
    %gather3A_2000 = tpu.vector_load_idx %arg11[%add3A_1999] : memref<8192xf32, #tpu.memory_space<vmem>>[vector<16xi32>], vector<16xf32>,
    %mul3A_2001 = arith.constant 0 : i32
    %mul3A_2002 = vector.broadcast %mul3A_2001 : i32 to vector<16xi32>
    %mul3A_2003 = arith.muli %iota3A, %mul3A_2002 : vector<16xi32>
    %add3A_2004 = arith.constant 0 : i32
    %add3A_2005 = vector.broadcast %add3A_2004 : i32 to vector<16xi32>
    %add3A_2006 = arith.addi %mul3A_2003, %add3A_2005 : vector<16xi32>
    tpu.vector_store_idx %arg12[%add3A_1996, %add3A_2006], %gather3A_2000 : memref<128x4xf32, #tpu.memory_space<vmem>>[vector<16xi32>, vector<16xi32>], vector<16xf32>,
    %add3A_2007 = arith.constant 1 : i32
    %add3A_2008 = vector.broadcast %add3A_2007 : i32 to vector<16xi32>
    %add3A_2009 = arith.addi %mul3A_1993, %add3A_2008 : vector<16xi32>
    %gather3A_2010 = tpu.vector_load_idx %arg11[%add3A_2009] : memref<8192xf32, #tpu.memory_space<vmem>>[vector<16xi32>], vector<16xf32>,
    %mul3A_2011 = arith.constant 0 : i32
    %mul3A_2012 = vector.broadcast %mul3A_2011 : i32 to vector<16xi32>
    %mul3A_2013 = arith.muli %iota3A, %mul3A_2012 : vector<16xi32>
    %add3A_2014 = arith.constant 1 : i32
    %add3A_2015 = vector.broadcast %add3A_2014 : i32 to vector<16xi32>
    %add3A_2016 = arith.addi %mul3A_2013, %add3A_2015 : vector<16xi32>
    tpu.vector_store_idx %arg12[%add3A_1996, %add3A_2016], %gather3A_2010 : memref<128x4xf32, #tpu.memory_space<vmem>>[vector<16xi32>, vector<16xi32>], vector<16xf32>,
    %add3A_2017 = arith.constant 2 : i32
    %add3A_2018 = vector.broadcast %add3A_2017 : i32 to vector<16xi32>
    %add3A_2019 = arith.addi %mul3A_1993, %add3A_2018 : vector<16xi32>
    %gather3A_2020 = tpu.vector_load_idx %arg11[%add3A_2019] : memref<8192xf32, #tpu.memory_space<vmem>>[vector<16xi32>], vector<16xf32>,
    %mul3A_2021 = arith.constant 0 : i32
    %mul3A_2022 = vector.broadcast %mul3A_2021 : i32 to vector<16xi32>
    %mul3A_2023 = arith.muli %iota3A, %mul3A_2022 : vector<16xi32>
    %add3A_2024 = arith.constant 2 : i32
    %add3A_2025 = vector.broadcast %add3A_2024 : i32 to vector<16xi32>
    %add3A_2026 = arith.addi %mul3A_2023, %add3A_2025 : vector<16xi32>
    tpu.vector_store_idx %arg12[%add3A_1996, %add3A_2026], %gather3A_2020 : memref<128x4xf32, #tpu.memory_space<vmem>>[vector<16xi32>, vector<16xi32>], vector<16xf32>,
    %get3A_2027 = arith.constant 16 : index
    %get3A_2028 = tpu.vector_load %arg7[%get3A_2027] {strides = array<i32>} : memref<128xi32, #tpu.memory_space<vmem>>, vector<16xi32>,
    %mul3A_2029 = arith.constant 4 : i32
    %mul3A_2030 = vector.broadcast %mul3A_2029 : i32 to vector<16xi32>
    %mul3A_2031 = arith.muli %get3A_2028, %mul3A_2030 : vector<16xi32>
    %add3A_2032 = arith.constant 16 : i32
    %add3A_2033 = vector.broadcast %add3A_2032 : i32 to vector<16xi32>
    %add3A_2034 = arith.addi %iota3A, %add3A_2033 : vector<16xi32>
    %add3A_2035 = arith.constant 0 : i32
    %add3A_2036 = vector.broadcast %add3A_2035 : i32 to vector<16xi32>
    %add3A_2037 = arith.addi %mul3A_2031, %add3A_2036 : vector<16xi32>
    %gather3A_2038 = tpu.vector_load_idx %arg11[%add3A_2037] : memref<8192xf32, #tpu.memory_space<vmem>>[vector<16xi32>], vector<16xf32>,
    %mul3A_2039 = arith.constant 0 : i32
    %mul3A_2040 = vector.broadcast %mul3A_2039 : i32 to vector<16xi32>
    %mul3A_2041 = arith.muli %iota3A, %mul3A_2040 : vector<16xi32>
    %add3A_2042 = arith.constant 0 : i32
    %add3A_2043 = vector.broadcast %add3A_2042 : i32 to vector<16xi32>
    %add3A_2044 = arith.addi %mul3A_2041, %add3A_2043 : vector<16xi32>
    tpu.vector_store_idx %arg12[%add3A_2034, %add3A_2044], %gather3A_2038 : memref<128x4xf32, #tpu.memory_space<vmem>>[vector<16xi32>, vector<16xi32>], vector<16xf32>,
    %add3A_2045 = arith.constant 1 : i32
    %add3A_2046 = vector.broadcast %add3A_2045 : i32 to vector<16xi32>
    %add3A_2047 = arith.addi %mul3A_2031, %add3A_2046 : vector<16xi32>
    %gather3A_2048 = tpu.vector_load_idx %arg11[%add3A_2047] : memref<8192xf32, #tpu.memory_space<vmem>>[vector<16xi32>], vector<16xf32>,
    %mul3A_2049 = arith.constant 0 : i32
    %mul3A_2050 = vector.broadcast %mul3A_2049 : i32 to vector<16xi32>
    %mul3A_2051 = arith.muli %iota3A, %mul3A_2050 : vector<16xi32>
    %add3A_2052 = arith.constant 1 : i32
    %add3A_2053 = vector.broadcast %add3A_2052 : i32 to vector<16xi32>
    %add3A_2054 = arith.addi %mul3A_2051, %add3A_2053 : vector<16xi32>
    tpu.vector_store_idx %arg12[%add3A_2034, %add3A_2054], %gather3A_2048 : memref<128x4xf32, #tpu.memory_space<vmem>>[vector<16xi32>, vector<16xi32>], vector<16xf32>,
    %add3A_2055 = arith.constant 2 : i32
    %add3A_2056 = vector.broadcast %add3A_2055 : i32 to vector<16xi32>
    %add3A_2057 = arith.addi %mul3A_2031, %add3A_2056 : vector<16xi32>
    %gather3A_2058 = tpu.vector_load_idx %arg11[%add3A_2057] : memref<8192xf32, #tpu.memory_space<vmem>>[vector<16xi32>], vector<16xf32>,
    %mul3A_2059 = arith.constant 0 : i32
    %mul3A_2060 = vector.broadcast %mul3A_2059 : i32 to vector<16xi32>
    %mul3A_2061 = arith.muli %iota3A, %mul3A_2060 : vector<16xi32>
    %add3A_2062 = arith.constant 2 : i32
    %add3A_2063 = vector.broadcast %add3A_2062 : i32 to vector<16xi32>
    %add3A_2064 = arith.addi %mul3A_2061, %add3A_2063 : vector<16xi32>
    tpu.vector_store_idx %arg12[%add3A_2034, %add3A_2064], %gather3A_2058 : memref<128x4xf32, #tpu.memory_space<vmem>>[vector<16xi32>, vector<16xi32>], vector<16xf32>,
    %get3A_2065 = arith.constant 32 : index
    %get3A_2066 = tpu.vector_load %arg7[%get3A_2065] {strides = array<i32>} : memref<128xi32, #tpu.memory_space<vmem>>, vector<16xi32>,
    %mul3A_2067 = arith.constant 4 : i32
    %mul3A_2068 = vector.broadcast %mul3A_2067 : i32 to vector<16xi32>
    %mul3A_2069 = arith.muli %get3A_2066, %mul3A_2068 : vector<16xi32>
    %add3A_2070 = arith.constant 32 : i32
    %add3A_2071 = vector.broadcast %add3A_2070 : i32 to vector<16xi32>
    %add3A_2072 = arith.addi %iota3A, %add3A_2071 : vector<16xi32>
    %add3A_2073 = arith.constant 0 : i32
    %add3A_2074 = vector.broadcast %add3A_2073 : i32 to vector<16xi32>
    %add3A_2075 = arith.addi %mul3A_2069, %add3A_2074 : vector<16xi32>
    %gather3A_2076 = tpu.vector_load_idx %arg11[%add3A_2075] : memref<8192xf32, #tpu.memory_space<vmem>>[vector<16xi32>], vector<16xf32>,
    %mul3A_2077 = arith.constant 0 : i32
    %mul3A_2078 = vector.broadcast %mul3A_2077 : i32 to vector<16xi32>
    %mul3A_2079 = arith.muli %iota3A, %mul3A_2078 : vector<16xi32>
    %add3A_2080 = arith.constant 0 : i32
    %add3A_2081 = vector.broadcast %add3A_2080 : i32 to vector<16xi32>
    %add3A_2082 = arith.addi %mul3A_2079, %add3A_2081 : vector<16xi32>
    tpu.vector_store_idx %arg12[%add3A_2072, %add3A_2082], %gather3A_2076 : memref<128x4xf32, #tpu.memory_space<vmem>>[vector<16xi32>, vector<16xi32>], vector<16xf32>,
    %add3A_2083 = arith.constant 1 : i32
    %add3A_2084 = vector.broadcast %add3A_2083 : i32 to vector<16xi32>
    %add3A_2085 = arith.addi %mul3A_2069, %add3A_2084 : vector<16xi32>
    %gather3A_2086 = tpu.vector_load_idx %arg11[%add3A_2085] : memref<8192xf32, #tpu.memory_space<vmem>>[vector<16xi32>], vector<16xf32>,
    %mul3A_2087 = arith.constant 0 : i32
    %mul3A_2088 = vector.broadcast %mul3A_2087 : i32 to vector<16xi32>
    %mul3A_2089 = arith.muli %iota3A, %mul3A_2088 : vector<16xi32>
    %add3A_2090 = arith.constant 1 : i32
    %add3A_2091 = vector.broadcast %add3A_2090 : i32 to vector<16xi32>
    %add3A_2092 = arith.addi %mul3A_2089, %add3A_2091 : vector<16xi32>
    tpu.vector_store_idx %arg12[%add3A_2072, %add3A_2092], %gather3A_2086 : memref<128x4xf32, #tpu.memory_space<vmem>>[vector<16xi32>, vector<16xi32>], vector<16xf32>,
    %add3A_2093 = arith.constant 2 : i32
    %add3A_2094 = vector.broadcast %add3A_2093 : i32 to vector<16xi32>
    %add3A_2095 = arith.addi %mul3A_2069, %add3A_2094 : vector<16xi32>
    %gather3A_2096 = tpu.vector_load_idx %arg11[%add3A_2095] : memref<8192xf32, #tpu.memory_space<vmem>>[vector<16xi32>], vector<16xf32>,
    %mul3A_2097 = arith.constant 0 : i32
    %mul3A_2098 = vector.broadcast %mul3A_2097 : i32 to vector<16xi32>
    %mul3A_2099 = arith.muli %iota3A, %mul3A_2098 : vector<16xi32>
    %add3A_2100 = arith.constant 2 : i32
    %add3A_2101 = vector.broadcast %add3A_2100 : i32 to vector<16xi32>
    %add3A_2102 = arith.addi %mul3A_2099, %add3A_2101 : vector<16xi32>
    tpu.vector_store_idx %arg12[%add3A_2072, %add3A_2102], %gather3A_2096 : memref<128x4xf32, #tpu.memory_space<vmem>>[vector<16xi32>, vector<16xi32>], vector<16xf32>,
    %get3A_2103 = arith.constant 48 : index
    %get3A_2104 = tpu.vector_load %arg7[%get3A_2103] {strides = array<i32>} : memref<128xi32, #tpu.memory_space<vmem>>, vector<16xi32>,
    %mul3A_2105 = arith.constant 4 : i32
    %mul3A_2106 = vector.broadcast %mul3A_2105 : i32 to vector<16xi32>
    %mul3A_2107 = arith.muli %get3A_2104, %mul3A_2106 : vector<16xi32>
    %add3A_2108 = arith.constant 48 : i32
    %add3A_2109 = vector.broadcast %add3A_2108 : i32 to vector<16xi32>
    %add3A_2110 = arith.addi %iota3A, %add3A_2109 : vector<16xi32>
    %add3A_2111 = arith.constant 0 : i32
    %add3A_2112 = vector.broadcast %add3A_2111 : i32 to vector<16xi32>
    %add3A_2113 = arith.addi %mul3A_2107, %add3A_2112 : vector<16xi32>
    %gather3A_2114 = tpu.vector_load_idx %arg11[%add3A_2113] : memref<8192xf32, #tpu.memory_space<vmem>>[vector<16xi32>], vector<16xf32>,
    %mul3A_2115 = arith.constant 0 : i32
    %mul3A_2116 = vector.broadcast %mul3A_2115 : i32 to vector<16xi32>
    %mul3A_2117 = arith.muli %iota3A, %mul3A_2116 : vector<16xi32>
    %add3A_2118 = arith.constant 0 : i32
    %add3A_2119 = vector.broadcast %add3A_2118 : i32 to vector<16xi32>
    %add3A_2120 = arith.addi %mul3A_2117, %add3A_2119 : vector<16xi32>
    tpu.vector_store_idx %arg12[%add3A_2110, %add3A_2120], %gather3A_2114 : memref<128x4xf32, #tpu.memory_space<vmem>>[vector<16xi32>, vector<16xi32>], vector<16xf32>,
    %add3A_2121 = arith.constant 1 : i32
    %add3A_2122 = vector.broadcast %add3A_2121 : i32 to vector<16xi32>
    %add3A_2123 = arith.addi %mul3A_2107, %add3A_2122 : vector<16xi32>
    %gather3A_2124 = tpu.vector_load_idx %arg11[%add3A_2123] : memref<8192xf32, #tpu.memory_space<vmem>>[vector<16xi32>], vector<16xf32>,
    %mul3A_2125 = arith.constant 0 : i32
    %mul3A_2126 = vector.broadcast %mul3A_2125 : i32 to vector<16xi32>
    %mul3A_2127 = arith.muli %iota3A, %mul3A_2126 : vector<16xi32>
    %add3A_2128 = arith.constant 1 : i32
    %add3A_2129 = vector.broadcast %add3A_2128 : i32 to vector<16xi32>
    %add3A_2130 = arith.addi %mul3A_2127, %add3A_2129 : vector<16xi32>
    tpu.vector_store_idx %arg12[%add3A_2110, %add3A_2130], %gather3A_2124 : memref<128x4xf32, #tpu.memory_space<vmem>>[vector<16xi32>, vector<16xi32>], vector<16xf32>,
    %add3A_2131 = arith.constant 2 : i32
    %add3A_2132 = vector.broadcast %add3A_2131 : i32 to vector<16xi32>
    %add3A_2133 = arith.addi %mul3A_2107, %add3A_2132 : vector<16xi32>
    %gather3A_2134 = tpu.vector_load_idx %arg11[%add3A_2133] : memref<8192xf32, #tpu.memory_space<vmem>>[vector<16xi32>], vector<16xf32>,
    %mul3A_2135 = arith.constant 0 : i32
    %mul3A_2136 = vector.broadcast %mul3A_2135 : i32 to vector<16xi32>
    %mul3A_2137 = arith.muli %iota3A, %mul3A_2136 : vector<16xi32>
    %add3A_2138 = arith.constant 2 : i32
    %add3A_2139 = vector.broadcast %add3A_2138 : i32 to vector<16xi32>
    %add3A_2140 = arith.addi %mul3A_2137, %add3A_2139 : vector<16xi32>
    tpu.vector_store_idx %arg12[%add3A_2110, %add3A_2140], %gather3A_2134 : memref<128x4xf32, #tpu.memory_space<vmem>>[vector<16xi32>, vector<16xi32>], vector<16xf32>,
    %get3A_2141 = arith.constant 64 : index
    %get3A_2142 = tpu.vector_load %arg7[%get3A_2141] {strides = array<i32>} : memref<128xi32, #tpu.memory_space<vmem>>, vector<16xi32>,
    %mul3A_2143 = arith.constant 4 : i32
    %mul3A_2144 = vector.broadcast %mul3A_2143 : i32 to vector<16xi32>
    %mul3A_2145 = arith.muli %get3A_2142, %mul3A_2144 : vector<16xi32>
    %add3A_2146 = arith.constant 64 : i32
    %add3A_2147 = vector.broadcast %add3A_2146 : i32 to vector<16xi32>
    %add3A_2148 = arith.addi %iota3A, %add3A_2147 : vector<16xi32>
    %add3A_2149 = arith.constant 0 : i32
    %add3A_2150 = vector.broadcast %add3A_2149 : i32 to vector<16xi32>
    %add3A_2151 = arith.addi %mul3A_2145, %add3A_2150 : vector<16xi32>
    %gather3A_2152 = tpu.vector_load_idx %arg11[%add3A_2151] : memref<8192xf32, #tpu.memory_space<vmem>>[vector<16xi32>], vector<16xf32>,
    %mul3A_2153 = arith.constant 0 : i32
    %mul3A_2154 = vector.broadcast %mul3A_2153 : i32 to vector<16xi32>
    %mul3A_2155 = arith.muli %iota3A, %mul3A_2154 : vector<16xi32>
    %add3A_2156 = arith.constant 0 : i32
    %add3A_2157 = vector.broadcast %add3A_2156 : i32 to vector<16xi32>
    %add3A_2158 = arith.addi %mul3A_2155, %add3A_2157 : vector<16xi32>
    tpu.vector_store_idx %arg12[%add3A_2148, %add3A_2158], %gather3A_2152 : memref<128x4xf32, #tpu.memory_space<vmem>>[vector<16xi32>, vector<16xi32>], vector<16xf32>,
    %add3A_2159 = arith.constant 1 : i32
    %add3A_2160 = vector.broadcast %add3A_2159 : i32 to vector<16xi32>
    %add3A_2161 = arith.addi %mul3A_2145, %add3A_2160 : vector<16xi32>
    %gather3A_2162 = tpu.vector_load_idx %arg11[%add3A_2161] : memref<8192xf32, #tpu.memory_space<vmem>>[vector<16xi32>], vector<16xf32>,
    %mul3A_2163 = arith.constant 0 : i32
    %mul3A_2164 = vector.broadcast %mul3A_2163 : i32 to vector<16xi32>
    %mul3A_2165 = arith.muli %iota3A, %mul3A_2164 : vector<16xi32>
    %add3A_2166 = arith.constant 1 : i32
    %add3A_2167 = vector.broadcast %add3A_2166 : i32 to vector<16xi32>
    %add3A_2168 = arith.addi %mul3A_2165, %add3A_2167 : vector<16xi32>
    tpu.vector_store_idx %arg12[%add3A_2148, %add3A_2168], %gather3A_2162 : memref<128x4xf32, #tpu.memory_space<vmem>>[vector<16xi32>, vector<16xi32>], vector<16xf32>,
    %add3A_2169 = arith.constant 2 : i32
    %add3A_2170 = vector.broadcast %add3A_2169 : i32 to vector<16xi32>
    %add3A_2171 = arith.addi %mul3A_2145, %add3A_2170 : vector<16xi32>
    %gather3A_2172 = tpu.vector_load_idx %arg11[%add3A_2171] : memref<8192xf32, #tpu.memory_space<vmem>>[vector<16xi32>], vector<16xf32>,
    %mul3A_2173 = arith.constant 0 : i32
    %mul3A_2174 = vector.broadcast %mul3A_2173 : i32 to vector<16xi32>
    %mul3A_2175 = arith.muli %iota3A, %mul3A_2174 : vector<16xi32>
    %add3A_2176 = arith.constant 2 : i32
    %add3A_2177 = vector.broadcast %add3A_2176 : i32 to vector<16xi32>
    %add3A_2178 = arith.addi %mul3A_2175, %add3A_2177 : vector<16xi32>
    tpu.vector_store_idx %arg12[%add3A_2148, %add3A_2178], %gather3A_2172 : memref<128x4xf32, #tpu.memory_space<vmem>>[vector<16xi32>, vector<16xi32>], vector<16xf32>,
    %get3A_2179 = arith.constant 80 : index
    %get3A_2180 = tpu.vector_load %arg7[%get3A_2179] {strides = array<i32>} : memref<128xi32, #tpu.memory_space<vmem>>, vector<16xi32>,
    %mul3A_2181 = arith.constant 4 : i32
    %mul3A_2182 = vector.broadcast %mul3A_2181 : i32 to vector<16xi32>
    %mul3A_2183 = arith.muli %get3A_2180, %mul3A_2182 : vector<16xi32>
    %add3A_2184 = arith.constant 80 : i32
    %add3A_2185 = vector.broadcast %add3A_2184 : i32 to vector<16xi32>
    %add3A_2186 = arith.addi %iota3A, %add3A_2185 : vector<16xi32>
    %add3A_2187 = arith.constant 0 : i32
    %add3A_2188 = vector.broadcast %add3A_2187 : i32 to vector<16xi32>
    %add3A_2189 = arith.addi %mul3A_2183, %add3A_2188 : vector<16xi32>
    %gather3A_2190 = tpu.vector_load_idx %arg11[%add3A_2189] : memref<8192xf32, #tpu.memory_space<vmem>>[vector<16xi32>], vector<16xf32>,
    %mul3A_2191 = arith.constant 0 : i32
    %mul3A_2192 = vector.broadcast %mul3A_2191 : i32 to vector<16xi32>
    %mul3A_2193 = arith.muli %iota3A, %mul3A_2192 : vector<16xi32>
    %add3A_2194 = arith.constant 0 : i32
    %add3A_2195 = vector.broadcast %add3A_2194 : i32 to vector<16xi32>
    %add3A_2196 = arith.addi %mul3A_2193, %add3A_2195 : vector<16xi32>
    tpu.vector_store_idx %arg12[%add3A_2186, %add3A_2196], %gather3A_2190 : memref<128x4xf32, #tpu.memory_space<vmem>>[vector<16xi32>, vector<16xi32>], vector<16xf32>,
    %add3A_2197 = arith.constant 1 : i32
    %add3A_2198 = vector.broadcast %add3A_2197 : i32 to vector<16xi32>
    %add3A_2199 = arith.addi %mul3A_2183, %add3A_2198 : vector<16xi32>
    %gather3A_2200 = tpu.vector_load_idx %arg11[%add3A_2199] : memref<8192xf32, #tpu.memory_space<vmem>>[vector<16xi32>], vector<16xf32>,
    %mul3A_2201 = arith.constant 0 : i32
    %mul3A_2202 = vector.broadcast %mul3A_2201 : i32 to vector<16xi32>
    %mul3A_2203 = arith.muli %iota3A, %mul3A_2202 : vector<16xi32>
    %add3A_2204 = arith.constant 1 : i32
    %add3A_2205 = vector.broadcast %add3A_2204 : i32 to vector<16xi32>
    %add3A_2206 = arith.addi %mul3A_2203, %add3A_2205 : vector<16xi32>
    tpu.vector_store_idx %arg12[%add3A_2186, %add3A_2206], %gather3A_2200 : memref<128x4xf32, #tpu.memory_space<vmem>>[vector<16xi32>, vector<16xi32>], vector<16xf32>,
    %add3A_2207 = arith.constant 2 : i32
    %add3A_2208 = vector.broadcast %add3A_2207 : i32 to vector<16xi32>
    %add3A_2209 = arith.addi %mul3A_2183, %add3A_2208 : vector<16xi32>
    %gather3A_2210 = tpu.vector_load_idx %arg11[%add3A_2209] : memref<8192xf32, #tpu.memory_space<vmem>>[vector<16xi32>], vector<16xf32>,
    %mul3A_2211 = arith.constant 0 : i32
    %mul3A_2212 = vector.broadcast %mul3A_2211 : i32 to vector<16xi32>
    %mul3A_2213 = arith.muli %iota3A, %mul3A_2212 : vector<16xi32>
    %add3A_2214 = arith.constant 2 : i32
    %add3A_2215 = vector.broadcast %add3A_2214 : i32 to vector<16xi32>
    %add3A_2216 = arith.addi %mul3A_2213, %add3A_2215 : vector<16xi32>
    tpu.vector_store_idx %arg12[%add3A_2186, %add3A_2216], %gather3A_2210 : memref<128x4xf32, #tpu.memory_space<vmem>>[vector<16xi32>, vector<16xi32>], vector<16xf32>,
    %get3A_2217 = arith.constant 96 : index
    %get3A_2218 = tpu.vector_load %arg7[%get3A_2217] {strides = array<i32>} : memref<128xi32, #tpu.memory_space<vmem>>, vector<16xi32>,
    %mul3A_2219 = arith.constant 4 : i32
    %mul3A_2220 = vector.broadcast %mul3A_2219 : i32 to vector<16xi32>
    %mul3A_2221 = arith.muli %get3A_2218, %mul3A_2220 : vector<16xi32>
    %add3A_2222 = arith.constant 96 : i32
    %add3A_2223 = vector.broadcast %add3A_2222 : i32 to vector<16xi32>
    %add3A_2224 = arith.addi %iota3A, %add3A_2223 : vector<16xi32>
    %add3A_2225 = arith.constant 0 : i32
    %add3A_2226 = vector.broadcast %add3A_2225 : i32 to vector<16xi32>
    %add3A_2227 = arith.addi %mul3A_2221, %add3A_2226 : vector<16xi32>
    %gather3A_2228 = tpu.vector_load_idx %arg11[%add3A_2227] : memref<8192xf32, #tpu.memory_space<vmem>>[vector<16xi32>], vector<16xf32>,
    %mul3A_2229 = arith.constant 0 : i32
    %mul3A_2230 = vector.broadcast %mul3A_2229 : i32 to vector<16xi32>
    %mul3A_2231 = arith.muli %iota3A, %mul3A_2230 : vector<16xi32>
    %add3A_2232 = arith.constant 0 : i32
    %add3A_2233 = vector.broadcast %add3A_2232 : i32 to vector<16xi32>
    %add3A_2234 = arith.addi %mul3A_2231, %add3A_2233 : vector<16xi32>
    tpu.vector_store_idx %arg12[%add3A_2224, %add3A_2234], %gather3A_2228 : memref<128x4xf32, #tpu.memory_space<vmem>>[vector<16xi32>, vector<16xi32>], vector<16xf32>,
    %add3A_2235 = arith.constant 1 : i32
    %add3A_2236 = vector.broadcast %add3A_2235 : i32 to vector<16xi32>
    %add3A_2237 = arith.addi %mul3A_2221, %add3A_2236 : vector<16xi32>
    %gather3A_2238 = tpu.vector_load_idx %arg11[%add3A_2237] : memref<8192xf32, #tpu.memory_space<vmem>>[vector<16xi32>], vector<16xf32>,
    %mul3A_2239 = arith.constant 0 : i32
    %mul3A_2240 = vector.broadcast %mul3A_2239 : i32 to vector<16xi32>
    %mul3A_2241 = arith.muli %iota3A, %mul3A_2240 : vector<16xi32>
    %add3A_2242 = arith.constant 1 : i32
    %add3A_2243 = vector.broadcast %add3A_2242 : i32 to vector<16xi32>
    %add3A_2244 = arith.addi %mul3A_2241, %add3A_2243 : vector<16xi32>
    tpu.vector_store_idx %arg12[%add3A_2224, %add3A_2244], %gather3A_2238 : memref<128x4xf32, #tpu.memory_space<vmem>>[vector<16xi32>, vector<16xi32>], vector<16xf32>,
    %add3A_2245 = arith.constant 2 : i32
    %add3A_2246 = vector.broadcast %add3A_2245 : i32 to vector<16xi32>
    %add3A_2247 = arith.addi %mul3A_2221, %add3A_2246 : vector<16xi32>
    %gather3A_2248 = tpu.vector_load_idx %arg11[%add3A_2247] : memref<8192xf32, #tpu.memory_space<vmem>>[vector<16xi32>], vector<16xf32>,
    %mul3A_2249 = arith.constant 0 : i32
    %mul3A_2250 = vector.broadcast %mul3A_2249 : i32 to vector<16xi32>
    %mul3A_2251 = arith.muli %iota3A, %mul3A_2250 : vector<16xi32>
    %add3A_2252 = arith.constant 2 : i32
    %add3A_2253 = vector.broadcast %add3A_2252 : i32 to vector<16xi32>
    %add3A_2254 = arith.addi %mul3A_2251, %add3A_2253 : vector<16xi32>
    tpu.vector_store_idx %arg12[%add3A_2224, %add3A_2254], %gather3A_2248 : memref<128x4xf32, #tpu.memory_space<vmem>>[vector<16xi32>, vector<16xi32>], vector<16xf32>,
    %get3A_2255 = arith.constant 112 : index
    %get3A_2256 = tpu.vector_load %arg7[%get3A_2255] {strides = array<i32>} : memref<128xi32, #tpu.memory_space<vmem>>, vector<16xi32>,
    %mul3A_2257 = arith.constant 4 : i32
    %mul3A_2258 = vector.broadcast %mul3A_2257 : i32 to vector<16xi32>
    %mul3A_2259 = arith.muli %get3A_2256, %mul3A_2258 : vector<16xi32>
    %add3A_2260 = arith.constant 112 : i32
    %add3A_2261 = vector.broadcast %add3A_2260 : i32 to vector<16xi32>
    %add3A_2262 = arith.addi %iota3A, %add3A_2261 : vector<16xi32>
    %add3A_2263 = arith.constant 0 : i32
    %add3A_2264 = vector.broadcast %add3A_2263 : i32 to vector<16xi32>
    %add3A_2265 = arith.addi %mul3A_2259, %add3A_2264 : vector<16xi32>
    %gather3A_2266 = tpu.vector_load_idx %arg11[%add3A_2265] : memref<8192xf32, #tpu.memory_space<vmem>>[vector<16xi32>], vector<16xf32>,
    %mul3A_2267 = arith.constant 0 : i32
    %mul3A_2268 = vector.broadcast %mul3A_2267 : i32 to vector<16xi32>
    %mul3A_2269 = arith.muli %iota3A, %mul3A_2268 : vector<16xi32>
    %add3A_2270 = arith.constant 0 : i32
    %add3A_2271 = vector.broadcast %add3A_2270 : i32 to vector<16xi32>
    %add3A_2272 = arith.addi %mul3A_2269, %add3A_2271 : vector<16xi32>
    tpu.vector_store_idx %arg12[%add3A_2262, %add3A_2272], %gather3A_2266 : memref<128x4xf32, #tpu.memory_space<vmem>>[vector<16xi32>, vector<16xi32>], vector<16xf32>,
    %add3A_2273 = arith.constant 1 : i32
    %add3A_2274 = vector.broadcast %add3A_2273 : i32 to vector<16xi32>
    %add3A_2275 = arith.addi %mul3A_2259, %add3A_2274 : vector<16xi32>
    %gather3A_2276 = tpu.vector_load_idx %arg11[%add3A_2275] : memref<8192xf32, #tpu.memory_space<vmem>>[vector<16xi32>], vector<16xf32>,
    %mul3A_2277 = arith.constant 0 : i32
    %mul3A_2278 = vector.broadcast %mul3A_2277 : i32 to vector<16xi32>
    %mul3A_2279 = arith.muli %iota3A, %mul3A_2278 : vector<16xi32>
    %add3A_2280 = arith.constant 1 : i32
    %add3A_2281 = vector.broadcast %add3A_2280 : i32 to vector<16xi32>
    %add3A_2282 = arith.addi %mul3A_2279, %add3A_2281 : vector<16xi32>
    tpu.vector_store_idx %arg12[%add3A_2262, %add3A_2282], %gather3A_2276 : memref<128x4xf32, #tpu.memory_space<vmem>>[vector<16xi32>, vector<16xi32>], vector<16xf32>,
    %add3A_2283 = arith.constant 2 : i32
    %add3A_2284 = vector.broadcast %add3A_2283 : i32 to vector<16xi32>
    %add3A_2285 = arith.addi %mul3A_2259, %add3A_2284 : vector<16xi32>
    %gather3A_2286 = tpu.vector_load_idx %arg11[%add3A_2285] : memref<8192xf32, #tpu.memory_space<vmem>>[vector<16xi32>], vector<16xf32>,
    %mul3A_2287 = arith.constant 0 : i32
    %mul3A_2288 = vector.broadcast %mul3A_2287 : i32 to vector<16xi32>
    %mul3A_2289 = arith.muli %iota3A, %mul3A_2288 : vector<16xi32>
    %add3A_2290 = arith.constant 2 : i32
    %add3A_2291 = vector.broadcast %add3A_2290 : i32 to vector<16xi32>
    %add3A_2292 = arith.addi %mul3A_2289, %add3A_2291 : vector<16xi32>
    tpu.vector_store_idx %arg12[%add3A_2262, %add3A_2292], %gather3A_2286 : memref<128x4xf32, #tpu.memory_space<vmem>>[vector<16xi32>, vector<16xi32>], vector<16xf32>,
    %dma_wait3A_2293 = arith.constant 0 : i32
    %dma_wait3A_2294 = arith.constant 0 : i32
    %dma_wait3A_2295 = tpu.memref_slice %arg2[%dma_wait3A_2293, %dma_wait3A_2294] : memref<2048x256xf32, #tpu.memory_space<hbm>> -> memref<2048x256xf32, #tpu.memory_space<hbm>>
    tpu.wait_indirect_dma semaphore(%arg14 : memref<!tpu.dma_semaphore, #tpu.memory_space<semaphore_mem>>) src(%dma_wait3A_2295 : memref<2048x256xf32, #tpu.memory_space<hbm>>) dst(%arg9 : memref<128x256xf32, #tpu.memory_space<vmem>>)
    %add3A_2296 = arith.constant 768 : i32
    %add3A_2297 = arith.addi %mul3A_2, %add3A_2296 : i32
    %dma_start3A_2298 = arith.constant 0 : i32
    %dma_start3A_2299 = tpu.memref_slice %arg5[%add3A_2297, %dma_start3A_2298] : memref<32768x256xf32, #tpu.memory_space<hbm>> -> memref<128x256xf32, #tpu.memory_space<hbm>>
    %dma_start3A_2300 = arith.constant 0 : i32
    %dma_start3A_2301 = tpu.memref_slice %arg5[%add3A_2297, %dma_start3A_2300] : memref<32768x256xf32, #tpu.memory_space<hbm>> -> memref<128x256xf32, #tpu.memory_space<hbm>>
    tpu.enqueue_dma source(%arg9 : memref<128x256xf32, #tpu.memory_space<vmem>>) target(%dma_start3A_2301 : memref<128x256xf32, #tpu.memory_space<hbm>>) target_semaphore(%arg16 : memref<!tpu.dma_semaphore, #tpu.memory_space<semaphore_mem>>)
    %dma_start3A_2302 = arith.constant 0 : i32
    %dma_start3A_2303 = tpu.memref_slice %arg6[%add3A_2297, %dma_start3A_2302] : memref<32768x4xf32, #tpu.memory_space<hbm>> -> memref<128x4xf32, #tpu.memory_space<hbm>>
    %dma_start3A_2304 = arith.constant 0 : i32
    %dma_start3A_2305 = tpu.memref_slice %arg6[%add3A_2297, %dma_start3A_2304] : memref<32768x4xf32, #tpu.memory_space<hbm>> -> memref<128x4xf32, #tpu.memory_space<hbm>>
    tpu.enqueue_dma source(%arg12 : memref<128x4xf32, #tpu.memory_space<vmem>>) target(%dma_start3A_2305 : memref<128x4xf32, #tpu.memory_space<hbm>>) target_semaphore(%arg16 : memref<!tpu.dma_semaphore, #tpu.memory_space<semaphore_mem>>)
    %get3A_2306 = arith.constant 0 : index
    %get3A_2307 = tpu.vector_load %arg8[%get3A_2306] {strides = array<i32>} : memref<128xi32, #tpu.memory_space<vmem>>, vector<16xi32>,
    %mul3A_2308 = arith.constant 4 : i32
    %mul3A_2309 = vector.broadcast %mul3A_2308 : i32 to vector<16xi32>
    %mul3A_2310 = arith.muli %get3A_2307, %mul3A_2309 : vector<16xi32>
    %add3A_2311 = arith.constant 0 : i32
    %add3A_2312 = vector.broadcast %add3A_2311 : i32 to vector<16xi32>
    %add3A_2313 = arith.addi %iota3A, %add3A_2312 : vector<16xi32>
    %add3A_2314 = arith.constant 0 : i32
    %add3A_2315 = vector.broadcast %add3A_2314 : i32 to vector<16xi32>
    %add3A_2316 = arith.addi %mul3A_2310, %add3A_2315 : vector<16xi32>
    %gather3A_2317 = tpu.vector_load_idx %arg11[%add3A_2316] : memref<8192xf32, #tpu.memory_space<vmem>>[vector<16xi32>], vector<16xf32>,
    %mul3A_2318 = arith.constant 0 : i32
    %mul3A_2319 = vector.broadcast %mul3A_2318 : i32 to vector<16xi32>
    %mul3A_2320 = arith.muli %iota3A, %mul3A_2319 : vector<16xi32>
    %add3A_2321 = arith.constant 0 : i32
    %add3A_2322 = vector.broadcast %add3A_2321 : i32 to vector<16xi32>
    %add3A_2323 = arith.addi %mul3A_2320, %add3A_2322 : vector<16xi32>
    tpu.vector_store_idx %arg13[%add3A_2313, %add3A_2323], %gather3A_2317 : memref<128x4xf32, #tpu.memory_space<vmem>>[vector<16xi32>, vector<16xi32>], vector<16xf32>,
    %add3A_2324 = arith.constant 1 : i32
    %add3A_2325 = vector.broadcast %add3A_2324 : i32 to vector<16xi32>
    %add3A_2326 = arith.addi %mul3A_2310, %add3A_2325 : vector<16xi32>
    %gather3A_2327 = tpu.vector_load_idx %arg11[%add3A_2326] : memref<8192xf32, #tpu.memory_space<vmem>>[vector<16xi32>], vector<16xf32>,
    %mul3A_2328 = arith.constant 0 : i32
    %mul3A_2329 = vector.broadcast %mul3A_2328 : i32 to vector<16xi32>
    %mul3A_2330 = arith.muli %iota3A, %mul3A_2329 : vector<16xi32>
    %add3A_2331 = arith.constant 1 : i32
    %add3A_2332 = vector.broadcast %add3A_2331 : i32 to vector<16xi32>
    %add3A_2333 = arith.addi %mul3A_2330, %add3A_2332 : vector<16xi32>
    tpu.vector_store_idx %arg13[%add3A_2313, %add3A_2333], %gather3A_2327 : memref<128x4xf32, #tpu.memory_space<vmem>>[vector<16xi32>, vector<16xi32>], vector<16xf32>,
    %add3A_2334 = arith.constant 2 : i32
    %add3A_2335 = vector.broadcast %add3A_2334 : i32 to vector<16xi32>
    %add3A_2336 = arith.addi %mul3A_2310, %add3A_2335 : vector<16xi32>
    %gather3A_2337 = tpu.vector_load_idx %arg11[%add3A_2336] : memref<8192xf32, #tpu.memory_space<vmem>>[vector<16xi32>], vector<16xf32>,
    %mul3A_2338 = arith.constant 0 : i32
    %mul3A_2339 = vector.broadcast %mul3A_2338 : i32 to vector<16xi32>
    %mul3A_2340 = arith.muli %iota3A, %mul3A_2339 : vector<16xi32>
    %add3A_2341 = arith.constant 2 : i32
    %add3A_2342 = vector.broadcast %add3A_2341 : i32 to vector<16xi32>
    %add3A_2343 = arith.addi %mul3A_2340, %add3A_2342 : vector<16xi32>
    tpu.vector_store_idx %arg13[%add3A_2313, %add3A_2343], %gather3A_2337 : memref<128x4xf32, #tpu.memory_space<vmem>>[vector<16xi32>, vector<16xi32>], vector<16xf32>,
    %get3A_2344 = arith.constant 16 : index
    %get3A_2345 = tpu.vector_load %arg8[%get3A_2344] {strides = array<i32>} : memref<128xi32, #tpu.memory_space<vmem>>, vector<16xi32>,
    %mul3A_2346 = arith.constant 4 : i32
    %mul3A_2347 = vector.broadcast %mul3A_2346 : i32 to vector<16xi32>
    %mul3A_2348 = arith.muli %get3A_2345, %mul3A_2347 : vector<16xi32>
    %add3A_2349 = arith.constant 16 : i32
    %add3A_2350 = vector.broadcast %add3A_2349 : i32 to vector<16xi32>
    %add3A_2351 = arith.addi %iota3A, %add3A_2350 : vector<16xi32>
    %add3A_2352 = arith.constant 0 : i32
    %add3A_2353 = vector.broadcast %add3A_2352 : i32 to vector<16xi32>
    %add3A_2354 = arith.addi %mul3A_2348, %add3A_2353 : vector<16xi32>
    %gather3A_2355 = tpu.vector_load_idx %arg11[%add3A_2354] : memref<8192xf32, #tpu.memory_space<vmem>>[vector<16xi32>], vector<16xf32>,
    %mul3A_2356 = arith.constant 0 : i32
    %mul3A_2357 = vector.broadcast %mul3A_2356 : i32 to vector<16xi32>
    %mul3A_2358 = arith.muli %iota3A, %mul3A_2357 : vector<16xi32>
    %add3A_2359 = arith.constant 0 : i32
    %add3A_2360 = vector.broadcast %add3A_2359 : i32 to vector<16xi32>
    %add3A_2361 = arith.addi %mul3A_2358, %add3A_2360 : vector<16xi32>
    tpu.vector_store_idx %arg13[%add3A_2351, %add3A_2361], %gather3A_2355 : memref<128x4xf32, #tpu.memory_space<vmem>>[vector<16xi32>, vector<16xi32>], vector<16xf32>,
    %add3A_2362 = arith.constant 1 : i32
    %add3A_2363 = vector.broadcast %add3A_2362 : i32 to vector<16xi32>
    %add3A_2364 = arith.addi %mul3A_2348, %add3A_2363 : vector<16xi32>
    %gather3A_2365 = tpu.vector_load_idx %arg11[%add3A_2364] : memref<8192xf32, #tpu.memory_space<vmem>>[vector<16xi32>], vector<16xf32>,
    %mul3A_2366 = arith.constant 0 : i32
    %mul3A_2367 = vector.broadcast %mul3A_2366 : i32 to vector<16xi32>
    %mul3A_2368 = arith.muli %iota3A, %mul3A_2367 : vector<16xi32>
    %add3A_2369 = arith.constant 1 : i32
    %add3A_2370 = vector.broadcast %add3A_2369 : i32 to vector<16xi32>
    %add3A_2371 = arith.addi %mul3A_2368, %add3A_2370 : vector<16xi32>
    tpu.vector_store_idx %arg13[%add3A_2351, %add3A_2371], %gather3A_2365 : memref<128x4xf32, #tpu.memory_space<vmem>>[vector<16xi32>, vector<16xi32>], vector<16xf32>,
    %add3A_2372 = arith.constant 2 : i32
    %add3A_2373 = vector.broadcast %add3A_2372 : i32 to vector<16xi32>
    %add3A_2374 = arith.addi %mul3A_2348, %add3A_2373 : vector<16xi32>
    %gather3A_2375 = tpu.vector_load_idx %arg11[%add3A_2374] : memref<8192xf32, #tpu.memory_space<vmem>>[vector<16xi32>], vector<16xf32>,
    %mul3A_2376 = arith.constant 0 : i32
    %mul3A_2377 = vector.broadcast %mul3A_2376 : i32 to vector<16xi32>
    %mul3A_2378 = arith.muli %iota3A, %mul3A_2377 : vector<16xi32>
    %add3A_2379 = arith.constant 2 : i32
    %add3A_2380 = vector.broadcast %add3A_2379 : i32 to vector<16xi32>
    %add3A_2381 = arith.addi %mul3A_2378, %add3A_2380 : vector<16xi32>
    tpu.vector_store_idx %arg13[%add3A_2351, %add3A_2381], %gather3A_2375 : memref<128x4xf32, #tpu.memory_space<vmem>>[vector<16xi32>, vector<16xi32>], vector<16xf32>,
    %get3A_2382 = arith.constant 32 : index
    %get3A_2383 = tpu.vector_load %arg8[%get3A_2382] {strides = array<i32>} : memref<128xi32, #tpu.memory_space<vmem>>, vector<16xi32>,
    %mul3A_2384 = arith.constant 4 : i32
    %mul3A_2385 = vector.broadcast %mul3A_2384 : i32 to vector<16xi32>
    %mul3A_2386 = arith.muli %get3A_2383, %mul3A_2385 : vector<16xi32>
    %add3A_2387 = arith.constant 32 : i32
    %add3A_2388 = vector.broadcast %add3A_2387 : i32 to vector<16xi32>
    %add3A_2389 = arith.addi %iota3A, %add3A_2388 : vector<16xi32>
    %add3A_2390 = arith.constant 0 : i32
    %add3A_2391 = vector.broadcast %add3A_2390 : i32 to vector<16xi32>
    %add3A_2392 = arith.addi %mul3A_2386, %add3A_2391 : vector<16xi32>
    %gather3A_2393 = tpu.vector_load_idx %arg11[%add3A_2392] : memref<8192xf32, #tpu.memory_space<vmem>>[vector<16xi32>], vector<16xf32>,
    %mul3A_2394 = arith.constant 0 : i32
    %mul3A_2395 = vector.broadcast %mul3A_2394 : i32 to vector<16xi32>
    %mul3A_2396 = arith.muli %iota3A, %mul3A_2395 : vector<16xi32>
    %add3A_2397 = arith.constant 0 : i32
    %add3A_2398 = vector.broadcast %add3A_2397 : i32 to vector<16xi32>
    %add3A_2399 = arith.addi %mul3A_2396, %add3A_2398 : vector<16xi32>
    tpu.vector_store_idx %arg13[%add3A_2389, %add3A_2399], %gather3A_2393 : memref<128x4xf32, #tpu.memory_space<vmem>>[vector<16xi32>, vector<16xi32>], vector<16xf32>,
    %add3A_2400 = arith.constant 1 : i32
    %add3A_2401 = vector.broadcast %add3A_2400 : i32 to vector<16xi32>
    %add3A_2402 = arith.addi %mul3A_2386, %add3A_2401 : vector<16xi32>
    %gather3A_2403 = tpu.vector_load_idx %arg11[%add3A_2402] : memref<8192xf32, #tpu.memory_space<vmem>>[vector<16xi32>], vector<16xf32>,
    %mul3A_2404 = arith.constant 0 : i32
    %mul3A_2405 = vector.broadcast %mul3A_2404 : i32 to vector<16xi32>
    %mul3A_2406 = arith.muli %iota3A, %mul3A_2405 : vector<16xi32>
    %add3A_2407 = arith.constant 1 : i32
    %add3A_2408 = vector.broadcast %add3A_2407 : i32 to vector<16xi32>
    %add3A_2409 = arith.addi %mul3A_2406, %add3A_2408 : vector<16xi32>
    tpu.vector_store_idx %arg13[%add3A_2389, %add3A_2409], %gather3A_2403 : memref<128x4xf32, #tpu.memory_space<vmem>>[vector<16xi32>, vector<16xi32>], vector<16xf32>,
    %add3A_2410 = arith.constant 2 : i32
    %add3A_2411 = vector.broadcast %add3A_2410 : i32 to vector<16xi32>
    %add3A_2412 = arith.addi %mul3A_2386, %add3A_2411 : vector<16xi32>
    %gather3A_2413 = tpu.vector_load_idx %arg11[%add3A_2412] : memref<8192xf32, #tpu.memory_space<vmem>>[vector<16xi32>], vector<16xf32>,
    %mul3A_2414 = arith.constant 0 : i32
    %mul3A_2415 = vector.broadcast %mul3A_2414 : i32 to vector<16xi32>
    %mul3A_2416 = arith.muli %iota3A, %mul3A_2415 : vector<16xi32>
    %add3A_2417 = arith.constant 2 : i32
    %add3A_2418 = vector.broadcast %add3A_2417 : i32 to vector<16xi32>
    %add3A_2419 = arith.addi %mul3A_2416, %add3A_2418 : vector<16xi32>
    tpu.vector_store_idx %arg13[%add3A_2389, %add3A_2419], %gather3A_2413 : memref<128x4xf32, #tpu.memory_space<vmem>>[vector<16xi32>, vector<16xi32>], vector<16xf32>,
    %get3A_2420 = arith.constant 48 : index
    %get3A_2421 = tpu.vector_load %arg8[%get3A_2420] {strides = array<i32>} : memref<128xi32, #tpu.memory_space<vmem>>, vector<16xi32>,
    %mul3A_2422 = arith.constant 4 : i32
    %mul3A_2423 = vector.broadcast %mul3A_2422 : i32 to vector<16xi32>
    %mul3A_2424 = arith.muli %get3A_2421, %mul3A_2423 : vector<16xi32>
    %add3A_2425 = arith.constant 48 : i32
    %add3A_2426 = vector.broadcast %add3A_2425 : i32 to vector<16xi32>
    %add3A_2427 = arith.addi %iota3A, %add3A_2426 : vector<16xi32>
    %add3A_2428 = arith.constant 0 : i32
    %add3A_2429 = vector.broadcast %add3A_2428 : i32 to vector<16xi32>
    %add3A_2430 = arith.addi %mul3A_2424, %add3A_2429 : vector<16xi32>
    %gather3A_2431 = tpu.vector_load_idx %arg11[%add3A_2430] : memref<8192xf32, #tpu.memory_space<vmem>>[vector<16xi32>], vector<16xf32>,
    %mul3A_2432 = arith.constant 0 : i32
    %mul3A_2433 = vector.broadcast %mul3A_2432 : i32 to vector<16xi32>
    %mul3A_2434 = arith.muli %iota3A, %mul3A_2433 : vector<16xi32>
    %add3A_2435 = arith.constant 0 : i32
    %add3A_2436 = vector.broadcast %add3A_2435 : i32 to vector<16xi32>
    %add3A_2437 = arith.addi %mul3A_2434, %add3A_2436 : vector<16xi32>
    tpu.vector_store_idx %arg13[%add3A_2427, %add3A_2437], %gather3A_2431 : memref<128x4xf32, #tpu.memory_space<vmem>>[vector<16xi32>, vector<16xi32>], vector<16xf32>,
    %add3A_2438 = arith.constant 1 : i32
    %add3A_2439 = vector.broadcast %add3A_2438 : i32 to vector<16xi32>
    %add3A_2440 = arith.addi %mul3A_2424, %add3A_2439 : vector<16xi32>
    %gather3A_2441 = tpu.vector_load_idx %arg11[%add3A_2440] : memref<8192xf32, #tpu.memory_space<vmem>>[vector<16xi32>], vector<16xf32>,
    %mul3A_2442 = arith.constant 0 : i32
    %mul3A_2443 = vector.broadcast %mul3A_2442 : i32 to vector<16xi32>
    %mul3A_2444 = arith.muli %iota3A, %mul3A_2443 : vector<16xi32>
    %add3A_2445 = arith.constant 1 : i32
    %add3A_2446 = vector.broadcast %add3A_2445 : i32 to vector<16xi32>
    %add3A_2447 = arith.addi %mul3A_2444, %add3A_2446 : vector<16xi32>
    tpu.vector_store_idx %arg13[%add3A_2427, %add3A_2447], %gather3A_2441 : memref<128x4xf32, #tpu.memory_space<vmem>>[vector<16xi32>, vector<16xi32>], vector<16xf32>,
    %add3A_2448 = arith.constant 2 : i32
    %add3A_2449 = vector.broadcast %add3A_2448 : i32 to vector<16xi32>
    %add3A_2450 = arith.addi %mul3A_2424, %add3A_2449 : vector<16xi32>
    %gather3A_2451 = tpu.vector_load_idx %arg11[%add3A_2450] : memref<8192xf32, #tpu.memory_space<vmem>>[vector<16xi32>], vector<16xf32>,
    %mul3A_2452 = arith.constant 0 : i32
    %mul3A_2453 = vector.broadcast %mul3A_2452 : i32 to vector<16xi32>
    %mul3A_2454 = arith.muli %iota3A, %mul3A_2453 : vector<16xi32>
    %add3A_2455 = arith.constant 2 : i32
    %add3A_2456 = vector.broadcast %add3A_2455 : i32 to vector<16xi32>
    %add3A_2457 = arith.addi %mul3A_2454, %add3A_2456 : vector<16xi32>
    tpu.vector_store_idx %arg13[%add3A_2427, %add3A_2457], %gather3A_2451 : memref<128x4xf32, #tpu.memory_space<vmem>>[vector<16xi32>, vector<16xi32>], vector<16xf32>,
    %get3A_2458 = arith.constant 64 : index
    %get3A_2459 = tpu.vector_load %arg8[%get3A_2458] {strides = array<i32>} : memref<128xi32, #tpu.memory_space<vmem>>, vector<16xi32>,
    %mul3A_2460 = arith.constant 4 : i32
    %mul3A_2461 = vector.broadcast %mul3A_2460 : i32 to vector<16xi32>
    %mul3A_2462 = arith.muli %get3A_2459, %mul3A_2461 : vector<16xi32>
    %add3A_2463 = arith.constant 64 : i32
    %add3A_2464 = vector.broadcast %add3A_2463 : i32 to vector<16xi32>
    %add3A_2465 = arith.addi %iota3A, %add3A_2464 : vector<16xi32>
    %add3A_2466 = arith.constant 0 : i32
    %add3A_2467 = vector.broadcast %add3A_2466 : i32 to vector<16xi32>
    %add3A_2468 = arith.addi %mul3A_2462, %add3A_2467 : vector<16xi32>
    %gather3A_2469 = tpu.vector_load_idx %arg11[%add3A_2468] : memref<8192xf32, #tpu.memory_space<vmem>>[vector<16xi32>], vector<16xf32>,
    %mul3A_2470 = arith.constant 0 : i32
    %mul3A_2471 = vector.broadcast %mul3A_2470 : i32 to vector<16xi32>
    %mul3A_2472 = arith.muli %iota3A, %mul3A_2471 : vector<16xi32>
    %add3A_2473 = arith.constant 0 : i32
    %add3A_2474 = vector.broadcast %add3A_2473 : i32 to vector<16xi32>
    %add3A_2475 = arith.addi %mul3A_2472, %add3A_2474 : vector<16xi32>
    tpu.vector_store_idx %arg13[%add3A_2465, %add3A_2475], %gather3A_2469 : memref<128x4xf32, #tpu.memory_space<vmem>>[vector<16xi32>, vector<16xi32>], vector<16xf32>,
    %add3A_2476 = arith.constant 1 : i32
    %add3A_2477 = vector.broadcast %add3A_2476 : i32 to vector<16xi32>
    %add3A_2478 = arith.addi %mul3A_2462, %add3A_2477 : vector<16xi32>
    %gather3A_2479 = tpu.vector_load_idx %arg11[%add3A_2478] : memref<8192xf32, #tpu.memory_space<vmem>>[vector<16xi32>], vector<16xf32>,
    %mul3A_2480 = arith.constant 0 : i32
    %mul3A_2481 = vector.broadcast %mul3A_2480 : i32 to vector<16xi32>
    %mul3A_2482 = arith.muli %iota3A, %mul3A_2481 : vector<16xi32>
    %add3A_2483 = arith.constant 1 : i32
    %add3A_2484 = vector.broadcast %add3A_2483 : i32 to vector<16xi32>
    %add3A_2485 = arith.addi %mul3A_2482, %add3A_2484 : vector<16xi32>
    tpu.vector_store_idx %arg13[%add3A_2465, %add3A_2485], %gather3A_2479 : memref<128x4xf32, #tpu.memory_space<vmem>>[vector<16xi32>, vector<16xi32>], vector<16xf32>,
    %add3A_2486 = arith.constant 2 : i32
    %add3A_2487 = vector.broadcast %add3A_2486 : i32 to vector<16xi32>
    %add3A_2488 = arith.addi %mul3A_2462, %add3A_2487 : vector<16xi32>
    %gather3A_2489 = tpu.vector_load_idx %arg11[%add3A_2488] : memref<8192xf32, #tpu.memory_space<vmem>>[vector<16xi32>], vector<16xf32>,
    %mul3A_2490 = arith.constant 0 : i32
    %mul3A_2491 = vector.broadcast %mul3A_2490 : i32 to vector<16xi32>
    %mul3A_2492 = arith.muli %iota3A, %mul3A_2491 : vector<16xi32>
    %add3A_2493 = arith.constant 2 : i32
    %add3A_2494 = vector.broadcast %add3A_2493 : i32 to vector<16xi32>
    %add3A_2495 = arith.addi %mul3A_2492, %add3A_2494 : vector<16xi32>
    tpu.vector_store_idx %arg13[%add3A_2465, %add3A_2495], %gather3A_2489 : memref<128x4xf32, #tpu.memory_space<vmem>>[vector<16xi32>, vector<16xi32>], vector<16xf32>,
    %get3A_2496 = arith.constant 80 : index
    %get3A_2497 = tpu.vector_load %arg8[%get3A_2496] {strides = array<i32>} : memref<128xi32, #tpu.memory_space<vmem>>, vector<16xi32>,
    %mul3A_2498 = arith.constant 4 : i32
    %mul3A_2499 = vector.broadcast %mul3A_2498 : i32 to vector<16xi32>
    %mul3A_2500 = arith.muli %get3A_2497, %mul3A_2499 : vector<16xi32>
    %add3A_2501 = arith.constant 80 : i32
    %add3A_2502 = vector.broadcast %add3A_2501 : i32 to vector<16xi32>
    %add3A_2503 = arith.addi %iota3A, %add3A_2502 : vector<16xi32>
    %add3A_2504 = arith.constant 0 : i32
    %add3A_2505 = vector.broadcast %add3A_2504 : i32 to vector<16xi32>
    %add3A_2506 = arith.addi %mul3A_2500, %add3A_2505 : vector<16xi32>
    %gather3A_2507 = tpu.vector_load_idx %arg11[%add3A_2506] : memref<8192xf32, #tpu.memory_space<vmem>>[vector<16xi32>], vector<16xf32>,
    %mul3A_2508 = arith.constant 0 : i32
    %mul3A_2509 = vector.broadcast %mul3A_2508 : i32 to vector<16xi32>
    %mul3A_2510 = arith.muli %iota3A, %mul3A_2509 : vector<16xi32>
    %add3A_2511 = arith.constant 0 : i32
    %add3A_2512 = vector.broadcast %add3A_2511 : i32 to vector<16xi32>
    %add3A_2513 = arith.addi %mul3A_2510, %add3A_2512 : vector<16xi32>
    tpu.vector_store_idx %arg13[%add3A_2503, %add3A_2513], %gather3A_2507 : memref<128x4xf32, #tpu.memory_space<vmem>>[vector<16xi32>, vector<16xi32>], vector<16xf32>,
    %add3A_2514 = arith.constant 1 : i32
    %add3A_2515 = vector.broadcast %add3A_2514 : i32 to vector<16xi32>
    %add3A_2516 = arith.addi %mul3A_2500, %add3A_2515 : vector<16xi32>
    %gather3A_2517 = tpu.vector_load_idx %arg11[%add3A_2516] : memref<8192xf32, #tpu.memory_space<vmem>>[vector<16xi32>], vector<16xf32>,
    %mul3A_2518 = arith.constant 0 : i32
    %mul3A_2519 = vector.broadcast %mul3A_2518 : i32 to vector<16xi32>
    %mul3A_2520 = arith.muli %iota3A, %mul3A_2519 : vector<16xi32>
    %add3A_2521 = arith.constant 1 : i32
    %add3A_2522 = vector.broadcast %add3A_2521 : i32 to vector<16xi32>
    %add3A_2523 = arith.addi %mul3A_2520, %add3A_2522 : vector<16xi32>
    tpu.vector_store_idx %arg13[%add3A_2503, %add3A_2523], %gather3A_2517 : memref<128x4xf32, #tpu.memory_space<vmem>>[vector<16xi32>, vector<16xi32>], vector<16xf32>,
    %add3A_2524 = arith.constant 2 : i32
    %add3A_2525 = vector.broadcast %add3A_2524 : i32 to vector<16xi32>
    %add3A_2526 = arith.addi %mul3A_2500, %add3A_2525 : vector<16xi32>
    %gather3A_2527 = tpu.vector_load_idx %arg11[%add3A_2526] : memref<8192xf32, #tpu.memory_space<vmem>>[vector<16xi32>], vector<16xf32>,
    %mul3A_2528 = arith.constant 0 : i32
    %mul3A_2529 = vector.broadcast %mul3A_2528 : i32 to vector<16xi32>
    %mul3A_2530 = arith.muli %iota3A, %mul3A_2529 : vector<16xi32>
    %add3A_2531 = arith.constant 2 : i32
    %add3A_2532 = vector.broadcast %add3A_2531 : i32 to vector<16xi32>
    %add3A_2533 = arith.addi %mul3A_2530, %add3A_2532 : vector<16xi32>
    tpu.vector_store_idx %arg13[%add3A_2503, %add3A_2533], %gather3A_2527 : memref<128x4xf32, #tpu.memory_space<vmem>>[vector<16xi32>, vector<16xi32>], vector<16xf32>,
    %get3A_2534 = arith.constant 96 : index
    %get3A_2535 = tpu.vector_load %arg8[%get3A_2534] {strides = array<i32>} : memref<128xi32, #tpu.memory_space<vmem>>, vector<16xi32>,
    %mul3A_2536 = arith.constant 4 : i32
    %mul3A_2537 = vector.broadcast %mul3A_2536 : i32 to vector<16xi32>
    %mul3A_2538 = arith.muli %get3A_2535, %mul3A_2537 : vector<16xi32>
    %add3A_2539 = arith.constant 96 : i32
    %add3A_2540 = vector.broadcast %add3A_2539 : i32 to vector<16xi32>
    %add3A_2541 = arith.addi %iota3A, %add3A_2540 : vector<16xi32>
    %add3A_2542 = arith.constant 0 : i32
    %add3A_2543 = vector.broadcast %add3A_2542 : i32 to vector<16xi32>
    %add3A_2544 = arith.addi %mul3A_2538, %add3A_2543 : vector<16xi32>
    %gather3A_2545 = tpu.vector_load_idx %arg11[%add3A_2544] : memref<8192xf32, #tpu.memory_space<vmem>>[vector<16xi32>], vector<16xf32>,
    %mul3A_2546 = arith.constant 0 : i32
    %mul3A_2547 = vector.broadcast %mul3A_2546 : i32 to vector<16xi32>
    %mul3A_2548 = arith.muli %iota3A, %mul3A_2547 : vector<16xi32>
    %add3A_2549 = arith.constant 0 : i32
    %add3A_2550 = vector.broadcast %add3A_2549 : i32 to vector<16xi32>
    %add3A_2551 = arith.addi %mul3A_2548, %add3A_2550 : vector<16xi32>
    tpu.vector_store_idx %arg13[%add3A_2541, %add3A_2551], %gather3A_2545 : memref<128x4xf32, #tpu.memory_space<vmem>>[vector<16xi32>, vector<16xi32>], vector<16xf32>,
    %add3A_2552 = arith.constant 1 : i32
    %add3A_2553 = vector.broadcast %add3A_2552 : i32 to vector<16xi32>
    %add3A_2554 = arith.addi %mul3A_2538, %add3A_2553 : vector<16xi32>
    %gather3A_2555 = tpu.vector_load_idx %arg11[%add3A_2554] : memref<8192xf32, #tpu.memory_space<vmem>>[vector<16xi32>], vector<16xf32>,
    %mul3A_2556 = arith.constant 0 : i32
    %mul3A_2557 = vector.broadcast %mul3A_2556 : i32 to vector<16xi32>
    %mul3A_2558 = arith.muli %iota3A, %mul3A_2557 : vector<16xi32>
    %add3A_2559 = arith.constant 1 : i32
    %add3A_2560 = vector.broadcast %add3A_2559 : i32 to vector<16xi32>
    %add3A_2561 = arith.addi %mul3A_2558, %add3A_2560 : vector<16xi32>
    tpu.vector_store_idx %arg13[%add3A_2541, %add3A_2561], %gather3A_2555 : memref<128x4xf32, #tpu.memory_space<vmem>>[vector<16xi32>, vector<16xi32>], vector<16xf32>,
    %add3A_2562 = arith.constant 2 : i32
    %add3A_2563 = vector.broadcast %add3A_2562 : i32 to vector<16xi32>
    %add3A_2564 = arith.addi %mul3A_2538, %add3A_2563 : vector<16xi32>
    %gather3A_2565 = tpu.vector_load_idx %arg11[%add3A_2564] : memref<8192xf32, #tpu.memory_space<vmem>>[vector<16xi32>], vector<16xf32>,
    %mul3A_2566 = arith.constant 0 : i32
    %mul3A_2567 = vector.broadcast %mul3A_2566 : i32 to vector<16xi32>
    %mul3A_2568 = arith.muli %iota3A, %mul3A_2567 : vector<16xi32>
    %add3A_2569 = arith.constant 2 : i32
    %add3A_2570 = vector.broadcast %add3A_2569 : i32 to vector<16xi32>
    %add3A_2571 = arith.addi %mul3A_2568, %add3A_2570 : vector<16xi32>
    tpu.vector_store_idx %arg13[%add3A_2541, %add3A_2571], %gather3A_2565 : memref<128x4xf32, #tpu.memory_space<vmem>>[vector<16xi32>, vector<16xi32>], vector<16xf32>,
    %get3A_2572 = arith.constant 112 : index
    %get3A_2573 = tpu.vector_load %arg8[%get3A_2572] {strides = array<i32>} : memref<128xi32, #tpu.memory_space<vmem>>, vector<16xi32>,
    %mul3A_2574 = arith.constant 4 : i32
    %mul3A_2575 = vector.broadcast %mul3A_2574 : i32 to vector<16xi32>
    %mul3A_2576 = arith.muli %get3A_2573, %mul3A_2575 : vector<16xi32>
    %add3A_2577 = arith.constant 112 : i32
    %add3A_2578 = vector.broadcast %add3A_2577 : i32 to vector<16xi32>
    %add3A_2579 = arith.addi %iota3A, %add3A_2578 : vector<16xi32>
    %add3A_2580 = arith.constant 0 : i32
    %add3A_2581 = vector.broadcast %add3A_2580 : i32 to vector<16xi32>
    %add3A_2582 = arith.addi %mul3A_2576, %add3A_2581 : vector<16xi32>
    %gather3A_2583 = tpu.vector_load_idx %arg11[%add3A_2582] : memref<8192xf32, #tpu.memory_space<vmem>>[vector<16xi32>], vector<16xf32>,
    %mul3A_2584 = arith.constant 0 : i32
    %mul3A_2585 = vector.broadcast %mul3A_2584 : i32 to vector<16xi32>
    %mul3A_2586 = arith.muli %iota3A, %mul3A_2585 : vector<16xi32>
    %add3A_2587 = arith.constant 0 : i32
    %add3A_2588 = vector.broadcast %add3A_2587 : i32 to vector<16xi32>
    %add3A_2589 = arith.addi %mul3A_2586, %add3A_2588 : vector<16xi32>
    tpu.vector_store_idx %arg13[%add3A_2579, %add3A_2589], %gather3A_2583 : memref<128x4xf32, #tpu.memory_space<vmem>>[vector<16xi32>, vector<16xi32>], vector<16xf32>,
    %add3A_2590 = arith.constant 1 : i32
    %add3A_2591 = vector.broadcast %add3A_2590 : i32 to vector<16xi32>
    %add3A_2592 = arith.addi %mul3A_2576, %add3A_2591 : vector<16xi32>
    %gather3A_2593 = tpu.vector_load_idx %arg11[%add3A_2592] : memref<8192xf32, #tpu.memory_space<vmem>>[vector<16xi32>], vector<16xf32>,
    %mul3A_2594 = arith.constant 0 : i32
    %mul3A_2595 = vector.broadcast %mul3A_2594 : i32 to vector<16xi32>
    %mul3A_2596 = arith.muli %iota3A, %mul3A_2595 : vector<16xi32>
    %add3A_2597 = arith.constant 1 : i32
    %add3A_2598 = vector.broadcast %add3A_2597 : i32 to vector<16xi32>
    %add3A_2599 = arith.addi %mul3A_2596, %add3A_2598 : vector<16xi32>
    tpu.vector_store_idx %arg13[%add3A_2579, %add3A_2599], %gather3A_2593 : memref<128x4xf32, #tpu.memory_space<vmem>>[vector<16xi32>, vector<16xi32>], vector<16xf32>,
    %add3A_2600 = arith.constant 2 : i32
    %add3A_2601 = vector.broadcast %add3A_2600 : i32 to vector<16xi32>
    %add3A_2602 = arith.addi %mul3A_2576, %add3A_2601 : vector<16xi32>
    %gather3A_2603 = tpu.vector_load_idx %arg11[%add3A_2602] : memref<8192xf32, #tpu.memory_space<vmem>>[vector<16xi32>], vector<16xf32>,
    %mul3A_2604 = arith.constant 0 : i32
    %mul3A_2605 = vector.broadcast %mul3A_2604 : i32 to vector<16xi32>
    %mul3A_2606 = arith.muli %iota3A, %mul3A_2605 : vector<16xi32>
    %add3A_2607 = arith.constant 2 : i32
    %add3A_2608 = vector.broadcast %add3A_2607 : i32 to vector<16xi32>
    %add3A_2609 = arith.addi %mul3A_2606, %add3A_2608 : vector<16xi32>
    tpu.vector_store_idx %arg13[%add3A_2579, %add3A_2609], %gather3A_2603 : memref<128x4xf32, #tpu.memory_space<vmem>>[vector<16xi32>, vector<16xi32>], vector<16xf32>,
    %dma_wait3A_2610 = arith.constant 0 : i32
    %dma_wait3A_2611 = arith.constant 0 : i32
    %dma_wait3A_2612 = tpu.memref_slice %arg2[%dma_wait3A_2610, %dma_wait3A_2611] : memref<2048x256xf32, #tpu.memory_space<hbm>> -> memref<2048x256xf32, #tpu.memory_space<hbm>>
    tpu.wait_indirect_dma semaphore(%arg15 : memref<!tpu.dma_semaphore, #tpu.memory_space<semaphore_mem>>) src(%dma_wait3A_2612 : memref<2048x256xf32, #tpu.memory_space<hbm>>) dst(%arg10 : memref<128x256xf32, #tpu.memory_space<vmem>>)
    %add3A_2613 = arith.constant 896 : i32
    %add3A_2614 = arith.addi %mul3A_2, %add3A_2613 : i32
    %dma_start3A_2615 = arith.constant 0 : i32
    %dma_start3A_2616 = tpu.memref_slice %arg5[%add3A_2614, %dma_start3A_2615] : memref<32768x256xf32, #tpu.memory_space<hbm>> -> memref<128x256xf32, #tpu.memory_space<hbm>>
    %dma_start3A_2617 = arith.constant 0 : i32
    %dma_start3A_2618 = tpu.memref_slice %arg5[%add3A_2614, %dma_start3A_2617] : memref<32768x256xf32, #tpu.memory_space<hbm>> -> memref<128x256xf32, #tpu.memory_space<hbm>>
    tpu.enqueue_dma source(%arg10 : memref<128x256xf32, #tpu.memory_space<vmem>>) target(%dma_start3A_2618 : memref<128x256xf32, #tpu.memory_space<hbm>>) target_semaphore(%arg17 : memref<!tpu.dma_semaphore, #tpu.memory_space<semaphore_mem>>)
    %dma_start3A_2619 = arith.constant 0 : i32
    %dma_start3A_2620 = tpu.memref_slice %arg6[%add3A_2614, %dma_start3A_2619] : memref<32768x4xf32, #tpu.memory_space<hbm>> -> memref<128x4xf32, #tpu.memory_space<hbm>>
    %dma_start3A_2621 = arith.constant 0 : i32
    %dma_start3A_2622 = tpu.memref_slice %arg6[%add3A_2614, %dma_start3A_2621] : memref<32768x4xf32, #tpu.memory_space<hbm>> -> memref<128x4xf32, #tpu.memory_space<hbm>>
    tpu.enqueue_dma source(%arg13 : memref<128x4xf32, #tpu.memory_space<vmem>>) target(%dma_start3A_2622 : memref<128x4xf32, #tpu.memory_space<hbm>>) target_semaphore(%arg17 : memref<!tpu.dma_semaphore, #tpu.memory_space<semaphore_mem>>)
    %dma_wait3A_2623 = arith.constant 0 : i32
    %dma_wait3A_2624 = tpu.memref_slice %arg5[%add3A_2297, %dma_wait3A_2623] : memref<32768x256xf32, #tpu.memory_space<hbm>> -> memref<128x256xf32, #tpu.memory_space<hbm>>
    %dma_wait3A_2625 = arith.constant 0 : i32
    %dma_wait3A_2626 = tpu.memref_slice %arg5[%add3A_2297, %dma_wait3A_2625] : memref<32768x256xf32, #tpu.memory_space<hbm>> -> memref<128x256xf32, #tpu.memory_space<hbm>>
    tpu.wait_dma2 semaphore(%arg16 : memref<!tpu.dma_semaphore, #tpu.memory_space<semaphore_mem>>) src(%arg9 : memref<128x256xf32, #tpu.memory_space<vmem>>) dst(%dma_wait3A_2626 : memref<128x256xf32, #tpu.memory_space<hbm>>)
    %dma_wait3A_2627 = arith.constant 0 : i32
    %dma_wait3A_2628 = tpu.memref_slice %arg6[%add3A_2297, %dma_wait3A_2627] : memref<32768x4xf32, #tpu.memory_space<hbm>> -> memref<128x4xf32, #tpu.memory_space<hbm>>
    %dma_wait3A_2629 = arith.constant 0 : i32
    %dma_wait3A_2630 = tpu.memref_slice %arg6[%add3A_2297, %dma_wait3A_2629] : memref<32768x4xf32, #tpu.memory_space<hbm>> -> memref<128x4xf32, #tpu.memory_space<hbm>>
    tpu.wait_dma2 semaphore(%arg16 : memref<!tpu.dma_semaphore, #tpu.memory_space<semaphore_mem>>) src(%arg12 : memref<128x4xf32, #tpu.memory_space<vmem>>) dst(%dma_wait3A_2630 : memref<128x4xf32, #tpu.memory_space<hbm>>)
    %dma_wait3A_2631 = arith.constant 0 : i32
    %dma_wait3A_2632 = tpu.memref_slice %arg5[%add3A_2614, %dma_wait3A_2631] : memref<32768x256xf32, #tpu.memory_space<hbm>> -> memref<128x256xf32, #tpu.memory_space<hbm>>
    %dma_wait3A_2633 = arith.constant 0 : i32
    %dma_wait3A_2634 = tpu.memref_slice %arg5[%add3A_2614, %dma_wait3A_2633] : memref<32768x256xf32, #tpu.memory_space<hbm>> -> memref<128x256xf32, #tpu.memory_space<hbm>>
    tpu.wait_dma2 semaphore(%arg17 : memref<!tpu.dma_semaphore, #tpu.memory_space<semaphore_mem>>) src(%arg10 : memref<128x256xf32, #tpu.memory_space<vmem>>) dst(%dma_wait3A_2634 : memref<128x256xf32, #tpu.memory_space<hbm>>)
    %dma_wait3A_2635 = arith.constant 0 : i32
    %dma_wait3A_2636 = tpu.memref_slice %arg6[%add3A_2614, %dma_wait3A_2635] : memref<32768x4xf32, #tpu.memory_space<hbm>> -> memref<128x4xf32, #tpu.memory_space<hbm>>
    %dma_wait3A_2637 = arith.constant 0 : i32
    %dma_wait3A_2638 = tpu.memref_slice %arg6[%add3A_2614, %dma_wait3A_2637] : memref<32768x4xf32, #tpu.memory_space<hbm>> -> memref<128x4xf32, #tpu.memory_space<hbm>>
    tpu.wait_dma2 semaphore(%arg17 : memref<!tpu.dma_semaphore, #tpu.memory_space<semaphore_mem>>) src(%arg13 : memref<128x4xf32, #tpu.memory_space<vmem>>) dst(%dma_wait3A_2638 : memref<128x4xf32, #tpu.memory_space<hbm>>)
    return
  }
}

module attributes {stable_mosaic.version = 14 : i64} {
  func.func @_tc1_body(%arg0: i32, %arg1: memref<1024x3xf32, #tpu.memory_space<vmem>>, %arg2: memref<3x2048xf32, #tpu.memory_space<vmem>>, %arg3: memref<2048x256xf32, #tpu.memory_space<vmem>>, %arg4: memref<2048x256xf32, #tpu.memory_space<vmem>>, %arg5: memref<1024xi32, #tpu.memory_space<vmem>>, %arg6: memref<2048x256xf32, #tpu.memory_space<vmem>>) attributes {dimension_semantics = [#tpu.dimension_semantics<arbitrary>], iteration_bounds = array<i64: 32>, scalar_prefetch = 0 : i64, scratch_operands = 0 : i64, tpu.core_type = #tpu.core_type<tc>, window_params = [{transform_indices = @transform_0, window_bounds = array<i64: 1024, 3>}, {pipeline_mode = #tpu.pipeline_mode<synchronous>, transform_indices = @transform_1, window_bounds = array<i64: 3, 2048>}, {pipeline_mode = #tpu.pipeline_mode<synchronous>, transform_indices = @transform_2, window_bounds = array<i64: 2048, 256>}, {pipeline_mode = #tpu.pipeline_mode<synchronous>, transform_indices = @transform_3, window_bounds = array<i64: 2048, 256>}, {transform_indices = @transform_4, window_bounds = array<i64: 1024>}, {pipeline_mode = #tpu.pipeline_mode<synchronous>, transform_indices = @transform_5, window_bounds = array<i64: 2048, 256>}]} {
    %get3A = arith.constant 0 : index
    %get3A_0 = arith.constant 0 : index
    %get3A_1 = vector.load %arg2[%get3A, %get3A_0] : memref<3x2048xf32, #tpu.memory_space<vmem>>, vector<3x2048xf32>
    %mul3A = arith.mulf %get3A_1, %get3A_1 : vector<3x2048xf32>
    %reduce_sum3A = arith.constant dense<0.000000e+00> : vector<2048xf32>
    %reduce_sum3A_2 = vector.multi_reduction <add>, %mul3A, %reduce_sum3A [0] : vector<3x2048xf32> to vector<2048xf32>
    %broadcast_in_dim3A = vector.shape_cast %reduce_sum3A_2 : vector<2048xf32> to vector<1x2048xf32>
    %get3A_3 = arith.constant 0 : index
    %get3A_4 = arith.constant 0 : index
    %get3A_5 = vector.load %arg1[%get3A_3, %get3A_4] : memref<1024x3xf32, #tpu.memory_space<vmem>>, vector<1024x3xf32>
    %slice3A = vector.extract_strided_slice %get3A_5 {offsets = [0, 0], sizes = [1024, 1], strides = [1, 1]} : vector<1024x3xf32> to vector<1024x1xf32>
    %slice3A_6 = vector.extract_strided_slice %get3A_5 {offsets = [0, 1], sizes = [1024, 1], strides = [1, 1]} : vector<1024x3xf32> to vector<1024x1xf32>
    %slice3A_7 = vector.extract_strided_slice %get3A_5 {offsets = [0, 2], sizes = [1024, 1], strides = [1, 1]} : vector<1024x3xf32> to vector<1024x1xf32>
    %mul3A_8 = arith.mulf %slice3A, %slice3A : vector<1024x1xf32>
    %mul3A_9 = arith.mulf %slice3A_7, %slice3A_7 : vector<1024x1xf32>
    %add3A = arith.addf %mul3A_8, %mul3A_9 : vector<1024x1xf32>
    %mul3A_10 = arith.mulf %slice3A_6, %slice3A_6 : vector<1024x1xf32>
    %add3A_11 = arith.addf %add3A, %mul3A_10 : vector<1024x1xf32>
    %dot_general3A = arith.constant dense<0.000000e+00> : vector<1024x2048xf32>
    %dot_general3A_12 = tpu.matmul %get3A_5, %get3A_1, %dot_general3A {dimension_numbers = #tpu.dot_dimension_numbers<[1], [0], [0], [1], [0, 0, 1, 1], [], []>, transpose_lhs_hint = false} : vector<1024x3xf32>, vector<3x2048xf32>, vector<1024x2048xf32> -> vector<1024x2048xf32>
    %mul3A_13 = arith.constant 2.000000e+00 : f32
    %mul3A_14 = vector.broadcast %mul3A_13 : f32 to vector<1024x2048xf32>
    %mul3A_15 = arith.mulf %mul3A_14, %dot_general3A_12 : vector<1024x2048xf32>
    %sub3A = vector.broadcast %add3A_11 : vector<1024x1xf32> to vector<1024x2048xf32>
    %sub3A_16 = arith.subf %sub3A, %mul3A_15 : vector<1024x2048xf32>
    %add3A_17 = vector.broadcast %broadcast_in_dim3A : vector<1x2048xf32> to vector<1024x2048xf32>
    %add3A_18 = arith.addf %sub3A_16, %add3A_17 : vector<1024x2048xf32>
    %reduce_min3A = arith.constant dense<0x7F800000> : vector<1024xf32>
    %reduce_min3A_19 = vector.multi_reduction <minimumf>, %add3A_18, %reduce_min3A [1] : vector<1024x2048xf32> to vector<1024xf32>
    %broadcast_in_dim3A_20 = vector.shape_cast %reduce_min3A_19 : vector<1024xf32> to vector<1024x1xf32>
    %iota3A = tpu.iota {dimensions = array<i32: 1>} : vector<1024x2048xi32>
    %eq3A = vector.broadcast %broadcast_in_dim3A_20 : vector<1024x1xf32> to vector<1024x2048xf32>
    %eq3A_21 = arith.cmpf oeq, %add3A_18, %eq3A : vector<1024x2048xf32>
    %jit3A = arith.constant 2048 : i32
    %broadcast_in_dim3A_22 = vector.broadcast %jit3A : i32 to vector<1024x2048xi32>
    %select_n3A = arith.select %eq3A_21, %iota3A, %broadcast_in_dim3A_22 : vector<1024x2048xi1>, vector<1024x2048xi32>
    %reduce_min3A_23 = arith.constant dense<2147483647> : vector<1024xi32>
    %reduce_min3A_24 = vector.multi_reduction <minsi>, %select_n3A, %reduce_min3A_23 [1] : vector<1024x2048xi32> to vector<1024xi32>
    %swap3A = arith.constant 0 : index
    %swap3A_25 = vector.load %arg5[%swap3A] : memref<1024xi32, #tpu.memory_space<vmem>>, vector<1024xi32>
    tpu.vector_store %arg5[%swap3A], %reduce_min3A_24 {strides = array<i32>} : memref<1024xi32, #tpu.memory_space<vmem>>, vector<1024xi32>,
    %eq3A_26 = arith.constant 0 : i32
    %eq3A_27 = arith.cmpi eq, %arg0, %eq3A_26 : i32
    %convert_element_type3A = arith.extui %eq3A_27 : i1 to i32
    %cond3A = arith.constant 0 : i32
    %cond3A_28 = arith.cmpi ne, %convert_element_type3A, %cond3A : i32
    scf.if %cond3A_28 {
      %get3A_29 = arith.constant 0 : index
      %get3A_30 = arith.constant 0 : index
      %get3A_31 = vector.load %arg3[%get3A_29, %get3A_30] : memref<2048x256xf32, #tpu.memory_space<vmem>>, vector<2048x256xf32>
      %get3A_32 = arith.constant 0 : index
      %get3A_33 = arith.constant 0 : index
      %get3A_34 = vector.load %arg4[%get3A_32, %get3A_33] : memref<2048x256xf32, #tpu.memory_space<vmem>>, vector<2048x256xf32>
      %add3A_35 = arith.addf %get3A_31, %get3A_34 : vector<2048x256xf32>
      %swap3A_36 = arith.constant 0 : index
      %swap3A_37 = arith.constant 0 : index
      %swap3A_38 = vector.load %arg6[%swap3A_36, %swap3A_37] : memref<2048x256xf32, #tpu.memory_space<vmem>>, vector<2048x256xf32>
      tpu.vector_store %arg6[%swap3A_36, %swap3A_37], %add3A_35 {strides = array<i32>} : memref<2048x256xf32, #tpu.memory_space<vmem>>, vector<2048x256xf32>,
    } else {
    }
    return
  }
  func.func @transform_0(%arg0: i32) -> (i32, i32) {
    %c0_i32 = arith.constant 0 : i32
    %c0_i32_0 = arith.constant 0 : i32
    return %arg0, %c0_i32 : i32, i32
  }
  func.func @transform_1(%arg0: i32) -> (i32, i32) {
    %c0_i32 = arith.constant 0 : i32
    %c0_i32_0 = arith.constant 0 : i32
    %c0_i32_1 = arith.constant 0 : i32
    return %c0_i32, %c0_i32_0 : i32, i32
  }
  func.func @transform_2(%arg0: i32) -> (i32, i32) {
    %c0_i32 = arith.constant 0 : i32
    %c0_i32_0 = arith.constant 0 : i32
    %c0_i32_1 = arith.constant 0 : i32
    return %c0_i32, %c0_i32_0 : i32, i32
  }
  func.func @transform_3(%arg0: i32) -> (i32, i32) {
    %c0_i32 = arith.constant 0 : i32
    %c0_i32_0 = arith.constant 0 : i32
    %c0_i32_1 = arith.constant 0 : i32
    return %c0_i32, %c0_i32_0 : i32, i32
  }
  func.func @transform_4(%arg0: i32) -> i32 {
    %c0_i32 = arith.constant 0 : i32
    return %arg0 : i32
  }
  func.func @transform_5(%arg0: i32) -> (i32, i32) {
    %c0_i32 = arith.constant 0 : i32
    %c0_i32_0 = arith.constant 0 : i32
    %c0_i32_1 = arith.constant 0 : i32
    return %c0_i32, %c0_i32_0 : i32, i32
  }
}

module attributes {stable_mosaic.version = 14 : i64} {
  func.func @_tc2_body(%arg0: i32, %arg1: memref<1024x3xf32, #tpu.memory_space<vmem>>, %arg2: memref<1024x4xf32, #tpu.memory_space<vmem>>, %arg3: memref<1024x256xf32, #tpu.memory_space<vmem>>, %arg4: memref<3x1024xf32, #tpu.memory_space<vmem>>, %arg5: memref<1x1024xf32, #tpu.memory_space<vmem>>, %arg6: memref<1024x256xf32, #tpu.memory_space<vmem>>, %arg7: memref<1x256xf32, #tpu.memory_space<vmem>>, %arg8: memref<1x1024x256xf32, #tpu.memory_space<vmem>>) attributes {dimension_semantics = [#tpu.dimension_semantics<arbitrary>], iteration_bounds = array<i64: 32>, scalar_prefetch = 0 : i64, scratch_operands = 0 : i64, tpu.core_type = #tpu.core_type<tc>, window_params = [{transform_indices = @transform_0, window_bounds = array<i64: 1024, 3>}, {transform_indices = @transform_1, window_bounds = array<i64: 1024, 4>}, {transform_indices = @transform_2, window_bounds = array<i64: 1024, 256>}, {pipeline_mode = #tpu.pipeline_mode<synchronous>, transform_indices = @transform_3, window_bounds = array<i64: 3, 1024>}, {pipeline_mode = #tpu.pipeline_mode<synchronous>, transform_indices = @transform_4, window_bounds = array<i64: 1, 1024>}, {pipeline_mode = #tpu.pipeline_mode<synchronous>, transform_indices = @transform_5, window_bounds = array<i64: 1024, 256>}, {pipeline_mode = #tpu.pipeline_mode<synchronous>, transform_indices = @transform_6, window_bounds = array<i64: 1, 256>}, {transform_indices = @transform_7, window_bounds = array<i64: 1, 1024, 256>}]} {
    %get3A = arith.constant 0 : index
    %get3A_0 = arith.constant 0 : index
    %get3A_1 = vector.load %arg1[%get3A, %get3A_0] : memref<1024x3xf32, #tpu.memory_space<vmem>>, vector<1024x3xf32>
    %get3A_2 = arith.constant 0 : index
    %get3A_3 = arith.constant 0 : index
    %get3A_4 = vector.load %arg2[%get3A_2, %get3A_3] : memref<1024x4xf32, #tpu.memory_space<vmem>>, vector<1024x3xf32>
    %sub3A = arith.subf %get3A_1, %get3A_4 : vector<1024x3xf32>
    %get3A_5 = arith.constant 0 : index
    %get3A_6 = arith.constant 0 : index
    %get3A_7 = vector.load %arg4[%get3A_5, %get3A_6] : memref<3x1024xf32, #tpu.memory_space<vmem>>, vector<3x1024xf32>
    %dot_general3A = arith.constant dense<0.000000e+00> : vector<1024x1024xf32>
    %dot_general3A_8 = tpu.matmul %sub3A, %get3A_7, %dot_general3A {dimension_numbers = #tpu.dot_dimension_numbers<[1], [0], [0], [1], [0, 0, 1, 1], [], []>, transpose_lhs_hint = false} : vector<1024x3xf32>, vector<3x1024xf32>, vector<1024x1024xf32> -> vector<1024x1024xf32>
    %get3A_9 = arith.constant 0 : index
    %get3A_10 = arith.constant 0 : index
    %get3A_11 = vector.load %arg5[%get3A_9, %get3A_10] : memref<1x1024xf32, #tpu.memory_space<vmem>>, vector<1x1024xf32>
    %add3A = vector.broadcast %get3A_11 : vector<1x1024xf32> to vector<1024x1024xf32>
    %add3A_12 = arith.addf %dot_general3A_8, %add3A : vector<1024x1024xf32>
    %mul3A = arith.constant 5.000000e-01 : f32
    %mul3A_13 = vector.broadcast %mul3A : f32 to vector<1024x1024xf32>
    %mul3A_14 = arith.mulf %mul3A_13, %add3A_12 : vector<1024x1024xf32>
    %mul3A_15 = arith.constant 0.707106769 : f32
    %mul3A_16 = vector.broadcast %mul3A_15 : f32 to vector<1024x1024xf32>
    %mul3A_17 = arith.mulf %add3A_12, %mul3A_16 : vector<1024x1024xf32>
    %erf3A = math.erf %mul3A_17 : vector<1024x1024xf32>
    %add3A_18 = arith.constant 1.000000e+00 : f32
    %add3A_19 = vector.broadcast %add3A_18 : f32 to vector<1024x1024xf32>
    %add3A_20 = arith.addf %add3A_19, %erf3A : vector<1024x1024xf32>
    %mul3A_21 = arith.mulf %mul3A_14, %add3A_20 : vector<1024x1024xf32>
    %get3A_22 = arith.constant 0 : index
    %get3A_23 = arith.constant 0 : index
    %get3A_24 = vector.load %arg6[%get3A_22, %get3A_23] : memref<1024x256xf32, #tpu.memory_space<vmem>>, vector<1024x256xf32>
    %dot_general3A_25 = arith.constant dense<0.000000e+00> : vector<1024x256xf32>
    %dot_general3A_26 = tpu.matmul %mul3A_21, %get3A_24, %dot_general3A_25 {dimension_numbers = #tpu.dot_dimension_numbers<[1], [0], [0], [1], [0, 0, 1, 1], [], []>, transpose_lhs_hint = false} : vector<1024x1024xf32>, vector<1024x256xf32>, vector<1024x256xf32> -> vector<1024x256xf32>
    %get3A_27 = arith.constant 0 : index
    %get3A_28 = arith.constant 0 : index
    %get3A_29 = vector.load %arg7[%get3A_27, %get3A_28] : memref<1x256xf32, #tpu.memory_space<vmem>>, vector<1x256xf32>
    %add3A_30 = vector.broadcast %get3A_29 : vector<1x256xf32> to vector<1024x256xf32>
    %add3A_31 = arith.addf %dot_general3A_26, %add3A_30 : vector<1024x256xf32>
    %get3A_32 = arith.constant 0 : index
    %get3A_33 = arith.constant 0 : index
    %get3A_34 = vector.load %arg3[%get3A_32, %get3A_33] : memref<1024x256xf32, #tpu.memory_space<vmem>>, vector<1024x256xf32>
    %add3A_35 = arith.addf %add3A_31, %get3A_34 : vector<1024x256xf32>
    %swap3A = arith.constant 0 : index
    %swap3A_36 = arith.constant 0 : index
    %swap3A_37 = arith.constant 0 : index
    %swap3A_38 = vector.load %arg8[%swap3A, %swap3A_36, %swap3A_37] : memref<1x1024x256xf32, #tpu.memory_space<vmem>>, vector<1x1024x256xf32>
    %swap3A_39 = vector.shape_cast %swap3A_38 : vector<1x1024x256xf32> to vector<1024x256xf32>
    %swap3A_40 = vector.shape_cast %add3A_35 : vector<1024x256xf32> to vector<1x1024x256xf32>
    tpu.vector_store %arg8[%swap3A, %swap3A_36, %swap3A_37], %swap3A_40 {strides = array<i32>} : memref<1x1024x256xf32, #tpu.memory_space<vmem>>, vector<1x1024x256xf32>,
    return
  }
  func.func @transform_0(%arg0: i32) -> (i32, i32) {
    %c0_i32 = arith.constant 0 : i32
    %c0_i32_0 = arith.constant 0 : i32
    return %arg0, %c0_i32 : i32, i32
  }
  func.func @transform_1(%arg0: i32) -> (i32, i32) {
    %c0_i32 = arith.constant 0 : i32
    %c0_i32_0 = arith.constant 0 : i32
    return %arg0, %c0_i32 : i32, i32
  }
  func.func @transform_2(%arg0: i32) -> (i32, i32) {
    %c0_i32 = arith.constant 0 : i32
    %c0_i32_0 = arith.constant 0 : i32
    return %arg0, %c0_i32 : i32, i32
  }
  func.func @transform_3(%arg0: i32) -> (i32, i32) {
    %c0_i32 = arith.constant 0 : i32
    %c0_i32_0 = arith.constant 0 : i32
    %c0_i32_1 = arith.constant 0 : i32
    return %c0_i32, %c0_i32_0 : i32, i32
  }
  func.func @transform_4(%arg0: i32) -> (i32, i32) {
    %c0_i32 = arith.constant 0 : i32
    %c0_i32_0 = arith.constant 0 : i32
    %c0_i32_1 = arith.constant 0 : i32
    return %c0_i32, %c0_i32_0 : i32, i32
  }
  func.func @transform_5(%arg0: i32) -> (i32, i32) {
    %c0_i32 = arith.constant 0 : i32
    %c0_i32_0 = arith.constant 0 : i32
    %c0_i32_1 = arith.constant 0 : i32
    return %c0_i32, %c0_i32_0 : i32, i32
  }
  func.func @transform_6(%arg0: i32) -> (i32, i32) {
    %c0_i32 = arith.constant 0 : i32
    %c0_i32_0 = arith.constant 0 : i32
    %c0_i32_1 = arith.constant 0 : i32
    return %c0_i32, %c0_i32_0 : i32, i32
  }
  func.func @transform_7(%arg0: i32) -> (i32, i32, i32) {
    %jit3A = arith.constant 8 : i32
    %div3A = arith.divsi %arg0, %jit3A : i32
    %sign3A = arith.constant 0 : i32
    %sign3A_0 = arith.cmpi sgt, %arg0, %sign3A : i32
    %sign3A_1 = arith.extui %sign3A_0 : i1 to i32
    %sign3A_2 = arith.constant 0 : i32
    %sign3A_3 = arith.cmpi slt, %arg0, %sign3A_2 : i32
    %sign3A_4 = arith.extui %sign3A_3 : i1 to i32
    %sign3A_5 = arith.subi %sign3A_1, %sign3A_4 : i32
    %sign3A_6 = arith.constant 0 : i32
    %sign3A_7 = arith.cmpi sgt, %jit3A, %sign3A_6 : i32
    %sign3A_8 = arith.extui %sign3A_7 : i1 to i32
    %sign3A_9 = arith.constant 0 : i32
    %sign3A_10 = arith.cmpi slt, %jit3A, %sign3A_9 : i32
    %sign3A_11 = arith.extui %sign3A_10 : i1 to i32
    %sign3A_12 = arith.subi %sign3A_8, %sign3A_11 : i32
    %ne3A = arith.cmpi ne, %sign3A_5, %sign3A_12 : i32
    %rem3A = arith.remsi %arg0, %jit3A : i32
    %ne3A_13 = arith.constant 0 : i32
    %ne3A_14 = arith.cmpi ne, %rem3A, %ne3A_13 : i32
    %and3A = arith.andi %ne3A, %ne3A_14 : i1
    %sub3A = arith.constant 1 : i32
    %sub3A_15 = arith.subi %div3A, %sub3A : i32
    %select_n3A = arith.select %and3A, %sub3A_15, %div3A : i32
    %jit3A_16 = arith.constant 8 : i32
    %eq3A = arith.constant 0 : i32
    %eq3A_17 = arith.cmpi eq, %jit3A_16, %eq3A : i32
    %jit3A_18 = arith.constant 1 : i32
    %select_n3A_19 = arith.select %eq3A_17, %jit3A_18, %jit3A_16 : i32
    %rem3A_20 = arith.remsi %arg0, %select_n3A_19 : i32
    %ne3A_21 = arith.constant 0 : i32
    %ne3A_22 = arith.cmpi ne, %rem3A_20, %ne3A_21 : i32
    %lt3A = arith.constant 0 : i32
    %lt3A_23 = arith.cmpi slt, %rem3A_20, %lt3A : i32
    %lt3A_24 = arith.constant 0 : i32
    %lt3A_25 = arith.cmpi slt, %select_n3A_19, %lt3A_24 : i32
    %ne3A_26 = arith.xori %lt3A_23, %lt3A_25 : i1
    %and3A_27 = arith.andi %ne3A_26, %ne3A_22 : i1
    %add3A = arith.addi %rem3A_20, %select_n3A_19 : i32
    %select_n3A_28 = arith.select %and3A_27, %add3A, %rem3A_20 : i32
    %c0_i32 = arith.constant 0 : i32
    %c0_i32_29 = arith.constant 0 : i32
    return %select_n3A, %select_n3A_28, %c0_i32 : i32, i32, i32
  }
}

</mosaic_0001>

<sc_bundles>
// kernel: kernel.5.cloned.1.call-start
scs
__scs_entry_jumppad:
0x0: {  	(pc) =	sbr.rel $0x88, $3  }
0x1: {  	(tag) =	ssettag $0x0;
	lr =	simm.s32 $0x1  }
0x2: {  	[smem:$0x3F99] =	sst lr;
	_ =	strace $0xD0000000  }
0x3: {  	_ = 	snop  }
0x4: {  	_ = 	snop  }
0x5: {  	_ = 	snop  }
0x6: {  	_ = 	snop  }
0x7: {  	_ = 	snop  }
__scs_overlays_trampoline_lowered:
0x8: {  	[smem:$0x3FA8] =	sst s0  }
0x9: {  	[smem:$0x3FA9] =	sst s1  }
0xa: {  	[smem:$0x3FAA] =	sst s2  }
0xb: {  	[smem:$0x3FAB] =	sst s3  }
0xc: {  	[smem:$0x3FAC] =	sst s4  }
0xd: {  	[smem:$0x3FAD] =	sst s5  }
0xe: {  	[smem:$0x3FAE] =	sst s6  }
0xf: {  	[smem:$0x3FAF] =	sst s7  }
0x10: {  	[smem:$0x3FB0] =	sst s8  }
0x11: {  	[smem:$0x3FB1] =	sst s9;
	s0 =	simm.s32 @!p0 $0x0  }
0x12: {  	s1 =	sld [smem:$0x3F97];
	s0 =	simm.s32 @p0 $0x1  }
0x13: {  	[smem:$0x3FB2] =	sst s0;
	s0 =	simm.s32 @!p1 $0x0  }
0x14: {  	s2 =	sld [smem:$0x3F96];
	s0 =	simm.s32 @p1 $0x1  }
0x15: {  	[smem:$0x3FB3] =	sst s0;
	s0 =	simm.s32 @!p2 $0x0  }
0x16: {  	s3 =	sld [smem:$0x3FDB];
	s0 =	simm.s32 @p2 $0x1  }
0x17: {  	s4 =	simm.s32 $0x1BF5;
	[smem:$0x3FB5] =	sst s0  }
0x18: {  	s0 =	sld [smem:$0x3F98];
	_ =	swait.ge [sflag:s4], $0x0  }
0x19: {  	s7 =	sld [smem:$0x3F99]  }
0x1a: {  	s8 =	sadd.s32 $0xFFFFE003, lr  }
0x1b: {  	s9 =	sadd.s32 $0xFFFFFEF7, lr;
	s5 =	simm.s32 $0xFFFFFFFF;
	p2 =	slt.u32 s8, $0xFFFFF086  }
0x1c: {  	p1 =	slt.u32 s9, $0xF7A;
	s5 =	simm.s32 @!p2 $0x0  }
0x1d: {  	s5 =	simm.s32 @p1 $0x1;
	p0 =	seq.s32 s7, s2  }
0x1e: {  	s7 =	smul.u32 @!p0 $0xF7A, s2;
	p2 =	seq.s32 @!p0 s5, $0x0  }
0x1f: {  	s9 =	smul.u32 $0xF7A, s1;
	s8 =	simm.s32 @!p0 $0x1BF5;
	p2 =	por !p2, p0  }
0x20: {  	[sflag:s8] =	ssyncset.s32 @!p0 $0xFFFFF086;
	s6 =	sadd.s32 @!p0 s3, s7;
	s7 =	simm.s32 @!p0 $0x108  }
0x21: {  	s3 =	sadd.s32 s3, s9;
	s6 =	sadd.s32 @!p0 $0x88, s6;
	s7 =	simm.s32 @p2 $0x1082  }
0x22: {  	[simem:s7], [sflag:s8] =	dma.local @!p0 [hbm:s6], $0xF7A  }
0x23: {  	s9 =	sor.u32 $0xD0000000, s2;
	s6 =	simm.s32 $0x108;
	_ =	swait.ge @!p0 [sflag:s8], $0x0  }
0x24: {  	s3 =	sadd.s32 $0x88, s3;
	s6 =	simm.s32 @!p1 $0x1082;
	[sflag:s4] =	ssyncset.s32 $0xFFFFF086  }
0x25: {  	[simem:s6], [sflag:s4] =	dma.local [hbm:s3], $0xF7A  }
0x26: {  	[smem:$0x3F99] =	sst s1;
	(tag) =	ssettag s2;
	_ =	strace s9  }
0x27: {  	s1 =	sld [smem:$0x3FA9]  }
0x28: {  	s2 =	sld [smem:$0x3FAA]  }
0x29: {  	s4 =	sld [smem:$0x3FAC]  }
0x2a: {  	p0 =	seq.s32 s5, $0x0;
	s5 =	sld [smem:$0x3FAD]  }
0x2b: {  	s6 =	sld [smem:$0x3FAE]  }
0x2c: {  	s7 =	sld [smem:$0x3FAF]  }
0x2d: {  	s3 =	simm.s32 $0x108;
	s8 =	sld [smem:$0x3FB0]  }
0x2e: {  	s3 =	simm.s32 @!p0 $0x1082;
	s9 =	sld [smem:$0x3FB1]  }
0x2f: {  	lr =	sadd.s32 s0, s3;
	s0 =	sld [smem:$0x3FA8]  }
0x30: {  	s3 =	sld [smem:$0x3FAB]  }
0x31: {  	[smem:$0x3FB4] =	sst s10  }
0x32: {  	s10 =	sld [smem:$0x3FB2];
	_ =	sdelay $0x3  }
0x33: {  	p0 =	seq.s32 s10, $0x1;
	s10 =	sld [smem:$0x3FB4];
	_ =	sdelay $0x3  }
0x34: {  	[smem:$0x3FB4] =	sst s10  }
0x35: {  	s10 =	sld [smem:$0x3FB3];
	_ =	sdelay $0x3  }
0x36: {  	p1 =	seq.s32 s10, $0x1;
	s10 =	sld [smem:$0x3FB4];
	_ =	sdelay $0x3  }
0x37: {  	[smem:$0x3FB4] =	sst s10  }
0x38: {  	s10 =	sld [smem:$0x3FB5]  }
0x39: {  	_ = 	snop;
	(pc) =	sbr.ind lr, $3  }
0x3a: {  	_ = 	snop  }
0x3b: {  	_ = 	snop  }
0x3c: {  	p2 =	seq.s32 s10, $0x1;
	s10 =	sld [smem:$0x3FB4]  }
0x3d: {  	_ =	shalt  }
0x3e: {  	_ =	shalt  }
0x3f: {  	_ =	shalt  }
0x40: {  	_ =	shalt  }
0x41: {  	_ =	shalt  }
0x42: {  	_ =	shalt  }
0x43: {  	_ =	shalt  }
0x44: {  	_ =	shalt  }
0x45: {  	_ =	shalt  }
0x46: {  	_ =	shalt  }
0x47: {  	_ =	shalt  }
0x48: {  	_ =	shalt  }
0x49: {  	_ =	shalt  }
0x4a: {  	_ =	shalt  }
0x4b: {  	_ =	shalt  }
0x4c: {  	_ =	shalt  }
0x4d: {  	_ =	shalt  }
0x4e: {  	_ =	shalt  }
0x4f: {  	_ =	shalt  }
0x50: {  	_ =	shalt  }
0x51: {  	_ =	shalt  }
0x52: {  	_ =	shalt  }
0x53: {  	_ =	shalt  }
0x54: {  	_ =	shalt  }
0x55: {  	_ =	shalt  }
0x56: {  	_ =	shalt  }
0x57: {  	_ =	shalt  }
0x58: {  	_ =	shalt  }
0x59: {  	_ =	shalt  }
0x5a: {  	_ =	shalt  }
0x5b: {  	_ =	shalt  }
0x5c: {  	_ =	shalt  }
0x5d: {  	_ =	shalt  }
0x5e: {  	_ =	shalt  }
0x5f: {  	_ =	shalt  }
0x60: {  	_ =	shalt  }
0x61: {  	_ =	shalt  }
0x62: {  	_ =	shalt  }
0x63: {  	_ =	shalt  }
0x64: {  	_ =	shalt  }
0x65: {  	_ =	shalt  }
0x66: {  	_ =	shalt  }
0x67: {  	_ =	shalt  }
0x68: {  	_ =	shalt  }
0x69: {  	_ =	shalt  }
0x6a: {  	_ =	shalt  }
0x6b: {  	_ =	shalt  }
0x6c: {  	_ =	shalt  }
0x6d: {  	_ =	shalt  }
0x6e: {  	_ =	shalt  }
0x6f: {  	_ =	shalt  }
0x70: {  	_ =	shalt  }
0x71: {  	_ =	shalt  }
0x72: {  	_ =	shalt  }
0x73: {  	_ =	shalt  }
0x74: {  	_ =	shalt  }
0x75: {  	_ =	shalt  }
0x76: {  	_ =	shalt  }
0x77: {  	_ =	shalt  }
0x78: {  	_ =	shalt  }
0x79: {  	_ =	shalt  }
0x7a: {  	_ =	shalt  }
0x7b: {  	_ =	shalt  }
0x7c: {  	_ =	shalt  }
0x7d: {  	_ =	shalt  }
0x7e: {  	_ =	shalt  }
0x7f: {  	_ =	shalt  }
0x80: {  	_ =	shalt  }
0x81: {  	_ =	shalt  }
0x82: {  	_ =	shalt  }
0x83: {  	_ =	shalt  }
0x84: {  	_ =	shalt  }
0x85: {  	_ =	shalt  }
0x86: {  	_ =	shalt  }
0x87: {  	_ =	shalt  }
.Lfunc_end0:
.L_simem_size_0:
called_computation_lowered:
.L_overlay_start_0:
0x88: {  	s2 =	sld [smem:$0x3FD9]  }
0x89: {  	s3 =	sld [smem:$0x3FFE];
	_ =	sdelay $0x1  }
0x8a: {  	s1 =	srdreg.scid  }
0x8b: {  	s0 =	sand.u32 $0x1, s1  }
0x8c: {  	s16 =	sshll.u32 s0, $0xA;
	s2 =	sadd.s32 s3, s2  }
0x8d: {  	s2 =	sadd.s32 s2, s16  }
0x8e: {  	[smem:$0x3FC0] =	sst s2  }
0x8f: {  	_ = 	snop  }
0x90: {  	(tm) =	ssettm $0x1  }
0x91: {  	s17 =	sld [smem:$0x3FFB];
	_ =	sdelay $0x3  }
0x92: {  	_ =	strace s17  }
0x93: {  	s2 =	sld [smem:$0x3FFC];
	_ =	sdelay $0x3  }
0x94: {  	_ =	strace s2  }
0x95: {  	s2 =	sld [smem:$0x3FFD];
	_ =	sdelay $0x3  }
0x96: {  	_ =	strace s2  }
0x97: {  	_ =	strace $0x8FFFFFFF  }
0x98: {  	s18 =	sld [smem:$0x3FDB];
	_ =	sdelay $0x1  }
0x99: {  	s19 =	simm.s32 $_scs_section_size  }
0x9a: {  	s4 =	simm.s32 $_size__tile_overlayer_lowered;
	s5 =	simm.s32 $_tile_overlayer_lowered  }
0x9b: {  	s22 =	simm.s32 $0x1BFF;
	s21 =	sshll.u32 s5, $0x1;
	s2 =	sadd.s32 s19, s18  }
0x9c: {  	s6 =	simm.s32 $0x0;
	s20 =	sshll.u32 s4, $0x1;
	s4 =	sadd.s32 s21, s2  }
0x9d: {  	[timem:s6], [sflag:s22] =	dma.local [hbm:s4], s20  }
0x9e: {  	_ =	swait.ge [sflag:s22], s20  }
0x9f: {  	s3 =	ssub.s32 $0x0, s20;
	[sflag:s22] =	ssyncset.done $0x0  }
0xa0: {  	[sflag:s22] =	ssyncadd.s32 s3;
	_ =	sdelay $0x1  }
0xa1: {  	s23 =	simm.s32 $0x1B8B  }
0xa2: {  	_ =	swait.ge [sflag:s23], $0x1  }
0xa3: {  	[sflag:s23] =	ssyncset.done $0x0  }
0xa4: {  	s25 =	simm.s32 $0x1B8E;
	s24 =	sld [smem:$0x3FFE];
	[sflag:s23] =	ssyncadd.s32 $0xFFFFFFFF  }
0xa5: {  	s26 =	simm.s32 $execute0_lowered;
	[smem:$0x3FD2] =	sst s25  }
0xa6: {  	s4 =	sshll.u32 s26, $0x1;
	_ =	strace $0x80000046;
	[dreg:$0x1] =	wrdreg $0xFFFFFFFF  }
0xa7: {  	s28 =	simm.s32 $_size_execute0_lowered;
	s2 =	sadd.s32 s2, s4;
	[dreg:$0x0] =	wrdreg $0x0  }
0xa8: {  	s4 =	sshll.u32 s28, $0x1;
	[dreg:$0x2] =	wrdreg s2  }
0xa9: {  	[dreg:$0x3] =	wrdreg s4  }
0xaa: {  	[dreg:$0x4] =	wrdreg $0xC0  }
0xab: {  	_ =	task [dreg:s6], $0x5FFFF  }
0xac: {  	[dreg:$0x1] =	wrdreg $0xFFFFFFFF  }
0xad: {  	[dreg:$0x0] =	wrdreg $0x60  }
0xae: {  	[dreg:$0x2] =	wrdreg s24  }
0xaf: {  	[dreg:$0x3] =	wrdreg $0x9  }
0xb0: {  	_ =	task.clear_ibuf [dreg:s6], $0x4FFFF;
	_ =	strace $0x90000046  }
0xb1: {  	s29 =	simm.s32 $0x9;
	_ =	strace $0x80000048  }
0xb2: {  	_ =	swait.ge [sflag:s29], $0x1  }
0xb3: {  	[sflag:s29] =	ssyncadd.s32 $0xFFFFFFFF  }
0xb4: {  	_ =	strace $0x90000048  }
0xb5: {  	_ =	sfence  }
0xb6: {  	s30 =	sld [smem:$0x0];
	_ =	sdelay $0x2  }
0xb7: {  	s31 =	sshll.u32 s1, $0xD;
	s1 =	sshrl.u32 s1, $0x2  }
0xb8: {  	s3 =	sand.u32 $0x4000, s31;
	s1 =	sadd.s32 s1, s30  }
0xb9: {  	s0 =	sor.u32 s3, s0;
	s1 =	sshll.u32 s1, $0x11  }
0xba: {  	s0 =	sor.u32 s1, s0  }
0xbb: {  	s0 =	sadd.s32 $0x8F2B, s0  }
0xbc: {  	[sflag:s0] =	ssyncadd.remote.s32 $0x1  }
0xbd: {  	_ =	sfence.sel $0xFFFF  }
0xbe: {  	[dreg:$0x0] =	wrdreg $0xFFFFFFFF;
	(pc) =	sbr.abs _section_cstart, $3  }
0xbf: {  	[dreg:$0x1] =	wrdreg $0xFFFFFFFF  }
0xc0: {  	_ =	task.clear_ibuf [dreg:s6], $0x2FFFF;
	_ =	strace $0x9FFFFFFF  }
0xc1: {  	(tm) =	ssettm $0x7FFFFFFF  }
tec
execute0_lowered:
.L_overlay_start_1:
0x0: {  	(tag) =	ssettag $0x1  }
0x1: {  	s0 =	rddreg [dreg:$0x0]  }
0x2: {  	s1 =	srdreg.scid;
	s2 =	simm.s32 $0x0;
	s3 =	stileid.u32  }
0x3: {  	s29 =	simm.s32 $0x100;
	s5 =	sand.u32 $0x1, s1;
	[smem:$0x7FF] =	sst s2  }
0x4: {  	s6 =	sshll.u32 s3, $0xB;
	s7 =	sadd.s32 $0x1E00, s0;
	s4 =	sadd.s32 $0x12200, s0  }
0x5: {  	s3 =	sadd.s32 $0x13200, s0;
	s8 =	sshll.u32 s5, $0xA;
	_ =	strace $0x80000047  }
0x6: {  	[dreg:$0x2] =	wrdreg s7;
	s5 =	ssub.s32 $0x2, s5;
	s6 =	sor.u32 s8, s6  }
0x7: {  	s1 =	sshrl.u32 s6, $0x3;
	s8 =	sor.u32 $0x80, s6;
	s10 =	sshll.u32 s6, $0x5  }
0x8: {  	s15 =	sor.u32 $0x180, s6;
	s21 =	sor.u32 $0x200, s6;
	s28 =	sor.u32 $0x280, s6  }
0x9: {  	s1 =	sadd.s32 s4, s1;
	s9 =	sshrl.u32 s8, $0x3;
	s14 =	sshll.u32 s8, $0x5  }
0xa: {  	s8 =	sshll.u32 s8, $0x4;
	s17 =	sshrl.u32 s15, $0x3;
	s23 =	sshrl.u32 s21, $0x3  }
0xb: {  	s25 =	sshll.u32 s15, $0x5;
	s26 =	sshll.u32 s15, $0x4;
	s31 =	sshrl.u32 s28, $0x3  }
0xc: {  	[dreg:$0x3] =	wrdreg s1;
	s7 =	sadd.s32 s4, s9;
	s1 =	sadd.s32 $0x113200, s0  }
0xd: {  	s9 =	sshll.u32 s6, $0x4;
	s18 =	sadd.s32 s4, s17;
	[dreg:$0x4] =	wrdreg s7  }
0xe: {  	s24 =	sadd.s32 s4, s23;
	s7 =	sadd.s32 s3, s10;
	[dreg:$0xa] =	wrdreg s18  }
0xf: {  	s10 =	sor.u32 $0x100, s6;
	s11 =	sadd.s32 s1, s9;
	[dreg:$0xd] =	wrdreg s24  }
0x10: {  	s16 =	sadd.s32 s1, s8;
	s30 =	sadd.s32 s1, s26;
	[dreg:$0x5] =	wrdreg s7  }
0x11: {  	s18 =	sshll.u32 s28, $0x5;
	s12 =	sshrl.u32 s10, $0x3;
	[dreg:$0x6] =	wrdreg s11  }
0x12: {  	s7 =	sadd.s32 s3, s14;
	[dreg:$0x9] =	wrdreg s16;
	s19 =	sshll.u32 s10, $0x5  }
0x13: {  	s20 =	sshll.u32 s10, $0x4;
	[dreg:$0xf] =	wrdreg s30;
	s11 =	sadd.s32 s4, s31  }
0x14: {  	s14 =	sor.u32 $0x300, s6;
	s6 =	sor.u32 $0x380, s6;
	s30 =	sshrl.u32 s5, $0x1  }
0x15: {  	s13 =	sadd.s32 s4, s12;
	[dreg:$0x8] =	wrdreg s7;
	s7 =	sadd.s32 s3, s19  }
0x16: {  	s22 =	sadd.s32 s1, s20;
	[dreg:$0x10] =	wrdreg s11;
	s12 =	sshll.u32 s21, $0x5  }
0x17: {  	s16 =	sshrl.u32 s14, $0x3;
	s19 =	sshll.u32 s28, $0x4;
	s24 =	sshll.u32 s14, $0x4  }
0x18: {  	s26 =	sshll.u32 s6, $0x5;
	s28 =	sshll.u32 s6, $0x4;
	[dreg:$0x7] =	wrdreg s13  }
0x19: {  	s31 =	ssub.s32 s5, s30;
	s5 =	simm.s32 $0x10100;
	[dreg:$0xb] =	wrdreg s7  }
0x1a: {  	[dreg:$0xc] =	wrdreg s22;
	s7 =	sadd.s32 s3, s25;
	s13 =	sshll.u32 s21, $0x4  }
0x1b: {  	v3 =	vlaneseq.u32;
	s17 =	sadd.s32 s4, s16;
	s20 =	sadd.s32 s1, s19;
	[dreg:$0xe] =	wrdreg s7  }
0x1c: {  	vm0 =	vmmov $0xffff;
	v0 =	vmul.u32 $0x80, v3;
	s21 =	sshrl.u32 s6, $0x3;
	s22 =	sshll.u32 s14, $0x5;
	[dreg:$0x13] =	wrdreg s17  }
0x1d: {  	v2 =	vshrl.u32 v3, $0x3;
	v1 =	vand.u32 $0x7, v3;
	v3 =	vor.u32 $0x8, v3;
	s25 =	sadd.s32 s1, s24;
	s6 =	simm.s32 $0x5;
	[dreg:$0x15] =	wrdreg s20  }
0x1e: {  	v2 =	vmul.u32 $0x8, v2;
	v4 =	vor.u32 $0x1, v0;
	v5 =	vor.u32 $0x2, v0;
	s24 =	simm.s32 $0x8100;
	s7 =	sadd.s32 s3, s12;
	[dreg:$0x18] =	wrdreg s25  }
0x1f: {  	v6 =	vor.u32 $0x800, v0;
	v7 =	vor.u32 $0x801, v0;
	v8 =	vor.u32 $0x802, v0;
	s16 =	simm.s32 $0x1;
	s15 =	sadd.s32 s1, s13;
	[dreg:$0x11] =	wrdreg s7  }
0x20: {  	v9 =	vor.u32 $0x1000, v0;
	v10 =	vor.u32 $0x1001, v0;
	v11 =	vor.u32 $0x1002, v0;
	s19 =	simm.s32 $0x2;
	s4 =	sadd.s32 s4, s21;
	[dreg:$0x12] =	wrdreg s15  }
0x21: {  	v12 =	vor.u32 $0x1800, v0;
	v13 =	vor.u32 $0x1801, v0;
	v14 =	vor.u32 $0x1802, v0;
	s23 =	sadd.s32 s3, s22;
	s1 =	sadd.s32 s1, s28;
	[dreg:$0x16] =	wrdreg s4  }
0x22: {  	v15 =	vor.u32 $0x2000, v0;
	v16 =	vor.u32 $0x2001, v0;
	v17 =	vor.u32 $0x2002, v0;
	s17 =	simm.s32 $0x3;
	s20 =	simm.s32 $0x4;
	[dreg:$0x17] =	wrdreg s23  }
0x23: {  	v18 =	vor.u32 $0x2800, v0;
	v19 =	vor.u32 $0x2801, v0;
	v20 =	vor.u32 $0x2802, v0;
	s7 =	sadd.s32 s3, s18;
	s3 =	sadd.s32 s3, s26;
	[dreg:$0x1a] =	wrdreg s1  }
0x24: {  	v21 =	vor.u32 $0x3000, v0;
	v22 =	vor.u32 $0x3001, v0;
	v23 =	vor.u32 $0x3002, v0;
	s4 =	smax.u32 s31, $0x1;
	s15 =	simm.s32 $0x12100;
	[dreg:$0x14] =	wrdreg s7  }
0x25: {  	v24 =	vor.u32 $0x3800, v0;
	v25 =	vor.u32 $0x3801, v0;
	v26 =	vor.u32 $0x3802, v0;
	s18 =	simm.s32 $0x16100;
	[dreg:$0x19] =	wrdreg s3;
	s3 =	sadd.s32 $0x2200, s0  }
.LBB2_1:
0x26: {  	s21 =	rddreg [dreg:$0x2]  }
0x27: {  	[tilespmem:s5], [sflag:$0x5] =	stream.linear.gather [hbm4b:s21+s2], $0x2000, $0x38;
	[tilespmem:$0x1A100] =	vst v63  }
0x28: {  	_ =	swait.ge [sflag:s6], $0x2000  }
0x29: {  	[sflag:s6] =	ssyncset.done $0x0  }
0x2a: {  	s8 =	rddreg [dreg:$0x3];
	[sflag:s6] =	ssyncadd.s32 $0xFFFFE000  }
0x2b: {  	[tilespmem:s2], [sflag:$0x5] =	stream.linear.gather [hbm4b:s8+s2], $0x80, $0x38;
	[tilespmem:$0x1A100] =	vst v63  }
0x2c: {  	_ =	swait.ge [sflag:s6], $0x80  }
0x2d: {  	[sflag:s6] =	ssyncset.done $0x0  }
0x2e: {  	[sflag:s6] =	ssyncadd.s32 $0xFFFFFF80  }
0x2f: {  	v27 =	vld [tilespmem:$0x0];
	_ =	sdelay $0x4  }
0x30: {  	v28 =	vshll.u32 v27, $0x1  }
0x31: {  	v27 =	vand.u32 $0x7, v27;
	v28 =	vand.u32 $0xFFFFFFF0, v28  }
0x32: {  	v27 =	vor.u32 v27, v28  }
0x33: {  	v28 =	vperm.xlane v27, v1;
	_ =	sdelay $0x1  }
0x34: {  	v27 =	vperm.xlane v27, v3;
	v28 =	vadd.s32 v2, v28;
	_ =	sdelay $0x1  }
0x35: {  	v27 =	vadd.s32 v2, v27;
	_ =	sdelay $0x2  }
0x36: {  	[tilespmem:s29], [sflag:$0x1] =	stream.indirect_vreg.gather [hbm4b:s3+s2], $0x80, v28, vm0, $0xb8;
	[tilespmem:$0x1A100] =	vst v63  }
0x37: {  	s0 =	simm.s32 $0x900  }
0x38: {  	[tilespmem:s0], [sflag:$0x1] =	stream.indirect_vreg.gather [hbm4b:s3+s2], $0x80, v27, vm0, $0xb8;
	[tilespmem:$0x1A100] =	vst v63  }
0x39: {  	v27 =	vld [tilespmem:$0x10];
	_ =	sdelay $0x4  }
0x3a: {  	v33 =	vshll.u32 v27, $0x1  }
0x3b: {  	v27 =	vand.u32 $0x7, v27;
	v28 =	vand.u32 $0xFFFFFFF0, v33  }
0x3c: {  	v27 =	vor.u32 v27, v28  }
0x3d: {  	v28 =	vperm.xlane v27, v1;
	_ =	sdelay $0x1  }
0x3e: {  	v27 =	vperm.xlane v27, v3;
	v28 =	vadd.s32 v2, v28;
	_ =	sdelay $0x1  }
0x3f: {  	v27 =	vadd.s32 v2, v27;
	_ =	sdelay $0x1  }
0x40: {  	s9 =	simm.s32 $0x1100  }
0x41: {  	[tilespmem:s9], [sflag:$0x1] =	stream.indirect_vreg.gather [hbm4b:s3+s2], $0x80, v28, vm0, $0xb8;
	[tilespmem:$0x1A100] =	vst v63  }
0x42: {  	s10 =	simm.s32 $0x1900  }
0x43: {  	[tilespmem:s10], [sflag:$0x1] =	stream.indirect_vreg.gather [hbm4b:s3+s2], $0x80, v27, vm0, $0xb8;
	[tilespmem:$0x1A100] =	vst v63  }
0x44: {  	v27 =	vld [tilespmem:$0x20];
	_ =	sdelay $0x4  }
0x45: {  	v34 =	vshll.u32 v27, $0x1  }
0x46: {  	v27 =	vand.u32 $0x7, v27;
	v28 =	vand.u32 $0xFFFFFFF0, v34  }
0x47: {  	v27 =	vor.u32 v27, v28  }
0x48: {  	v28 =	vperm.xlane v27, v1;
	_ =	sdelay $0x1  }
0x49: {  	v27 =	vperm.xlane v27, v3;
	v28 =	vadd.s32 v2, v28;
	_ =	sdelay $0x1  }
0x4a: {  	v27 =	vadd.s32 v2, v27;
	_ =	sdelay $0x1  }
0x4b: {  	s11 =	simm.s32 $0x2100  }
0x4c: {  	[tilespmem:s11], [sflag:$0x1] =	stream.indirect_vreg.gather [hbm4b:s3+s2], $0x80, v28, vm0, $0xb8;
	[tilespmem:$0x1A100] =	vst v63  }
0x4d: {  	s12 =	simm.s32 $0x2900  }
0x4e: {  	[tilespmem:s12], [sflag:$0x1] =	stream.indirect_vreg.gather [hbm4b:s3+s2], $0x80, v27, vm0, $0xb8;
	[tilespmem:$0x1A100] =	vst v63  }
0x4f: {  	v27 =	vld [tilespmem:$0x30];
	_ =	sdelay $0x4  }
0x50: {  	v35 =	vshll.u32 v27, $0x1  }
0x51: {  	v27 =	vand.u32 $0x7, v27;
	v28 =	vand.u32 $0xFFFFFFF0, v35  }
0x52: {  	v27 =	vor.u32 v27, v28  }
0x53: {  	v28 =	vperm.xlane v27, v1;
	_ =	sdelay $0x1  }
0x54: {  	v27 =	vperm.xlane v27, v3;
	v28 =	vadd.s32 v2, v28;
	_ =	sdelay $0x1  }
0x55: {  	v27 =	vadd.s32 v2, v27;
	_ =	sdelay $0x1  }
0x56: {  	s13 =	simm.s32 $0x3100  }
0x57: {  	[tilespmem:s13], [sflag:$0x1] =	stream.indirect_vreg.gather [hbm4b:s3+s2], $0x80, v28, vm0, $0xb8;
	[tilespmem:$0x1A100] =	vst v63  }
0x58: {  	s14 =	simm.s32 $0x3900  }
0x59: {  	[tilespmem:s14], [sflag:$0x1] =	stream.indirect_vreg.gather [hbm4b:s3+s2], $0x80, v27, vm0, $0xb8;
	[tilespmem:$0x1A100] =	vst v63  }
0x5a: {  	v27 =	vld [tilespmem:$0x40];
	_ =	sdelay $0x4  }
0x5b: {  	v36 =	vshll.u32 v27, $0x1  }
0x5c: {  	v27 =	vand.u32 $0x7, v27;
	v28 =	vand.u32 $0xFFFFFFF0, v36  }
0x5d: {  	v27 =	vor.u32 v27, v28  }
0x5e: {  	v28 =	vperm.xlane v27, v1;
	_ =	sdelay $0x1  }
0x5f: {  	v27 =	vperm.xlane v27, v3;
	v28 =	vadd.s32 v2, v28;
	_ =	sdelay $0x1  }
0x60: {  	v27 =	vadd.s32 v2, v27;
	_ =	sdelay $0x1  }
0x61: {  	s21 =	simm.s32 $0x4100  }
0x62: {  	[tilespmem:s21], [sflag:$0x1] =	stream.indirect_vreg.gather [hbm4b:s3+s2], $0x80, v28, vm0, $0xb8;
	[tilespmem:$0x1A100] =	vst v63  }
0x63: {  	s22 =	simm.s32 $0x4900  }
0x64: {  	[tilespmem:s22], [sflag:$0x1] =	stream.indirect_vreg.gather [hbm4b:s3+s2], $0x80, v27, vm0, $0xb8;
	[tilespmem:$0x1A100] =	vst v63  }
0x65: {  	v27 =	vld [tilespmem:$0x50];
	_ =	sdelay $0x4  }
0x66: {  	v37 =	vshll.u32 v27, $0x1  }
0x67: {  	v27 =	vand.u32 $0x7, v27;
	v28 =	vand.u32 $0xFFFFFFF0, v37  }
0x68: {  	v27 =	vor.u32 v27, v28  }
0x69: {  	v28 =	vperm.xlane v27, v1;
	_ =	sdelay $0x1  }
0x6a: {  	v27 =	vperm.xlane v27, v3;
	v28 =	vadd.s32 v2, v28;
	_ =	sdelay $0x1  }
0x6b: {  	v27 =	vadd.s32 v2, v27;
	_ =	sdelay $0x1  }
0x6c: {  	s23 =	simm.s32 $0x5100  }
0x6d: {  	[tilespmem:s23], [sflag:$0x1] =	stream.indirect_vreg.gather [hbm4b:s3+s2], $0x80, v28, vm0, $0xb8;
	[tilespmem:$0x1A100] =	vst v63  }
0x6e: {  	s25 =	simm.s32 $0x5900  }
0x6f: {  	[tilespmem:s25], [sflag:$0x1] =	stream.indirect_vreg.gather [hbm4b:s3+s2], $0x80, v27, vm0, $0xb8;
	[tilespmem:$0x1A100] =	vst v63  }
0x70: {  	v27 =	vld [tilespmem:$0x60];
	_ =	sdelay $0x4  }
0x71: {  	v38 =	vshll.u32 v27, $0x1  }
0x72: {  	v27 =	vand.u32 $0x7, v27;
	v28 =	vand.u32 $0xFFFFFFF0, v38  }
0x73: {  	v27 =	vor.u32 v27, v28  }
0x74: {  	v28 =	vperm.xlane v27, v1;
	_ =	sdelay $0x1  }
0x75: {  	v27 =	vperm.xlane v27, v3;
	v28 =	vadd.s32 v2, v28;
	_ =	sdelay $0x1  }
0x76: {  	v27 =	vadd.s32 v2, v27;
	_ =	sdelay $0x1  }
0x77: {  	s28 =	simm.s32 $0x6100  }
0x78: {  	[tilespmem:s28], [sflag:$0x1] =	stream.indirect_vreg.gather [hbm4b:s3+s2], $0x80, v28, vm0, $0xb8;
	[tilespmem:$0x1A100] =	vst v63  }
0x79: {  	s30 =	simm.s32 $0x6900  }
0x7a: {  	[tilespmem:s30], [sflag:$0x1] =	stream.indirect_vreg.gather [hbm4b:s3+s2], $0x80, v27, vm0, $0xb8;
	[tilespmem:$0x1A100] =	vst v63  }
0x7b: {  	v27 =	vld [tilespmem:$0x70];
	_ =	sdelay $0x4  }
0x7c: {  	v39 =	vshll.u32 v27, $0x1  }
0x7d: {  	v27 =	vand.u32 $0x7, v27;
	v28 =	vand.u32 $0xFFFFFFF0, v39  }
0x7e: {  	v27 =	vor.u32 v27, v28  }
0x7f: {  	v28 =	vperm.xlane v27, v1;
	_ =	sdelay $0x1  }
0x80: {  	v27 =	vperm.xlane v27, v3;
	v28 =	vadd.s32 v2, v28;
	_ =	sdelay $0x1  }
0x81: {  	v27 =	vadd.s32 v2, v27;
	_ =	sdelay $0x1  }
0x82: {  	s21 =	simm.s32 $0x7100  }
0x83: {  	[tilespmem:s21], [sflag:$0x1] =	stream.indirect_vreg.gather [hbm4b:s3+s2], $0x80, v28, vm0, $0xb8;
	[tilespmem:$0x1A100] =	vst v63  }
0x84: {  	s28 =	simm.s32 $0x7900  }
0x85: {  	[tilespmem:s28], [sflag:$0x1] =	stream.indirect_vreg.gather [hbm4b:s3+s2], $0x80, v27, vm0, $0xb8;
	[tilespmem:$0x1A100] =	vst v63  }
0x86: {  	s22 =	rddreg [dreg:$0x4];
	s30 =	simm.s32 $0x80  }
0x87: {  	[tilespmem:s30], [sflag:$0x5] =	stream.linear.gather [hbm4b:s22+s2], $0x80, $0x38;
	[tilespmem:$0x1A100] =	vst v63  }
0x88: {  	_ =	swait.ge [sflag:s6], $0x80  }
0x89: {  	[sflag:s6] =	ssyncset.done $0x0  }
0x8a: {  	[sflag:s6] =	ssyncadd.s32 $0xFFFFFF80  }
0x8b: {  	v27 =	vld [tilespmem:$0x80];
	_ =	sdelay $0x4  }
0x8c: {  	v40 =	vshll.u32 v27, $0x1  }
0x8d: {  	v27 =	vand.u32 $0x7, v27;
	v28 =	vand.u32 $0xFFFFFFF0, v40  }
0x8e: {  	v27 =	vor.u32 v27, v28  }
0x8f: {  	v28 =	vperm.xlane v27, v1;
	_ =	sdelay $0x1  }
0x90: {  	v27 =	vperm.xlane v27, v3;
	v28 =	vadd.s32 v2, v28;
	_ =	sdelay $0x1  }
0x91: {  	v27 =	vadd.s32 v2, v27;
	_ =	sdelay $0x2  }
0x92: {  	[tilespmem:s24], [sflag:$0x2] =	stream.indirect_vreg.gather [hbm4b:s3+s2], $0x80, v28, vm0, $0xb8;
	[tilespmem:$0x1A100] =	vst v63  }
0x93: {  	s0 =	simm.s32 $0x8900  }
0x94: {  	[tilespmem:s0], [sflag:$0x2] =	stream.indirect_vreg.gather [hbm4b:s3+s2], $0x80, v27, vm0, $0xb8;
	[tilespmem:$0x1A100] =	vst v63  }
0x95: {  	v27 =	vld [tilespmem:$0x90];
	_ =	sdelay $0x4  }
0x96: {  	v41 =	vshll.u32 v27, $0x1  }
0x97: {  	v27 =	vand.u32 $0x7, v27;
	v28 =	vand.u32 $0xFFFFFFF0, v41  }
0x98: {  	v27 =	vor.u32 v27, v28  }
0x99: {  	v28 =	vperm.xlane v27, v1;
	_ =	sdelay $0x1  }
0x9a: {  	v27 =	vperm.xlane v27, v3;
	v28 =	vadd.s32 v2, v28;
	_ =	sdelay $0x1  }
0x9b: {  	v27 =	vadd.s32 v2, v27;
	_ =	sdelay $0x1  }
0x9c: {  	s22 =	simm.s32 $0x9100  }
0x9d: {  	[tilespmem:s22], [sflag:$0x2] =	stream.indirect_vreg.gather [hbm4b:s3+s2], $0x80, v28, vm0, $0xb8;
	[tilespmem:$0x1A100] =	vst v63  }
0x9e: {  	s30 =	simm.s32 $0x9900  }
0x9f: {  	[tilespmem:s30], [sflag:$0x2] =	stream.indirect_vreg.gather [hbm4b:s3+s2], $0x80, v27, vm0, $0xb8;
	[tilespmem:$0x1A100] =	vst v63  }
0xa0: {  	v27 =	vld [tilespmem:$0xA0];
	_ =	sdelay $0x4  }
0xa1: {  	v42 =	vshll.u32 v27, $0x1  }
0xa2: {  	v27 =	vand.u32 $0x7, v27;
	v28 =	vand.u32 $0xFFFFFFF0, v42  }
0xa3: {  	v27 =	vor.u32 v27, v28  }
0xa4: {  	v28 =	vperm.xlane v27, v1;
	_ =	sdelay $0x1  }
0xa5: {  	v27 =	vperm.xlane v27, v3;
	v28 =	vadd.s32 v2, v28;
	_ =	sdelay $0x1  }
0xa6: {  	v27 =	vadd.s32 v2, v27;
	_ =	sdelay $0x1  }
0xa7: {  	s0 =	simm.s32 $0xA100  }
0xa8: {  	[tilespmem:s0], [sflag:$0x2] =	stream.indirect_vreg.gather [hbm4b:s3+s2], $0x80, v28, vm0, $0xb8;
	[tilespmem:$0x1A100] =	vst v63  }
0xa9: {  	s22 =	simm.s32 $0xA900  }
0xaa: {  	[tilespmem:s22], [sflag:$0x2] =	stream.indirect_vreg.gather [hbm4b:s3+s2], $0x80, v27, vm0, $0xb8;
	[tilespmem:$0x1A100] =	vst v63  }
0xab: {  	v27 =	vld [tilespmem:$0xB0];
	_ =	sdelay $0x4  }
0xac: {  	v43 =	vshll.u32 v27, $0x1  }
0xad: {  	v27 =	vand.u32 $0x7, v27;
	v28 =	vand.u32 $0xFFFFFFF0, v43  }
0xae: {  	v27 =	vor.u32 v27, v28  }
0xaf: {  	v28 =	vperm.xlane v27, v1;
	_ =	sdelay $0x1  }
0xb0: {  	v27 =	vperm.xlane v27, v3;
	v28 =	vadd.s32 v2, v28;
	_ =	sdelay $0x1  }
0xb1: {  	v27 =	vadd.s32 v2, v27;
	_ =	sdelay $0x1  }
0xb2: {  	s30 =	simm.s32 $0xB100  }
0xb3: {  	[tilespmem:s30], [sflag:$0x2] =	stream.indirect_vreg.gather [hbm4b:s3+s2], $0x80, v28, vm0, $0xb8;
	[tilespmem:$0x1A100] =	vst v63  }
0xb4: {  	s0 =	simm.s32 $0xB900  }
0xb5: {  	[tilespmem:s0], [sflag:$0x2] =	stream.indirect_vreg.gather [hbm4b:s3+s2], $0x80, v27, vm0, $0xb8;
	[tilespmem:$0x1A100] =	vst v63  }
0xb6: {  	v27 =	vld [tilespmem:$0xC0];
	_ =	sdelay $0x4  }
0xb7: {  	v44 =	vshll.u32 v27, $0x1  }
0xb8: {  	v27 =	vand.u32 $0x7, v27;
	v28 =	vand.u32 $0xFFFFFFF0, v44  }
0xb9: {  	v27 =	vor.u32 v27, v28  }
0xba: {  	v28 =	vperm.xlane v27, v1;
	_ =	sdelay $0x1  }
0xbb: {  	v27 =	vperm.xlane v27, v3;
	v28 =	vadd.s32 v2, v28;
	_ =	sdelay $0x1  }
0xbc: {  	v27 =	vadd.s32 v2, v27;
	_ =	sdelay $0x1  }
0xbd: {  	s22 =	simm.s32 $0xC100  }
0xbe: {  	[tilespmem:s22], [sflag:$0x2] =	stream.indirect_vreg.gather [hbm4b:s3+s2], $0x80, v28, vm0, $0xb8;
	[tilespmem:$0x1A100] =	vst v63  }
0xbf: {  	s30 =	simm.s32 $0xC900  }
0xc0: {  	[tilespmem:s30], [sflag:$0x2] =	stream.indirect_vreg.gather [hbm4b:s3+s2], $0x80, v27, vm0, $0xb8;
	[tilespmem:$0x1A100] =	vst v63  }
0xc1: {  	v27 =	vld [tilespmem:$0xD0];
	_ =	sdelay $0x4  }
0xc2: {  	v45 =	vshll.u32 v27, $0x1  }
0xc3: {  	v27 =	vand.u32 $0x7, v27;
	v28 =	vand.u32 $0xFFFFFFF0, v45  }
0xc4: {  	v27 =	vor.u32 v27, v28  }
0xc5: {  	v28 =	vperm.xlane v27, v1;
	_ =	sdelay $0x1  }
0xc6: {  	v27 =	vperm.xlane v27, v3;
	v28 =	vadd.s32 v2, v28;
	_ =	sdelay $0x1  }
0xc7: {  	v27 =	vadd.s32 v2, v27;
	_ =	sdelay $0x1  }
0xc8: {  	s0 =	simm.s32 $0xD100  }
0xc9: {  	[tilespmem:s0], [sflag:$0x2] =	stream.indirect_vreg.gather [hbm4b:s3+s2], $0x80, v28, vm0, $0xb8;
	[tilespmem:$0x1A100] =	vst v63  }
0xca: {  	s22 =	simm.s32 $0xD900  }
0xcb: {  	[tilespmem:s22], [sflag:$0x2] =	stream.indirect_vreg.gather [hbm4b:s3+s2], $0x80, v27, vm0, $0xb8;
	[tilespmem:$0x1A100] =	vst v63  }
0xcc: {  	v27 =	vld [tilespmem:$0xE0];
	_ =	sdelay $0x4  }
0xcd: {  	v46 =	vshll.u32 v27, $0x1  }
0xce: {  	v27 =	vand.u32 $0x7, v27;
	v28 =	vand.u32 $0xFFFFFFF0, v46  }
0xcf: {  	v27 =	vor.u32 v27, v28  }
0xd0: {  	v28 =	vperm.xlane v27, v1;
	_ =	sdelay $0x1  }
0xd1: {  	v27 =	vperm.xlane v27, v3;
	v28 =	vadd.s32 v2, v28;
	_ =	sdelay $0x1  }
0xd2: {  	v27 =	vadd.s32 v2, v27;
	_ =	sdelay $0x1  }
0xd3: {  	s0 =	simm.s32 $0xE100  }
0xd4: {  	[tilespmem:s0], [sflag:$0x2] =	stream.indirect_vreg.gather [hbm4b:s3+s2], $0x80, v28, vm0, $0xb8;
	[tilespmem:$0x1A100] =	vst v63  }
0xd5: {  	s22 =	simm.s32 $0xE900  }
0xd6: {  	[tilespmem:s22], [sflag:$0x2] =	stream.indirect_vreg.gather [hbm4b:s3+s2], $0x80, v27, vm0, $0xb8;
	[tilespmem:$0x1A100] =	vst v63  }
0xd7: {  	v27 =	vld [tilespmem:$0xF0];
	_ =	sdelay $0x4  }
0xd8: {  	v47 =	vshll.u32 v27, $0x1  }
0xd9: {  	v27 =	vand.u32 $0x7, v27;
	v28 =	vand.u32 $0xFFFFFFF0, v47  }
0xda: {  	v27 =	vor.u32 v27, v28  }
0xdb: {  	v28 =	vperm.xlane v27, v1;
	_ =	sdelay $0x1  }
0xdc: {  	v27 =	vperm.xlane v27, v3;
	v28 =	vadd.s32 v2, v28;
	_ =	sdelay $0x1  }
0xdd: {  	v27 =	vadd.s32 v2, v27;
	_ =	sdelay $0x1  }
0xde: {  	s0 =	simm.s32 $0xF100  }
0xdf: {  	[tilespmem:s0], [sflag:$0x2] =	stream.indirect_vreg.gather [hbm4b:s3+s2], $0x80, v28, vm0, $0xb8;
	[tilespmem:$0x1A100] =	vst v63  }
0xe0: {  	s22 =	simm.s32 $0xF900  }
0xe1: {  	[tilespmem:s22], [sflag:$0x2] =	stream.indirect_vreg.gather [hbm4b:s3+s2], $0x80, v27, vm0, $0xb8;
	[tilespmem:$0x1A100] =	vst v63  }
0xe2: {  	v27 =	vld [tilespmem:$0x0];
	_ =	sdelay $0x4  }
0xe3: {  	v27 =	vshll.u32 v27, $0x2;
	_ =	sdelay $0x4  }
0xe4: {  	v28 =	vld.idx.msk [tilespmem:v27+s5+$0x0], $0xffff  }
0xe5: {  	v29 =	vor.u32 $0x1, v27;
	_ =	sdelay $0x3  }
0xe6: {  	[tilespmem:v0+s15+$0x0] =	vst.idx.msk $0xffff, v28  }
0xe7: {  	v28 =	vld.idx.msk [tilespmem:v29+s5+$0x0], $0xffff  }
0xe8: {  	v27 =	vor.u32 $0x2, v27;
	_ =	sdelay $0x3  }
0xe9: {  	[tilespmem:v4+s15+$0x0] =	vst.idx.msk $0xffff, v28  }
0xea: {  	v27 =	vld.idx.msk [tilespmem:v27+s5+$0x0], $0xffff;
	_ =	sdelay $0x4  }
0xeb: {  	[tilespmem:v5+s15+$0x0] =	vst.idx.msk $0xffff, v27  }
0xec: {  	v27 =	vld [tilespmem:$0x10];
	_ =	sdelay $0x4  }
0xed: {  	v27 =	vshll.u32 v27, $0x2;
	_ =	sdelay $0x4  }
0xee: {  	v28 =	vld.idx.msk [tilespmem:v27+s5+$0x0], $0xffff  }
0xef: {  	v48 =	vor.u32 $0x1, v27;
	_ =	sdelay $0x3  }
0xf0: {  	[tilespmem:v6+s15+$0x0] =	vst.idx.msk $0xffff, v28  }
0xf1: {  	v28 =	vld.idx.msk [tilespmem:v48+s5+$0x0], $0xffff  }
0xf2: {  	v27 =	vor.u32 $0x2, v27;
	_ =	sdelay $0x3  }
0xf3: {  	[tilespmem:v7+s15+$0x0] =	vst.idx.msk $0xffff, v28  }
0xf4: {  	v27 =	vld.idx.msk [tilespmem:v27+s5+$0x0], $0xffff;
	_ =	sdelay $0x4  }
0xf5: {  	[tilespmem:v8+s15+$0x0] =	vst.idx.msk $0xffff, v27  }
0xf6: {  	v27 =	vld [tilespmem:$0x20];
	_ =	sdelay $0x4  }
0xf7: {  	v27 =	vshll.u32 v27, $0x2;
	_ =	sdelay $0x4  }
0xf8: {  	v28 =	vld.idx.msk [tilespmem:v27+s5+$0x0], $0xffff  }
0xf9: {  	v49 =	vor.u32 $0x1, v27;
	_ =	sdelay $0x3  }
0xfa: {  	[tilespmem:v9+s15+$0x0] =	vst.idx.msk $0xffff, v28  }
0xfb: {  	v28 =	vld.idx.msk [tilespmem:v49+s5+$0x0], $0xffff  }
0xfc: {  	v27 =	vor.u32 $0x2, v27;
	_ =	sdelay $0x3  }
0xfd: {  	[tilespmem:v10+s15+$0x0] =	vst.idx.msk $0xffff, v28  }
0xfe: {  	v27 =	vld.idx.msk [tilespmem:v27+s5+$0x0], $0xffff;
	_ =	sdelay $0x4  }
0xff: {  	[tilespmem:v11+s15+$0x0] =	vst.idx.msk $0xffff, v27  }
0x100: {  	v27 =	vld [tilespmem:$0x30];
	_ =	sdelay $0x4  }
0x101: {  	v27 =	vshll.u32 v27, $0x2;
	_ =	sdelay $0x4  }
0x102: {  	v28 =	vld.idx.msk [tilespmem:v27+s5+$0x0], $0xffff  }
0x103: {  	v50 =	vor.u32 $0x1, v27;
	_ =	sdelay $0x3  }
0x104: {  	[tilespmem:v12+s15+$0x0] =	vst.idx.msk $0xffff, v28  }
0x105: {  	v28 =	vld.idx.msk [tilespmem:v50+s5+$0x0], $0xffff  }
0x106: {  	v27 =	vor.u32 $0x2, v27;
	_ =	sdelay $0x3  }
0x107: {  	[tilespmem:v13+s15+$0x0] =	vst.idx.msk $0xffff, v28  }
0x108: {  	v27 =	vld.idx.msk [tilespmem:v27+s5+$0x0], $0xffff;
	_ =	sdelay $0x4  }
0x109: {  	[tilespmem:v14+s15+$0x0] =	vst.idx.msk $0xffff, v27  }
0x10a: {  	v27 =	vld [tilespmem:$0x40];
	_ =	sdelay $0x4  }
0x10b: {  	v27 =	vshll.u32 v27, $0x2;
	_ =	sdelay $0x4  }
0x10c: {  	v28 =	vld.idx.msk [tilespmem:v27+s5+$0x0], $0xffff  }
0x10d: {  	v51 =	vor.u32 $0x1, v27;
	_ =	sdelay $0x3  }
0x10e: {  	[tilespmem:v15+s15+$0x0] =	vst.idx.msk $0xffff, v28  }
0x10f: {  	v28 =	vld.idx.msk [tilespmem:v51+s5+$0x0], $0xffff  }
0x110: {  	v27 =	vor.u32 $0x2, v27;
	_ =	sdelay $0x3  }
0x111: {  	[tilespmem:v16+s15+$0x0] =	vst.idx.msk $0xffff, v28  }
0x112: {  	v27 =	vld.idx.msk [tilespmem:v27+s5+$0x0], $0xffff;
	_ =	sdelay $0x4  }
0x113: {  	[tilespmem:v17+s15+$0x0] =	vst.idx.msk $0xffff, v27  }
0x114: {  	v27 =	vld [tilespmem:$0x50];
	_ =	sdelay $0x4  }
0x115: {  	v27 =	vshll.u32 v27, $0x2;
	_ =	sdelay $0x4  }
0x116: {  	v28 =	vld.idx.msk [tilespmem:v27+s5+$0x0], $0xffff  }
0x117: {  	v52 =	vor.u32 $0x1, v27;
	_ =	sdelay $0x3  }
0x118: {  	[tilespmem:v18+s15+$0x0] =	vst.idx.msk $0xffff, v28  }
0x119: {  	v28 =	vld.idx.msk [tilespmem:v52+s5+$0x0], $0xffff  }
0x11a: {  	v27 =	vor.u32 $0x2, v27;
	_ =	sdelay $0x3  }
0x11b: {  	[tilespmem:v19+s15+$0x0] =	vst.idx.msk $0xffff, v28  }
0x11c: {  	v27 =	vld.idx.msk [tilespmem:v27+s5+$0x0], $0xffff;
	_ =	sdelay $0x4  }
0x11d: {  	[tilespmem:v20+s15+$0x0] =	vst.idx.msk $0xffff, v27  }
0x11e: {  	v27 =	vld [tilespmem:$0x60];
	_ =	sdelay $0x4  }
0x11f: {  	v27 =	vshll.u32 v27, $0x2;
	_ =	sdelay $0x4  }
0x120: {  	v28 =	vld.idx.msk [tilespmem:v27+s5+$0x0], $0xffff  }
0x121: {  	v53 =	vor.u32 $0x1, v27;
	_ =	sdelay $0x3  }
0x122: {  	[tilespmem:v21+s15+$0x0] =	vst.idx.msk $0xffff, v28  }
0x123: {  	v28 =	vld.idx.msk [tilespmem:v53+s5+$0x0], $0xffff  }
0x124: {  	v27 =	vor.u32 $0x2, v27;
	_ =	sdelay $0x3  }
0x125: {  	[tilespmem:v22+s15+$0x0] =	vst.idx.msk $0xffff, v28  }
0x126: {  	v27 =	vld.idx.msk [tilespmem:v27+s5+$0x0], $0xffff;
	_ =	sdelay $0x4  }
0x127: {  	[tilespmem:v23+s15+$0x0] =	vst.idx.msk $0xffff, v27  }
0x128: {  	v27 =	vld [tilespmem:$0x70];
	_ =	sdelay $0x4  }
0x129: {  	v27 =	vshll.u32 v27, $0x2;
	_ =	sdelay $0x4  }
0x12a: {  	v28 =	vld.idx.msk [tilespmem:v27+s5+$0x0], $0xffff  }
0x12b: {  	v54 =	vor.u32 $0x1, v27;
	_ =	sdelay $0x3  }
0x12c: {  	[tilespmem:v24+s15+$0x0] =	vst.idx.msk $0xffff, v28  }
0x12d: {  	v28 =	vld.idx.msk [tilespmem:v54+s5+$0x0], $0xffff  }
0x12e: {  	v27 =	vor.u32 $0x2, v27;
	_ =	sdelay $0x3  }
0x12f: {  	[tilespmem:v25+s15+$0x0] =	vst.idx.msk $0xffff, v28  }
0x130: {  	v27 =	vld.idx.msk [tilespmem:v27+s5+$0x0], $0xffff;
	_ =	sdelay $0x4  }
0x131: {  	[tilespmem:v26+s15+$0x0] =	vst.idx.msk $0xffff, v27  }
0x132: {  	_ =	swait.ge [sflag:s16], $0x8000  }
0x133: {  	[sflag:s16] =	ssyncset.done $0x0  }
0x134: {  	s0 =	rddreg [dreg:$0x5];
	[sflag:s16] =	ssyncadd.s32 $0xFFFF8000  }
0x135: {  	[hbm4b:s0+s2] =	stream.linear.scatter [tilespmem:s29], [sflag:$0x3], $0x8000, $0x38;
	[tilespmem:$0x1A100] =	vst v63  }
0x136: {  	s22 =	rddreg [dreg:$0x6]  }
0x137: {  	[hbm4b:s22+s2] =	stream.linear.scatter [tilespmem:s15], [sflag:$0x3], $0x4000, $0x38;
	[tilespmem:$0x1A100] =	vst v63  }
0x138: {  	_ =	swait.ge [sflag:s17], $0x8000  }
0x139: {  	[sflag:s17] =	ssyncset.done $0x0  }
0x13a: {  	[sflag:s17] =	ssyncadd.s32 $0xFFFF8000  }
0x13b: {  	_ =	swait.ge [sflag:s17], $0x4000  }
0x13c: {  	[sflag:s17] =	ssyncset.done $0x0  }
0x13d: {  	s0 =	rddreg [dreg:$0x7];
	[sflag:s17] =	ssyncadd.s32 $0xFFFFC000  }
0x13e: {  	[tilespmem:s2], [sflag:$0x5] =	stream.linear.gather [hbm4b:s0+s2], $0x80, $0x38;
	[tilespmem:$0x1A100] =	vst v63  }
0x13f: {  	_ =	swait.ge [sflag:s6], $0x80  }
0x140: {  	[sflag:s6] =	ssyncset.done $0x0  }
0x141: {  	[sflag:s6] =	ssyncadd.s32 $0xFFFFFF80  }
0x142: {  	v27 =	vld [tilespmem:$0x0];
	_ =	sdelay $0x4  }
0x143: {  	v55 =	vshll.u32 v27, $0x1  }
0x144: {  	v27 =	vand.u32 $0x7, v27;
	v28 =	vand.u32 $0xFFFFFFF0, v55  }
0x145: {  	v27 =	vor.u32 v27, v28  }
0x146: {  	v28 =	vperm.xlane v27, v1;
	_ =	sdelay $0x1  }
0x147: {  	v27 =	vperm.xlane v27, v3;
	v28 =	vadd.s32 v2, v28;
	_ =	sdelay $0x1  }
0x148: {  	v27 =	vadd.s32 v2, v27;
	_ =	sdelay $0x2  }
0x149: {  	[tilespmem:s29], [sflag:$0x1] =	stream.indirect_vreg.gather [hbm4b:s3+s2], $0x80, v28, vm0, $0xb8;
	[tilespmem:$0x1A100] =	vst v63  }
0x14a: {  	s26 =	simm.s32 $0x900  }
0x14b: {  	[tilespmem:s26], [sflag:$0x1] =	stream.indirect_vreg.gather [hbm4b:s3+s2], $0x80, v27, vm0, $0xb8;
	[tilespmem:$0x1A100] =	vst v63  }
0x14c: {  	v27 =	vld [tilespmem:$0x10];
	_ =	sdelay $0x4  }
0x14d: {  	v56 =	vshll.u32 v27, $0x1  }
0x14e: {  	v27 =	vand.u32 $0x7, v27;
	v28 =	vand.u32 $0xFFFFFFF0, v56  }
0x14f: {  	v27 =	vor.u32 v27, v28  }
0x150: {  	v28 =	vperm.xlane v27, v1;
	_ =	sdelay $0x1  }
0x151: {  	v27 =	vperm.xlane v27, v3;
	v28 =	vadd.s32 v2, v28;
	_ =	sdelay $0x1  }
0x152: {  	v27 =	vadd.s32 v2, v27;
	_ =	sdelay $0x1  }
0x153: {  	s0 =	simm.s32 $0x1100  }
0x154: {  	[tilespmem:s0], [sflag:$0x1] =	stream.indirect_vreg.gather [hbm4b:s3+s2], $0x80, v28, vm0, $0xb8;
	[tilespmem:$0x1A100] =	vst v63  }
0x155: {  	s31 =	simm.s32 $0x1900  }
0x156: {  	[tilespmem:s31], [sflag:$0x1] =	stream.indirect_vreg.gather [hbm4b:s3+s2], $0x80, v27, vm0, $0xb8;
	[tilespmem:$0x1A100] =	vst v63  }
0x157: {  	v27 =	vld [tilespmem:$0x20];
	_ =	sdelay $0x4  }
0x158: {  	v57 =	vshll.u32 v27, $0x1  }
0x159: {  	v27 =	vand.u32 $0x7, v27;
	v28 =	vand.u32 $0xFFFFFFF0, v57  }
0x15a: {  	v27 =	vor.u32 v27, v28  }
0x15b: {  	v28 =	vperm.xlane v27, v1;
	_ =	sdelay $0x1  }
0x15c: {  	v27 =	vperm.xlane v27, v3;
	v28 =	vadd.s32 v2, v28;
	_ =	sdelay $0x1  }
0x15d: {  	v27 =	vadd.s32 v2, v27;
	_ =	sdelay $0x1  }
0x15e: {  	s1 =	simm.s32 $0x2100  }
0x15f: {  	[tilespmem:s1], [sflag:$0x1] =	stream.indirect_vreg.gather [hbm4b:s3+s2], $0x80, v28, vm0, $0xb8;
	[tilespmem:$0x1A100] =	vst v63  }
0x160: {  	s11 =	simm.s32 $0x2900  }
0x161: {  	[tilespmem:s11], [sflag:$0x1] =	stream.indirect_vreg.gather [hbm4b:s3+s2], $0x80, v27, vm0, $0xb8;
	[tilespmem:$0x1A100] =	vst v63  }
0x162: {  	v27 =	vld [tilespmem:$0x30];
	_ =	sdelay $0x4  }
0x163: {  	v58 =	vshll.u32 v27, $0x1  }
0x164: {  	v27 =	vand.u32 $0x7, v27;
	v28 =	vand.u32 $0xFFFFFFF0, v58  }
0x165: {  	v27 =	vor.u32 v27, v28  }
0x166: {  	v28 =	vperm.xlane v27, v1;
	_ =	sdelay $0x1  }
0x167: {  	v27 =	vperm.xlane v27, v3;
	v28 =	vadd.s32 v2, v28;
	_ =	sdelay $0x1  }
0x168: {  	v27 =	vadd.s32 v2, v27;
	_ =	sdelay $0x1  }
0x169: {  	s7 =	simm.s32 $0x3100  }
0x16a: {  	[tilespmem:s7], [sflag:$0x1] =	stream.indirect_vreg.gather [hbm4b:s3+s2], $0x80, v28, vm0, $0xb8;
	[tilespmem:$0x1A100] =	vst v63  }
0x16b: {  	s12 =	simm.s32 $0x3900  }
0x16c: {  	[tilespmem:s12], [sflag:$0x1] =	stream.indirect_vreg.gather [hbm4b:s3+s2], $0x80, v27, vm0, $0xb8;
	[tilespmem:$0x1A100] =	vst v63  }
0x16d: {  	v27 =	vld [tilespmem:$0x40];
	_ =	sdelay $0x4  }
0x16e: {  	v59 =	vshll.u32 v27, $0x1  }
0x16f: {  	v27 =	vand.u32 $0x7, v27;
	v28 =	vand.u32 $0xFFFFFFF0, v59  }
0x170: {  	v27 =	vor.u32 v27, v28  }
0x171: {  	v28 =	vperm.xlane v27, v1;
	_ =	sdelay $0x1  }
0x172: {  	v27 =	vperm.xlane v27, v3;
	v28 =	vadd.s32 v2, v28;
	_ =	sdelay $0x1  }
0x173: {  	v27 =	vadd.s32 v2, v27;
	_ =	sdelay $0x1  }
0x174: {  	s8 =	simm.s32 $0x4100  }
0x175: {  	[tilespmem:s8], [sflag:$0x1] =	stream.indirect_vreg.gather [hbm4b:s3+s2], $0x80, v28, vm0, $0xb8;
	[tilespmem:$0x1A100] =	vst v63  }
0x176: {  	s13 =	simm.s32 $0x4900  }
0x177: {  	[tilespmem:s13], [sflag:$0x1] =	stream.indirect_vreg.gather [hbm4b:s3+s2], $0x80, v27, vm0, $0xb8;
	[tilespmem:$0x1A100] =	vst v63  }
0x178: {  	v27 =	vld [tilespmem:$0x50];
	_ =	sdelay $0x4  }
0x179: {  	v60 =	vshll.u32 v27, $0x1  }
0x17a: {  	v27 =	vand.u32 $0x7, v27;
	v28 =	vand.u32 $0xFFFFFFF0, v60  }
0x17b: {  	v27 =	vor.u32 v27, v28  }
0x17c: {  	v28 =	vperm.xlane v27, v1;
	_ =	sdelay $0x1  }
0x17d: {  	v27 =	vperm.xlane v27, v3;
	v28 =	vadd.s32 v2, v28;
	_ =	sdelay $0x1  }
0x17e: {  	v27 =	vadd.s32 v2, v27;
	_ =	sdelay $0x1  }
0x17f: {  	s9 =	simm.s32 $0x5100  }
0x180: {  	[tilespmem:s9], [sflag:$0x1] =	stream.indirect_vreg.gather [hbm4b:s3+s2], $0x80, v28, vm0, $0xb8;
	[tilespmem:$0x1A100] =	vst v63  }
0x181: {  	s14 =	simm.s32 $0x5900  }
0x182: {  	[tilespmem:s14], [sflag:$0x1] =	stream.indirect_vreg.gather [hbm4b:s3+s2], $0x80, v27, vm0, $0xb8;
	[tilespmem:$0x1A100] =	vst v63  }
0x183: {  	v27 =	vld [tilespmem:$0x60];
	_ =	sdelay $0x4  }
0x184: {  	v61 =	vshll.u32 v27, $0x1  }
0x185: {  	v27 =	vand.u32 $0x7, v27;
	v28 =	vand.u32 $0xFFFFFFF0, v61  }
0x186: {  	v27 =	vor.u32 v27, v28  }
0x187: {  	v28 =	vperm.xlane v27, v1;
	_ =	sdelay $0x1  }
0x188: {  	v27 =	vperm.xlane v27, v3;
	v28 =	vadd.s32 v2, v28;
	_ =	sdelay $0x1  }
0x189: {  	v27 =	vadd.s32 v2, v27;
	_ =	sdelay $0x1  }
0x18a: {  	s10 =	simm.s32 $0x6100  }
0x18b: {  	[tilespmem:s10], [sflag:$0x1] =	stream.indirect_vreg.gather [hbm4b:s3+s2], $0x80, v28, vm0, $0xb8;
	[tilespmem:$0x1A100] =	vst v63  }
0x18c: {  	s23 =	simm.s32 $0x6900  }
0x18d: {  	[tilespmem:s23], [sflag:$0x1] =	stream.indirect_vreg.gather [hbm4b:s3+s2], $0x80, v27, vm0, $0xb8;
	[tilespmem:$0x1A100] =	vst v63  }
0x18e: {  	v27 =	vld [tilespmem:$0x70];
	_ =	sdelay $0x4  }
0x18f: {  	v62 =	vshll.u32 v27, $0x1  }
0x190: {  	v27 =	vand.u32 $0x7, v27;
	v28 =	vand.u32 $0xFFFFFFF0, v62  }
0x191: {  	v27 =	vor.u32 v27, v28  }
0x192: {  	v28 =	vperm.xlane v27, v1;
	_ =	sdelay $0x1  }
0x193: {  	v27 =	vperm.xlane v27, v3;
	v28 =	vadd.s32 v2, v28;
	_ =	sdelay $0x1  }
0x194: {  	v27 =	vadd.s32 v2, v27;
	_ =	sdelay $0x1  }
0x195: {  	s25 =	simm.s32 $0x7100  }
0x196: {  	[tilespmem:s25], [sflag:$0x1] =	stream.indirect_vreg.gather [hbm4b:s3+s2], $0x80, v28, vm0, $0xb8;
	[tilespmem:$0x1A100] =	vst v63  }
0x197: {  	s28 =	simm.s32 $0x7900  }
0x198: {  	[tilespmem:s28], [sflag:$0x1] =	stream.indirect_vreg.gather [hbm4b:s3+s2], $0x80, v27, vm0, $0xb8;
	[tilespmem:$0x1A100] =	vst v63  }
0x199: {  	v27 =	vld [tilespmem:$0x80];
	_ =	sdelay $0x4  }
0x19a: {  	v27 =	vshll.u32 v27, $0x2;
	_ =	sdelay $0x4  }
0x19b: {  	v28 =	vld.idx.msk [tilespmem:v27+s5+$0x0], $0xffff  }
0x19c: {  	v63 =	vor.u32 $0x1, v27;
	_ =	sdelay $0x3  }
0x19d: {  	[tilespmem:v0+s18+$0x0] =	vst.idx.msk $0xffff, v28  }
0x19e: {  	v28 =	vld.idx.msk [tilespmem:v63+s5+$0x0], $0xffff  }
0x19f: {  	v27 =	vor.u32 $0x2, v27;
	_ =	sdelay $0x3  }
0x1a0: {  	[tilespmem:v4+s18+$0x0] =	vst.idx.msk $0xffff, v28  }
0x1a1: {  	v27 =	vld.idx.msk [tilespmem:v27+s5+$0x0], $0xffff;
	_ =	sdelay $0x4  }
0x1a2: {  	[tilespmem:v5+s18+$0x0] =	vst.idx.msk $0xffff, v27  }
0x1a3: {  	v27 =	vld [tilespmem:$0x90];
	_ =	sdelay $0x4  }
0x1a4: {  	v27 =	vshll.u32 v27, $0x2;
	_ =	sdelay $0x4  }
0x1a5: {  	v28 =	vld.idx.msk [tilespmem:v27+s5+$0x0], $0xffff  }
0x1a6: {  	v32 =	vor.u32 $0x1, v27;
	_ =	sdelay $0x3  }
0x1a7: {  	[tilespmem:v6+s18+$0x0] =	vst.idx.msk $0xffff, v28  }
0x1a8: {  	v28 =	vld.idx.msk [tilespmem:v32+s5+$0x0], $0xffff  }
0x1a9: {  	v27 =	vor.u32 $0x2, v27;
	_ =	sdelay $0x3  }
0x1aa: {  	[tilespmem:v7+s18+$0x0] =	vst.idx.msk $0xffff, v28  }
0x1ab: {  	v27 =	vld.idx.msk [tilespmem:v27+s5+$0x0], $0xffff;
	_ =	sdelay $0x4  }
0x1ac: {  	[tilespmem:v8+s18+$0x0] =	vst.idx.msk $0xffff, v27  }
0x1ad: {  	v27 =	vld [tilespmem:$0xA0];
	_ =	sdelay $0x4  }
0x1ae: {  	v27 =	vshll.u32 v27, $0x2;
	_ =	sdelay $0x4  }
0x1af: {  	v28 =	vld.idx.msk [tilespmem:v27+s5+$0x0], $0xffff  }
0x1b0: {  	v33 =	vor.u32 $0x1, v27;
	_ =	sdelay $0x3  }
0x1b1: {  	[tilespmem:v9+s18+$0x0] =	vst.idx.msk $0xffff, v28  }
0x1b2: {  	v28 =	vld.idx.msk [tilespmem:v33+s5+$0x0], $0xffff  }
0x1b3: {  	v27 =	vor.u32 $0x2, v27;
	_ =	sdelay $0x3  }
0x1b4: {  	[tilespmem:v10+s18+$0x0] =	vst.idx.msk $0xffff, v28  }
0x1b5: {  	v27 =	vld.idx.msk [tilespmem:v27+s5+$0x0], $0xffff;
	_ =	sdelay $0x4  }
0x1b6: {  	[tilespmem:v11+s18+$0x0] =	vst.idx.msk $0xffff, v27  }
0x1b7: {  	v27 =	vld [tilespmem:$0xB0];
	_ =	sdelay $0x4  }
0x1b8: {  	v27 =	vshll.u32 v27, $0x2;
	_ =	sdelay $0x4  }
0x1b9: {  	v28 =	vld.idx.msk [tilespmem:v27+s5+$0x0], $0xffff  }
0x1ba: {  	v34 =	vor.u32 $0x1, v27;
	_ =	sdelay $0x3  }
0x1bb: {  	[tilespmem:v12+s18+$0x0] =	vst.idx.msk $0xffff, v28  }
0x1bc: {  	v28 =	vld.idx.msk [tilespmem:v34+s5+$0x0], $0xffff  }
0x1bd: {  	v27 =	vor.u32 $0x2, v27;
	_ =	sdelay $0x3  }
0x1be: {  	[tilespmem:v13+s18+$0x0] =	vst.idx.msk $0xffff, v28  }
0x1bf: {  	v27 =	vld.idx.msk [tilespmem:v27+s5+$0x0], $0xffff;
	_ =	sdelay $0x4  }
0x1c0: {  	[tilespmem:v14+s18+$0x0] =	vst.idx.msk $0xffff, v27  }
0x1c1: {  	v27 =	vld [tilespmem:$0xC0];
	_ =	sdelay $0x4  }
0x1c2: {  	v27 =	vshll.u32 v27, $0x2;
	_ =	sdelay $0x4  }
0x1c3: {  	v28 =	vld.idx.msk [tilespmem:v27+s5+$0x0], $0xffff  }
0x1c4: {  	v35 =	vor.u32 $0x1, v27;
	_ =	sdelay $0x3  }
0x1c5: {  	[tilespmem:v15+s18+$0x0] =	vst.idx.msk $0xffff, v28  }
0x1c6: {  	v28 =	vld.idx.msk [tilespmem:v35+s5+$0x0], $0xffff  }
0x1c7: {  	v27 =	vor.u32 $0x2, v27;
	_ =	sdelay $0x3  }
0x1c8: {  	[tilespmem:v16+s18+$0x0] =	vst.idx.msk $0xffff, v28  }
0x1c9: {  	v27 =	vld.idx.msk [tilespmem:v27+s5+$0x0], $0xffff;
	_ =	sdelay $0x4  }
0x1ca: {  	[tilespmem:v17+s18+$0x0] =	vst.idx.msk $0xffff, v27  }
0x1cb: {  	v27 =	vld [tilespmem:$0xD0];
	_ =	sdelay $0x4  }
0x1cc: {  	v27 =	vshll.u32 v27, $0x2;
	_ =	sdelay $0x4  }
0x1cd: {  	v28 =	vld.idx.msk [tilespmem:v27+s5+$0x0], $0xffff  }
0x1ce: {  	v36 =	vor.u32 $0x1, v27;
	_ =	sdelay $0x3  }
0x1cf: {  	[tilespmem:v18+s18+$0x0] =	vst.idx.msk $0xffff, v28  }
0x1d0: {  	v28 =	vld.idx.msk [tilespmem:v36+s5+$0x0], $0xffff  }
0x1d1: {  	v27 =	vor.u32 $0x2, v27;
	_ =	sdelay $0x3  }
0x1d2: {  	[tilespmem:v19+s18+$0x0] =	vst.idx.msk $0xffff, v28  }
0x1d3: {  	v27 =	vld.idx.msk [tilespmem:v27+s5+$0x0], $0xffff;
	_ =	sdelay $0x4  }
0x1d4: {  	[tilespmem:v20+s18+$0x0] =	vst.idx.msk $0xffff, v27  }
0x1d5: {  	v27 =	vld [tilespmem:$0xE0];
	_ =	sdelay $0x4  }
0x1d6: {  	v27 =	vshll.u32 v27, $0x2;
	_ =	sdelay $0x4  }
0x1d7: {  	v28 =	vld.idx.msk [tilespmem:v27+s5+$0x0], $0xffff  }
0x1d8: {  	v37 =	vor.u32 $0x1, v27;
	_ =	sdelay $0x3  }
0x1d9: {  	[tilespmem:v21+s18+$0x0] =	vst.idx.msk $0xffff, v28  }
0x1da: {  	v28 =	vld.idx.msk [tilespmem:v37+s5+$0x0], $0xffff  }
0x1db: {  	v27 =	vor.u32 $0x2, v27;
	_ =	sdelay $0x3  }
0x1dc: {  	[tilespmem:v22+s18+$0x0] =	vst.idx.msk $0xffff, v28  }
0x1dd: {  	v27 =	vld.idx.msk [tilespmem:v27+s5+$0x0], $0xffff;
	_ =	sdelay $0x4  }
0x1de: {  	[tilespmem:v23+s18+$0x0] =	vst.idx.msk $0xffff, v27  }
0x1df: {  	v27 =	vld [tilespmem:$0xF0];
	_ =	sdelay $0x4  }
0x1e0: {  	v27 =	vshll.u32 v27, $0x2;
	_ =	sdelay $0x4  }
0x1e1: {  	v28 =	vld.idx.msk [tilespmem:v27+s5+$0x0], $0xffff  }
0x1e2: {  	v38 =	vor.u32 $0x1, v27;
	_ =	sdelay $0x3  }
0x1e3: {  	[tilespmem:v24+s18+$0x0] =	vst.idx.msk $0xffff, v28  }
0x1e4: {  	v28 =	vld.idx.msk [tilespmem:v38+s5+$0x0], $0xffff  }
0x1e5: {  	v27 =	vor.u32 $0x2, v27;
	_ =	sdelay $0x3  }
0x1e6: {  	[tilespmem:v25+s18+$0x0] =	vst.idx.msk $0xffff, v28  }
0x1e7: {  	v27 =	vld.idx.msk [tilespmem:v27+s5+$0x0], $0xffff;
	_ =	sdelay $0x4  }
0x1e8: {  	[tilespmem:v26+s18+$0x0] =	vst.idx.msk $0xffff, v27  }
0x1e9: {  	_ =	swait.ge [sflag:s19], $0x8000  }
0x1ea: {  	[sflag:s19] =	ssyncset.done $0x0  }
0x1eb: {  	s13 =	rddreg [dreg:$0x8];
	[sflag:s19] =	ssyncadd.s32 $0xFFFF8000  }
0x1ec: {  	[hbm4b:s13+s2] =	stream.linear.scatter [tilespmem:s24], [sflag:$0x4], $0x8000, $0x38;
	[tilespmem:$0x1A100] =	vst v63  }
0x1ed: {  	s14 =	rddreg [dreg:$0x9]  }
0x1ee: {  	[hbm4b:s14+s2] =	stream.linear.scatter [tilespmem:s18], [sflag:$0x4], $0x4000, $0x38;
	[tilespmem:$0x1A100] =	vst v63  }
0x1ef: {  	_ =	swait.ge [sflag:s20], $0x8000  }
0x1f0: {  	[sflag:s20] =	ssyncset.done $0x0  }
0x1f1: {  	[sflag:s20] =	ssyncadd.s32 $0xFFFF8000  }
0x1f2: {  	_ =	swait.ge [sflag:s20], $0x4000  }
0x1f3: {  	[sflag:s20] =	ssyncset.done $0x0  }
0x1f4: {  	s25 =	simm.s32 $0x80;
	s23 =	rddreg [dreg:$0xa];
	[sflag:s20] =	ssyncadd.s32 $0xFFFFC000  }
0x1f5: {  	[tilespmem:s25], [sflag:$0x5] =	stream.linear.gather [hbm4b:s23+s2], $0x80, $0x38;
	[tilespmem:$0x1A100] =	vst v63  }
0x1f6: {  	_ =	swait.ge [sflag:s6], $0x80  }
0x1f7: {  	[sflag:s6] =	ssyncset.done $0x0  }
0x1f8: {  	[sflag:s6] =	ssyncadd.s32 $0xFFFFFF80  }
0x1f9: {  	v27 =	vld [tilespmem:$0x80];
	_ =	sdelay $0x4  }
0x1fa: {  	v39 =	vshll.u32 v27, $0x1  }
0x1fb: {  	v27 =	vand.u32 $0x7, v27;
	v28 =	vand.u32 $0xFFFFFFF0, v39  }
0x1fc: {  	v27 =	vor.u32 v27, v28  }
0x1fd: {  	v28 =	vperm.xlane v27, v1;
	_ =	sdelay $0x1  }
0x1fe: {  	v27 =	vperm.xlane v27, v3;
	v28 =	vadd.s32 v2, v28;
	_ =	sdelay $0x1  }
0x1ff: {  	v27 =	vadd.s32 v2, v27;
	_ =	sdelay $0x2  }
0x200: {  	[tilespmem:s24], [sflag:$0x2] =	stream.indirect_vreg.gather [hbm4b:s3+s2], $0x80, v28, vm0, $0xb8;
	[tilespmem:$0x1A100] =	vst v63  }
0x201: {  	s26 =	simm.s32 $0x8900  }
0x202: {  	[tilespmem:s26], [sflag:$0x2] =	stream.indirect_vreg.gather [hbm4b:s3+s2], $0x80, v27, vm0, $0xb8;
	[tilespmem:$0x1A100] =	vst v63  }
0x203: {  	v27 =	vld [tilespmem:$0x90];
	_ =	sdelay $0x4  }
0x204: {  	v40 =	vshll.u32 v27, $0x1  }
0x205: {  	v27 =	vand.u32 $0x7, v27;
	v28 =	vand.u32 $0xFFFFFFF0, v40  }
0x206: {  	v27 =	vor.u32 v27, v28  }
0x207: {  	v28 =	vperm.xlane v27, v1;
	_ =	sdelay $0x1  }
0x208: {  	v27 =	vperm.xlane v27, v3;
	v28 =	vadd.s32 v2, v28;
	_ =	sdelay $0x1  }
0x209: {  	v27 =	vadd.s32 v2, v27;
	_ =	sdelay $0x1  }
0x20a: {  	s28 =	simm.s32 $0x9100  }
0x20b: {  	[tilespmem:s28], [sflag:$0x2] =	stream.indirect_vreg.gather [hbm4b:s3+s2], $0x80, v28, vm0, $0xb8;
	[tilespmem:$0x1A100] =	vst v63  }
0x20c: {  	s31 =	simm.s32 $0x9900  }
0x20d: {  	[tilespmem:s31], [sflag:$0x2] =	stream.indirect_vreg.gather [hbm4b:s3+s2], $0x80, v27, vm0, $0xb8;
	[tilespmem:$0x1A100] =	vst v63  }
0x20e: {  	v27 =	vld [tilespmem:$0xA0];
	_ =	sdelay $0x4  }
0x20f: {  	v41 =	vshll.u32 v27, $0x1  }
0x210: {  	v27 =	vand.u32 $0x7, v27;
	v28 =	vand.u32 $0xFFFFFFF0, v41  }
0x211: {  	v27 =	vor.u32 v27, v28  }
0x212: {  	v28 =	vperm.xlane v27, v1;
	_ =	sdelay $0x1  }
0x213: {  	v27 =	vperm.xlane v27, v3;
	v28 =	vadd.s32 v2, v28;
	_ =	sdelay $0x1  }
0x214: {  	v27 =	vadd.s32 v2, v27;
	_ =	sdelay $0x1  }
0x215: {  	s9 =	simm.s32 $0xA100  }
0x216: {  	[tilespmem:s9], [sflag:$0x2] =	stream.indirect_vreg.gather [hbm4b:s3+s2], $0x80, v28, vm0, $0xb8;
	[tilespmem:$0x1A100] =	vst v63  }
0x217: {  	s10 =	simm.s32 $0xA900  }
0x218: {  	[tilespmem:s10], [sflag:$0x2] =	stream.indirect_vreg.gather [hbm4b:s3+s2], $0x80, v27, vm0, $0xb8;
	[tilespmem:$0x1A100] =	vst v63  }
0x219: {  	v27 =	vld [tilespmem:$0xB0];
	_ =	sdelay $0x4  }
0x21a: {  	v42 =	vshll.u32 v27, $0x1  }
0x21b: {  	v27 =	vand.u32 $0x7, v27;
	v28 =	vand.u32 $0xFFFFFFF0, v42  }
0x21c: {  	v27 =	vor.u32 v27, v28  }
0x21d: {  	v28 =	vperm.xlane v27, v1;
	_ =	sdelay $0x1  }
0x21e: {  	v27 =	vperm.xlane v27, v3;
	v28 =	vadd.s32 v2, v28;
	_ =	sdelay $0x1  }
0x21f: {  	v27 =	vadd.s32 v2, v27;
	_ =	sdelay $0x1  }
0x220: {  	s11 =	simm.s32 $0xB100  }
0x221: {  	[tilespmem:s11], [sflag:$0x2] =	stream.indirect_vreg.gather [hbm4b:s3+s2], $0x80, v28, vm0, $0xb8;
	[tilespmem:$0x1A100] =	vst v63  }
0x222: {  	s13 =	simm.s32 $0xB900  }
0x223: {  	[tilespmem:s13], [sflag:$0x2] =	stream.indirect_vreg.gather [hbm4b:s3+s2], $0x80, v27, vm0, $0xb8;
	[tilespmem:$0x1A100] =	vst v63  }
0x224: {  	v27 =	vld [tilespmem:$0xC0];
	_ =	sdelay $0x4  }
0x225: {  	v43 =	vshll.u32 v27, $0x1  }
0x226: {  	v27 =	vand.u32 $0x7, v27;
	v28 =	vand.u32 $0xFFFFFFF0, v43  }
0x227: {  	v27 =	vor.u32 v27, v28  }
0x228: {  	v28 =	vperm.xlane v27, v1;
	_ =	sdelay $0x1  }
0x229: {  	v27 =	vperm.xlane v27, v3;
	v28 =	vadd.s32 v2, v28;
	_ =	sdelay $0x1  }
0x22a: {  	v27 =	vadd.s32 v2, v27;
	_ =	sdelay $0x1  }
0x22b: {  	s21 =	simm.s32 $0xC100  }
0x22c: {  	[tilespmem:s21], [sflag:$0x2] =	stream.indirect_vreg.gather [hbm4b:s3+s2], $0x80, v28, vm0, $0xb8;
	[tilespmem:$0x1A100] =	vst v63  }
0x22d: {  	s30 =	simm.s32 $0xC900  }
0x22e: {  	[tilespmem:s30], [sflag:$0x2] =	stream.indirect_vreg.gather [hbm4b:s3+s2], $0x80, v27, vm0, $0xb8;
	[tilespmem:$0x1A100] =	vst v63  }
0x22f: {  	v27 =	vld [tilespmem:$0xD0];
	_ =	sdelay $0x4  }
0x230: {  	v44 =	vshll.u32 v27, $0x1  }
0x231: {  	v27 =	vand.u32 $0x7, v27;
	v28 =	vand.u32 $0xFFFFFFF0, v44  }
0x232: {  	v27 =	vor.u32 v27, v28  }
0x233: {  	v28 =	vperm.xlane v27, v1;
	_ =	sdelay $0x1  }
0x234: {  	v27 =	vperm.xlane v27, v3;
	v28 =	vadd.s32 v2, v28;
	_ =	sdelay $0x1  }
0x235: {  	v27 =	vadd.s32 v2, v27;
	_ =	sdelay $0x1  }
0x236: {  	s22 =	simm.s32 $0xD100  }
0x237: {  	[tilespmem:s22], [sflag:$0x2] =	stream.indirect_vreg.gather [hbm4b:s3+s2], $0x80, v28, vm0, $0xb8;
	[tilespmem:$0x1A100] =	vst v63  }
0x238: {  	s26 =	simm.s32 $0xD900  }
0x239: {  	[tilespmem:s26], [sflag:$0x2] =	stream.indirect_vreg.gather [hbm4b:s3+s2], $0x80, v27, vm0, $0xb8;
	[tilespmem:$0x1A100] =	vst v63  }
0x23a: {  	v27 =	vld [tilespmem:$0xE0];
	_ =	sdelay $0x4  }
0x23b: {  	v45 =	vshll.u32 v27, $0x1  }
0x23c: {  	v27 =	vand.u32 $0x7, v27;
	v28 =	vand.u32 $0xFFFFFFF0, v45  }
0x23d: {  	v27 =	vor.u32 v27, v28  }
0x23e: {  	v28 =	vperm.xlane v27, v1;
	_ =	sdelay $0x1  }
0x23f: {  	v27 =	vperm.xlane v27, v3;
	v28 =	vadd.s32 v2, v28;
	_ =	sdelay $0x1  }
0x240: {  	v27 =	vadd.s32 v2, v27;
	_ =	sdelay $0x1  }
0x241: {  	s30 =	simm.s32 $0xE100  }
0x242: {  	[tilespmem:s30], [sflag:$0x2] =	stream.indirect_vreg.gather [hbm4b:s3+s2], $0x80, v28, vm0, $0xb8;
	[tilespmem:$0x1A100] =	vst v63  }
0x243: {  	s31 =	simm.s32 $0xE900  }
0x244: {  	[tilespmem:s31], [sflag:$0x2] =	stream.indirect_vreg.gather [hbm4b:s3+s2], $0x80, v27, vm0, $0xb8;
	[tilespmem:$0x1A100] =	vst v63  }
0x245: {  	v27 =	vld [tilespmem:$0xF0];
	_ =	sdelay $0x4  }
0x246: {  	v46 =	vshll.u32 v27, $0x1  }
0x247: {  	v27 =	vand.u32 $0x7, v27;
	v28 =	vand.u32 $0xFFFFFFF0, v46  }
0x248: {  	v27 =	vor.u32 v27, v28  }
0x249: {  	v28 =	vperm.xlane v27, v1;
	_ =	sdelay $0x1  }
0x24a: {  	v27 =	vperm.xlane v27, v3;
	v28 =	vadd.s32 v2, v28;
	_ =	sdelay $0x1  }
0x24b: {  	v27 =	vadd.s32 v2, v27;
	_ =	sdelay $0x1  }
0x24c: {  	s22 =	simm.s32 $0xF100  }
0x24d: {  	[tilespmem:s22], [sflag:$0x2] =	stream.indirect_vreg.gather [hbm4b:s3+s2], $0x80, v28, vm0, $0xb8;
	[tilespmem:$0x1A100] =	vst v63  }
0x24e: {  	s30 =	simm.s32 $0xF900  }
0x24f: {  	[tilespmem:s30], [sflag:$0x2] =	stream.indirect_vreg.gather [hbm4b:s3+s2], $0x80, v27, vm0, $0xb8;
	[tilespmem:$0x1A100] =	vst v63  }
0x250: {  	v27 =	vld [tilespmem:$0x0];
	_ =	sdelay $0x4  }
0x251: {  	v27 =	vshll.u32 v27, $0x2;
	_ =	sdelay $0x4  }
0x252: {  	v28 =	vld.idx.msk [tilespmem:v27+s5+$0x0], $0xffff  }
0x253: {  	v47 =	vor.u32 $0x1, v27;
	_ =	sdelay $0x3  }
0x254: {  	[tilespmem:v0+s15+$0x0] =	vst.idx.msk $0xffff, v28  }
0x255: {  	v28 =	vld.idx.msk [tilespmem:v47+s5+$0x0], $0xffff  }
0x256: {  	v27 =	vor.u32 $0x2, v27;
	_ =	sdelay $0x3  }
0x257: {  	[tilespmem:v4+s15+$0x0] =	vst.idx.msk $0xffff, v28  }
0x258: {  	v27 =	vld.idx.msk [tilespmem:v27+s5+$0x0], $0xffff;
	_ =	sdelay $0x4  }
0x259: {  	[tilespmem:v5+s15+$0x0] =	vst.idx.msk $0xffff, v27  }
0x25a: {  	v27 =	vld [tilespmem:$0x10];
	_ =	sdelay $0x4  }
0x25b: {  	v27 =	vshll.u32 v27, $0x2;
	_ =	sdelay $0x4  }
0x25c: {  	v28 =	vld.idx.msk [tilespmem:v27+s5+$0x0], $0xffff  }
0x25d: {  	v48 =	vor.u32 $0x1, v27;
	_ =	sdelay $0x3  }
0x25e: {  	[tilespmem:v6+s15+$0x0] =	vst.idx.msk $0xffff, v28  }
0x25f: {  	v28 =	vld.idx.msk [tilespmem:v48+s5+$0x0], $0xffff  }
0x260: {  	v27 =	vor.u32 $0x2, v27;
	_ =	sdelay $0x3  }
0x261: {  	[tilespmem:v7+s15+$0x0] =	vst.idx.msk $0xffff, v28  }
0x262: {  	v27 =	vld.idx.msk [tilespmem:v27+s5+$0x0], $0xffff;
	_ =	sdelay $0x4  }
0x263: {  	[tilespmem:v8+s15+$0x0] =	vst.idx.msk $0xffff, v27  }
0x264: {  	v27 =	vld [tilespmem:$0x20];
	_ =	sdelay $0x4  }
0x265: {  	v27 =	vshll.u32 v27, $0x2;
	_ =	sdelay $0x4  }
0x266: {  	v28 =	vld.idx.msk [tilespmem:v27+s5+$0x0], $0xffff  }
0x267: {  	v49 =	vor.u32 $0x1, v27;
	_ =	sdelay $0x3  }
0x268: {  	[tilespmem:v9+s15+$0x0] =	vst.idx.msk $0xffff, v28  }
0x269: {  	v28 =	vld.idx.msk [tilespmem:v49+s5+$0x0], $0xffff  }
0x26a: {  	v27 =	vor.u32 $0x2, v27;
	_ =	sdelay $0x3  }
0x26b: {  	[tilespmem:v10+s15+$0x0] =	vst.idx.msk $0xffff, v28  }
0x26c: {  	v27 =	vld.idx.msk [tilespmem:v27+s5+$0x0], $0xffff;
	_ =	sdelay $0x4  }
0x26d: {  	[tilespmem:v11+s15+$0x0] =	vst.idx.msk $0xffff, v27  }
0x26e: {  	v27 =	vld [tilespmem:$0x30];
	_ =	sdelay $0x4  }
0x26f: {  	v27 =	vshll.u32 v27, $0x2;
	_ =	sdelay $0x4  }
0x270: {  	v28 =	vld.idx.msk [tilespmem:v27+s5+$0x0], $0xffff  }
0x271: {  	v50 =	vor.u32 $0x1, v27;
	_ =	sdelay $0x3  }
0x272: {  	[tilespmem:v12+s15+$0x0] =	vst.idx.msk $0xffff, v28  }
0x273: {  	v28 =	vld.idx.msk [tilespmem:v50+s5+$0x0], $0xffff  }
0x274: {  	v27 =	vor.u32 $0x2, v27;
	_ =	sdelay $0x3  }
0x275: {  	[tilespmem:v13+s15+$0x0] =	vst.idx.msk $0xffff, v28  }
0x276: {  	v27 =	vld.idx.msk [tilespmem:v27+s5+$0x0], $0xffff;
	_ =	sdelay $0x4  }
0x277: {  	[tilespmem:v14+s15+$0x0] =	vst.idx.msk $0xffff, v27  }
0x278: {  	v27 =	vld [tilespmem:$0x40];
	_ =	sdelay $0x4  }
0x279: {  	v27 =	vshll.u32 v27, $0x2;
	_ =	sdelay $0x4  }
0x27a: {  	v28 =	vld.idx.msk [tilespmem:v27+s5+$0x0], $0xffff  }
0x27b: {  	v51 =	vor.u32 $0x1, v27;
	_ =	sdelay $0x3  }
0x27c: {  	[tilespmem:v15+s15+$0x0] =	vst.idx.msk $0xffff, v28  }
0x27d: {  	v28 =	vld.idx.msk [tilespmem:v51+s5+$0x0], $0xffff  }
0x27e: {  	v27 =	vor.u32 $0x2, v27;
	_ =	sdelay $0x3  }
0x27f: {  	[tilespmem:v16+s15+$0x0] =	vst.idx.msk $0xffff, v28  }
0x280: {  	v27 =	vld.idx.msk [tilespmem:v27+s5+$0x0], $0xffff;
	_ =	sdelay $0x4  }
0x281: {  	[tilespmem:v17+s15+$0x0] =	vst.idx.msk $0xffff, v27  }
0x282: {  	v27 =	vld [tilespmem:$0x50];
	_ =	sdelay $0x4  }
0x283: {  	v27 =	vshll.u32 v27, $0x2;
	_ =	sdelay $0x4  }
0x284: {  	v28 =	vld.idx.msk [tilespmem:v27+s5+$0x0], $0xffff  }
0x285: {  	v52 =	vor.u32 $0x1, v27;
	_ =	sdelay $0x3  }
0x286: {  	[tilespmem:v18+s15+$0x0] =	vst.idx.msk $0xffff, v28  }
0x287: {  	v28 =	vld.idx.msk [tilespmem:v52+s5+$0x0], $0xffff  }
0x288: {  	v27 =	vor.u32 $0x2, v27;
	_ =	sdelay $0x3  }
0x289: {  	[tilespmem:v19+s15+$0x0] =	vst.idx.msk $0xffff, v28  }
0x28a: {  	v27 =	vld.idx.msk [tilespmem:v27+s5+$0x0], $0xffff;
	_ =	sdelay $0x4  }
0x28b: {  	[tilespmem:v20+s15+$0x0] =	vst.idx.msk $0xffff, v27  }
0x28c: {  	v27 =	vld [tilespmem:$0x60];
	_ =	sdelay $0x4  }
0x28d: {  	v27 =	vshll.u32 v27, $0x2;
	_ =	sdelay $0x4  }
0x28e: {  	v28 =	vld.idx.msk [tilespmem:v27+s5+$0x0], $0xffff  }
0x28f: {  	v53 =	vor.u32 $0x1, v27;
	_ =	sdelay $0x3  }
0x290: {  	[tilespmem:v21+s15+$0x0] =	vst.idx.msk $0xffff, v28  }
0x291: {  	v28 =	vld.idx.msk [tilespmem:v53+s5+$0x0], $0xffff  }
0x292: {  	v27 =	vor.u32 $0x2, v27;
	_ =	sdelay $0x3  }
0x293: {  	[tilespmem:v22+s15+$0x0] =	vst.idx.msk $0xffff, v28  }
0x294: {  	v27 =	vld.idx.msk [tilespmem:v27+s5+$0x0], $0xffff;
	_ =	sdelay $0x4  }
0x295: {  	[tilespmem:v23+s15+$0x0] =	vst.idx.msk $0xffff, v27  }
0x296: {  	v27 =	vld [tilespmem:$0x70];
	_ =	sdelay $0x4  }
0x297: {  	v27 =	vshll.u32 v27, $0x2;
	_ =	sdelay $0x4  }
0x298: {  	v28 =	vld.idx.msk [tilespmem:v27+s5+$0x0], $0xffff  }
0x299: {  	v54 =	vor.u32 $0x1, v27;
	_ =	sdelay $0x3  }
0x29a: {  	[tilespmem:v24+s15+$0x0] =	vst.idx.msk $0xffff, v28  }
0x29b: {  	v28 =	vld.idx.msk [tilespmem:v54+s5+$0x0], $0xffff  }
0x29c: {  	v27 =	vor.u32 $0x2, v27;
	_ =	sdelay $0x3  }
0x29d: {  	[tilespmem:v25+s15+$0x0] =	vst.idx.msk $0xffff, v28  }
0x29e: {  	v27 =	vld.idx.msk [tilespmem:v27+s5+$0x0], $0xffff;
	_ =	sdelay $0x4  }
0x29f: {  	[tilespmem:v26+s15+$0x0] =	vst.idx.msk $0xffff, v27  }
0x2a0: {  	_ =	swait.ge [sflag:s16], $0x8000  }
0x2a1: {  	[sflag:s16] =	ssyncset.done $0x0  }
0x2a2: {  	s22 =	rddreg [dreg:$0xb];
	[sflag:s16] =	ssyncadd.s32 $0xFFFF8000  }
0x2a3: {  	[hbm4b:s22+s2] =	stream.linear.scatter [tilespmem:s29], [sflag:$0x3], $0x8000, $0x38;
	[tilespmem:$0x1A100] =	vst v63  }
0x2a4: {  	s30 =	rddreg [dreg:$0xc]  }
0x2a5: {  	[hbm4b:s30+s2] =	stream.linear.scatter [tilespmem:s15], [sflag:$0x3], $0x4000, $0x38;
	[tilespmem:$0x1A100] =	vst v63  }
0x2a6: {  	_ =	swait.ge [sflag:s17], $0x8000  }
0x2a7: {  	[sflag:s17] =	ssyncset.done $0x0  }
0x2a8: {  	[sflag:s17] =	ssyncadd.s32 $0xFFFF8000  }
0x2a9: {  	_ =	swait.ge [sflag:s17], $0x4000  }
0x2aa: {  	[sflag:s17] =	ssyncset.done $0x0  }
0x2ab: {  	s30 =	rddreg [dreg:$0xd];
	[sflag:s17] =	ssyncadd.s32 $0xFFFFC000  }
0x2ac: {  	[tilespmem:s2], [sflag:$0x5] =	stream.linear.gather [hbm4b:s30+s2], $0x80, $0x38;
	[tilespmem:$0x1A100] =	vst v63  }
0x2ad: {  	_ =	swait.ge [sflag:s6], $0x80  }
0x2ae: {  	[sflag:s6] =	ssyncset.done $0x0  }
0x2af: {  	[sflag:s6] =	ssyncadd.s32 $0xFFFFFF80  }
0x2b0: {  	v27 =	vld [tilespmem:$0x0];
	_ =	sdelay $0x4  }
0x2b1: {  	v55 =	vshll.u32 v27, $0x1  }
0x2b2: {  	v27 =	vand.u32 $0x7, v27;
	v28 =	vand.u32 $0xFFFFFFF0, v55  }
0x2b3: {  	v27 =	vor.u32 v27, v28  }
0x2b4: {  	v28 =	vperm.xlane v27, v1;
	_ =	sdelay $0x1  }
0x2b5: {  	v27 =	vperm.xlane v27, v3;
	v28 =	vadd.s32 v2, v28;
	_ =	sdelay $0x1  }
0x2b6: {  	v27 =	vadd.s32 v2, v27;
	_ =	sdelay $0x2  }
0x2b7: {  	[tilespmem:s29], [sflag:$0x1] =	stream.indirect_vreg.gather [hbm4b:s3+s2], $0x80, v28, vm0, $0xb8;
	[tilespmem:$0x1A100] =	vst v63  }
0x2b8: {  	s22 =	simm.s32 $0x900  }
0x2b9: {  	[tilespmem:s22], [sflag:$0x1] =	stream.indirect_vreg.gather [hbm4b:s3+s2], $0x80, v27, vm0, $0xb8;
	[tilespmem:$0x1A100] =	vst v63  }
0x2ba: {  	v27 =	vld [tilespmem:$0x10];
	_ =	sdelay $0x4  }
0x2bb: {  	v56 =	vshll.u32 v27, $0x1  }
0x2bc: {  	v27 =	vand.u32 $0x7, v27;
	v28 =	vand.u32 $0xFFFFFFF0, v56  }
0x2bd: {  	v27 =	vor.u32 v27, v28  }
0x2be: {  	v28 =	vperm.xlane v27, v1;
	_ =	sdelay $0x1  }
0x2bf: {  	v27 =	vperm.xlane v27, v3;
	v28 =	vadd.s32 v2, v28;
	_ =	sdelay $0x1  }
0x2c0: {  	v27 =	vadd.s32 v2, v27;
	_ =	sdelay $0x2  }
0x2c1: {  	[tilespmem:s0], [sflag:$0x1] =	stream.indirect_vreg.gather [hbm4b:s3+s2], $0x80, v28, vm0, $0xb8;
	[tilespmem:$0x1A100] =	vst v63  }
0x2c2: {  	s30 =	simm.s32 $0x1900  }
0x2c3: {  	[tilespmem:s30], [sflag:$0x1] =	stream.indirect_vreg.gather [hbm4b:s3+s2], $0x80, v27, vm0, $0xb8;
	[tilespmem:$0x1A100] =	vst v63  }
0x2c4: {  	v27 =	vld [tilespmem:$0x20];
	_ =	sdelay $0x4  }
0x2c5: {  	v57 =	vshll.u32 v27, $0x1  }
0x2c6: {  	v27 =	vand.u32 $0x7, v27;
	v28 =	vand.u32 $0xFFFFFFF0, v57  }
0x2c7: {  	v27 =	vor.u32 v27, v28  }
0x2c8: {  	v28 =	vperm.xlane v27, v1;
	_ =	sdelay $0x1  }
0x2c9: {  	v27 =	vperm.xlane v27, v3;
	v28 =	vadd.s32 v2, v28;
	_ =	sdelay $0x1  }
0x2ca: {  	v27 =	vadd.s32 v2, v27;
	_ =	sdelay $0x1  }
0x2cb: {  	s22 =	simm.s32 $0x2100  }
0x2cc: {  	[tilespmem:s22], [sflag:$0x1] =	stream.indirect_vreg.gather [hbm4b:s3+s2], $0x80, v28, vm0, $0xb8;
	[tilespmem:$0x1A100] =	vst v63  }
0x2cd: {  	s30 =	simm.s32 $0x2900  }
0x2ce: {  	[tilespmem:s30], [sflag:$0x1] =	stream.indirect_vreg.gather [hbm4b:s3+s2], $0x80, v27, vm0, $0xb8;
	[tilespmem:$0x1A100] =	vst v63  }
0x2cf: {  	v27 =	vld [tilespmem:$0x30];
	_ =	sdelay $0x4  }
0x2d0: {  	v58 =	vshll.u32 v27, $0x1  }
0x2d1: {  	v27 =	vand.u32 $0x7, v27;
	v28 =	vand.u32 $0xFFFFFFF0, v58  }
0x2d2: {  	v27 =	vor.u32 v27, v28  }
0x2d3: {  	v28 =	vperm.xlane v27, v1;
	_ =	sdelay $0x1  }
0x2d4: {  	v27 =	vperm.xlane v27, v3;
	v28 =	vadd.s32 v2, v28;
	_ =	sdelay $0x1  }
0x2d5: {  	v27 =	vadd.s32 v2, v27;
	_ =	sdelay $0x1  }
0x2d6: {  	s22 =	simm.s32 $0x3100  }
0x2d7: {  	[tilespmem:s22], [sflag:$0x1] =	stream.indirect_vreg.gather [hbm4b:s3+s2], $0x80, v28, vm0, $0xb8;
	[tilespmem:$0x1A100] =	vst v63  }
0x2d8: {  	s30 =	simm.s32 $0x3900  }
0x2d9: {  	[tilespmem:s30], [sflag:$0x1] =	stream.indirect_vreg.gather [hbm4b:s3+s2], $0x80, v27, vm0, $0xb8;
	[tilespmem:$0x1A100] =	vst v63  }
0x2da: {  	v27 =	vld [tilespmem:$0x40];
	_ =	sdelay $0x4  }
0x2db: {  	v59 =	vshll.u32 v27, $0x1  }
0x2dc: {  	v27 =	vand.u32 $0x7, v27;
	v28 =	vand.u32 $0xFFFFFFF0, v59  }
0x2dd: {  	v27 =	vor.u32 v27, v28  }
0x2de: {  	v28 =	vperm.xlane v27, v1;
	_ =	sdelay $0x1  }
0x2df: {  	v27 =	vperm.xlane v27, v3;
	v28 =	vadd.s32 v2, v28;
	_ =	sdelay $0x1  }
0x2e0: {  	v27 =	vadd.s32 v2, v27;
	_ =	sdelay $0x1  }
0x2e1: {  	s22 =	simm.s32 $0x4100  }
0x2e2: {  	[tilespmem:s22], [sflag:$0x1] =	stream.indirect_vreg.gather [hbm4b:s3+s2], $0x80, v28, vm0, $0xb8;
	[tilespmem:$0x1A100] =	vst v63  }
0x2e3: {  	s30 =	simm.s32 $0x4900  }
0x2e4: {  	[tilespmem:s30], [sflag:$0x1] =	stream.indirect_vreg.gather [hbm4b:s3+s2], $0x80, v27, vm0, $0xb8;
	[tilespmem:$0x1A100] =	vst v63  }
0x2e5: {  	v27 =	vld [tilespmem:$0x50];
	_ =	sdelay $0x4  }
0x2e6: {  	v60 =	vshll.u32 v27, $0x1  }
0x2e7: {  	v27 =	vand.u32 $0x7, v27;
	v28 =	vand.u32 $0xFFFFFFF0, v60  }
0x2e8: {  	v27 =	vor.u32 v27, v28  }
0x2e9: {  	v28 =	vperm.xlane v27, v1;
	_ =	sdelay $0x1  }
0x2ea: {  	v27 =	vperm.xlane v27, v3;
	v28 =	vadd.s32 v2, v28;
	_ =	sdelay $0x1  }
0x2eb: {  	v27 =	vadd.s32 v2, v27;
	_ =	sdelay $0x1  }
0x2ec: {  	s22 =	simm.s32 $0x5100  }
0x2ed: {  	[tilespmem:s22], [sflag:$0x1] =	stream.indirect_vreg.gather [hbm4b:s3+s2], $0x80, v28, vm0, $0xb8;
	[tilespmem:$0x1A100] =	vst v63  }
0x2ee: {  	s30 =	simm.s32 $0x5900  }
0x2ef: {  	[tilespmem:s30], [sflag:$0x1] =	stream.indirect_vreg.gather [hbm4b:s3+s2], $0x80, v27, vm0, $0xb8;
	[tilespmem:$0x1A100] =	vst v63  }
0x2f0: {  	v27 =	vld [tilespmem:$0x60];
	_ =	sdelay $0x4  }
0x2f1: {  	v61 =	vshll.u32 v27, $0x1  }
0x2f2: {  	v27 =	vand.u32 $0x7, v27;
	v28 =	vand.u32 $0xFFFFFFF0, v61  }
0x2f3: {  	v27 =	vor.u32 v27, v28  }
0x2f4: {  	v28 =	vperm.xlane v27, v1;
	_ =	sdelay $0x1  }
0x2f5: {  	v27 =	vperm.xlane v27, v3;
	v28 =	vadd.s32 v2, v28;
	_ =	sdelay $0x1  }
0x2f6: {  	v27 =	vadd.s32 v2, v27;
	_ =	sdelay $0x1  }
0x2f7: {  	s22 =	simm.s32 $0x6100  }
0x2f8: {  	[tilespmem:s22], [sflag:$0x1] =	stream.indirect_vreg.gather [hbm4b:s3+s2], $0x80, v28, vm0, $0xb8;
	[tilespmem:$0x1A100] =	vst v63  }
0x2f9: {  	s30 =	simm.s32 $0x6900  }
0x2fa: {  	[tilespmem:s30], [sflag:$0x1] =	stream.indirect_vreg.gather [hbm4b:s3+s2], $0x80, v27, vm0, $0xb8;
	[tilespmem:$0x1A100] =	vst v63  }
0x2fb: {  	v27 =	vld [tilespmem:$0x70];
	_ =	sdelay $0x4  }
0x2fc: {  	v62 =	vshll.u32 v27, $0x1  }
0x2fd: {  	v27 =	vand.u32 $0x7, v27;
	v28 =	vand.u32 $0xFFFFFFF0, v62  }
0x2fe: {  	v27 =	vor.u32 v27, v28  }
0x2ff: {  	v28 =	vperm.xlane v27, v1;
	_ =	sdelay $0x1  }
0x300: {  	v27 =	vperm.xlane v27, v3;
	v28 =	vadd.s32 v2, v28;
	_ =	sdelay $0x1  }
0x301: {  	v27 =	vadd.s32 v2, v27;
	_ =	sdelay $0x1  }
0x302: {  	s22 =	simm.s32 $0x7100  }
0x303: {  	[tilespmem:s22], [sflag:$0x1] =	stream.indirect_vreg.gather [hbm4b:s3+s2], $0x80, v28, vm0, $0xb8;
	[tilespmem:$0x1A100] =	vst v63  }
0x304: {  	s30 =	simm.s32 $0x7900  }
0x305: {  	[tilespmem:s30], [sflag:$0x1] =	stream.indirect_vreg.gather [hbm4b:s3+s2], $0x80, v27, vm0, $0xb8;
	[tilespmem:$0x1A100] =	vst v63  }
0x306: {  	v27 =	vld [tilespmem:$0x80];
	_ =	sdelay $0x4  }
0x307: {  	v27 =	vshll.u32 v27, $0x2;
	_ =	sdelay $0x4  }
0x308: {  	v28 =	vld.idx.msk [tilespmem:v27+s5+$0x0], $0xffff  }
0x309: {  	v63 =	vor.u32 $0x1, v27;
	_ =	sdelay $0x3  }
0x30a: {  	[tilespmem:v0+s18+$0x0] =	vst.idx.msk $0xffff, v28  }
0x30b: {  	v28 =	vld.idx.msk [tilespmem:v63+s5+$0x0], $0xffff  }
0x30c: {  	v27 =	vor.u32 $0x2, v27;
	_ =	sdelay $0x3  }
0x30d: {  	[tilespmem:v4+s18+$0x0] =	vst.idx.msk $0xffff, v28  }
0x30e: {  	v27 =	vld.idx.msk [tilespmem:v27+s5+$0x0], $0xffff;
	_ =	sdelay $0x4  }
0x30f: {  	[tilespmem:v5+s18+$0x0] =	vst.idx.msk $0xffff, v27  }
0x310: {  	v27 =	vld [tilespmem:$0x90];
	_ =	sdelay $0x4  }
0x311: {  	v27 =	vshll.u32 v27, $0x2;
	_ =	sdelay $0x4  }
0x312: {  	v28 =	vld.idx.msk [tilespmem:v27+s5+$0x0], $0xffff  }
0x313: {  	v32 =	vor.u32 $0x1, v27;
	_ =	sdelay $0x3  }
0x314: {  	[tilespmem:v6+s18+$0x0] =	vst.idx.msk $0xffff, v28  }
0x315: {  	v28 =	vld.idx.msk [tilespmem:v32+s5+$0x0], $0xffff  }
0x316: {  	v27 =	vor.u32 $0x2, v27;
	_ =	sdelay $0x3  }
0x317: {  	[tilespmem:v7+s18+$0x0] =	vst.idx.msk $0xffff, v28  }
0x318: {  	v27 =	vld.idx.msk [tilespmem:v27+s5+$0x0], $0xffff;
	_ =	sdelay $0x4  }
0x319: {  	[tilespmem:v8+s18+$0x0] =	vst.idx.msk $0xffff, v27  }
0x31a: {  	v27 =	vld [tilespmem:$0xA0];
	_ =	sdelay $0x4  }
0x31b: {  	v27 =	vshll.u32 v27, $0x2;
	_ =	sdelay $0x4  }
0x31c: {  	v28 =	vld.idx.msk [tilespmem:v27+s5+$0x0], $0xffff  }
0x31d: {  	v33 =	vor.u32 $0x1, v27;
	_ =	sdelay $0x3  }
0x31e: {  	[tilespmem:v9+s18+$0x0] =	vst.idx.msk $0xffff, v28  }
0x31f: {  	v28 =	vld.idx.msk [tilespmem:v33+s5+$0x0], $0xffff  }
0x320: {  	v27 =	vor.u32 $0x2, v27;
	_ =	sdelay $0x3  }
0x321: {  	[tilespmem:v10+s18+$0x0] =	vst.idx.msk $0xffff, v28  }
0x322: {  	v27 =	vld.idx.msk [tilespmem:v27+s5+$0x0], $0xffff;
	_ =	sdelay $0x4  }
0x323: {  	[tilespmem:v11+s18+$0x0] =	vst.idx.msk $0xffff, v27  }
0x324: {  	v27 =	vld [tilespmem:$0xB0];
	_ =	sdelay $0x4  }
0x325: {  	v27 =	vshll.u32 v27, $0x2;
	_ =	sdelay $0x4  }
0x326: {  	v28 =	vld.idx.msk [tilespmem:v27+s5+$0x0], $0xffff  }
0x327: {  	v34 =	vor.u32 $0x1, v27;
	_ =	sdelay $0x3  }
0x328: {  	[tilespmem:v12+s18+$0x0] =	vst.idx.msk $0xffff, v28  }
0x329: {  	v28 =	vld.idx.msk [tilespmem:v34+s5+$0x0], $0xffff  }
0x32a: {  	v27 =	vor.u32 $0x2, v27;
	_ =	sdelay $0x3  }
0x32b: {  	[tilespmem:v13+s18+$0x0] =	vst.idx.msk $0xffff, v28  }
0x32c: {  	v27 =	vld.idx.msk [tilespmem:v27+s5+$0x0], $0xffff;
	_ =	sdelay $0x4  }
0x32d: {  	[tilespmem:v14+s18+$0x0] =	vst.idx.msk $0xffff, v27  }
0x32e: {  	v27 =	vld [tilespmem:$0xC0];
	_ =	sdelay $0x4  }
0x32f: {  	v27 =	vshll.u32 v27, $0x2;
	_ =	sdelay $0x4  }
0x330: {  	v28 =	vld.idx.msk [tilespmem:v27+s5+$0x0], $0xffff  }
0x331: {  	v35 =	vor.u32 $0x1, v27;
	_ =	sdelay $0x3  }
0x332: {  	[tilespmem:v15+s18+$0x0] =	vst.idx.msk $0xffff, v28  }
0x333: {  	v28 =	vld.idx.msk [tilespmem:v35+s5+$0x0], $0xffff  }
0x334: {  	v27 =	vor.u32 $0x2, v27;
	_ =	sdelay $0x3  }
0x335: {  	[tilespmem:v16+s18+$0x0] =	vst.idx.msk $0xffff, v28  }
0x336: {  	v27 =	vld.idx.msk [tilespmem:v27+s5+$0x0], $0xffff;
	_ =	sdelay $0x4  }
0x337: {  	[tilespmem:v17+s18+$0x0] =	vst.idx.msk $0xffff, v27  }
0x338: {  	v27 =	vld [tilespmem:$0xD0];
	_ =	sdelay $0x4  }
0x339: {  	v27 =	vshll.u32 v27, $0x2;
	_ =	sdelay $0x4  }
0x33a: {  	v28 =	vld.idx.msk [tilespmem:v27+s5+$0x0], $0xffff  }
0x33b: {  	v36 =	vor.u32 $0x1, v27;
	_ =	sdelay $0x3  }
0x33c: {  	[tilespmem:v18+s18+$0x0] =	vst.idx.msk $0xffff, v28  }
0x33d: {  	v28 =	vld.idx.msk [tilespmem:v36+s5+$0x0], $0xffff  }
0x33e: {  	v27 =	vor.u32 $0x2, v27;
	_ =	sdelay $0x3  }
0x33f: {  	[tilespmem:v19+s18+$0x0] =	vst.idx.msk $0xffff, v28  }
0x340: {  	v27 =	vld.idx.msk [tilespmem:v27+s5+$0x0], $0xffff;
	_ =	sdelay $0x4  }
0x341: {  	[tilespmem:v20+s18+$0x0] =	vst.idx.msk $0xffff, v27  }
0x342: {  	v27 =	vld [tilespmem:$0xE0];
	_ =	sdelay $0x4  }
0x343: {  	v27 =	vshll.u32 v27, $0x2;
	_ =	sdelay $0x4  }
0x344: {  	v28 =	vld.idx.msk [tilespmem:v27+s5+$0x0], $0xffff  }
0x345: {  	v37 =	vor.u32 $0x1, v27;
	_ =	sdelay $0x3  }
0x346: {  	[tilespmem:v21+s18+$0x0] =	vst.idx.msk $0xffff, v28  }
0x347: {  	v28 =	vld.idx.msk [tilespmem:v37+s5+$0x0], $0xffff  }
0x348: {  	v27 =	vor.u32 $0x2, v27;
	_ =	sdelay $0x3  }
0x349: {  	[tilespmem:v22+s18+$0x0] =	vst.idx.msk $0xffff, v28  }
0x34a: {  	v27 =	vld.idx.msk [tilespmem:v27+s5+$0x0], $0xffff;
	_ =	sdelay $0x4  }
0x34b: {  	[tilespmem:v23+s18+$0x0] =	vst.idx.msk $0xffff, v27  }
0x34c: {  	v27 =	vld [tilespmem:$0xF0];
	_ =	sdelay $0x4  }
0x34d: {  	v27 =	vshll.u32 v27, $0x2;
	_ =	sdelay $0x4  }
0x34e: {  	v28 =	vld.idx.msk [tilespmem:v27+s5+$0x0], $0xffff  }
0x34f: {  	v38 =	vor.u32 $0x1, v27;
	_ =	sdelay $0x3  }
0x350: {  	[tilespmem:v24+s18+$0x0] =	vst.idx.msk $0xffff, v28  }
0x351: {  	v28 =	vld.idx.msk [tilespmem:v38+s5+$0x0], $0xffff  }
0x352: {  	v27 =	vor.u32 $0x2, v27;
	_ =	sdelay $0x3  }
0x353: {  	[tilespmem:v25+s18+$0x0] =	vst.idx.msk $0xffff, v28  }
0x354: {  	v27 =	vld.idx.msk [tilespmem:v27+s5+$0x0], $0xffff;
	_ =	sdelay $0x4  }
0x355: {  	[tilespmem:v26+s18+$0x0] =	vst.idx.msk $0xffff, v27  }
0x356: {  	_ =	swait.ge [sflag:s19], $0x8000  }
0x357: {  	[sflag:s19] =	ssyncset.done $0x0  }
0x358: {  	s22 =	rddreg [dreg:$0xe];
	[sflag:s19] =	ssyncadd.s32 $0xFFFF8000  }
0x359: {  	[hbm4b:s22+s2] =	stream.linear.scatter [tilespmem:s24], [sflag:$0x4], $0x8000, $0x38;
	[tilespmem:$0x1A100] =	vst v63  }
0x35a: {  	s30 =	rddreg [dreg:$0xf]  }
0x35b: {  	[hbm4b:s30+s2] =	stream.linear.scatter [tilespmem:s18], [sflag:$0x4], $0x4000, $0x38;
	[tilespmem:$0x1A100] =	vst v63  }
0x35c: {  	_ =	swait.ge [sflag:s20], $0x8000  }
0x35d: {  	[sflag:s20] =	ssyncset.done $0x0  }
0x35e: {  	[sflag:s20] =	ssyncadd.s32 $0xFFFF8000  }
0x35f: {  	_ =	swait.ge [sflag:s20], $0x4000  }
0x360: {  	[sflag:s20] =	ssyncset.done $0x0  }
0x361: {  	s30 =	simm.s32 $0x80;
	s22 =	rddreg [dreg:$0x10];
	[sflag:s20] =	ssyncadd.s32 $0xFFFFC000  }
0x362: {  	[tilespmem:s30], [sflag:$0x5] =	stream.linear.gather [hbm4b:s22+s2], $0x80, $0x38;
	[tilespmem:$0x1A100] =	vst v63  }
0x363: {  	_ =	swait.ge [sflag:s6], $0x80  }
0x364: {  	[sflag:s6] =	ssyncset.done $0x0  }
0x365: {  	[sflag:s6] =	ssyncadd.s32 $0xFFFFFF80  }
0x366: {  	v27 =	vld [tilespmem:$0x80];
	_ =	sdelay $0x4  }
0x367: {  	v39 =	vshll.u32 v27, $0x1  }
0x368: {  	v27 =	vand.u32 $0x7, v27;
	v28 =	vand.u32 $0xFFFFFFF0, v39  }
0x369: {  	v27 =	vor.u32 v27, v28  }
0x36a: {  	v28 =	vperm.xlane v27, v1;
	_ =	sdelay $0x1  }
0x36b: {  	v27 =	vperm.xlane v27, v3;
	v28 =	vadd.s32 v2, v28;
	_ =	sdelay $0x1  }
0x36c: {  	v27 =	vadd.s32 v2, v27;
	_ =	sdelay $0x2  }
0x36d: {  	[tilespmem:s24], [sflag:$0x2] =	stream.indirect_vreg.gather [hbm4b:s3+s2], $0x80, v28, vm0, $0xb8;
	[tilespmem:$0x1A100] =	vst v63  }
0x36e: {  	s8 =	simm.s32 $0x8900  }
0x36f: {  	[tilespmem:s8], [sflag:$0x2] =	stream.indirect_vreg.gather [hbm4b:s3+s2], $0x80, v27, vm0, $0xb8;
	[tilespmem:$0x1A100] =	vst v63  }
0x370: {  	v27 =	vld [tilespmem:$0x90];
	_ =	sdelay $0x4  }
0x371: {  	v40 =	vshll.u32 v27, $0x1  }
0x372: {  	v27 =	vand.u32 $0x7, v27;
	v28 =	vand.u32 $0xFFFFFFF0, v40  }
0x373: {  	v27 =	vor.u32 v27, v28  }
0x374: {  	v28 =	vperm.xlane v27, v1;
	_ =	sdelay $0x1  }
0x375: {  	v27 =	vperm.xlane v27, v3;
	v28 =	vadd.s32 v2, v28;
	_ =	sdelay $0x1  }
0x376: {  	v27 =	vadd.s32 v2, v27;
	_ =	sdelay $0x1  }
0x377: {  	s1 =	simm.s32 $0x9100  }
0x378: {  	[tilespmem:s1], [sflag:$0x2] =	stream.indirect_vreg.gather [hbm4b:s3+s2], $0x80, v28, vm0, $0xb8;
	[tilespmem:$0x1A100] =	vst v63  }
0x379: {  	s12 =	simm.s32 $0x9900  }
0x37a: {  	[tilespmem:s12], [sflag:$0x2] =	stream.indirect_vreg.gather [hbm4b:s3+s2], $0x80, v27, vm0, $0xb8;
	[tilespmem:$0x1A100] =	vst v63  }
0x37b: {  	v27 =	vld [tilespmem:$0xA0];
	_ =	sdelay $0x4  }
0x37c: {  	v41 =	vshll.u32 v27, $0x1  }
0x37d: {  	v27 =	vand.u32 $0x7, v27;
	v28 =	vand.u32 $0xFFFFFFF0, v41  }
0x37e: {  	v27 =	vor.u32 v27, v28  }
0x37f: {  	v28 =	vperm.xlane v27, v1;
	_ =	sdelay $0x1  }
0x380: {  	v27 =	vperm.xlane v27, v3;
	v28 =	vadd.s32 v2, v28;
	_ =	sdelay $0x1  }
0x381: {  	v27 =	vadd.s32 v2, v27;
	_ =	sdelay $0x1  }
0x382: {  	s28 =	simm.s32 $0xA100  }
0x383: {  	[tilespmem:s28], [sflag:$0x2] =	stream.indirect_vreg.gather [hbm4b:s3+s2], $0x80, v28, vm0, $0xb8;
	[tilespmem:$0x1A100] =	vst v63  }
0x384: {  	s14 =	simm.s32 $0xA900  }
0x385: {  	[tilespmem:s14], [sflag:$0x2] =	stream.indirect_vreg.gather [hbm4b:s3+s2], $0x80, v27, vm0, $0xb8;
	[tilespmem:$0x1A100] =	vst v63  }
0x386: {  	v27 =	vld [tilespmem:$0xB0];
	_ =	sdelay $0x4  }
0x387: {  	v42 =	vshll.u32 v27, $0x1  }
0x388: {  	v27 =	vand.u32 $0x7, v27;
	v28 =	vand.u32 $0xFFFFFFF0, v42  }
0x389: {  	v27 =	vor.u32 v27, v28  }
0x38a: {  	v28 =	vperm.xlane v27, v1;
	_ =	sdelay $0x1  }
0x38b: {  	v27 =	vperm.xlane v27, v3;
	v28 =	vadd.s32 v2, v28;
	_ =	sdelay $0x1  }
0x38c: {  	v27 =	vadd.s32 v2, v27;
	_ =	sdelay $0x1  }
0x38d: {  	s7 =	simm.s32 $0xB100  }
0x38e: {  	[tilespmem:s7], [sflag:$0x2] =	stream.indirect_vreg.gather [hbm4b:s3+s2], $0x80, v28, vm0, $0xb8;
	[tilespmem:$0x1A100] =	vst v63  }
0x38f: {  	s23 =	simm.s32 $0xB900  }
0x390: {  	[tilespmem:s23], [sflag:$0x2] =	stream.indirect_vreg.gather [hbm4b:s3+s2], $0x80, v27, vm0, $0xb8;
	[tilespmem:$0x1A100] =	vst v63  }
0x391: {  	v27 =	vld [tilespmem:$0xC0];
	_ =	sdelay $0x4  }
0x392: {  	v43 =	vshll.u32 v27, $0x1  }
0x393: {  	v27 =	vand.u32 $0x7, v27;
	v28 =	vand.u32 $0xFFFFFFF0, v43  }
0x394: {  	v27 =	vor.u32 v27, v28  }
0x395: {  	v28 =	vperm.xlane v27, v1;
	_ =	sdelay $0x1  }
0x396: {  	v27 =	vperm.xlane v27, v3;
	v28 =	vadd.s32 v2, v28;
	_ =	sdelay $0x1  }
0x397: {  	v27 =	vadd.s32 v2, v27;
	_ =	sdelay $0x1  }
0x398: {  	s9 =	simm.s32 $0xC100  }
0x399: {  	[tilespmem:s9], [sflag:$0x2] =	stream.indirect_vreg.gather [hbm4b:s3+s2], $0x80, v28, vm0, $0xb8;
	[tilespmem:$0x1A100] =	vst v63  }
0x39a: {  	s25 =	simm.s32 $0xC900  }
0x39b: {  	[tilespmem:s25], [sflag:$0x2] =	stream.indirect_vreg.gather [hbm4b:s3+s2], $0x80, v27, vm0, $0xb8;
	[tilespmem:$0x1A100] =	vst v63  }
0x39c: {  	v27 =	vld [tilespmem:$0xD0];
	_ =	sdelay $0x4  }
0x39d: {  	v44 =	vshll.u32 v27, $0x1  }
0x39e: {  	v27 =	vand.u32 $0x7, v27;
	v28 =	vand.u32 $0xFFFFFFF0, v44  }
0x39f: {  	v27 =	vor.u32 v27, v28  }
0x3a0: {  	v28 =	vperm.xlane v27, v1;
	_ =	sdelay $0x1  }
0x3a1: {  	v27 =	vperm.xlane v27, v3;
	v28 =	vadd.s32 v2, v28;
	_ =	sdelay $0x1  }
0x3a2: {  	v27 =	vadd.s32 v2, v27;
	_ =	sdelay $0x1  }
0x3a3: {  	s10 =	simm.s32 $0xD100  }
0x3a4: {  	[tilespmem:s10], [sflag:$0x2] =	stream.indirect_vreg.gather [hbm4b:s3+s2], $0x80, v28, vm0, $0xb8;
	[tilespmem:$0x1A100] =	vst v63  }
0x3a5: {  	s13 =	simm.s32 $0xD900  }
0x3a6: {  	[tilespmem:s13], [sflag:$0x2] =	stream.indirect_vreg.gather [hbm4b:s3+s2], $0x80, v27, vm0, $0xb8;
	[tilespmem:$0x1A100] =	vst v63  }
0x3a7: {  	v27 =	vld [tilespmem:$0xE0];
	_ =	sdelay $0x4  }
0x3a8: {  	v45 =	vshll.u32 v27, $0x1  }
0x3a9: {  	v27 =	vand.u32 $0x7, v27;
	v28 =	vand.u32 $0xFFFFFFF0, v45  }
0x3aa: {  	v27 =	vor.u32 v27, v28  }
0x3ab: {  	v28 =	vperm.xlane v27, v1;
	_ =	sdelay $0x1  }
0x3ac: {  	v27 =	vperm.xlane v27, v3;
	v28 =	vadd.s32 v2, v28;
	_ =	sdelay $0x1  }
0x3ad: {  	v27 =	vadd.s32 v2, v27;
	_ =	sdelay $0x1  }
0x3ae: {  	s11 =	simm.s32 $0xE100  }
0x3af: {  	[tilespmem:s11], [sflag:$0x2] =	stream.indirect_vreg.gather [hbm4b:s3+s2], $0x80, v28, vm0, $0xb8;
	[tilespmem:$0x1A100] =	vst v63  }
0x3b0: {  	s26 =	simm.s32 $0xE900  }
0x3b1: {  	[tilespmem:s26], [sflag:$0x2] =	stream.indirect_vreg.gather [hbm4b:s3+s2], $0x80, v27, vm0, $0xb8;
	[tilespmem:$0x1A100] =	vst v63  }
0x3b2: {  	v27 =	vld [tilespmem:$0xF0];
	_ =	sdelay $0x4  }
0x3b3: {  	v46 =	vshll.u32 v27, $0x1  }
0x3b4: {  	v27 =	vand.u32 $0x7, v27;
	v28 =	vand.u32 $0xFFFFFFF0, v46  }
0x3b5: {  	v27 =	vor.u32 v27, v28  }
0x3b6: {  	v28 =	vperm.xlane v27, v1;
	_ =	sdelay $0x1  }
0x3b7: {  	v27 =	vperm.xlane v27, v3;
	v28 =	vadd.s32 v2, v28;
	_ =	sdelay $0x1  }
0x3b8: {  	v27 =	vadd.s32 v2, v27;
	_ =	sdelay $0x1  }
0x3b9: {  	s31 =	simm.s32 $0xF100  }
0x3ba: {  	[tilespmem:s31], [sflag:$0x2] =	stream.indirect_vreg.gather [hbm4b:s3+s2], $0x80, v28, vm0, $0xb8;
	[tilespmem:$0x1A100] =	vst v63  }
0x3bb: {  	s31 =	simm.s32 $0xF900  }
0x3bc: {  	[tilespmem:s31], [sflag:$0x2] =	stream.indirect_vreg.gather [hbm4b:s3+s2], $0x80, v27, vm0, $0xb8;
	[tilespmem:$0x1A100] =	vst v63  }
0x3bd: {  	v27 =	vld [tilespmem:$0x0];
	_ =	sdelay $0x4  }
0x3be: {  	v27 =	vshll.u32 v27, $0x2;
	_ =	sdelay $0x4  }
0x3bf: {  	v28 =	vld.idx.msk [tilespmem:v27+s5+$0x0], $0xffff  }
0x3c0: {  	v47 =	vor.u32 $0x1, v27;
	_ =	sdelay $0x3  }
0x3c1: {  	[tilespmem:v0+s15+$0x0] =	vst.idx.msk $0xffff, v28  }
0x3c2: {  	v28 =	vld.idx.msk [tilespmem:v47+s5+$0x0], $0xffff  }
0x3c3: {  	v27 =	vor.u32 $0x2, v27;
	_ =	sdelay $0x3  }
0x3c4: {  	[tilespmem:v4+s15+$0x0] =	vst.idx.msk $0xffff, v28  }
0x3c5: {  	v27 =	vld.idx.msk [tilespmem:v27+s5+$0x0], $0xffff;
	_ =	sdelay $0x4  }
0x3c6: {  	[tilespmem:v5+s15+$0x0] =	vst.idx.msk $0xffff, v27  }
0x3c7: {  	v27 =	vld [tilespmem:$0x10];
	_ =	sdelay $0x4  }
0x3c8: {  	v27 =	vshll.u32 v27, $0x2;
	_ =	sdelay $0x4  }
0x3c9: {  	v28 =	vld.idx.msk [tilespmem:v27+s5+$0x0], $0xffff  }
0x3ca: {  	v48 =	vor.u32 $0x1, v27;
	_ =	sdelay $0x3  }
0x3cb: {  	[tilespmem:v6+s15+$0x0] =	vst.idx.msk $0xffff, v28  }
0x3cc: {  	v28 =	vld.idx.msk [tilespmem:v48+s5+$0x0], $0xffff  }
0x3cd: {  	v27 =	vor.u32 $0x2, v27;
	_ =	sdelay $0x3  }
0x3ce: {  	[tilespmem:v7+s15+$0x0] =	vst.idx.msk $0xffff, v28  }
0x3cf: {  	v27 =	vld.idx.msk [tilespmem:v27+s5+$0x0], $0xffff;
	_ =	sdelay $0x4  }
0x3d0: {  	[tilespmem:v8+s15+$0x0] =	vst.idx.msk $0xffff, v27  }
0x3d1: {  	v27 =	vld [tilespmem:$0x20];
	_ =	sdelay $0x4  }
0x3d2: {  	v27 =	vshll.u32 v27, $0x2;
	_ =	sdelay $0x4  }
0x3d3: {  	v28 =	vld.idx.msk [tilespmem:v27+s5+$0x0], $0xffff  }
0x3d4: {  	v49 =	vor.u32 $0x1, v27;
	_ =	sdelay $0x3  }
0x3d5: {  	[tilespmem:v9+s15+$0x0] =	vst.idx.msk $0xffff, v28  }
0x3d6: {  	v28 =	vld.idx.msk [tilespmem:v49+s5+$0x0], $0xffff  }
0x3d7: {  	v27 =	vor.u32 $0x2, v27;
	_ =	sdelay $0x3  }
0x3d8: {  	[tilespmem:v10+s15+$0x0] =	vst.idx.msk $0xffff, v28  }
0x3d9: {  	v27 =	vld.idx.msk [tilespmem:v27+s5+$0x0], $0xffff;
	_ =	sdelay $0x4  }
0x3da: {  	[tilespmem:v11+s15+$0x0] =	vst.idx.msk $0xffff, v27  }
0x3db: {  	v27 =	vld [tilespmem:$0x30];
	_ =	sdelay $0x4  }
0x3dc: {  	v27 =	vshll.u32 v27, $0x2;
	_ =	sdelay $0x4  }
0x3dd: {  	v28 =	vld.idx.msk [tilespmem:v27+s5+$0x0], $0xffff  }
0x3de: {  	v50 =	vor.u32 $0x1, v27;
	_ =	sdelay $0x3  }
0x3df: {  	[tilespmem:v12+s15+$0x0] =	vst.idx.msk $0xffff, v28  }
0x3e0: {  	v28 =	vld.idx.msk [tilespmem:v50+s5+$0x0], $0xffff  }
0x3e1: {  	v27 =	vor.u32 $0x2, v27;
	_ =	sdelay $0x3  }
0x3e2: {  	[tilespmem:v13+s15+$0x0] =	vst.idx.msk $0xffff, v28  }
0x3e3: {  	v27 =	vld.idx.msk [tilespmem:v27+s5+$0x0], $0xffff;
	_ =	sdelay $0x4  }
0x3e4: {  	[tilespmem:v14+s15+$0x0] =	vst.idx.msk $0xffff, v27  }
0x3e5: {  	v27 =	vld [tilespmem:$0x40];
	_ =	sdelay $0x4  }
0x3e6: {  	v27 =	vshll.u32 v27, $0x2;
	_ =	sdelay $0x4  }
0x3e7: {  	v28 =	vld.idx.msk [tilespmem:v27+s5+$0x0], $0xffff  }
0x3e8: {  	v51 =	vor.u32 $0x1, v27;
	_ =	sdelay $0x3  }
0x3e9: {  	[tilespmem:v15+s15+$0x0] =	vst.idx.msk $0xffff, v28  }
0x3ea: {  	v28 =	vld.idx.msk [tilespmem:v51+s5+$0x0], $0xffff  }
0x3eb: {  	v27 =	vor.u32 $0x2, v27;
	_ =	sdelay $0x3  }
0x3ec: {  	[tilespmem:v16+s15+$0x0] =	vst.idx.msk $0xffff, v28  }
0x3ed: {  	v27 =	vld.idx.msk [tilespmem:v27+s5+$0x0], $0xffff;
	_ =	sdelay $0x4  }
0x3ee: {  	[tilespmem:v17+s15+$0x0] =	vst.idx.msk $0xffff, v27  }
0x3ef: {  	v27 =	vld [tilespmem:$0x50];
	_ =	sdelay $0x4  }
0x3f0: {  	v27 =	vshll.u32 v27, $0x2;
	_ =	sdelay $0x4  }
0x3f1: {  	v28 =	vld.idx.msk [tilespmem:v27+s5+$0x0], $0xffff  }
0x3f2: {  	v52 =	vor.u32 $0x1, v27;
	_ =	sdelay $0x3  }
0x3f3: {  	[tilespmem:v18+s15+$0x0] =	vst.idx.msk $0xffff, v28  }
0x3f4: {  	v28 =	vld.idx.msk [tilespmem:v52+s5+$0x0], $0xffff  }
0x3f5: {  	v27 =	vor.u32 $0x2, v27;
	_ =	sdelay $0x3  }
0x3f6: {  	[tilespmem:v19+s15+$0x0] =	vst.idx.msk $0xffff, v28  }
0x3f7: {  	v27 =	vld.idx.msk [tilespmem:v27+s5+$0x0], $0xffff;
	_ =	sdelay $0x4  }
0x3f8: {  	[tilespmem:v20+s15+$0x0] =	vst.idx.msk $0xffff, v27  }
0x3f9: {  	v27 =	vld [tilespmem:$0x60];
	_ =	sdelay $0x4  }
0x3fa: {  	v27 =	vshll.u32 v27, $0x2;
	_ =	sdelay $0x4  }
0x3fb: {  	v28 =	vld.idx.msk [tilespmem:v27+s5+$0x0], $0xffff  }
0x3fc: {  	v53 =	vor.u32 $0x1, v27;
	_ =	sdelay $0x3  }
0x3fd: {  	[tilespmem:v21+s15+$0x0] =	vst.idx.msk $0xffff, v28  }
0x3fe: {  	v28 =	vld.idx.msk [tilespmem:v53+s5+$0x0], $0xffff  }
0x3ff: {  	v27 =	vor.u32 $0x2, v27;
	_ =	sdelay $0x3  }
0x400: {  	[tilespmem:v22+s15+$0x0] =	vst.idx.msk $0xffff, v28  }
0x401: {  	v27 =	vld.idx.msk [tilespmem:v27+s5+$0x0], $0xffff;
	_ =	sdelay $0x4  }
0x402: {  	[tilespmem:v23+s15+$0x0] =	vst.idx.msk $0xffff, v27  }
0x403: {  	v27 =	vld [tilespmem:$0x70];
	_ =	sdelay $0x4  }
0x404: {  	v27 =	vshll.u32 v27, $0x2;
	_ =	sdelay $0x4  }
0x405: {  	v28 =	vld.idx.msk [tilespmem:v27+s5+$0x0], $0xffff  }
0x406: {  	v54 =	vor.u32 $0x1, v27;
	_ =	sdelay $0x3  }
0x407: {  	[tilespmem:v24+s15+$0x0] =	vst.idx.msk $0xffff, v28  }
0x408: {  	v28 =	vld.idx.msk [tilespmem:v54+s5+$0x0], $0xffff  }
0x409: {  	v27 =	vor.u32 $0x2, v27;
	_ =	sdelay $0x3  }
0x40a: {  	[tilespmem:v25+s15+$0x0] =	vst.idx.msk $0xffff, v28  }
0x40b: {  	v27 =	vld.idx.msk [tilespmem:v27+s5+$0x0], $0xffff;
	_ =	sdelay $0x4  }
0x40c: {  	[tilespmem:v26+s15+$0x0] =	vst.idx.msk $0xffff, v27  }
0x40d: {  	_ =	swait.ge [sflag:s16], $0x8000  }
0x40e: {  	[sflag:s16] =	ssyncset.done $0x0  }
0x40f: {  	s21 =	rddreg [dreg:$0x11];
	[sflag:s16] =	ssyncadd.s32 $0xFFFF8000  }
0x410: {  	[hbm4b:s21+s2] =	stream.linear.scatter [tilespmem:s29], [sflag:$0x3], $0x8000, $0x38;
	[tilespmem:$0x1A100] =	vst v63  }
0x411: {  	s22 =	rddreg [dreg:$0x12]  }
0x412: {  	[hbm4b:s22+s2] =	stream.linear.scatter [tilespmem:s15], [sflag:$0x3], $0x4000, $0x38;
	[tilespmem:$0x1A100] =	vst v63  }
0x413: {  	_ =	swait.ge [sflag:s17], $0x8000  }
0x414: {  	[sflag:s17] =	ssyncset.done $0x0  }
0x415: {  	[sflag:s17] =	ssyncadd.s32 $0xFFFF8000  }
0x416: {  	_ =	swait.ge [sflag:s17], $0x4000  }
0x417: {  	[sflag:s17] =	ssyncset.done $0x0  }
0x418: {  	s22 =	rddreg [dreg:$0x13];
	[sflag:s17] =	ssyncadd.s32 $0xFFFFC000  }
0x419: {  	[tilespmem:s2], [sflag:$0x5] =	stream.linear.gather [hbm4b:s22+s2], $0x80, $0x38;
	[tilespmem:$0x1A100] =	vst v63  }
0x41a: {  	_ =	swait.ge [sflag:s6], $0x80  }
0x41b: {  	[sflag:s6] =	ssyncset.done $0x0  }
0x41c: {  	[sflag:s6] =	ssyncadd.s32 $0xFFFFFF80  }
0x41d: {  	v27 =	vld [tilespmem:$0x0];
	_ =	sdelay $0x4  }
0x41e: {  	v55 =	vshll.u32 v27, $0x1  }
0x41f: {  	v27 =	vand.u32 $0x7, v27;
	v28 =	vand.u32 $0xFFFFFFF0, v55  }
0x420: {  	v27 =	vor.u32 v27, v28  }
0x421: {  	v28 =	vperm.xlane v27, v1;
	_ =	sdelay $0x1  }
0x422: {  	v27 =	vperm.xlane v27, v3;
	v28 =	vadd.s32 v2, v28;
	_ =	sdelay $0x1  }
0x423: {  	v27 =	vadd.s32 v2, v27;
	_ =	sdelay $0x2  }
0x424: {  	[tilespmem:s29], [sflag:$0x1] =	stream.indirect_vreg.gather [hbm4b:s3+s2], $0x80, v28, vm0, $0xb8;
	[tilespmem:$0x1A100] =	vst v63  }
0x425: {  	s22 =	simm.s32 $0x900  }
0x426: {  	[tilespmem:s22], [sflag:$0x1] =	stream.indirect_vreg.gather [hbm4b:s3+s2], $0x80, v27, vm0, $0xb8;
	[tilespmem:$0x1A100] =	vst v63  }
0x427: {  	v27 =	vld [tilespmem:$0x10];
	_ =	sdelay $0x4  }
0x428: {  	v56 =	vshll.u32 v27, $0x1  }
0x429: {  	v27 =	vand.u32 $0x7, v27;
	v28 =	vand.u32 $0xFFFFFFF0, v56  }
0x42a: {  	v27 =	vor.u32 v27, v28  }
0x42b: {  	v28 =	vperm.xlane v27, v1;
	_ =	sdelay $0x1  }
0x42c: {  	v27 =	vperm.xlane v27, v3;
	v28 =	vadd.s32 v2, v28;
	_ =	sdelay $0x1  }
0x42d: {  	v27 =	vadd.s32 v2, v27;
	_ =	sdelay $0x1  }
0x42e: {  	s0 =	simm.s32 $0x1100  }
0x42f: {  	[tilespmem:s0], [sflag:$0x1] =	stream.indirect_vreg.gather [hbm4b:s3+s2], $0x80, v28, vm0, $0xb8;
	[tilespmem:$0x1A100] =	vst v63  }
0x430: {  	s21 =	simm.s32 $0x1900  }
0x431: {  	[tilespmem:s21], [sflag:$0x1] =	stream.indirect_vreg.gather [hbm4b:s3+s2], $0x80, v27, vm0, $0xb8;
	[tilespmem:$0x1A100] =	vst v63  }
0x432: {  	v27 =	vld [tilespmem:$0x20];
	_ =	sdelay $0x4  }
0x433: {  	v57 =	vshll.u32 v27, $0x1  }
0x434: {  	v27 =	vand.u32 $0x7, v27;
	v28 =	vand.u32 $0xFFFFFFF0, v57  }
0x435: {  	v27 =	vor.u32 v27, v28  }
0x436: {  	v28 =	vperm.xlane v27, v1;
	_ =	sdelay $0x1  }
0x437: {  	v27 =	vperm.xlane v27, v3;
	v28 =	vadd.s32 v2, v28;
	_ =	sdelay $0x1  }
0x438: {  	v27 =	vadd.s32 v2, v27;
	_ =	sdelay $0x1  }
0x439: {  	s22 =	simm.s32 $0x2100  }
0x43a: {  	[tilespmem:s22], [sflag:$0x1] =	stream.indirect_vreg.gather [hbm4b:s3+s2], $0x80, v28, vm0, $0xb8;
	[tilespmem:$0x1A100] =	vst v63  }
0x43b: {  	s21 =	simm.s32 $0x2900  }
0x43c: {  	[tilespmem:s21], [sflag:$0x1] =	stream.indirect_vreg.gather [hbm4b:s3+s2], $0x80, v27, vm0, $0xb8;
	[tilespmem:$0x1A100] =	vst v63  }
0x43d: {  	v27 =	vld [tilespmem:$0x30];
	_ =	sdelay $0x4  }
0x43e: {  	v58 =	vshll.u32 v27, $0x1  }
0x43f: {  	v27 =	vand.u32 $0x7, v27;
	v28 =	vand.u32 $0xFFFFFFF0, v58  }
0x440: {  	v27 =	vor.u32 v27, v28  }
0x441: {  	v28 =	vperm.xlane v27, v1;
	_ =	sdelay $0x1  }
0x442: {  	v27 =	vperm.xlane v27, v3;
	v28 =	vadd.s32 v2, v28;
	_ =	sdelay $0x1  }
0x443: {  	v27 =	vadd.s32 v2, v27;
	_ =	sdelay $0x1  }
0x444: {  	s22 =	simm.s32 $0x3100  }
0x445: {  	[tilespmem:s22], [sflag:$0x1] =	stream.indirect_vreg.gather [hbm4b:s3+s2], $0x80, v28, vm0, $0xb8;
	[tilespmem:$0x1A100] =	vst v63  }
0x446: {  	s21 =	simm.s32 $0x3900  }
0x447: {  	[tilespmem:s21], [sflag:$0x1] =	stream.indirect_vreg.gather [hbm4b:s3+s2], $0x80, v27, vm0, $0xb8;
	[tilespmem:$0x1A100] =	vst v63  }
0x448: {  	v27 =	vld [tilespmem:$0x40];
	_ =	sdelay $0x4  }
0x449: {  	v59 =	vshll.u32 v27, $0x1  }
0x44a: {  	v27 =	vand.u32 $0x7, v27;
	v28 =	vand.u32 $0xFFFFFFF0, v59  }
0x44b: {  	v27 =	vor.u32 v27, v28  }
0x44c: {  	v28 =	vperm.xlane v27, v1;
	_ =	sdelay $0x1  }
0x44d: {  	v27 =	vperm.xlane v27, v3;
	v28 =	vadd.s32 v2, v28;
	_ =	sdelay $0x1  }
0x44e: {  	v27 =	vadd.s32 v2, v27;
	_ =	sdelay $0x1  }
0x44f: {  	s22 =	simm.s32 $0x4100  }
0x450: {  	[tilespmem:s22], [sflag:$0x1] =	stream.indirect_vreg.gather [hbm4b:s3+s2], $0x80, v28, vm0, $0xb8;
	[tilespmem:$0x1A100] =	vst v63  }
0x451: {  	s21 =	simm.s32 $0x4900  }
0x452: {  	[tilespmem:s21], [sflag:$0x1] =	stream.indirect_vreg.gather [hbm4b:s3+s2], $0x80, v27, vm0, $0xb8;
	[tilespmem:$0x1A100] =	vst v63  }
0x453: {  	v27 =	vld [tilespmem:$0x50];
	_ =	sdelay $0x4  }
0x454: {  	v60 =	vshll.u32 v27, $0x1  }
0x455: {  	v27 =	vand.u32 $0x7, v27;
	v28 =	vand.u32 $0xFFFFFFF0, v60  }
0x456: {  	v27 =	vor.u32 v27, v28  }
0x457: {  	v28 =	vperm.xlane v27, v1;
	_ =	sdelay $0x1  }
0x458: {  	v27 =	vperm.xlane v27, v3;
	v28 =	vadd.s32 v2, v28;
	_ =	sdelay $0x1  }
0x459: {  	v27 =	vadd.s32 v2, v27;
	_ =	sdelay $0x1  }
0x45a: {  	s22 =	simm.s32 $0x5100  }
0x45b: {  	[tilespmem:s22], [sflag:$0x1] =	stream.indirect_vreg.gather [hbm4b:s3+s2], $0x80, v28, vm0, $0xb8;
	[tilespmem:$0x1A100] =	vst v63  }
0x45c: {  	s21 =	simm.s32 $0x5900  }
0x45d: {  	[tilespmem:s21], [sflag:$0x1] =	stream.indirect_vreg.gather [hbm4b:s3+s2], $0x80, v27, vm0, $0xb8;
	[tilespmem:$0x1A100] =	vst v63  }
0x45e: {  	v27 =	vld [tilespmem:$0x60];
	_ =	sdelay $0x4  }
0x45f: {  	v61 =	vshll.u32 v27, $0x1  }
0x460: {  	v27 =	vand.u32 $0x7, v27;
	v28 =	vand.u32 $0xFFFFFFF0, v61  }
0x461: {  	v27 =	vor.u32 v27, v28  }
0x462: {  	v28 =	vperm.xlane v27, v1;
	_ =	sdelay $0x1  }
0x463: {  	v27 =	vperm.xlane v27, v3;
	v28 =	vadd.s32 v2, v28;
	_ =	sdelay $0x1  }
0x464: {  	v27 =	vadd.s32 v2, v27;
	_ =	sdelay $0x1  }
0x465: {  	s22 =	simm.s32 $0x6100  }
0x466: {  	[tilespmem:s22], [sflag:$0x1] =	stream.indirect_vreg.gather [hbm4b:s3+s2], $0x80, v28, vm0, $0xb8;
	[tilespmem:$0x1A100] =	vst v63  }
0x467: {  	s21 =	simm.s32 $0x6900  }
0x468: {  	[tilespmem:s21], [sflag:$0x1] =	stream.indirect_vreg.gather [hbm4b:s3+s2], $0x80, v27, vm0, $0xb8;
	[tilespmem:$0x1A100] =	vst v63  }
0x469: {  	v27 =	vld [tilespmem:$0x70];
	_ =	sdelay $0x4  }
0x46a: {  	v62 =	vshll.u32 v27, $0x1  }
0x46b: {  	v27 =	vand.u32 $0x7, v27;
	v28 =	vand.u32 $0xFFFFFFF0, v62  }
0x46c: {  	v27 =	vor.u32 v27, v28  }
0x46d: {  	v28 =	vperm.xlane v27, v1;
	_ =	sdelay $0x1  }
0x46e: {  	v27 =	vperm.xlane v27, v3;
	v28 =	vadd.s32 v2, v28;
	_ =	sdelay $0x1  }
0x46f: {  	v27 =	vadd.s32 v2, v27;
	_ =	sdelay $0x1  }
0x470: {  	s22 =	simm.s32 $0x7100  }
0x471: {  	[tilespmem:s22], [sflag:$0x1] =	stream.indirect_vreg.gather [hbm4b:s3+s2], $0x80, v28, vm0, $0xb8;
	[tilespmem:$0x1A100] =	vst v63  }
0x472: {  	s21 =	simm.s32 $0x7900  }
0x473: {  	[tilespmem:s21], [sflag:$0x1] =	stream.indirect_vreg.gather [hbm4b:s3+s2], $0x80, v27, vm0, $0xb8;
	[tilespmem:$0x1A100] =	vst v63  }
0x474: {  	v27 =	vld [tilespmem:$0x80];
	_ =	sdelay $0x4  }
0x475: {  	v27 =	vshll.u32 v27, $0x2;
	_ =	sdelay $0x4  }
0x476: {  	v28 =	vld.idx.msk [tilespmem:v27+s5+$0x0], $0xffff  }
0x477: {  	v63 =	vor.u32 $0x1, v27;
	_ =	sdelay $0x3  }
0x478: {  	[tilespmem:v0+s18+$0x0] =	vst.idx.msk $0xffff, v28  }
0x479: {  	v28 =	vld.idx.msk [tilespmem:v63+s5+$0x0], $0xffff  }
0x47a: {  	v27 =	vor.u32 $0x2, v27;
	_ =	sdelay $0x3  }
0x47b: {  	[tilespmem:v4+s18+$0x0] =	vst.idx.msk $0xffff, v28  }
0x47c: {  	v27 =	vld.idx.msk [tilespmem:v27+s5+$0x0], $0xffff;
	_ =	sdelay $0x4  }
0x47d: {  	[tilespmem:v5+s18+$0x0] =	vst.idx.msk $0xffff, v27  }
0x47e: {  	v27 =	vld [tilespmem:$0x90];
	_ =	sdelay $0x4  }
0x47f: {  	v27 =	vshll.u32 v27, $0x2;
	_ =	sdelay $0x4  }
0x480: {  	v28 =	vld.idx.msk [tilespmem:v27+s5+$0x0], $0xffff  }
0x481: {  	v32 =	vor.u32 $0x1, v27;
	_ =	sdelay $0x3  }
0x482: {  	[tilespmem:v6+s18+$0x0] =	vst.idx.msk $0xffff, v28  }
0x483: {  	v28 =	vld.idx.msk [tilespmem:v32+s5+$0x0], $0xffff  }
0x484: {  	v27 =	vor.u32 $0x2, v27;
	_ =	sdelay $0x3  }
0x485: {  	[tilespmem:v7+s18+$0x0] =	vst.idx.msk $0xffff, v28  }
0x486: {  	v27 =	vld.idx.msk [tilespmem:v27+s5+$0x0], $0xffff;
	_ =	sdelay $0x4  }
0x487: {  	[tilespmem:v8+s18+$0x0] =	vst.idx.msk $0xffff, v27  }
0x488: {  	v27 =	vld [tilespmem:$0xA0];
	_ =	sdelay $0x4  }
0x489: {  	v27 =	vshll.u32 v27, $0x2;
	_ =	sdelay $0x4  }
0x48a: {  	v28 =	vld.idx.msk [tilespmem:v27+s5+$0x0], $0xffff  }
0x48b: {  	v33 =	vor.u32 $0x1, v27;
	_ =	sdelay $0x3  }
0x48c: {  	[tilespmem:v9+s18+$0x0] =	vst.idx.msk $0xffff, v28  }
0x48d: {  	v28 =	vld.idx.msk [tilespmem:v33+s5+$0x0], $0xffff  }
0x48e: {  	v27 =	vor.u32 $0x2, v27;
	_ =	sdelay $0x3  }
0x48f: {  	[tilespmem:v10+s18+$0x0] =	vst.idx.msk $0xffff, v28  }
0x490: {  	v27 =	vld.idx.msk [tilespmem:v27+s5+$0x0], $0xffff;
	_ =	sdelay $0x4  }
0x491: {  	[tilespmem:v11+s18+$0x0] =	vst.idx.msk $0xffff, v27  }
0x492: {  	v27 =	vld [tilespmem:$0xB0];
	_ =	sdelay $0x4  }
0x493: {  	v27 =	vshll.u32 v27, $0x2;
	_ =	sdelay $0x4  }
0x494: {  	v28 =	vld.idx.msk [tilespmem:v27+s5+$0x0], $0xffff  }
0x495: {  	v34 =	vor.u32 $0x1, v27;
	_ =	sdelay $0x3  }
0x496: {  	[tilespmem:v12+s18+$0x0] =	vst.idx.msk $0xffff, v28  }
0x497: {  	v28 =	vld.idx.msk [tilespmem:v34+s5+$0x0], $0xffff  }
0x498: {  	v27 =	vor.u32 $0x2, v27;
	_ =	sdelay $0x3  }
0x499: {  	[tilespmem:v13+s18+$0x0] =	vst.idx.msk $0xffff, v28  }
0x49a: {  	v27 =	vld.idx.msk [tilespmem:v27+s5+$0x0], $0xffff;
	_ =	sdelay $0x4  }
0x49b: {  	[tilespmem:v14+s18+$0x0] =	vst.idx.msk $0xffff, v27  }
0x49c: {  	v27 =	vld [tilespmem:$0xC0];
	_ =	sdelay $0x4  }
0x49d: {  	v27 =	vshll.u32 v27, $0x2;
	_ =	sdelay $0x4  }
0x49e: {  	v28 =	vld.idx.msk [tilespmem:v27+s5+$0x0], $0xffff  }
0x49f: {  	v35 =	vor.u32 $0x1, v27;
	_ =	sdelay $0x3  }
0x4a0: {  	[tilespmem:v15+s18+$0x0] =	vst.idx.msk $0xffff, v28  }
0x4a1: {  	v28 =	vld.idx.msk [tilespmem:v35+s5+$0x0], $0xffff  }
0x4a2: {  	v27 =	vor.u32 $0x2, v27;
	_ =	sdelay $0x3  }
0x4a3: {  	[tilespmem:v16+s18+$0x0] =	vst.idx.msk $0xffff, v28  }
0x4a4: {  	v27 =	vld.idx.msk [tilespmem:v27+s5+$0x0], $0xffff;
	_ =	sdelay $0x4  }
0x4a5: {  	[tilespmem:v17+s18+$0x0] =	vst.idx.msk $0xffff, v27  }
0x4a6: {  	v27 =	vld [tilespmem:$0xD0];
	_ =	sdelay $0x4  }
0x4a7: {  	v27 =	vshll.u32 v27, $0x2;
	_ =	sdelay $0x4  }
0x4a8: {  	v28 =	vld.idx.msk [tilespmem:v27+s5+$0x0], $0xffff  }
0x4a9: {  	v36 =	vor.u32 $0x1, v27;
	_ =	sdelay $0x3  }
0x4aa: {  	[tilespmem:v18+s18+$0x0] =	vst.idx.msk $0xffff, v28  }
0x4ab: {  	v28 =	vld.idx.msk [tilespmem:v36+s5+$0x0], $0xffff  }
0x4ac: {  	v27 =	vor.u32 $0x2, v27;
	_ =	sdelay $0x3  }
0x4ad: {  	[tilespmem:v19+s18+$0x0] =	vst.idx.msk $0xffff, v28  }
0x4ae: {  	v27 =	vld.idx.msk [tilespmem:v27+s5+$0x0], $0xffff;
	_ =	sdelay $0x4  }
0x4af: {  	[tilespmem:v20+s18+$0x0] =	vst.idx.msk $0xffff, v27  }
0x4b0: {  	v27 =	vld [tilespmem:$0xE0];
	_ =	sdelay $0x4  }
0x4b1: {  	v27 =	vshll.u32 v27, $0x2;
	_ =	sdelay $0x4  }
0x4b2: {  	v28 =	vld.idx.msk [tilespmem:v27+s5+$0x0], $0xffff  }
0x4b3: {  	v37 =	vor.u32 $0x1, v27;
	_ =	sdelay $0x3  }
0x4b4: {  	[tilespmem:v21+s18+$0x0] =	vst.idx.msk $0xffff, v28  }
0x4b5: {  	v28 =	vld.idx.msk [tilespmem:v37+s5+$0x0], $0xffff  }
0x4b6: {  	v27 =	vor.u32 $0x2, v27;
	_ =	sdelay $0x3  }
0x4b7: {  	[tilespmem:v22+s18+$0x0] =	vst.idx.msk $0xffff, v28  }
0x4b8: {  	v27 =	vld.idx.msk [tilespmem:v27+s5+$0x0], $0xffff;
	_ =	sdelay $0x4  }
0x4b9: {  	[tilespmem:v23+s18+$0x0] =	vst.idx.msk $0xffff, v27  }
0x4ba: {  	v27 =	vld [tilespmem:$0xF0];
	_ =	sdelay $0x4  }
0x4bb: {  	v27 =	vshll.u32 v27, $0x2;
	_ =	sdelay $0x4  }
0x4bc: {  	v28 =	vld.idx.msk [tilespmem:v27+s5+$0x0], $0xffff  }
0x4bd: {  	v38 =	vor.u32 $0x1, v27;
	_ =	sdelay $0x3  }
0x4be: {  	[tilespmem:v24+s18+$0x0] =	vst.idx.msk $0xffff, v28  }
0x4bf: {  	v28 =	vld.idx.msk [tilespmem:v38+s5+$0x0], $0xffff  }
0x4c0: {  	v27 =	vor.u32 $0x2, v27;
	_ =	sdelay $0x3  }
0x4c1: {  	[tilespmem:v25+s18+$0x0] =	vst.idx.msk $0xffff, v28  }
0x4c2: {  	v27 =	vld.idx.msk [tilespmem:v27+s5+$0x0], $0xffff;
	_ =	sdelay $0x4  }
0x4c3: {  	[tilespmem:v26+s18+$0x0] =	vst.idx.msk $0xffff, v27  }
0x4c4: {  	_ =	swait.ge [sflag:s19], $0x8000  }
0x4c5: {  	[sflag:s19] =	ssyncset.done $0x0  }
0x4c6: {  	s22 =	rddreg [dreg:$0x14];
	[sflag:s19] =	ssyncadd.s32 $0xFFFF8000  }
0x4c7: {  	[hbm4b:s22+s2] =	stream.linear.scatter [tilespmem:s24], [sflag:$0x4], $0x8000, $0x38;
	[tilespmem:$0x1A100] =	vst v63  }
0x4c8: {  	s0 =	rddreg [dreg:$0x15]  }
0x4c9: {  	[hbm4b:s0+s2] =	stream.linear.scatter [tilespmem:s18], [sflag:$0x4], $0x4000, $0x38;
	[tilespmem:$0x1A100] =	vst v63  }
0x4ca: {  	_ =	swait.ge [sflag:s20], $0x8000  }
0x4cb: {  	[sflag:s20] =	ssyncset.done $0x0  }
0x4cc: {  	[sflag:s20] =	ssyncadd.s32 $0xFFFF8000  }
0x4cd: {  	_ =	swait.ge [sflag:s20], $0x4000  }
0x4ce: {  	[sflag:s20] =	ssyncset.done $0x0  }
0x4cf: {  	s22 =	simm.s32 $0x80;
	s0 =	rddreg [dreg:$0x16];
	[sflag:s20] =	ssyncadd.s32 $0xFFFFC000  }
0x4d0: {  	[tilespmem:s22], [sflag:$0x5] =	stream.linear.gather [hbm4b:s0+s2], $0x80, $0x38;
	[tilespmem:$0x1A100] =	vst v63  }
0x4d1: {  	_ =	swait.ge [sflag:s6], $0x80  }
0x4d2: {  	[sflag:s6] =	ssyncset.done $0x0  }
0x4d3: {  	[sflag:s6] =	ssyncadd.s32 $0xFFFFFF80  }
0x4d4: {  	v27 =	vld [tilespmem:$0x80];
	_ =	sdelay $0x4  }
0x4d5: {  	v39 =	vshll.u32 v27, $0x1  }
0x4d6: {  	v27 =	vand.u32 $0x7, v27;
	v28 =	vand.u32 $0xFFFFFFF0, v39  }
0x4d7: {  	v27 =	vor.u32 v27, v28  }
0x4d8: {  	v28 =	vperm.xlane v27, v1;
	_ =	sdelay $0x1  }
0x4d9: {  	v27 =	vperm.xlane v27, v3;
	v28 =	vadd.s32 v2, v28;
	_ =	sdelay $0x1  }
0x4da: {  	v27 =	vadd.s32 v2, v27;
	_ =	sdelay $0x2  }
0x4db: {  	[tilespmem:s24], [sflag:$0x2] =	stream.indirect_vreg.gather [hbm4b:s3+s2], $0x80, v28, vm0, $0xb8;
	[tilespmem:$0x1A100] =	vst v63  }
0x4dc: {  	s8 =	simm.s32 $0x8900  }
0x4dd: {  	[tilespmem:s8], [sflag:$0x2] =	stream.indirect_vreg.gather [hbm4b:s3+s2], $0x80, v27, vm0, $0xb8;
	[tilespmem:$0x1A100] =	vst v63  }
0x4de: {  	v27 =	vld [tilespmem:$0x90];
	_ =	sdelay $0x4  }
0x4df: {  	v40 =	vshll.u32 v27, $0x1  }
0x4e0: {  	v27 =	vand.u32 $0x7, v27;
	v28 =	vand.u32 $0xFFFFFFF0, v40  }
0x4e1: {  	v27 =	vor.u32 v27, v28  }
0x4e2: {  	v28 =	vperm.xlane v27, v1;
	_ =	sdelay $0x1  }
0x4e3: {  	v27 =	vperm.xlane v27, v3;
	v28 =	vadd.s32 v2, v28;
	_ =	sdelay $0x1  }
0x4e4: {  	v27 =	vadd.s32 v2, v27;
	_ =	sdelay $0x1  }
0x4e5: {  	s30 =	simm.s32 $0x9100  }
0x4e6: {  	[tilespmem:s30], [sflag:$0x2] =	stream.indirect_vreg.gather [hbm4b:s3+s2], $0x80, v28, vm0, $0xb8;
	[tilespmem:$0x1A100] =	vst v63  }
0x4e7: {  	s12 =	simm.s32 $0x9900  }
0x4e8: {  	[tilespmem:s12], [sflag:$0x2] =	stream.indirect_vreg.gather [hbm4b:s3+s2], $0x80, v27, vm0, $0xb8;
	[tilespmem:$0x1A100] =	vst v63  }
0x4e9: {  	v27 =	vld [tilespmem:$0xA0];
	_ =	sdelay $0x4  }
0x4ea: {  	v41 =	vshll.u32 v27, $0x1  }
0x4eb: {  	v27 =	vand.u32 $0x7, v27;
	v28 =	vand.u32 $0xFFFFFFF0, v41  }
0x4ec: {  	v27 =	vor.u32 v27, v28  }
0x4ed: {  	v28 =	vperm.xlane v27, v1;
	_ =	sdelay $0x1  }
0x4ee: {  	v27 =	vperm.xlane v27, v3;
	v28 =	vadd.s32 v2, v28;
	_ =	sdelay $0x1  }
0x4ef: {  	v27 =	vadd.s32 v2, v27;
	_ =	sdelay $0x1  }
0x4f0: {  	s28 =	simm.s32 $0xA100  }
0x4f1: {  	[tilespmem:s28], [sflag:$0x2] =	stream.indirect_vreg.gather [hbm4b:s3+s2], $0x80, v28, vm0, $0xb8;
	[tilespmem:$0x1A100] =	vst v63  }
0x4f2: {  	s14 =	simm.s32 $0xA900  }
0x4f3: {  	[tilespmem:s14], [sflag:$0x2] =	stream.indirect_vreg.gather [hbm4b:s3+s2], $0x80, v27, vm0, $0xb8;
	[tilespmem:$0x1A100] =	vst v63  }
0x4f4: {  	v27 =	vld [tilespmem:$0xB0];
	_ =	sdelay $0x4  }
0x4f5: {  	v42 =	vshll.u32 v27, $0x1  }
0x4f6: {  	v27 =	vand.u32 $0x7, v27;
	v28 =	vand.u32 $0xFFFFFFF0, v42  }
0x4f7: {  	v27 =	vor.u32 v27, v28  }
0x4f8: {  	v28 =	vperm.xlane v27, v1;
	_ =	sdelay $0x1  }
0x4f9: {  	v27 =	vperm.xlane v27, v3;
	v28 =	vadd.s32 v2, v28;
	_ =	sdelay $0x1  }
0x4fa: {  	v27 =	vadd.s32 v2, v27;
	_ =	sdelay $0x1  }
0x4fb: {  	s1 =	simm.s32 $0xB100  }
0x4fc: {  	[tilespmem:s1], [sflag:$0x2] =	stream.indirect_vreg.gather [hbm4b:s3+s2], $0x80, v28, vm0, $0xb8;
	[tilespmem:$0x1A100] =	vst v63  }
0x4fd: {  	s23 =	simm.s32 $0xB900  }
0x4fe: {  	[tilespmem:s23], [sflag:$0x2] =	stream.indirect_vreg.gather [hbm4b:s3+s2], $0x80, v27, vm0, $0xb8;
	[tilespmem:$0x1A100] =	vst v63  }
0x4ff: {  	v27 =	vld [tilespmem:$0xC0];
	_ =	sdelay $0x4  }
0x500: {  	v43 =	vshll.u32 v27, $0x1  }
0x501: {  	v27 =	vand.u32 $0x7, v27;
	v28 =	vand.u32 $0xFFFFFFF0, v43  }
0x502: {  	v27 =	vor.u32 v27, v28  }
0x503: {  	v28 =	vperm.xlane v27, v1;
	_ =	sdelay $0x1  }
0x504: {  	v27 =	vperm.xlane v27, v3;
	v28 =	vadd.s32 v2, v28;
	_ =	sdelay $0x1  }
0x505: {  	v27 =	vadd.s32 v2, v27;
	_ =	sdelay $0x1  }
0x506: {  	s7 =	simm.s32 $0xC100  }
0x507: {  	[tilespmem:s7], [sflag:$0x2] =	stream.indirect_vreg.gather [hbm4b:s3+s2], $0x80, v28, vm0, $0xb8;
	[tilespmem:$0x1A100] =	vst v63  }
0x508: {  	s25 =	simm.s32 $0xC900  }
0x509: {  	[tilespmem:s25], [sflag:$0x2] =	stream.indirect_vreg.gather [hbm4b:s3+s2], $0x80, v27, vm0, $0xb8;
	[tilespmem:$0x1A100] =	vst v63  }
0x50a: {  	v27 =	vld [tilespmem:$0xD0];
	_ =	sdelay $0x4  }
0x50b: {  	v44 =	vshll.u32 v27, $0x1  }
0x50c: {  	v27 =	vand.u32 $0x7, v27;
	v28 =	vand.u32 $0xFFFFFFF0, v44  }
0x50d: {  	v27 =	vor.u32 v27, v28  }
0x50e: {  	v28 =	vperm.xlane v27, v1;
	_ =	sdelay $0x1  }
0x50f: {  	v27 =	vperm.xlane v27, v3;
	v28 =	vadd.s32 v2, v28;
	_ =	sdelay $0x1  }
0x510: {  	v27 =	vadd.s32 v2, v27;
	_ =	sdelay $0x1  }
0x511: {  	s9 =	simm.s32 $0xD100  }
0x512: {  	[tilespmem:s9], [sflag:$0x2] =	stream.indirect_vreg.gather [hbm4b:s3+s2], $0x80, v28, vm0, $0xb8;
	[tilespmem:$0x1A100] =	vst v63  }
0x513: {  	s13 =	simm.s32 $0xD900  }
0x514: {  	[tilespmem:s13], [sflag:$0x2] =	stream.indirect_vreg.gather [hbm4b:s3+s2], $0x80, v27, vm0, $0xb8;
	[tilespmem:$0x1A100] =	vst v63  }
0x515: {  	v27 =	vld [tilespmem:$0xE0];
	_ =	sdelay $0x4  }
0x516: {  	v45 =	vshll.u32 v27, $0x1  }
0x517: {  	v27 =	vand.u32 $0x7, v27;
	v28 =	vand.u32 $0xFFFFFFF0, v45  }
0x518: {  	v27 =	vor.u32 v27, v28  }
0x519: {  	v28 =	vperm.xlane v27, v1;
	_ =	sdelay $0x1  }
0x51a: {  	v27 =	vperm.xlane v27, v3;
	v28 =	vadd.s32 v2, v28;
	_ =	sdelay $0x1  }
0x51b: {  	v27 =	vadd.s32 v2, v27;
	_ =	sdelay $0x1  }
0x51c: {  	s10 =	simm.s32 $0xE100  }
0x51d: {  	[tilespmem:s10], [sflag:$0x2] =	stream.indirect_vreg.gather [hbm4b:s3+s2], $0x80, v28, vm0, $0xb8;
	[tilespmem:$0x1A100] =	vst v63  }
0x51e: {  	s11 =	simm.s32 $0xE900  }
0x51f: {  	[tilespmem:s11], [sflag:$0x2] =	stream.indirect_vreg.gather [hbm4b:s3+s2], $0x80, v27, vm0, $0xb8;
	[tilespmem:$0x1A100] =	vst v63  }
0x520: {  	v27 =	vld [tilespmem:$0xF0];
	_ =	sdelay $0x4  }
0x521: {  	v46 =	vshll.u32 v27, $0x1  }
0x522: {  	v27 =	vand.u32 $0x7, v27;
	v28 =	vand.u32 $0xFFFFFFF0, v46  }
0x523: {  	v27 =	vor.u32 v27, v28  }
0x524: {  	v28 =	vperm.xlane v27, v1;
	_ =	sdelay $0x1  }
0x525: {  	v27 =	vperm.xlane v27, v3;
	v28 =	vadd.s32 v2, v28;
	_ =	sdelay $0x1  }
0x526: {  	v27 =	vadd.s32 v2, v27;
	_ =	sdelay $0x1  }
0x527: {  	s26 =	simm.s32 $0xF100  }
0x528: {  	[tilespmem:s26], [sflag:$0x2] =	stream.indirect_vreg.gather [hbm4b:s3+s2], $0x80, v28, vm0, $0xb8;
	[tilespmem:$0x1A100] =	vst v63  }
0x529: {  	s31 =	simm.s32 $0xF900  }
0x52a: {  	[tilespmem:s31], [sflag:$0x2] =	stream.indirect_vreg.gather [hbm4b:s3+s2], $0x80, v27, vm0, $0xb8;
	[tilespmem:$0x1A100] =	vst v63  }
0x52b: {  	v27 =	vld [tilespmem:$0x0];
	_ =	sdelay $0x4  }
0x52c: {  	v27 =	vshll.u32 v27, $0x2;
	_ =	sdelay $0x4  }
0x52d: {  	v28 =	vld.idx.msk [tilespmem:v27+s5+$0x0], $0xffff  }
0x52e: {  	v47 =	vor.u32 $0x1, v27;
	_ =	sdelay $0x3  }
0x52f: {  	[tilespmem:v0+s15+$0x0] =	vst.idx.msk $0xffff, v28  }
0x530: {  	v28 =	vld.idx.msk [tilespmem:v47+s5+$0x0], $0xffff  }
0x531: {  	v27 =	vor.u32 $0x2, v27;
	_ =	sdelay $0x3  }
0x532: {  	[tilespmem:v4+s15+$0x0] =	vst.idx.msk $0xffff, v28  }
0x533: {  	v27 =	vld.idx.msk [tilespmem:v27+s5+$0x0], $0xffff;
	_ =	sdelay $0x4  }
0x534: {  	[tilespmem:v5+s15+$0x0] =	vst.idx.msk $0xffff, v27  }
0x535: {  	v27 =	vld [tilespmem:$0x10];
	_ =	sdelay $0x4  }
0x536: {  	v27 =	vshll.u32 v27, $0x2;
	_ =	sdelay $0x4  }
0x537: {  	v28 =	vld.idx.msk [tilespmem:v27+s5+$0x0], $0xffff  }
0x538: {  	v48 =	vor.u32 $0x1, v27;
	_ =	sdelay $0x3  }
0x539: {  	[tilespmem:v6+s15+$0x0] =	vst.idx.msk $0xffff, v28  }
0x53a: {  	v28 =	vld.idx.msk [tilespmem:v48+s5+$0x0], $0xffff  }
0x53b: {  	v27 =	vor.u32 $0x2, v27;
	_ =	sdelay $0x3  }
0x53c: {  	[tilespmem:v7+s15+$0x0] =	vst.idx.msk $0xffff, v28  }
0x53d: {  	v27 =	vld.idx.msk [tilespmem:v27+s5+$0x0], $0xffff;
	_ =	sdelay $0x4  }
0x53e: {  	[tilespmem:v8+s15+$0x0] =	vst.idx.msk $0xffff, v27  }
0x53f: {  	v27 =	vld [tilespmem:$0x20];
	_ =	sdelay $0x4  }
0x540: {  	v27 =	vshll.u32 v27, $0x2;
	_ =	sdelay $0x4  }
0x541: {  	v28 =	vld.idx.msk [tilespmem:v27+s5+$0x0], $0xffff  }
0x542: {  	v49 =	vor.u32 $0x1, v27;
	_ =	sdelay $0x3  }
0x543: {  	[tilespmem:v9+s15+$0x0] =	vst.idx.msk $0xffff, v28  }
0x544: {  	v28 =	vld.idx.msk [tilespmem:v49+s5+$0x0], $0xffff  }
0x545: {  	v27 =	vor.u32 $0x2, v27;
	_ =	sdelay $0x3  }
0x546: {  	[tilespmem:v10+s15+$0x0] =	vst.idx.msk $0xffff, v28  }
0x547: {  	v27 =	vld.idx.msk [tilespmem:v27+s5+$0x0], $0xffff;
	_ =	sdelay $0x4  }
0x548: {  	[tilespmem:v11+s15+$0x0] =	vst.idx.msk $0xffff, v27  }
0x549: {  	v27 =	vld [tilespmem:$0x30];
	_ =	sdelay $0x4  }
0x54a: {  	v27 =	vshll.u32 v27, $0x2;
	_ =	sdelay $0x4  }
0x54b: {  	v28 =	vld.idx.msk [tilespmem:v27+s5+$0x0], $0xffff  }
0x54c: {  	v50 =	vor.u32 $0x1, v27;
	_ =	sdelay $0x3  }
0x54d: {  	[tilespmem:v12+s15+$0x0] =	vst.idx.msk $0xffff, v28  }
0x54e: {  	v28 =	vld.idx.msk [tilespmem:v50+s5+$0x0], $0xffff  }
0x54f: {  	v27 =	vor.u32 $0x2, v27;
	_ =	sdelay $0x3  }
0x550: {  	[tilespmem:v13+s15+$0x0] =	vst.idx.msk $0xffff, v28  }
0x551: {  	v27 =	vld.idx.msk [tilespmem:v27+s5+$0x0], $0xffff;
	_ =	sdelay $0x4  }
0x552: {  	[tilespmem:v14+s15+$0x0] =	vst.idx.msk $0xffff, v27  }
0x553: {  	v27 =	vld [tilespmem:$0x40];
	_ =	sdelay $0x4  }
0x554: {  	v27 =	vshll.u32 v27, $0x2;
	_ =	sdelay $0x4  }
0x555: {  	v28 =	vld.idx.msk [tilespmem:v27+s5+$0x0], $0xffff  }
0x556: {  	v51 =	vor.u32 $0x1, v27;
	_ =	sdelay $0x3  }
0x557: {  	[tilespmem:v15+s15+$0x0] =	vst.idx.msk $0xffff, v28  }
0x558: {  	v28 =	vld.idx.msk [tilespmem:v51+s5+$0x0], $0xffff  }
0x559: {  	v27 =	vor.u32 $0x2, v27;
	_ =	sdelay $0x3  }
0x55a: {  	[tilespmem:v16+s15+$0x0] =	vst.idx.msk $0xffff, v28  }
0x55b: {  	v27 =	vld.idx.msk [tilespmem:v27+s5+$0x0], $0xffff;
	_ =	sdelay $0x4  }
0x55c: {  	[tilespmem:v17+s15+$0x0] =	vst.idx.msk $0xffff, v27  }
0x55d: {  	v27 =	vld [tilespmem:$0x50];
	_ =	sdelay $0x4  }
0x55e: {  	v27 =	vshll.u32 v27, $0x2;
	_ =	sdelay $0x4  }
0x55f: {  	v28 =	vld.idx.msk [tilespmem:v27+s5+$0x0], $0xffff  }
0x560: {  	v52 =	vor.u32 $0x1, v27;
	_ =	sdelay $0x3  }
0x561: {  	[tilespmem:v18+s15+$0x0] =	vst.idx.msk $0xffff, v28  }
0x562: {  	v28 =	vld.idx.msk [tilespmem:v52+s5+$0x0], $0xffff  }
0x563: {  	v27 =	vor.u32 $0x2, v27;
	_ =	sdelay $0x3  }
0x564: {  	[tilespmem:v19+s15+$0x0] =	vst.idx.msk $0xffff, v28  }
0x565: {  	v27 =	vld.idx.msk [tilespmem:v27+s5+$0x0], $0xffff;
	_ =	sdelay $0x4  }
0x566: {  	[tilespmem:v20+s15+$0x0] =	vst.idx.msk $0xffff, v27  }
0x567: {  	v27 =	vld [tilespmem:$0x60];
	_ =	sdelay $0x4  }
0x568: {  	v27 =	vshll.u32 v27, $0x2;
	_ =	sdelay $0x4  }
0x569: {  	v28 =	vld.idx.msk [tilespmem:v27+s5+$0x0], $0xffff  }
0x56a: {  	v53 =	vor.u32 $0x1, v27;
	_ =	sdelay $0x3  }
0x56b: {  	[tilespmem:v21+s15+$0x0] =	vst.idx.msk $0xffff, v28  }
0x56c: {  	v28 =	vld.idx.msk [tilespmem:v53+s5+$0x0], $0xffff  }
0x56d: {  	v27 =	vor.u32 $0x2, v27;
	_ =	sdelay $0x3  }
0x56e: {  	[tilespmem:v22+s15+$0x0] =	vst.idx.msk $0xffff, v28  }
0x56f: {  	v27 =	vld.idx.msk [tilespmem:v27+s5+$0x0], $0xffff;
	_ =	sdelay $0x4  }
0x570: {  	[tilespmem:v23+s15+$0x0] =	vst.idx.msk $0xffff, v27  }
0x571: {  	v27 =	vld [tilespmem:$0x70];
	_ =	sdelay $0x4  }
0x572: {  	v27 =	vshll.u32 v27, $0x2;
	_ =	sdelay $0x4  }
0x573: {  	v28 =	vld.idx.msk [tilespmem:v27+s5+$0x0], $0xffff  }
0x574: {  	v54 =	vor.u32 $0x1, v27;
	_ =	sdelay $0x3  }
0x575: {  	[tilespmem:v24+s15+$0x0] =	vst.idx.msk $0xffff, v28  }
0x576: {  	v28 =	vld.idx.msk [tilespmem:v54+s5+$0x0], $0xffff  }
0x577: {  	v27 =	vor.u32 $0x2, v27;
	_ =	sdelay $0x3  }
0x578: {  	[tilespmem:v25+s15+$0x0] =	vst.idx.msk $0xffff, v28  }
0x579: {  	v27 =	vld.idx.msk [tilespmem:v27+s5+$0x0], $0xffff;
	_ =	sdelay $0x4  }
0x57a: {  	[tilespmem:v26+s15+$0x0] =	vst.idx.msk $0xffff, v27  }
0x57b: {  	_ =	swait.ge [sflag:s16], $0x8000  }
0x57c: {  	[sflag:s16] =	ssyncset.done $0x0  }
0x57d: {  	s26 =	rddreg [dreg:$0x17];
	[sflag:s16] =	ssyncadd.s32 $0xFFFF8000  }
0x57e: {  	[hbm4b:s26+s2] =	stream.linear.scatter [tilespmem:s29], [sflag:$0x3], $0x8000, $0x38;
	[tilespmem:$0x1A100] =	vst v63  }
0x57f: {  	s28 =	rddreg [dreg:$0x18]  }
0x580: {  	[hbm4b:s28+s2] =	stream.linear.scatter [tilespmem:s15], [sflag:$0x3], $0x4000, $0x38;
	[tilespmem:$0x1A100] =	vst v63  }
0x581: {  	v27 =	vld [tilespmem:$0x80];
	_ =	sdelay $0x4  }
0x582: {  	v27 =	vshll.u32 v27, $0x2;
	_ =	sdelay $0x4  }
0x583: {  	v55 =	vld.idx.msk [tilespmem:v27+s5+$0x0], $0xffff  }
0x584: {  	v56 =	vor.u32 $0x1, v27;
	_ =	sdelay $0x3  }
0x585: {  	[tilespmem:v0+s18+$0x0] =	vst.idx.msk $0xffff, v55  }
0x586: {  	v28 =	vld.idx.msk [tilespmem:v56+s5+$0x0], $0xffff  }
0x587: {  	v27 =	vor.u32 $0x2, v27;
	_ =	sdelay $0x3  }
0x588: {  	[tilespmem:v4+s18+$0x0] =	vst.idx.msk $0xffff, v28  }
0x589: {  	v27 =	vld.idx.msk [tilespmem:v27+s5+$0x0], $0xffff;
	_ =	sdelay $0x4  }
0x58a: {  	[tilespmem:v5+s18+$0x0] =	vst.idx.msk $0xffff, v27  }
0x58b: {  	v27 =	vld [tilespmem:$0x90];
	_ =	sdelay $0x4  }
0x58c: {  	v27 =	vshll.u32 v27, $0x2;
	_ =	sdelay $0x4  }
0x58d: {  	v28 =	vld.idx.msk [tilespmem:v27+s5+$0x0], $0xffff  }
0x58e: {  	v57 =	vor.u32 $0x1, v27;
	_ =	sdelay $0x3  }
0x58f: {  	[tilespmem:v6+s18+$0x0] =	vst.idx.msk $0xffff, v28  }
0x590: {  	v28 =	vld.idx.msk [tilespmem:v57+s5+$0x0], $0xffff  }
0x591: {  	v27 =	vor.u32 $0x2, v27;
	_ =	sdelay $0x3  }
0x592: {  	[tilespmem:v7+s18+$0x0] =	vst.idx.msk $0xffff, v28  }
0x593: {  	v27 =	vld.idx.msk [tilespmem:v27+s5+$0x0], $0xffff;
	_ =	sdelay $0x4  }
0x594: {  	[tilespmem:v8+s18+$0x0] =	vst.idx.msk $0xffff, v27  }
0x595: {  	v27 =	vld [tilespmem:$0xA0];
	_ =	sdelay $0x4  }
0x596: {  	v27 =	vshll.u32 v27, $0x2;
	_ =	sdelay $0x4  }
0x597: {  	v28 =	vld.idx.msk [tilespmem:v27+s5+$0x0], $0xffff  }
0x598: {  	v58 =	vor.u32 $0x1, v27;
	_ =	sdelay $0x3  }
0x599: {  	[tilespmem:v9+s18+$0x0] =	vst.idx.msk $0xffff, v28  }
0x59a: {  	v28 =	vld.idx.msk [tilespmem:v58+s5+$0x0], $0xffff  }
0x59b: {  	v27 =	vor.u32 $0x2, v27;
	_ =	sdelay $0x3  }
0x59c: {  	[tilespmem:v10+s18+$0x0] =	vst.idx.msk $0xffff, v28  }
0x59d: {  	v27 =	vld.idx.msk [tilespmem:v27+s5+$0x0], $0xffff;
	_ =	sdelay $0x4  }
0x59e: {  	[tilespmem:v11+s18+$0x0] =	vst.idx.msk $0xffff, v27  }
0x59f: {  	v27 =	vld [tilespmem:$0xB0];
	_ =	sdelay $0x4  }
0x5a0: {  	v27 =	vshll.u32 v27, $0x2;
	_ =	sdelay $0x4  }
0x5a1: {  	v28 =	vld.idx.msk [tilespmem:v27+s5+$0x0], $0xffff  }
0x5a2: {  	v59 =	vor.u32 $0x1, v27;
	_ =	sdelay $0x3  }
0x5a3: {  	[tilespmem:v12+s18+$0x0] =	vst.idx.msk $0xffff, v28  }
0x5a4: {  	v28 =	vld.idx.msk [tilespmem:v59+s5+$0x0], $0xffff  }
0x5a5: {  	v27 =	vor.u32 $0x2, v27;
	_ =	sdelay $0x3  }
0x5a6: {  	[tilespmem:v13+s18+$0x0] =	vst.idx.msk $0xffff, v28  }
0x5a7: {  	v27 =	vld.idx.msk [tilespmem:v27+s5+$0x0], $0xffff;
	_ =	sdelay $0x4  }
0x5a8: {  	[tilespmem:v14+s18+$0x0] =	vst.idx.msk $0xffff, v27  }
0x5a9: {  	v27 =	vld [tilespmem:$0xC0];
	_ =	sdelay $0x4  }
0x5aa: {  	v27 =	vshll.u32 v27, $0x2;
	_ =	sdelay $0x4  }
0x5ab: {  	v28 =	vld.idx.msk [tilespmem:v27+s5+$0x0], $0xffff  }
0x5ac: {  	v60 =	vor.u32 $0x1, v27;
	_ =	sdelay $0x3  }
0x5ad: {  	[tilespmem:v15+s18+$0x0] =	vst.idx.msk $0xffff, v28  }
0x5ae: {  	v28 =	vld.idx.msk [tilespmem:v60+s5+$0x0], $0xffff  }
0x5af: {  	v27 =	vor.u32 $0x2, v27;
	_ =	sdelay $0x3  }
0x5b0: {  	[tilespmem:v16+s18+$0x0] =	vst.idx.msk $0xffff, v28  }
0x5b1: {  	v27 =	vld.idx.msk [tilespmem:v27+s5+$0x0], $0xffff;
	_ =	sdelay $0x4  }
0x5b2: {  	[tilespmem:v17+s18+$0x0] =	vst.idx.msk $0xffff, v27  }
0x5b3: {  	v27 =	vld [tilespmem:$0xD0];
	_ =	sdelay $0x4  }
0x5b4: {  	v27 =	vshll.u32 v27, $0x2;
	_ =	sdelay $0x4  }
0x5b5: {  	v28 =	vld.idx.msk [tilespmem:v27+s5+$0x0], $0xffff  }
0x5b6: {  	v61 =	vor.u32 $0x1, v27;
	_ =	sdelay $0x3  }
0x5b7: {  	[tilespmem:v18+s18+$0x0] =	vst.idx.msk $0xffff, v28  }
0x5b8: {  	v28 =	vld.idx.msk [tilespmem:v61+s5+$0x0], $0xffff  }
0x5b9: {  	v27 =	vor.u32 $0x2, v27;
	_ =	sdelay $0x3  }
0x5ba: {  	[tilespmem:v19+s18+$0x0] =	vst.idx.msk $0xffff, v28  }
0x5bb: {  	v27 =	vld.idx.msk [tilespmem:v27+s5+$0x0], $0xffff;
	_ =	sdelay $0x4  }
0x5bc: {  	[tilespmem:v20+s18+$0x0] =	vst.idx.msk $0xffff, v27  }
0x5bd: {  	v27 =	vld [tilespmem:$0xE0];
	_ =	sdelay $0x4  }
0x5be: {  	v27 =	vshll.u32 v27, $0x2;
	_ =	sdelay $0x4  }
0x5bf: {  	v28 =	vld.idx.msk [tilespmem:v27+s5+$0x0], $0xffff  }
0x5c0: {  	v62 =	vor.u32 $0x1, v27;
	_ =	sdelay $0x3  }
0x5c1: {  	[tilespmem:v21+s18+$0x0] =	vst.idx.msk $0xffff, v28  }
0x5c2: {  	v28 =	vld.idx.msk [tilespmem:v62+s5+$0x0], $0xffff  }
0x5c3: {  	v27 =	vor.u32 $0x2, v27;
	_ =	sdelay $0x3  }
0x5c4: {  	[tilespmem:v22+s18+$0x0] =	vst.idx.msk $0xffff, v28  }
0x5c5: {  	v27 =	vld.idx.msk [tilespmem:v27+s5+$0x0], $0xffff;
	_ =	sdelay $0x4  }
0x5c6: {  	[tilespmem:v23+s18+$0x0] =	vst.idx.msk $0xffff, v27  }
0x5c7: {  	v27 =	vld [tilespmem:$0xF0];
	_ =	sdelay $0x4  }
0x5c8: {  	v27 =	vshll.u32 v27, $0x2;
	_ =	sdelay $0x4  }
0x5c9: {  	v28 =	vld.idx.msk [tilespmem:v27+s5+$0x0], $0xffff  }
0x5ca: {  	v63 =	vor.u32 $0x1, v27;
	_ =	sdelay $0x3  }
0x5cb: {  	[tilespmem:v24+s18+$0x0] =	vst.idx.msk $0xffff, v28  }
0x5cc: {  	v28 =	vld.idx.msk [tilespmem:v63+s5+$0x0], $0xffff  }
0x5cd: {  	v27 =	vor.u32 $0x2, v27;
	_ =	sdelay $0x3  }
0x5ce: {  	[tilespmem:v25+s18+$0x0] =	vst.idx.msk $0xffff, v28  }
0x5cf: {  	v27 =	vld.idx.msk [tilespmem:v27+s5+$0x0], $0xffff;
	_ =	sdelay $0x4  }
0x5d0: {  	[tilespmem:v26+s18+$0x0] =	vst.idx.msk $0xffff, v27  }
0x5d1: {  	_ =	swait.ge [sflag:s19], $0x8000  }
0x5d2: {  	[sflag:s19] =	ssyncset.done $0x0  }
0x5d3: {  	s30 =	rddreg [dreg:$0x19];
	[sflag:s19] =	ssyncadd.s32 $0xFFFF8000  }
0x5d4: {  	[hbm4b:s30+s2] =	stream.linear.scatter [tilespmem:s24], [sflag:$0x4], $0x8000, $0x38;
	[tilespmem:$0x1A100] =	vst v63  }
0x5d5: {  	s31 =	rddreg [dreg:$0x1a]  }
0x5d6: {  	[hbm4b:s31+s2] =	stream.linear.scatter [tilespmem:s18], [sflag:$0x4], $0x4000, $0x38;
	[tilespmem:$0x1A100] =	vst v63  }
0x5d7: {  	_ =	swait.ge [sflag:s17], $0x8000  }
0x5d8: {  	[sflag:s17] =	ssyncset.done $0x0  }
0x5d9: {  	[sflag:s17] =	ssyncadd.s32 $0xFFFF8000  }
0x5da: {  	_ =	swait.ge [sflag:s17], $0x4000  }
0x5db: {  	[sflag:s17] =	ssyncset.done $0x0  }
0x5dc: {  	[sflag:s17] =	ssyncadd.s32 $0xFFFFC000  }
0x5dd: {  	p0 =	sne.s32 s4, $0x1;
	_ =	swait.ge [sflag:s20], $0x8000  }
.Ltmp0:
0x5de: {  	[sflag:s20] =	ssyncset.done $0x0;
	(pc) =	sbr.rel @p0 .LBB2_1-.Ltmp0, $4  }
0x5df: {  	[sflag:s20] =	ssyncadd.s32 $0xFFFF8000  }
0x5e0: {  	_ =	swait.ge [sflag:s20], $0x4000  }
0x5e1: {  	[sflag:s20] =	ssyncset.done $0x0  }
0x5e2: {  	s4 =	sadd.s32 $0xFFFFFFFF, s4;
	[sflag:s20] =	ssyncadd.s32 $0xFFFFC000  }
0x5e3: {  	_ =	sfence.sel $0x180000  }
0x5e4: {  	[bflag:$0x0] =	sbarrier.arrive $0xFFFF  }
0x5e5: {  	_ =	strace $0x90000047  }
0x5e6: {  	s0 =	stileid.u32;
	[bflag:$0x2] =	sbarrier.arrive $0xFFFF  }
0x5e7: {  	p0 =	sne.s32 s0, $0x0;
	s0 =	rddreg [dreg:$0x1]  }
0x5e8: {  	s0 =	sadd.s32 @!p0 $0x100000, s0  }
0x5e9: {  	[sflag:s0] =	ssyncadd.tile.s32 @!p0 $0x1;
	_ =	shalt  }
.Lfunc_end2:
_tile_overlayer_lowered:
.L_overlay_start_2:
0x5ea: {  	(tag) =	ssettag $0x2  }
0x5eb: {  	s0 =	rddreg [dreg:$0x0];
	s2 =	stileid.u32  }
0x5ec: {  	s1 =	rddreg [dreg:$0x1];
	p0 =	sne.s32 s2, $0x0  }
0x5ed: {  	s3 =	rddreg [dreg:$0x2];
	[bflag:$0x3] =	sbarrier.arrive $0xFFFF;
	s2 =	simm.s32 @!p0 $0x1C05  }
0x5ee: {  	[timem:s3], [sflag:s2] =	dma.local @!p0 [hbm:s0], s1  }
0x5ef: {  	s0 =	simm.s32 @!p0 $0x5  }
0x5f0: {  	_ =	swait.ge @!p0 [sflag:s0], s1  }
0x5f1: {  	s1 =	ssub.s32 @!p0 $0x0, s1;
	[sflag:s0] =	ssyncset.done @!p0 $0x0  }
0x5f2: {  	[sflag:s0] =	ssyncadd.s32 @!p0 s1  }
0x5f3: {  	[bflag:$0x3] =	sbarrier.arrive $0xFFFF  }
0x5f4: {  	_ =	shalt  }

</sc_bundles>
